<compile_context>
chip_gen: v7x
topology: tpu7x:2x2x1
jax: 0.10.2.dev20260603
libtpu: 0.0.44.dev20260713+nightly
codegen_flags: <defaults>
</compile_context>

<pallas_src>
import functools

import jax
import jax.numpy as jnp
from jax import lax
from jax.experimental import pallas as pl
from jax.experimental.pallas import tpu as pltpu
from jax.experimental.pallas import tpu_sc as plsc

N = 100000
D = 128
T = 100000
MARGIN = 0.2

NUM_CORES = 2
NUM_SUBCORES = 16
NW = NUM_CORES * NUM_SUBCORES
CHUNK = 128
CHUNKS_PER_W = 25
PER_W = CHUNK * CHUNKS_PER_W
T_PAD = NW * PER_W
NPAD = T_PAD - T
GROUPS = CHUNK // 16
DP = D // 2

ROWS_W = N // NW
PACK_BLK = 125
PACK_ITERS = ROWS_W // PACK_BLK

_ROWS_BLK = 1000


def _normalize_body(x_ref, o_ref):
    x = x_ref[...]
    s = jnp.sum(x * x, axis=1, keepdims=True)
    o_ref[...] = x * lax.rsqrt(jnp.maximum(s, 1e-16))


def _normalize(emb):
    return pl.pallas_call(
        _normalize_body,
        grid=(N // _ROWS_BLK,),
        in_specs=[pl.BlockSpec((_ROWS_BLK, D), lambda i: (i, 0))],
        out_specs=pl.BlockSpec((_ROWS_BLK, D), lambda i: (i, 0)),
        out_shape=jax.ShapeDtypeStruct((N, D), jnp.float32),
    )(emb)


_MESH = plsc.VectorSubcoreMesh(
    core_axis_name="c", subcore_axis_name="s",
    num_cores=NUM_CORES, num_subcores=NUM_SUBCORES)

_SC_PARAMS = pltpu.CompilerParams(
    needs_layout_passes=False, disable_bounds_checks=True,
    use_tc_tiling_on_sc=False)


@functools.partial(
    pl.kernel,
    out_type=jax.ShapeDtypeStruct((N, DP), jnp.int32),
    mesh=_MESH,
    scratch_types=[
        pltpu.VMEM((PACK_BLK, D), jnp.float32),
        pltpu.VMEM((PACK_BLK, D), jnp.float32),
        pltpu.VMEM((PACK_BLK, DP), jnp.int32),
        pltpu.VMEM((PACK_BLK, DP), jnp.int32),
        pltpu.SemaphoreType.DMA,
        pltpu.SemaphoreType.DMA,
        pltpu.SemaphoreType.DMA,
        pltpu.SemaphoreType.DMA,
    ],
    compiler_params=_SC_PARAMS,
)
def _sc_pack(emb_hbm, out_hbm, in0, in1, o0, o1, si0, si1, so0, so1):
    wid = lax.axis_index("s") * NUM_CORES + lax.axis_index("c")
    base = wid * ROWS_W
    ins = ((in0, si0), (in1, si1))
    outs = ((o0, so0), (o1, so1))

    def fire_in(k, slot):
        buf, sem = ins[slot]
        pltpu.async_copy(
            emb_hbm.at[pl.ds(base + k * PACK_BLK, PACK_BLK)], buf, sem)

    def drain_in(slot):
        buf, sem = ins[slot]
        pltpu.make_async_copy(
            emb_hbm.at[pl.ds(0, PACK_BLK)], buf, sem).wait()

    def fire_out(k, slot):
        buf, sem = outs[slot]
        pltpu.async_copy(
            buf, out_hbm.at[pl.ds(base + k * PACK_BLK, PACK_BLK)], sem)

    def drain_out(slot):
        buf, sem = outs[slot]
        pltpu.make_async_copy(
            buf, out_hbm.at[pl.ds(0, PACK_BLK)], sem).wait()

    def pack_block(slot):
        ibuf = ins[slot][0]
        obuf = outs[slot][0]

        def row_body(r, carry):
            for j in range(4):
                lo = ibuf[r, pl.ds(16 * j, 16)]
                hi = ibuf[r, pl.ds(64 + 16 * j, 16)]
                w = plsc.bitcast(
                    plsc.pack(lo, hi, format=plsc.PackFormat.INTERLEAVED),
                    jnp.int32)
                obuf[r, pl.ds(16 * j, 16)] = w
            return carry

        lax.fori_loop(0, PACK_BLK, row_body, 0)

    fire_in(0, 0)

    def pblk(q, carry):
        k0 = 2 * q
        drain_in(0)
        fire_in(k0 + 1, 1)

        @pl.when(k0 >= 2)
        def _drain_out0():
            drain_out(0)

        pack_block(0)
        fire_out(k0, 0)

        drain_in(1)

        @pl.when(k0 + 2 < PACK_ITERS)
        def _fire_in0():
            fire_in(k0 + 2, 0)

        @pl.when(k0 >= 1)
        def _drain_out1():
            drain_out(1)

        pack_block(1)
        fire_out(k0 + 1, 1)
        return carry

    lax.fori_loop(0, (PACK_ITERS - 1) // 2, pblk, 0)
    drain_in(0)
    drain_out(0)
    pack_block(0)
    fire_out(PACK_ITERS - 1, 0)
    drain_out(1)
    drain_out(0)


JU = 4


@functools.partial(
    pl.kernel,
    out_type=jax.ShapeDtypeStruct((NW, 16), jnp.float32),
    mesh=_MESH,
    scratch_types=[
        pltpu.VMEM((PER_W,), jnp.int32),
        pltpu.VMEM((PER_W,), jnp.int32),
        pltpu.VMEM((PER_W,), jnp.int32),
        pltpu.VMEM((CHUNK, DP), jnp.int32),
        pltpu.VMEM((CHUNK, DP), jnp.int32),
        pltpu.VMEM((CHUNK, DP), jnp.int32),
        pltpu.VMEM((CHUNK, DP), jnp.int32),
        pltpu.VMEM((CHUNK, DP), jnp.int32),
        pltpu.VMEM((CHUNK, DP), jnp.int32),
        pltpu.VMEM((CHUNK, DP), jnp.int32),
        pltpu.VMEM((CHUNK, DP), jnp.int32),
        pltpu.VMEM((CHUNK, DP), jnp.int32),
        pltpu.VMEM((CHUNK, DP), jnp.int32),
        pltpu.VMEM((CHUNK, DP), jnp.int32),
        pltpu.VMEM((CHUNK, DP), jnp.int32),
        pltpu.VMEM((16,), jnp.float32),
        pltpu.SemaphoreType.DMA,
        pltpu.SemaphoreType.DMA,
        pltpu.SemaphoreType.DMA,
        pltpu.SemaphoreType.DMA,
    ],
    compiler_params=_SC_PARAMS,
)
def _sc_triplet(table_hbm, ia_hbm, ip_hbm, in_hbm, out_hbm,
                ia_all, ip_all, in_all,
                ra0, rp0, rn0, ra1, rp1, rn1,
                ra2, rp2, rn2, ra3, rp3, rn3,
                tot_v, sem0, sem1, sem2, sem3):
    wid = lax.axis_index("s") * NUM_CORES + lax.axis_index("c")
    iota16 = lax.iota(jnp.int32, 16)
    row_base = [jnp.full((16,), g * 16, jnp.int32) + iota16
                for g in range(GROUPS)]
    tot_v[...] = jnp.zeros((16,), jnp.float32)

    base = wid * PER_W
    pltpu.sync_copy(ia_hbm.at[pl.ds(base, PER_W)], ia_all)
    pltpu.sync_copy(ip_hbm.at[pl.ds(base, PER_W)], ip_all)
    pltpu.sync_copy(in_hbm.at[pl.ds(base, PER_W)], in_all)

    buf_sets = ((ra0, rp0, rn0, sem0), (ra1, rp1, rn1, sem1),
                (ra2, rp2, rn2, sem2), (ra3, rp3, rn3, sem3))

    def fire(c, bset):
        ra, rp, rn, sem = bset
        off = c * CHUNK
        pltpu.async_copy(table_hbm.at[ia_all.at[pl.ds(off, CHUNK)]], ra, sem)
        pltpu.async_copy(table_hbm.at[ip_all.at[pl.ds(off, CHUNK)]], rp, sem)
        pltpu.async_copy(table_hbm.at[in_all.at[pl.ds(off, CHUNK)]], rn, sem)

    def drain(bset):
        ra, rp, rn, sem = bset
        idx0 = ia_all.at[pl.ds(0, CHUNK)]
        pltpu.make_async_copy(table_hbm.at[idx0], ra, sem).wait()
        pltpu.make_async_copy(table_hbm.at[idx0], rp, sem).wait()
        pltpu.make_async_copy(table_hbm.at[idx0], rn, sem).wait()

    def compute(bset):
        ra, rp, rn, _ = bset

        @plsc.parallel_loop(
            0, DP, unroll=JU,
            carry=tuple(jnp.zeros((16,), jnp.float32) for _ in range(GROUPS)))
        def accs(j, accs_in):
            cjv = (jnp.full((16,), j, jnp.int32) + iota16) & (DP - 1)

            def two(buf):
                bits = plsc.bitcast(
                    plsc.load_gather(buf, [rb, cjv]), jnp.bfloat16)
                return plsc.unpack(bits, format=plsc.PackFormat.INTERLEAVED)

            new = []
            for g in range(GROUPS):
                rb = row_base[g]
                a0, a1 = two(ra)
                p0, p1 = two(rp)
                n0, n1 = two(rn)
                new.append(accs_in[g] + a0 * (n0 - p0) + a1 * (n1 - p1))
            return tuple(new)

        loss = tot_v[...]
        for g in range(GROUPS):
            loss = loss + jnp.maximum(accs[g] + MARGIN, 0.0)
        tot_v[...] = loss

    fire(0, buf_sets[0])
    fire(1, buf_sets[1])
    fire(2, buf_sets[2])

    def quad_body(q, carry):
        c0 = 4 * q
        for s in range(4):
            c = c0 + s
            drain(buf_sets[s])

            @pl.when(c + 3 < CHUNKS_PER_W)
            def _fire_ahead():
                fire(c + 3, buf_sets[(s + 3) % 4])

            compute(buf_sets[s])
        return carry

    lax.fori_loop(0, (CHUNKS_PER_W - 1) // 4, quad_body, 0)
    drain(buf_sets[(CHUNKS_PER_W - 1) % 4])
    compute(buf_sets[(CHUNKS_PER_W - 1) % 4])
    pltpu.sync_copy(tot_v, out_hbm.at[wid])


def _sum_body(p_ref, o_ref):
    total = jnp.sum(p_ref[...]) - jnp.float32(NPAD * MARGIN)
    o_ref[...] = jnp.reshape(total / T, (1, 1))


def _final_sum(p):
    out = pl.pallas_call(
        _sum_body,
        out_shape=jax.ShapeDtypeStruct((1, 1), jnp.float32),
    )(p)
    return out[0, 0]


def kernel(embeddings, indices):
    emb_n = _normalize(embeddings)
    packed = _sc_pack(emb_n)
    idx = indices.astype(jnp.int32)
    pad = jnp.zeros((NPAD,), jnp.int32)
    ia = jnp.concatenate([idx[:, 0], pad])
    ip = jnp.concatenate([idx[:, 1], pad])
    inn = jnp.concatenate([idx[:, 2], pad])
    partials = _sc_triplet(packed, ia, ip, inn)
    return _final_sum(partials)

# --- scband reference (transcript-rebuilt; emitter-appended) ---
"""Pipeline reference for scband-triplet-loss-67388036874241 (READ-ONLY COPY).

The authoritative reference and input builder live on the scoring server;
editing this copy changes nothing except your own understanding.
"""

import jax, jax.numpy as jnp
import numpy as np

N = 100000
D = 128
T = 100000
MARGIN = 0.2
EPS = 1e-8


def setup_inputs(seed: int = 0) -> dict:
    key = jax.random.key(seed)
    k1, k2 = jax.random.split(key)
    embeddings = jax.random.normal(k1, (N, D), dtype=jnp.float32)
    indices = jax.random.randint(k2, (T, 3), 0, N, dtype=jnp.int64)
    return {"embeddings": embeddings, "indices": indices}


def _cosine_sim(a, b):
    # mirrors torch.nn.functional.cosine_similarity with eps=1e-8
    na = jnp.maximum(jnp.linalg.norm(a, axis=-1), EPS)
    nb = jnp.maximum(jnp.linalg.norm(b, axis=-1), EPS)
    return jnp.sum(a * b, axis=-1) / (na * nb)


def reference(embeddings, indices):
    emb_anch = jnp.take(embeddings, indices[:, 0], axis=0)
    emb_pos = jnp.take(embeddings, indices[:, 1], axis=0)
    emb_neg = jnp.take(embeddings, indices[:, 2], axis=0)
    dist_pos = 1.0 - _cosine_sim(emb_anch, emb_pos)
    dist_neg = 1.0 - _cosine_sim(emb_anch, emb_neg)
    loss = jax.nn.relu(dist_pos - dist_neg + MARGIN)
    return jnp.mean(loss)

if __name__ == "__main__":
    import jax
    _d = setup_inputs()
    print(jax.jit(kernel)(*tuple(_d.values())))

</pallas_src>

<mosaic_0001>
#map = affine_map<(d0, d1) -> (0, 0)>
module attributes {stable_mosaic.version = 14 : i64} {
  func.func @_sc_pack(%arg0: i32, %arg1: i32, %arg2: memref<100000x128xf32, #tpu.memory_space<hbm>>, %arg3: memref<100000x64xi32, #tpu.memory_space<hbm>>, %arg4: memref<125x128xf32, #tpu.memory_space<vmem>>, %arg5: memref<125x128xf32, #tpu.memory_space<vmem>>, %arg6: memref<125x64xi32, #tpu.memory_space<vmem>>, %arg7: memref<125x64xi32, #tpu.memory_space<vmem>>, %arg8: memref<!tpu.dma_semaphore, #tpu.memory_space<semaphore_mem>>, %arg9: memref<!tpu.dma_semaphore, #tpu.memory_space<semaphore_mem>>, %arg10: memref<!tpu.dma_semaphore, #tpu.memory_space<semaphore_mem>>, %arg11: memref<!tpu.dma_semaphore, #tpu.memory_space<semaphore_mem>>) attributes {dimension_semantics = [#tpu.dimension_semantics<core_parallel>, #tpu.dimension_semantics<subcore_parallel>], iteration_bounds = array<i64: 2, 16>, scalar_prefetch = 0 : i64, scratch_operands = 8 : i64, tpu.core_type = #tpu.core_type<sc_vector_subcore>, window_params = [{transform_indices = #map}, {transform_indices = #map}]} {
    %mul3A = arith.constant 2 : i32
    %mul3A_0 = arith.muli %arg1, %mul3A : i32
    %add3A = arith.addi %mul3A_0, %arg0 : i32
    %mul3A_1 = arith.constant 3125 : i32
    %mul3A_2 = arith.muli %add3A, %mul3A_1 : i32
    %add3A_3 = arith.constant 0 : i32
    %add3A_4 = arith.addi %mul3A_2, %add3A_3 : i32
    %dma_start3A = arith.constant 0 : i32
    %dma_start3A_5 = tpu.memref_slice %arg2[%add3A_4, %dma_start3A] : memref<100000x128xf32, #tpu.memory_space<hbm>> -> memref<125x128xf32, #tpu.memory_space<hbm>>
    %dma_start3A_6 = arith.constant 0 : i32
    %dma_start3A_7 = tpu.memref_slice %arg2[%add3A_4, %dma_start3A_6] : memref<100000x128xf32, #tpu.memory_space<hbm>> -> memref<125x128xf32, #tpu.memory_space<hbm>>
    tpu.enqueue_dma source(%dma_start3A_7 : memref<125x128xf32, #tpu.memory_space<hbm>>) target(%arg4 : memref<125x128xf32, #tpu.memory_space<vmem>>) target_semaphore(%arg8 : memref<!tpu.dma_semaphore, #tpu.memory_space<semaphore_mem>>)
    %scan3A = arith.constant 0 : i32
    %scan3A_8 = arith.constant 0 : i32
    %scan3A_9 = arith.constant 12 : i32
    %scan3A_10 = arith.addi %scan3A_8, %scan3A_9 : i32
    %scan3A_11 = arith.constant 1 : i32
    scf.for %scan3A_48 = %scan3A_8 to %scan3A_10 step %scan3A_11  : i32 {
      %mul3A_49 = arith.constant 2 : i32
      %mul3A_50 = arith.muli %mul3A_49, %scan3A_48 : i32
      %dma_wait3A_51 = arith.constant 0 : i32
      %dma_wait3A_52 = arith.constant 0 : i32
      %dma_wait3A_53 = tpu.memref_slice %arg2[%dma_wait3A_51, %dma_wait3A_52] : memref<100000x128xf32, #tpu.memory_space<hbm>> -> memref<125x128xf32, #tpu.memory_space<hbm>>
      %dma_wait3A_54 = arith.constant 0 : i32
      %dma_wait3A_55 = arith.constant 0 : i32
      %dma_wait3A_56 = tpu.memref_slice %arg2[%dma_wait3A_54, %dma_wait3A_55] : memref<100000x128xf32, #tpu.memory_space<hbm>> -> memref<125x128xf32, #tpu.memory_space<hbm>>
      tpu.wait_dma2 semaphore(%arg8 : memref<!tpu.dma_semaphore, #tpu.memory_space<semaphore_mem>>) src(%dma_wait3A_56 : memref<125x128xf32, #tpu.memory_space<hbm>>) dst(%arg4 : memref<125x128xf32, #tpu.memory_space<vmem>>)
      %add3A_57 = arith.constant 1 : i32
      %add3A_58 = arith.addi %mul3A_50, %add3A_57 : i32
      %mul3A_59 = arith.constant 125 : i32
      %mul3A_60 = arith.muli %add3A_58, %mul3A_59 : i32
      %add3A_61 = arith.addi %mul3A_2, %mul3A_60 : i32
      %dma_start3A_62 = arith.constant 0 : i32
      %dma_start3A_63 = tpu.memref_slice %arg2[%add3A_61, %dma_start3A_62] : memref<100000x128xf32, #tpu.memory_space<hbm>> -> memref<125x128xf32, #tpu.memory_space<hbm>>
      %dma_start3A_64 = arith.constant 0 : i32
      %dma_start3A_65 = tpu.memref_slice %arg2[%add3A_61, %dma_start3A_64] : memref<100000x128xf32, #tpu.memory_space<hbm>> -> memref<125x128xf32, #tpu.memory_space<hbm>>
      tpu.enqueue_dma source(%dma_start3A_65 : memref<125x128xf32, #tpu.memory_space<hbm>>) target(%arg5 : memref<125x128xf32, #tpu.memory_space<vmem>>) target_semaphore(%arg9 : memref<!tpu.dma_semaphore, #tpu.memory_space<semaphore_mem>>)
      %ge3A = arith.constant 2 : i32
      %ge3A_66 = arith.cmpi sge, %mul3A_50, %ge3A : i32
      %convert_element_type3A = arith.extui %ge3A_66 : i1 to i32
      %cond3A = arith.constant 0 : i32
      %cond3A_67 = arith.cmpi ne, %convert_element_type3A, %cond3A : i32
      scf.if %cond3A_67 {
        %dma_wait3A_113 = arith.constant 0 : i32
        %dma_wait3A_114 = arith.constant 0 : i32
        %dma_wait3A_115 = tpu.memref_slice %arg3[%dma_wait3A_113, %dma_wait3A_114] : memref<100000x64xi32, #tpu.memory_space<hbm>> -> memref<125x64xi32, #tpu.memory_space<hbm>>
        %dma_wait3A_116 = arith.constant 0 : i32
        %dma_wait3A_117 = arith.constant 0 : i32
        %dma_wait3A_118 = tpu.memref_slice %arg3[%dma_wait3A_116, %dma_wait3A_117] : memref<100000x64xi32, #tpu.memory_space<hbm>> -> memref<125x64xi32, #tpu.memory_space<hbm>>
        tpu.wait_dma2 semaphore(%arg10 : memref<!tpu.dma_semaphore, #tpu.memory_space<semaphore_mem>>) src(%arg6 : memref<125x64xi32, #tpu.memory_space<vmem>>) dst(%dma_wait3A_118 : memref<125x64xi32, #tpu.memory_space<hbm>>)
      } else {
      }
      %scan3A_68 = arith.constant 0 : i32
      %scan3A_69 = arith.constant 0 : i32
      %scan3A_70 = arith.constant 125 : i32
      %scan3A_71 = arith.addi %scan3A_69, %scan3A_70 : i32
      %scan3A_72 = arith.constant 1 : i32
      scf.for %scan3A_113 = %scan3A_69 to %scan3A_71 step %scan3A_72  : i32 {
        %get3A = arith.index_cast %scan3A_113 : i32 to index
        %get3A_114 = arith.constant 0 : index
        %get3A_115 = tpu.vector_load %arg4[%get3A, %get3A_114] {strides = array<i32>} : memref<125x128xf32, #tpu.memory_space<vmem>>, vector<16xf32>,
        %get3A_116 = arith.index_cast %scan3A_113 : i32 to index
        %get3A_117 = arith.constant 64 : index
        %get3A_118 = tpu.vector_load %arg4[%get3A_116, %get3A_117] {strides = array<i32>} : memref<125x128xf32, #tpu.memory_space<vmem>>, vector<16xf32>,
        %pack3A = tpu.pack_subelements %get3A_115, %get3A_118 {pack_format = #tpu.pack_format<interleaved>, positions = array<i32: 0, 1>} : vector<16xf32>, vector<16xf32> -> vector<32xbf16>
        %bitcast3A = vector.bitcast %pack3A : vector<32xbf16> to vector<16xi32>
        %swap3A = arith.index_cast %scan3A_113 : i32 to index
        %swap3A_119 = arith.constant 0 : index
        %swap3A_120 = tpu.vector_load %arg6[%swap3A, %swap3A_119] {strides = array<i32>} : memref<125x64xi32, #tpu.memory_space<vmem>>, vector<16xi32>,
        tpu.vector_store %arg6[%swap3A, %swap3A_119], %bitcast3A {strides = array<i32>} : memref<125x64xi32, #tpu.memory_space<vmem>>, vector<16xi32>,
        %get3A_121 = arith.index_cast %scan3A_113 : i32 to index
        %get3A_122 = arith.constant 16 : index
        %get3A_123 = tpu.vector_load %arg4[%get3A_121, %get3A_122] {strides = array<i32>} : memref<125x128xf32, #tpu.memory_space<vmem>>, vector<16xf32>,
        %get3A_124 = arith.index_cast %scan3A_113 : i32 to index
        %get3A_125 = arith.constant 80 : index
        %get3A_126 = tpu.vector_load %arg4[%get3A_124, %get3A_125] {strides = array<i32>} : memref<125x128xf32, #tpu.memory_space<vmem>>, vector<16xf32>,
        %pack3A_127 = tpu.pack_subelements %get3A_123, %get3A_126 {pack_format = #tpu.pack_format<interleaved>, positions = array<i32: 0, 1>} : vector<16xf32>, vector<16xf32> -> vector<32xbf16>
        %bitcast3A_128 = vector.bitcast %pack3A_127 : vector<32xbf16> to vector<16xi32>
        %swap3A_129 = arith.index_cast %scan3A_113 : i32 to index
        %swap3A_130 = arith.constant 16 : index
        %swap3A_131 = tpu.vector_load %arg6[%swap3A_129, %swap3A_130] {strides = array<i32>} : memref<125x64xi32, #tpu.memory_space<vmem>>, vector<16xi32>,
        tpu.vector_store %arg6[%swap3A_129, %swap3A_130], %bitcast3A_128 {strides = array<i32>} : memref<125x64xi32, #tpu.memory_space<vmem>>, vector<16xi32>,
        %get3A_132 = arith.index_cast %scan3A_113 : i32 to index
        %get3A_133 = arith.constant 32 : index
        %get3A_134 = tpu.vector_load %arg4[%get3A_132, %get3A_133] {strides = array<i32>} : memref<125x128xf32, #tpu.memory_space<vmem>>, vector<16xf32>,
        %get3A_135 = arith.index_cast %scan3A_113 : i32 to index
        %get3A_136 = arith.constant 96 : index
        %get3A_137 = tpu.vector_load %arg4[%get3A_135, %get3A_136] {strides = array<i32>} : memref<125x128xf32, #tpu.memory_space<vmem>>, vector<16xf32>,
        %pack3A_138 = tpu.pack_subelements %get3A_134, %get3A_137 {pack_format = #tpu.pack_format<interleaved>, positions = array<i32: 0, 1>} : vector<16xf32>, vector<16xf32> -> vector<32xbf16>
        %bitcast3A_139 = vector.bitcast %pack3A_138 : vector<32xbf16> to vector<16xi32>
        %swap3A_140 = arith.index_cast %scan3A_113 : i32 to index
        %swap3A_141 = arith.constant 32 : index
        %swap3A_142 = tpu.vector_load %arg6[%swap3A_140, %swap3A_141] {strides = array<i32>} : memref<125x64xi32, #tpu.memory_space<vmem>>, vector<16xi32>,
        tpu.vector_store %arg6[%swap3A_140, %swap3A_141], %bitcast3A_139 {strides = array<i32>} : memref<125x64xi32, #tpu.memory_space<vmem>>, vector<16xi32>,
        %get3A_143 = arith.index_cast %scan3A_113 : i32 to index
        %get3A_144 = arith.constant 48 : index
        %get3A_145 = tpu.vector_load %arg4[%get3A_143, %get3A_144] {strides = array<i32>} : memref<125x128xf32, #tpu.memory_space<vmem>>, vector<16xf32>,
        %get3A_146 = arith.index_cast %scan3A_113 : i32 to index
        %get3A_147 = arith.constant 112 : index
        %get3A_148 = tpu.vector_load %arg4[%get3A_146, %get3A_147] {strides = array<i32>} : memref<125x128xf32, #tpu.memory_space<vmem>>, vector<16xf32>,
        %pack3A_149 = tpu.pack_subelements %get3A_145, %get3A_148 {pack_format = #tpu.pack_format<interleaved>, positions = array<i32: 0, 1>} : vector<16xf32>, vector<16xf32> -> vector<32xbf16>
        %bitcast3A_150 = vector.bitcast %pack3A_149 : vector<32xbf16> to vector<16xi32>
        %swap3A_151 = arith.index_cast %scan3A_113 : i32 to index
        %swap3A_152 = arith.constant 48 : index
        %swap3A_153 = tpu.vector_load %arg6[%swap3A_151, %swap3A_152] {strides = array<i32>} : memref<125x64xi32, #tpu.memory_space<vmem>>, vector<16xi32>,
        tpu.vector_store %arg6[%swap3A_151, %swap3A_152], %bitcast3A_150 {strides = array<i32>} : memref<125x64xi32, #tpu.memory_space<vmem>>, vector<16xi32>,
      }
      %scan3A_73 = arith.constant 125 : i32
      %mul3A_74 = arith.constant 125 : i32
      %mul3A_75 = arith.muli %mul3A_50, %mul3A_74 : i32
      %add3A_76 = arith.addi %mul3A_2, %mul3A_75 : i32
      %dma_start3A_77 = arith.constant 0 : i32
      %dma_start3A_78 = tpu.memref_slice %arg3[%add3A_76, %dma_start3A_77] : memref<100000x64xi32, #tpu.memory_space<hbm>> -> memref<125x64xi32, #tpu.memory_space<hbm>>
      %dma_start3A_79 = arith.constant 0 : i32
      %dma_start3A_80 = tpu.memref_slice %arg3[%add3A_76, %dma_start3A_79] : memref<100000x64xi32, #tpu.memory_space<hbm>> -> memref<125x64xi32, #tpu.memory_space<hbm>>
      tpu.enqueue_dma source(%arg6 : memref<125x64xi32, #tpu.memory_space<vmem>>) target(%dma_start3A_80 : memref<125x64xi32, #tpu.memory_space<hbm>>) target_semaphore(%arg10 : memref<!tpu.dma_semaphore, #tpu.memory_space<semaphore_mem>>)
      %dma_wait3A_81 = arith.constant 0 : i32
      %dma_wait3A_82 = arith.constant 0 : i32
      %dma_wait3A_83 = tpu.memref_slice %arg2[%dma_wait3A_81, %dma_wait3A_82] : memref<100000x128xf32, #tpu.memory_space<hbm>> -> memref<125x128xf32, #tpu.memory_space<hbm>>
      %dma_wait3A_84 = arith.constant 0 : i32
      %dma_wait3A_85 = arith.constant 0 : i32
      %dma_wait3A_86 = tpu.memref_slice %arg2[%dma_wait3A_84, %dma_wait3A_85] : memref<100000x128xf32, #tpu.memory_space<hbm>> -> memref<125x128xf32, #tpu.memory_space<hbm>>
      tpu.wait_dma2 semaphore(%arg9 : memref<!tpu.dma_semaphore, #tpu.memory_space<semaphore_mem>>) src(%dma_wait3A_86 : memref<125x128xf32, #tpu.memory_space<hbm>>) dst(%arg5 : memref<125x128xf32, #tpu.memory_space<vmem>>)
      %add3A_87 = arith.constant 2 : i32
      %add3A_88 = arith.addi %mul3A_50, %add3A_87 : i32
      %lt3A = arith.constant 25 : i32
      %lt3A_89 = arith.cmpi slt, %add3A_88, %lt3A : i32
      %convert_element_type3A_90 = arith.extui %lt3A_89 : i1 to i32
      %cond3A_91 = arith.constant 0 : i32
      %cond3A_92 = arith.cmpi ne, %convert_element_type3A_90, %cond3A_91 : i32
      scf.if %cond3A_92 {
        %add3A_113 = arith.constant 2 : i32
        %add3A_114 = arith.addi %mul3A_50, %add3A_113 : i32
        %mul3A_115 = arith.constant 125 : i32
        %mul3A_116 = arith.muli %add3A_114, %mul3A_115 : i32
        %add3A_117 = arith.addi %mul3A_2, %mul3A_116 : i32
        %dma_start3A_118 = arith.constant 0 : i32
        %dma_start3A_119 = tpu.memref_slice %arg2[%add3A_117, %dma_start3A_118] : memref<100000x128xf32, #tpu.memory_space<hbm>> -> memref<125x128xf32, #tpu.memory_space<hbm>>
        %dma_start3A_120 = arith.constant 0 : i32
        %dma_start3A_121 = tpu.memref_slice %arg2[%add3A_117, %dma_start3A_120] : memref<100000x128xf32, #tpu.memory_space<hbm>> -> memref<125x128xf32, #tpu.memory_space<hbm>>
        tpu.enqueue_dma source(%dma_start3A_121 : memref<125x128xf32, #tpu.memory_space<hbm>>) target(%arg4 : memref<125x128xf32, #tpu.memory_space<vmem>>) target_semaphore(%arg8 : memref<!tpu.dma_semaphore, #tpu.memory_space<semaphore_mem>>)
      } else {
      }
      %ge3A_93 = arith.constant 1 : i32
      %ge3A_94 = arith.cmpi sge, %mul3A_50, %ge3A_93 : i32
      %convert_element_type3A_95 = arith.extui %ge3A_94 : i1 to i32
      %cond3A_96 = arith.constant 0 : i32
      %cond3A_97 = arith.cmpi ne, %convert_element_type3A_95, %cond3A_96 : i32
      scf.if %cond3A_97 {
        %dma_wait3A_113 = arith.constant 0 : i32
        %dma_wait3A_114 = arith.constant 0 : i32
        %dma_wait3A_115 = tpu.memref_slice %arg3[%dma_wait3A_113, %dma_wait3A_114] : memref<100000x64xi32, #tpu.memory_space<hbm>> -> memref<125x64xi32, #tpu.memory_space<hbm>>
        %dma_wait3A_116 = arith.constant 0 : i32
        %dma_wait3A_117 = arith.constant 0 : i32
        %dma_wait3A_118 = tpu.memref_slice %arg3[%dma_wait3A_116, %dma_wait3A_117] : memref<100000x64xi32, #tpu.memory_space<hbm>> -> memref<125x64xi32, #tpu.memory_space<hbm>>
        tpu.wait_dma2 semaphore(%arg11 : memref<!tpu.dma_semaphore, #tpu.memory_space<semaphore_mem>>) src(%arg7 : memref<125x64xi32, #tpu.memory_space<vmem>>) dst(%dma_wait3A_118 : memref<125x64xi32, #tpu.memory_space<hbm>>)
      } else {
      }
      %scan3A_98 = arith.constant 0 : i32
      %scan3A_99 = arith.constant 0 : i32
      %scan3A_100 = arith.constant 125 : i32
      %scan3A_101 = arith.addi %scan3A_99, %scan3A_100 : i32
      %scan3A_102 = arith.constant 1 : i32
      scf.for %scan3A_113 = %scan3A_99 to %scan3A_101 step %scan3A_102  : i32 {
        %get3A = arith.index_cast %scan3A_113 : i32 to index
        %get3A_114 = arith.constant 0 : index
        %get3A_115 = tpu.vector_load %arg5[%get3A, %get3A_114] {strides = array<i32>} : memref<125x128xf32, #tpu.memory_space<vmem>>, vector<16xf32>,
        %get3A_116 = arith.index_cast %scan3A_113 : i32 to index
        %get3A_117 = arith.constant 64 : index
        %get3A_118 = tpu.vector_load %arg5[%get3A_116, %get3A_117] {strides = array<i32>} : memref<125x128xf32, #tpu.memory_space<vmem>>, vector<16xf32>,
        %pack3A = tpu.pack_subelements %get3A_115, %get3A_118 {pack_format = #tpu.pack_format<interleaved>, positions = array<i32: 0, 1>} : vector<16xf32>, vector<16xf32> -> vector<32xbf16>
        %bitcast3A = vector.bitcast %pack3A : vector<32xbf16> to vector<16xi32>
        %swap3A = arith.index_cast %scan3A_113 : i32 to index
        %swap3A_119 = arith.constant 0 : index
        %swap3A_120 = tpu.vector_load %arg7[%swap3A, %swap3A_119] {strides = array<i32>} : memref<125x64xi32, #tpu.memory_space<vmem>>, vector<16xi32>,
        tpu.vector_store %arg7[%swap3A, %swap3A_119], %bitcast3A {strides = array<i32>} : memref<125x64xi32, #tpu.memory_space<vmem>>, vector<16xi32>,
        %get3A_121 = arith.index_cast %scan3A_113 : i32 to index
        %get3A_122 = arith.constant 16 : index
        %get3A_123 = tpu.vector_load %arg5[%get3A_121, %get3A_122] {strides = array<i32>} : memref<125x128xf32, #tpu.memory_space<vmem>>, vector<16xf32>,
        %get3A_124 = arith.index_cast %scan3A_113 : i32 to index
        %get3A_125 = arith.constant 80 : index
        %get3A_126 = tpu.vector_load %arg5[%get3A_124, %get3A_125] {strides = array<i32>} : memref<125x128xf32, #tpu.memory_space<vmem>>, vector<16xf32>,
        %pack3A_127 = tpu.pack_subelements %get3A_123, %get3A_126 {pack_format = #tpu.pack_format<interleaved>, positions = array<i32: 0, 1>} : vector<16xf32>, vector<16xf32> -> vector<32xbf16>
        %bitcast3A_128 = vector.bitcast %pack3A_127 : vector<32xbf16> to vector<16xi32>
        %swap3A_129 = arith.index_cast %scan3A_113 : i32 to index
        %swap3A_130 = arith.constant 16 : index
        %swap3A_131 = tpu.vector_load %arg7[%swap3A_129, %swap3A_130] {strides = array<i32>} : memref<125x64xi32, #tpu.memory_space<vmem>>, vector<16xi32>,
        tpu.vector_store %arg7[%swap3A_129, %swap3A_130], %bitcast3A_128 {strides = array<i32>} : memref<125x64xi32, #tpu.memory_space<vmem>>, vector<16xi32>,
        %get3A_132 = arith.index_cast %scan3A_113 : i32 to index
        %get3A_133 = arith.constant 32 : index
        %get3A_134 = tpu.vector_load %arg5[%get3A_132, %get3A_133] {strides = array<i32>} : memref<125x128xf32, #tpu.memory_space<vmem>>, vector<16xf32>,
        %get3A_135 = arith.index_cast %scan3A_113 : i32 to index
        %get3A_136 = arith.constant 96 : index
        %get3A_137 = tpu.vector_load %arg5[%get3A_135, %get3A_136] {strides = array<i32>} : memref<125x128xf32, #tpu.memory_space<vmem>>, vector<16xf32>,
        %pack3A_138 = tpu.pack_subelements %get3A_134, %get3A_137 {pack_format = #tpu.pack_format<interleaved>, positions = array<i32: 0, 1>} : vector<16xf32>, vector<16xf32> -> vector<32xbf16>
        %bitcast3A_139 = vector.bitcast %pack3A_138 : vector<32xbf16> to vector<16xi32>
        %swap3A_140 = arith.index_cast %scan3A_113 : i32 to index
        %swap3A_141 = arith.constant 32 : index
        %swap3A_142 = tpu.vector_load %arg7[%swap3A_140, %swap3A_141] {strides = array<i32>} : memref<125x64xi32, #tpu.memory_space<vmem>>, vector<16xi32>,
        tpu.vector_store %arg7[%swap3A_140, %swap3A_141], %bitcast3A_139 {strides = array<i32>} : memref<125x64xi32, #tpu.memory_space<vmem>>, vector<16xi32>,
        %get3A_143 = arith.index_cast %scan3A_113 : i32 to index
        %get3A_144 = arith.constant 48 : index
        %get3A_145 = tpu.vector_load %arg5[%get3A_143, %get3A_144] {strides = array<i32>} : memref<125x128xf32, #tpu.memory_space<vmem>>, vector<16xf32>,
        %get3A_146 = arith.index_cast %scan3A_113 : i32 to index
        %get3A_147 = arith.constant 112 : index
        %get3A_148 = tpu.vector_load %arg5[%get3A_146, %get3A_147] {strides = array<i32>} : memref<125x128xf32, #tpu.memory_space<vmem>>, vector<16xf32>,
        %pack3A_149 = tpu.pack_subelements %get3A_145, %get3A_148 {pack_format = #tpu.pack_format<interleaved>, positions = array<i32: 0, 1>} : vector<16xf32>, vector<16xf32> -> vector<32xbf16>
        %bitcast3A_150 = vector.bitcast %pack3A_149 : vector<32xbf16> to vector<16xi32>
        %swap3A_151 = arith.index_cast %scan3A_113 : i32 to index
        %swap3A_152 = arith.constant 48 : index
        %swap3A_153 = tpu.vector_load %arg7[%swap3A_151, %swap3A_152] {strides = array<i32>} : memref<125x64xi32, #tpu.memory_space<vmem>>, vector<16xi32>,
        tpu.vector_store %arg7[%swap3A_151, %swap3A_152], %bitcast3A_150 {strides = array<i32>} : memref<125x64xi32, #tpu.memory_space<vmem>>, vector<16xi32>,
      }
      %scan3A_103 = arith.constant 125 : i32
      %add3A_104 = arith.constant 1 : i32
      %add3A_105 = arith.addi %mul3A_50, %add3A_104 : i32
      %mul3A_106 = arith.constant 125 : i32
      %mul3A_107 = arith.muli %add3A_105, %mul3A_106 : i32
      %add3A_108 = arith.addi %mul3A_2, %mul3A_107 : i32
      %dma_start3A_109 = arith.constant 0 : i32
      %dma_start3A_110 = tpu.memref_slice %arg3[%add3A_108, %dma_start3A_109] : memref<100000x64xi32, #tpu.memory_space<hbm>> -> memref<125x64xi32, #tpu.memory_space<hbm>>
      %dma_start3A_111 = arith.constant 0 : i32
      %dma_start3A_112 = tpu.memref_slice %arg3[%add3A_108, %dma_start3A_111] : memref<100000x64xi32, #tpu.memory_space<hbm>> -> memref<125x64xi32, #tpu.memory_space<hbm>>
      tpu.enqueue_dma source(%arg7 : memref<125x64xi32, #tpu.memory_space<vmem>>) target(%dma_start3A_112 : memref<125x64xi32, #tpu.memory_space<hbm>>) target_semaphore(%arg11 : memref<!tpu.dma_semaphore, #tpu.memory_space<semaphore_mem>>)
    }
    %scan3A_12 = arith.constant 12 : i32
    %dma_wait3A = arith.constant 0 : i32
    %dma_wait3A_13 = arith.constant 0 : i32
    %dma_wait3A_14 = tpu.memref_slice %arg2[%dma_wait3A, %dma_wait3A_13] : memref<100000x128xf32, #tpu.memory_space<hbm>> -> memref<125x128xf32, #tpu.memory_space<hbm>>
    %dma_wait3A_15 = arith.constant 0 : i32
    %dma_wait3A_16 = arith.constant 0 : i32
    %dma_wait3A_17 = tpu.memref_slice %arg2[%dma_wait3A_15, %dma_wait3A_16] : memref<100000x128xf32, #tpu.memory_space<hbm>> -> memref<125x128xf32, #tpu.memory_space<hbm>>
    tpu.wait_dma2 semaphore(%arg8 : memref<!tpu.dma_semaphore, #tpu.memory_space<semaphore_mem>>) src(%dma_wait3A_17 : memref<125x128xf32, #tpu.memory_space<hbm>>) dst(%arg4 : memref<125x128xf32, #tpu.memory_space<vmem>>)
    %dma_wait3A_18 = arith.constant 0 : i32
    %dma_wait3A_19 = arith.constant 0 : i32
    %dma_wait3A_20 = tpu.memref_slice %arg3[%dma_wait3A_18, %dma_wait3A_19] : memref<100000x64xi32, #tpu.memory_space<hbm>> -> memref<125x64xi32, #tpu.memory_space<hbm>>
    %dma_wait3A_21 = arith.constant 0 : i32
    %dma_wait3A_22 = arith.constant 0 : i32
    %dma_wait3A_23 = tpu.memref_slice %arg3[%dma_wait3A_21, %dma_wait3A_22] : memref<100000x64xi32, #tpu.memory_space<hbm>> -> memref<125x64xi32, #tpu.memory_space<hbm>>
    tpu.wait_dma2 semaphore(%arg10 : memref<!tpu.dma_semaphore, #tpu.memory_space<semaphore_mem>>) src(%arg6 : memref<125x64xi32, #tpu.memory_space<vmem>>) dst(%dma_wait3A_23 : memref<125x64xi32, #tpu.memory_space<hbm>>)
    %scan3A_24 = arith.constant 0 : i32
    %scan3A_25 = arith.constant 0 : i32
    %scan3A_26 = arith.constant 125 : i32
    %scan3A_27 = arith.addi %scan3A_25, %scan3A_26 : i32
    %scan3A_28 = arith.constant 1 : i32
    scf.for %scan3A_48 = %scan3A_25 to %scan3A_27 step %scan3A_28  : i32 {
      %get3A = arith.index_cast %scan3A_48 : i32 to index
      %get3A_49 = arith.constant 0 : index
      %get3A_50 = tpu.vector_load %arg4[%get3A, %get3A_49] {strides = array<i32>} : memref<125x128xf32, #tpu.memory_space<vmem>>, vector<16xf32>,
      %get3A_51 = arith.index_cast %scan3A_48 : i32 to index
      %get3A_52 = arith.constant 64 : index
      %get3A_53 = tpu.vector_load %arg4[%get3A_51, %get3A_52] {strides = array<i32>} : memref<125x128xf32, #tpu.memory_space<vmem>>, vector<16xf32>,
      %pack3A = tpu.pack_subelements %get3A_50, %get3A_53 {pack_format = #tpu.pack_format<interleaved>, positions = array<i32: 0, 1>} : vector<16xf32>, vector<16xf32> -> vector<32xbf16>
      %bitcast3A = vector.bitcast %pack3A : vector<32xbf16> to vector<16xi32>
      %swap3A = arith.index_cast %scan3A_48 : i32 to index
      %swap3A_54 = arith.constant 0 : index
      %swap3A_55 = tpu.vector_load %arg6[%swap3A, %swap3A_54] {strides = array<i32>} : memref<125x64xi32, #tpu.memory_space<vmem>>, vector<16xi32>,
      tpu.vector_store %arg6[%swap3A, %swap3A_54], %bitcast3A {strides = array<i32>} : memref<125x64xi32, #tpu.memory_space<vmem>>, vector<16xi32>,
      %get3A_56 = arith.index_cast %scan3A_48 : i32 to index
      %get3A_57 = arith.constant 16 : index
      %get3A_58 = tpu.vector_load %arg4[%get3A_56, %get3A_57] {strides = array<i32>} : memref<125x128xf32, #tpu.memory_space<vmem>>, vector<16xf32>,
      %get3A_59 = arith.index_cast %scan3A_48 : i32 to index
      %get3A_60 = arith.constant 80 : index
      %get3A_61 = tpu.vector_load %arg4[%get3A_59, %get3A_60] {strides = array<i32>} : memref<125x128xf32, #tpu.memory_space<vmem>>, vector<16xf32>,
      %pack3A_62 = tpu.pack_subelements %get3A_58, %get3A_61 {pack_format = #tpu.pack_format<interleaved>, positions = array<i32: 0, 1>} : vector<16xf32>, vector<16xf32> -> vector<32xbf16>
      %bitcast3A_63 = vector.bitcast %pack3A_62 : vector<32xbf16> to vector<16xi32>
      %swap3A_64 = arith.index_cast %scan3A_48 : i32 to index
      %swap3A_65 = arith.constant 16 : index
      %swap3A_66 = tpu.vector_load %arg6[%swap3A_64, %swap3A_65] {strides = array<i32>} : memref<125x64xi32, #tpu.memory_space<vmem>>, vector<16xi32>,
      tpu.vector_store %arg6[%swap3A_64, %swap3A_65], %bitcast3A_63 {strides = array<i32>} : memref<125x64xi32, #tpu.memory_space<vmem>>, vector<16xi32>,
      %get3A_67 = arith.index_cast %scan3A_48 : i32 to index
      %get3A_68 = arith.constant 32 : index
      %get3A_69 = tpu.vector_load %arg4[%get3A_67, %get3A_68] {strides = array<i32>} : memref<125x128xf32, #tpu.memory_space<vmem>>, vector<16xf32>,
      %get3A_70 = arith.index_cast %scan3A_48 : i32 to index
      %get3A_71 = arith.constant 96 : index
      %get3A_72 = tpu.vector_load %arg4[%get3A_70, %get3A_71] {strides = array<i32>} : memref<125x128xf32, #tpu.memory_space<vmem>>, vector<16xf32>,
      %pack3A_73 = tpu.pack_subelements %get3A_69, %get3A_72 {pack_format = #tpu.pack_format<interleaved>, positions = array<i32: 0, 1>} : vector<16xf32>, vector<16xf32> -> vector<32xbf16>
      %bitcast3A_74 = vector.bitcast %pack3A_73 : vector<32xbf16> to vector<16xi32>
      %swap3A_75 = arith.index_cast %scan3A_48 : i32 to index
      %swap3A_76 = arith.constant 32 : index
      %swap3A_77 = tpu.vector_load %arg6[%swap3A_75, %swap3A_76] {strides = array<i32>} : memref<125x64xi32, #tpu.memory_space<vmem>>, vector<16xi32>,
      tpu.vector_store %arg6[%swap3A_75, %swap3A_76], %bitcast3A_74 {strides = array<i32>} : memref<125x64xi32, #tpu.memory_space<vmem>>, vector<16xi32>,
      %get3A_78 = arith.index_cast %scan3A_48 : i32 to index
      %get3A_79 = arith.constant 48 : index
      %get3A_80 = tpu.vector_load %arg4[%get3A_78, %get3A_79] {strides = array<i32>} : memref<125x128xf32, #tpu.memory_space<vmem>>, vector<16xf32>,
      %get3A_81 = arith.index_cast %scan3A_48 : i32 to index
      %get3A_82 = arith.constant 112 : index
      %get3A_83 = tpu.vector_load %arg4[%get3A_81, %get3A_82] {strides = array<i32>} : memref<125x128xf32, #tpu.memory_space<vmem>>, vector<16xf32>,
      %pack3A_84 = tpu.pack_subelements %get3A_80, %get3A_83 {pack_format = #tpu.pack_format<interleaved>, positions = array<i32: 0, 1>} : vector<16xf32>, vector<16xf32> -> vector<32xbf16>
      %bitcast3A_85 = vector.bitcast %pack3A_84 : vector<32xbf16> to vector<16xi32>
      %swap3A_86 = arith.index_cast %scan3A_48 : i32 to index
      %swap3A_87 = arith.constant 48 : index
      %swap3A_88 = tpu.vector_load %arg6[%swap3A_86, %swap3A_87] {strides = array<i32>} : memref<125x64xi32, #tpu.memory_space<vmem>>, vector<16xi32>,
      tpu.vector_store %arg6[%swap3A_86, %swap3A_87], %bitcast3A_85 {strides = array<i32>} : memref<125x64xi32, #tpu.memory_space<vmem>>, vector<16xi32>,
    }
    %scan3A_29 = arith.constant 125 : i32
    %add3A_30 = arith.constant 3000 : i32
    %add3A_31 = arith.addi %mul3A_2, %add3A_30 : i32
    %dma_start3A_32 = arith.constant 0 : i32
    %dma_start3A_33 = tpu.memref_slice %arg3[%add3A_31, %dma_start3A_32] : memref<100000x64xi32, #tpu.memory_space<hbm>> -> memref<125x64xi32, #tpu.memory_space<hbm>>
    %dma_start3A_34 = arith.constant 0 : i32
    %dma_start3A_35 = tpu.memref_slice %arg3[%add3A_31, %dma_start3A_34] : memref<100000x64xi32, #tpu.memory_space<hbm>> -> memref<125x64xi32, #tpu.memory_space<hbm>>
    tpu.enqueue_dma source(%arg6 : memref<125x64xi32, #tpu.memory_space<vmem>>) target(%dma_start3A_35 : memref<125x64xi32, #tpu.memory_space<hbm>>) target_semaphore(%arg10 : memref<!tpu.dma_semaphore, #tpu.memory_space<semaphore_mem>>)
    %dma_wait3A_36 = arith.constant 0 : i32
    %dma_wait3A_37 = arith.constant 0 : i32
    %dma_wait3A_38 = tpu.memref_slice %arg3[%dma_wait3A_36, %dma_wait3A_37] : memref<100000x64xi32, #tpu.memory_space<hbm>> -> memref<125x64xi32, #tpu.memory_space<hbm>>
    %dma_wait3A_39 = arith.constant 0 : i32
    %dma_wait3A_40 = arith.constant 0 : i32
    %dma_wait3A_41 = tpu.memref_slice %arg3[%dma_wait3A_39, %dma_wait3A_40] : memref<100000x64xi32, #tpu.memory_space<hbm>> -> memref<125x64xi32, #tpu.memory_space<hbm>>
    tpu.wait_dma2 semaphore(%arg11 : memref<!tpu.dma_semaphore, #tpu.memory_space<semaphore_mem>>) src(%arg7 : memref<125x64xi32, #tpu.memory_space<vmem>>) dst(%dma_wait3A_41 : memref<125x64xi32, #tpu.memory_space<hbm>>)
    %dma_wait3A_42 = arith.constant 0 : i32
    %dma_wait3A_43 = arith.constant 0 : i32
    %dma_wait3A_44 = tpu.memref_slice %arg3[%dma_wait3A_42, %dma_wait3A_43] : memref<100000x64xi32, #tpu.memory_space<hbm>> -> memref<125x64xi32, #tpu.memory_space<hbm>>
    %dma_wait3A_45 = arith.constant 0 : i32
    %dma_wait3A_46 = arith.constant 0 : i32
    %dma_wait3A_47 = tpu.memref_slice %arg3[%dma_wait3A_45, %dma_wait3A_46] : memref<100000x64xi32, #tpu.memory_space<hbm>> -> memref<125x64xi32, #tpu.memory_space<hbm>>
    tpu.wait_dma2 semaphore(%arg10 : memref<!tpu.dma_semaphore, #tpu.memory_space<semaphore_mem>>) src(%arg6 : memref<125x64xi32, #tpu.memory_space<vmem>>) dst(%dma_wait3A_47 : memref<125x64xi32, #tpu.memory_space<hbm>>)
    return
  }
}

#map = affine_map<(d0, d1) -> (0, 0)>
#map1 = affine_map<(d0, d1) -> (0)>
module attributes {stable_mosaic.version = 14 : i64} {
  func.func @_sc_triplet(%arg0: i32, %arg1: i32, %arg2: memref<100000x64xi32, #tpu.memory_space<hbm>>, %arg3: memref<102400xi32, #tpu.memory_space<hbm>>, %arg4: memref<102400xi32, #tpu.memory_space<hbm>>, %arg5: memref<102400xi32, #tpu.memory_space<hbm>>, %arg6: memref<32x16xf32, #tpu.memory_space<hbm>>, %arg7: memref<3200xi32, #tpu.memory_space<vmem>>, %arg8: memref<3200xi32, #tpu.memory_space<vmem>>, %arg9: memref<3200xi32, #tpu.memory_space<vmem>>, %arg10: memref<128x64xi32, #tpu.memory_space<vmem>>, %arg11: memref<128x64xi32, #tpu.memory_space<vmem>>, %arg12: memref<128x64xi32, #tpu.memory_space<vmem>>, %arg13: memref<128x64xi32, #tpu.memory_space<vmem>>, %arg14: memref<128x64xi32, #tpu.memory_space<vmem>>, %arg15: memref<128x64xi32, #tpu.memory_space<vmem>>, %arg16: memref<128x64xi32, #tpu.memory_space<vmem>>, %arg17: memref<128x64xi32, #tpu.memory_space<vmem>>, %arg18: memref<128x64xi32, #tpu.memory_space<vmem>>, %arg19: memref<128x64xi32, #tpu.memory_space<vmem>>, %arg20: memref<128x64xi32, #tpu.memory_space<vmem>>, %arg21: memref<128x64xi32, #tpu.memory_space<vmem>>, %arg22: memref<16xf32, #tpu.memory_space<vmem>>, %arg23: memref<!tpu.dma_semaphore, #tpu.memory_space<semaphore_mem>>, %arg24: memref<!tpu.dma_semaphore, #tpu.memory_space<semaphore_mem>>, %arg25: memref<!tpu.dma_semaphore, #tpu.memory_space<semaphore_mem>>, %arg26: memref<!tpu.dma_semaphore, #tpu.memory_space<semaphore_mem>>) attributes {dimension_semantics = [#tpu.dimension_semantics<core_parallel>, #tpu.dimension_semantics<subcore_parallel>], iteration_bounds = array<i64: 2, 16>, scalar_prefetch = 0 : i64, scratch_operands = 20 : i64, tpu.core_type = #tpu.core_type<sc_vector_subcore>, window_params = [{transform_indices = #map}, {transform_indices = #map1}, {transform_indices = #map1}, {transform_indices = #map1}, {transform_indices = #map}]} {
    %mul3A = arith.constant 2 : i32
    %mul3A_0 = arith.muli %arg1, %mul3A : i32
    %add3A = arith.addi %mul3A_0, %arg0 : i32
    %iota3A = tpu.iota {dimensions = array<i32: 0>} : vector<16xi32>
    %broadcast_in_dim3A = arith.constant 0 : i32
    %broadcast_in_dim3A_1 = vector.broadcast %broadcast_in_dim3A : i32 to vector<16xi32>
    %add3A_2 = arith.addi %broadcast_in_dim3A_1, %iota3A : vector<16xi32>
    %broadcast_in_dim3A_3 = arith.constant 16 : i32
    %broadcast_in_dim3A_4 = vector.broadcast %broadcast_in_dim3A_3 : i32 to vector<16xi32>
    %add3A_5 = arith.addi %broadcast_in_dim3A_4, %iota3A : vector<16xi32>
    %broadcast_in_dim3A_6 = arith.constant 32 : i32
    %broadcast_in_dim3A_7 = vector.broadcast %broadcast_in_dim3A_6 : i32 to vector<16xi32>
    %add3A_8 = arith.addi %broadcast_in_dim3A_7, %iota3A : vector<16xi32>
    %broadcast_in_dim3A_9 = arith.constant 48 : i32
    %broadcast_in_dim3A_10 = vector.broadcast %broadcast_in_dim3A_9 : i32 to vector<16xi32>
    %add3A_11 = arith.addi %broadcast_in_dim3A_10, %iota3A : vector<16xi32>
    %broadcast_in_dim3A_12 = arith.constant 64 : i32
    %broadcast_in_dim3A_13 = vector.broadcast %broadcast_in_dim3A_12 : i32 to vector<16xi32>
    %add3A_14 = arith.addi %broadcast_in_dim3A_13, %iota3A : vector<16xi32>
    %broadcast_in_dim3A_15 = arith.constant 80 : i32
    %broadcast_in_dim3A_16 = vector.broadcast %broadcast_in_dim3A_15 : i32 to vector<16xi32>
    %add3A_17 = arith.addi %broadcast_in_dim3A_16, %iota3A : vector<16xi32>
    %broadcast_in_dim3A_18 = arith.constant 96 : i32
    %broadcast_in_dim3A_19 = vector.broadcast %broadcast_in_dim3A_18 : i32 to vector<16xi32>
    %add3A_20 = arith.addi %broadcast_in_dim3A_19, %iota3A : vector<16xi32>
    %broadcast_in_dim3A_21 = arith.constant 112 : i32
    %broadcast_in_dim3A_22 = vector.broadcast %broadcast_in_dim3A_21 : i32 to vector<16xi32>
    %add3A_23 = arith.addi %broadcast_in_dim3A_22, %iota3A : vector<16xi32>
    %broadcast_in_dim3A_24 = arith.constant 0.000000e+00 : f32
    %broadcast_in_dim3A_25 = vector.broadcast %broadcast_in_dim3A_24 : f32 to vector<16xf32>
    %swap3A = arith.constant 0 : index
    %swap3A_26 = tpu.vector_load %arg22[%swap3A] {strides = array<i32>} : memref<16xf32, #tpu.memory_space<vmem>>, vector<16xf32>,
    tpu.vector_store %arg22[%swap3A], %broadcast_in_dim3A_25 {strides = array<i32>} : memref<16xf32, #tpu.memory_space<vmem>>, vector<16xf32>,
    %mul3A_27 = arith.constant 3200 : i32
    %mul3A_28 = arith.muli %add3A, %mul3A_27 : i32
    "tpu.region"() ({
      %run_scoped3A = tpu.sem_alloc : memref<!tpu.dma_semaphore, #tpu.memory_space<semaphore_mem>>
      %dma_start3A_169 = tpu.memref_slice %arg3[%mul3A_28] : memref<102400xi32, #tpu.memory_space<hbm>> -> memref<3200xi32, #tpu.memory_space<hbm>>
      %dma_start3A_170 = tpu.memref_slice %arg3[%mul3A_28] : memref<102400xi32, #tpu.memory_space<hbm>> -> memref<3200xi32, #tpu.memory_space<hbm>>
      tpu.enqueue_dma source(%dma_start3A_170 : memref<3200xi32, #tpu.memory_space<hbm>>) target(%arg7 : memref<3200xi32, #tpu.memory_space<vmem>>) target_semaphore(%run_scoped3A : memref<!tpu.dma_semaphore, #tpu.memory_space<semaphore_mem>>)
      %dma_wait3A_171 = tpu.memref_slice %arg3[%mul3A_28] : memref<102400xi32, #tpu.memory_space<hbm>> -> memref<3200xi32, #tpu.memory_space<hbm>>
      %dma_wait3A_172 = tpu.memref_slice %arg3[%mul3A_28] : memref<102400xi32, #tpu.memory_space<hbm>> -> memref<3200xi32, #tpu.memory_space<hbm>>
      tpu.wait_dma2 semaphore(%run_scoped3A : memref<!tpu.dma_semaphore, #tpu.memory_space<semaphore_mem>>) src(%dma_wait3A_172 : memref<3200xi32, #tpu.memory_space<hbm>>) dst(%arg7 : memref<3200xi32, #tpu.memory_space<vmem>>)
      tpu.yield
    }) : () -> ()
    "tpu.region"() ({
      %run_scoped3A = tpu.sem_alloc : memref<!tpu.dma_semaphore, #tpu.memory_space<semaphore_mem>>
      %dma_start3A_169 = tpu.memref_slice %arg4[%mul3A_28] : memref<102400xi32, #tpu.memory_space<hbm>> -> memref<3200xi32, #tpu.memory_space<hbm>>
      %dma_start3A_170 = tpu.memref_slice %arg4[%mul3A_28] : memref<102400xi32, #tpu.memory_space<hbm>> -> memref<3200xi32, #tpu.memory_space<hbm>>
      tpu.enqueue_dma source(%dma_start3A_170 : memref<3200xi32, #tpu.memory_space<hbm>>) target(%arg8 : memref<3200xi32, #tpu.memory_space<vmem>>) target_semaphore(%run_scoped3A : memref<!tpu.dma_semaphore, #tpu.memory_space<semaphore_mem>>)
      %dma_wait3A_171 = tpu.memref_slice %arg4[%mul3A_28] : memref<102400xi32, #tpu.memory_space<hbm>> -> memref<3200xi32, #tpu.memory_space<hbm>>
      %dma_wait3A_172 = tpu.memref_slice %arg4[%mul3A_28] : memref<102400xi32, #tpu.memory_space<hbm>> -> memref<3200xi32, #tpu.memory_space<hbm>>
      tpu.wait_dma2 semaphore(%run_scoped3A : memref<!tpu.dma_semaphore, #tpu.memory_space<semaphore_mem>>) src(%dma_wait3A_172 : memref<3200xi32, #tpu.memory_space<hbm>>) dst(%arg8 : memref<3200xi32, #tpu.memory_space<vmem>>)
      tpu.yield
    }) : () -> ()
    "tpu.region"() ({
      %run_scoped3A = tpu.sem_alloc : memref<!tpu.dma_semaphore, #tpu.memory_space<semaphore_mem>>
      %dma_start3A_169 = tpu.memref_slice %arg5[%mul3A_28] : memref<102400xi32, #tpu.memory_space<hbm>> -> memref<3200xi32, #tpu.memory_space<hbm>>
      %dma_start3A_170 = tpu.memref_slice %arg5[%mul3A_28] : memref<102400xi32, #tpu.memory_space<hbm>> -> memref<3200xi32, #tpu.memory_space<hbm>>
      tpu.enqueue_dma source(%dma_start3A_170 : memref<3200xi32, #tpu.memory_space<hbm>>) target(%arg9 : memref<3200xi32, #tpu.memory_space<vmem>>) target_semaphore(%run_scoped3A : memref<!tpu.dma_semaphore, #tpu.memory_space<semaphore_mem>>)
      %dma_wait3A_171 = tpu.memref_slice %arg5[%mul3A_28] : memref<102400xi32, #tpu.memory_space<hbm>> -> memref<3200xi32, #tpu.memory_space<hbm>>
      %dma_wait3A_172 = tpu.memref_slice %arg5[%mul3A_28] : memref<102400xi32, #tpu.memory_space<hbm>> -> memref<3200xi32, #tpu.memory_space<hbm>>
      tpu.wait_dma2 semaphore(%run_scoped3A : memref<!tpu.dma_semaphore, #tpu.memory_space<semaphore_mem>>) src(%dma_wait3A_172 : memref<3200xi32, #tpu.memory_space<hbm>>) dst(%arg9 : memref<3200xi32, #tpu.memory_space<vmem>>)
      tpu.yield
    }) : () -> ()
    %dma_start3A = arith.constant 0 : i32
    %dma_start3A_29 = tpu.memref_slice %arg7[%dma_start3A] : memref<3200xi32, #tpu.memory_space<vmem>> -> memref<128xi32, #tpu.memory_space<vmem>>
    %dma_start3A_30 = arith.constant 0 : i32
    %dma_start3A_31 = arith.constant 0 : i32
    %dma_start3A_32 = tpu.memref_slice %arg2[%dma_start3A_30, %dma_start3A_31] : memref<100000x64xi32, #tpu.memory_space<hbm>> -> memref<100000x64xi32, #tpu.memory_space<hbm>>
    tpu.enqueue_indirect_dma source(%dma_start3A_32 : memref<100000x64xi32, #tpu.memory_space<hbm>>) target(%arg10 : memref<128x64xi32, #tpu.memory_space<vmem>>) offsets(%dma_start3A_29 : memref<128xi32, #tpu.memory_space<vmem>>) semaphore(%arg23 : memref<!tpu.dma_semaphore, #tpu.memory_space<semaphore_mem>>)
    %dma_start3A_33 = arith.constant 0 : i32
    %dma_start3A_34 = tpu.memref_slice %arg8[%dma_start3A_33] : memref<3200xi32, #tpu.memory_space<vmem>> -> memref<128xi32, #tpu.memory_space<vmem>>
    %dma_start3A_35 = arith.constant 0 : i32
    %dma_start3A_36 = arith.constant 0 : i32
    %dma_start3A_37 = tpu.memref_slice %arg2[%dma_start3A_35, %dma_start3A_36] : memref<100000x64xi32, #tpu.memory_space<hbm>> -> memref<100000x64xi32, #tpu.memory_space<hbm>>
    tpu.enqueue_indirect_dma source(%dma_start3A_37 : memref<100000x64xi32, #tpu.memory_space<hbm>>) target(%arg11 : memref<128x64xi32, #tpu.memory_space<vmem>>) offsets(%dma_start3A_34 : memref<128xi32, #tpu.memory_space<vmem>>) semaphore(%arg23 : memref<!tpu.dma_semaphore, #tpu.memory_space<semaphore_mem>>)
    %dma_start3A_38 = arith.constant 0 : i32
    %dma_start3A_39 = tpu.memref_slice %arg9[%dma_start3A_38] : memref<3200xi32, #tpu.memory_space<vmem>> -> memref<128xi32, #tpu.memory_space<vmem>>
    %dma_start3A_40 = arith.constant 0 : i32
    %dma_start3A_41 = arith.constant 0 : i32
    %dma_start3A_42 = tpu.memref_slice %arg2[%dma_start3A_40, %dma_start3A_41] : memref<100000x64xi32, #tpu.memory_space<hbm>> -> memref<100000x64xi32, #tpu.memory_space<hbm>>
    tpu.enqueue_indirect_dma source(%dma_start3A_42 : memref<100000x64xi32, #tpu.memory_space<hbm>>) target(%arg12 : memref<128x64xi32, #tpu.memory_space<vmem>>) offsets(%dma_start3A_39 : memref<128xi32, #tpu.memory_space<vmem>>) semaphore(%arg23 : memref<!tpu.dma_semaphore, #tpu.memory_space<semaphore_mem>>)
    %dma_start3A_43 = arith.constant 128 : i32
    %dma_start3A_44 = tpu.memref_slice %arg7[%dma_start3A_43] : memref<3200xi32, #tpu.memory_space<vmem>> -> memref<128xi32, #tpu.memory_space<vmem>>
    %dma_start3A_45 = arith.constant 0 : i32
    %dma_start3A_46 = arith.constant 0 : i32
    %dma_start3A_47 = tpu.memref_slice %arg2[%dma_start3A_45, %dma_start3A_46] : memref<100000x64xi32, #tpu.memory_space<hbm>> -> memref<100000x64xi32, #tpu.memory_space<hbm>>
    tpu.enqueue_indirect_dma source(%dma_start3A_47 : memref<100000x64xi32, #tpu.memory_space<hbm>>) target(%arg13 : memref<128x64xi32, #tpu.memory_space<vmem>>) offsets(%dma_start3A_44 : memref<128xi32, #tpu.memory_space<vmem>>) semaphore(%arg24 : memref<!tpu.dma_semaphore, #tpu.memory_space<semaphore_mem>>)
    %dma_start3A_48 = arith.constant 128 : i32
    %dma_start3A_49 = tpu.memref_slice %arg8[%dma_start3A_48] : memref<3200xi32, #tpu.memory_space<vmem>> -> memref<128xi32, #tpu.memory_space<vmem>>
    %dma_start3A_50 = arith.constant 0 : i32
    %dma_start3A_51 = arith.constant 0 : i32
    %dma_start3A_52 = tpu.memref_slice %arg2[%dma_start3A_50, %dma_start3A_51] : memref<100000x64xi32, #tpu.memory_space<hbm>> -> memref<100000x64xi32, #tpu.memory_space<hbm>>
    tpu.enqueue_indirect_dma source(%dma_start3A_52 : memref<100000x64xi32, #tpu.memory_space<hbm>>) target(%arg14 : memref<128x64xi32, #tpu.memory_space<vmem>>) offsets(%dma_start3A_49 : memref<128xi32, #tpu.memory_space<vmem>>) semaphore(%arg24 : memref<!tpu.dma_semaphore, #tpu.memory_space<semaphore_mem>>)
    %dma_start3A_53 = arith.constant 128 : i32
    %dma_start3A_54 = tpu.memref_slice %arg9[%dma_start3A_53] : memref<3200xi32, #tpu.memory_space<vmem>> -> memref<128xi32, #tpu.memory_space<vmem>>
    %dma_start3A_55 = arith.constant 0 : i32
    %dma_start3A_56 = arith.constant 0 : i32
    %dma_start3A_57 = tpu.memref_slice %arg2[%dma_start3A_55, %dma_start3A_56] : memref<100000x64xi32, #tpu.memory_space<hbm>> -> memref<100000x64xi32, #tpu.memory_space<hbm>>
    tpu.enqueue_indirect_dma source(%dma_start3A_57 : memref<100000x64xi32, #tpu.memory_space<hbm>>) target(%arg15 : memref<128x64xi32, #tpu.memory_space<vmem>>) offsets(%dma_start3A_54 : memref<128xi32, #tpu.memory_space<vmem>>) semaphore(%arg24 : memref<!tpu.dma_semaphore, #tpu.memory_space<semaphore_mem>>)
    %dma_start3A_58 = arith.constant 256 : i32
    %dma_start3A_59 = tpu.memref_slice %arg7[%dma_start3A_58] : memref<3200xi32, #tpu.memory_space<vmem>> -> memref<128xi32, #tpu.memory_space<vmem>>
    %dma_start3A_60 = arith.constant 0 : i32
    %dma_start3A_61 = arith.constant 0 : i32
    %dma_start3A_62 = tpu.memref_slice %arg2[%dma_start3A_60, %dma_start3A_61] : memref<100000x64xi32, #tpu.memory_space<hbm>> -> memref<100000x64xi32, #tpu.memory_space<hbm>>
    tpu.enqueue_indirect_dma source(%dma_start3A_62 : memref<100000x64xi32, #tpu.memory_space<hbm>>) target(%arg16 : memref<128x64xi32, #tpu.memory_space<vmem>>) offsets(%dma_start3A_59 : memref<128xi32, #tpu.memory_space<vmem>>) semaphore(%arg25 : memref<!tpu.dma_semaphore, #tpu.memory_space<semaphore_mem>>)
    %dma_start3A_63 = arith.constant 256 : i32
    %dma_start3A_64 = tpu.memref_slice %arg8[%dma_start3A_63] : memref<3200xi32, #tpu.memory_space<vmem>> -> memref<128xi32, #tpu.memory_space<vmem>>
    %dma_start3A_65 = arith.constant 0 : i32
    %dma_start3A_66 = arith.constant 0 : i32
    %dma_start3A_67 = tpu.memref_slice %arg2[%dma_start3A_65, %dma_start3A_66] : memref<100000x64xi32, #tpu.memory_space<hbm>> -> memref<100000x64xi32, #tpu.memory_space<hbm>>
    tpu.enqueue_indirect_dma source(%dma_start3A_67 : memref<100000x64xi32, #tpu.memory_space<hbm>>) target(%arg17 : memref<128x64xi32, #tpu.memory_space<vmem>>) offsets(%dma_start3A_64 : memref<128xi32, #tpu.memory_space<vmem>>) semaphore(%arg25 : memref<!tpu.dma_semaphore, #tpu.memory_space<semaphore_mem>>)
    %dma_start3A_68 = arith.constant 256 : i32
    %dma_start3A_69 = tpu.memref_slice %arg9[%dma_start3A_68] : memref<3200xi32, #tpu.memory_space<vmem>> -> memref<128xi32, #tpu.memory_space<vmem>>
    %dma_start3A_70 = arith.constant 0 : i32
    %dma_start3A_71 = arith.constant 0 : i32
    %dma_start3A_72 = tpu.memref_slice %arg2[%dma_start3A_70, %dma_start3A_71] : memref<100000x64xi32, #tpu.memory_space<hbm>> -> memref<100000x64xi32, #tpu.memory_space<hbm>>
    tpu.enqueue_indirect_dma source(%dma_start3A_72 : memref<100000x64xi32, #tpu.memory_space<hbm>>) target(%arg18 : memref<128x64xi32, #tpu.memory_space<vmem>>) offsets(%dma_start3A_69 : memref<128xi32, #tpu.memory_space<vmem>>) semaphore(%arg25 : memref<!tpu.dma_semaphore, #tpu.memory_space<semaphore_mem>>)
    %scan3A = arith.constant 0 : i32
    %scan3A_73 = arith.constant 0 : i32
    %scan3A_74 = arith.constant 6 : i32
    %scan3A_75 = arith.addi %scan3A_73, %scan3A_74 : i32
    %scan3A_76 = arith.constant 1 : i32
    scf.for %scan3A_169 = %scan3A_73 to %scan3A_75 step %scan3A_76  : i32 {
      %mul3A_170 = arith.constant 4 : i32
      %mul3A_171 = arith.muli %mul3A_170, %scan3A_169 : i32
      %add3A_172 = arith.constant 0 : i32
      %add3A_173 = arith.addi %mul3A_171, %add3A_172 : i32
      %dma_wait3A_174 = arith.constant 0 : i32
      %dma_wait3A_175 = tpu.memref_slice %arg7[%dma_wait3A_174] : memref<3200xi32, #tpu.memory_space<vmem>> -> memref<128xi32, #tpu.memory_space<vmem>>
      %dma_wait3A_176 = arith.constant 0 : i32
      %dma_wait3A_177 = arith.constant 0 : i32
      %dma_wait3A_178 = tpu.memref_slice %arg2[%dma_wait3A_176, %dma_wait3A_177] : memref<100000x64xi32, #tpu.memory_space<hbm>> -> memref<100000x64xi32, #tpu.memory_space<hbm>>
      tpu.wait_indirect_dma semaphore(%arg23 : memref<!tpu.dma_semaphore, #tpu.memory_space<semaphore_mem>>) src(%dma_wait3A_178 : memref<100000x64xi32, #tpu.memory_space<hbm>>) dst(%arg10 : memref<128x64xi32, #tpu.memory_space<vmem>>)
      %dma_wait3A_179 = arith.constant 0 : i32
      %dma_wait3A_180 = tpu.memref_slice %arg7[%dma_wait3A_179] : memref<3200xi32, #tpu.memory_space<vmem>> -> memref<128xi32, #tpu.memory_space<vmem>>
      %dma_wait3A_181 = arith.constant 0 : i32
      %dma_wait3A_182 = arith.constant 0 : i32
      %dma_wait3A_183 = tpu.memref_slice %arg2[%dma_wait3A_181, %dma_wait3A_182] : memref<100000x64xi32, #tpu.memory_space<hbm>> -> memref<100000x64xi32, #tpu.memory_space<hbm>>
      tpu.wait_indirect_dma semaphore(%arg23 : memref<!tpu.dma_semaphore, #tpu.memory_space<semaphore_mem>>) src(%dma_wait3A_183 : memref<100000x64xi32, #tpu.memory_space<hbm>>) dst(%arg11 : memref<128x64xi32, #tpu.memory_space<vmem>>)
      %dma_wait3A_184 = arith.constant 0 : i32
      %dma_wait3A_185 = tpu.memref_slice %arg7[%dma_wait3A_184] : memref<3200xi32, #tpu.memory_space<vmem>> -> memref<128xi32, #tpu.memory_space<vmem>>
      %dma_wait3A_186 = arith.constant 0 : i32
      %dma_wait3A_187 = arith.constant 0 : i32
      %dma_wait3A_188 = tpu.memref_slice %arg2[%dma_wait3A_186, %dma_wait3A_187] : memref<100000x64xi32, #tpu.memory_space<hbm>> -> memref<100000x64xi32, #tpu.memory_space<hbm>>
      tpu.wait_indirect_dma semaphore(%arg23 : memref<!tpu.dma_semaphore, #tpu.memory_space<semaphore_mem>>) src(%dma_wait3A_188 : memref<100000x64xi32, #tpu.memory_space<hbm>>) dst(%arg12 : memref<128x64xi32, #tpu.memory_space<vmem>>)
      %add3A_189 = arith.constant 3 : i32
      %add3A_190 = arith.addi %add3A_173, %add3A_189 : i32
      %lt3A = arith.constant 25 : i32
      %lt3A_191 = arith.cmpi slt, %add3A_190, %lt3A : i32
      %convert_element_type3A = arith.extui %lt3A_191 : i1 to i32
      %cond3A = arith.constant 0 : i32
      %cond3A_192 = arith.cmpi ne, %convert_element_type3A, %cond3A : i32
      scf.if %cond3A_192 {
        %add3A_585 = arith.constant 3 : i32
        %add3A_586 = arith.addi %add3A_173, %add3A_585 : i32
        %mul3A_587 = arith.constant 128 : i32
        %mul3A_588 = arith.muli %add3A_586, %mul3A_587 : i32
        %dma_start3A_589 = tpu.memref_slice %arg7[%mul3A_588] : memref<3200xi32, #tpu.memory_space<vmem>> -> memref<128xi32, #tpu.memory_space<vmem>>
        %dma_start3A_590 = arith.constant 0 : i32
        %dma_start3A_591 = arith.constant 0 : i32
        %dma_start3A_592 = tpu.memref_slice %arg2[%dma_start3A_590, %dma_start3A_591] : memref<100000x64xi32, #tpu.memory_space<hbm>> -> memref<100000x64xi32, #tpu.memory_space<hbm>>
        tpu.enqueue_indirect_dma source(%dma_start3A_592 : memref<100000x64xi32, #tpu.memory_space<hbm>>) target(%arg19 : memref<128x64xi32, #tpu.memory_space<vmem>>) offsets(%dma_start3A_589 : memref<128xi32, #tpu.memory_space<vmem>>) semaphore(%arg26 : memref<!tpu.dma_semaphore, #tpu.memory_space<semaphore_mem>>)
        %dma_start3A_593 = tpu.memref_slice %arg8[%mul3A_588] : memref<3200xi32, #tpu.memory_space<vmem>> -> memref<128xi32, #tpu.memory_space<vmem>>
        %dma_start3A_594 = arith.constant 0 : i32
        %dma_start3A_595 = arith.constant 0 : i32
        %dma_start3A_596 = tpu.memref_slice %arg2[%dma_start3A_594, %dma_start3A_595] : memref<100000x64xi32, #tpu.memory_space<hbm>> -> memref<100000x64xi32, #tpu.memory_space<hbm>>
        tpu.enqueue_indirect_dma source(%dma_start3A_596 : memref<100000x64xi32, #tpu.memory_space<hbm>>) target(%arg20 : memref<128x64xi32, #tpu.memory_space<vmem>>) offsets(%dma_start3A_593 : memref<128xi32, #tpu.memory_space<vmem>>) semaphore(%arg26 : memref<!tpu.dma_semaphore, #tpu.memory_space<semaphore_mem>>)
        %dma_start3A_597 = tpu.memref_slice %arg9[%mul3A_588] : memref<3200xi32, #tpu.memory_space<vmem>> -> memref<128xi32, #tpu.memory_space<vmem>>
        %dma_start3A_598 = arith.constant 0 : i32
        %dma_start3A_599 = arith.constant 0 : i32
        %dma_start3A_600 = tpu.memref_slice %arg2[%dma_start3A_598, %dma_start3A_599] : memref<100000x64xi32, #tpu.memory_space<hbm>> -> memref<100000x64xi32, #tpu.memory_space<hbm>>
        tpu.enqueue_indirect_dma source(%dma_start3A_600 : memref<100000x64xi32, #tpu.memory_space<hbm>>) target(%arg21 : memref<128x64xi32, #tpu.memory_space<vmem>>) offsets(%dma_start3A_597 : memref<128xi32, #tpu.memory_space<vmem>>) semaphore(%arg26 : memref<!tpu.dma_semaphore, #tpu.memory_space<semaphore_mem>>)
      } else {
      }
      %broadcast_in_dim3A_193 = arith.constant 0.000000e+00 : f32
      %broadcast_in_dim3A_194 = vector.broadcast %broadcast_in_dim3A_193 : f32 to vector<16xf32>
      %broadcast_in_dim3A_195 = arith.constant 0.000000e+00 : f32
      %broadcast_in_dim3A_196 = vector.broadcast %broadcast_in_dim3A_195 : f32 to vector<16xf32>
      %broadcast_in_dim3A_197 = arith.constant 0.000000e+00 : f32
      %broadcast_in_dim3A_198 = vector.broadcast %broadcast_in_dim3A_197 : f32 to vector<16xf32>
      %broadcast_in_dim3A_199 = arith.constant 0.000000e+00 : f32
      %broadcast_in_dim3A_200 = vector.broadcast %broadcast_in_dim3A_199 : f32 to vector<16xf32>
      %broadcast_in_dim3A_201 = arith.constant 0.000000e+00 : f32
      %broadcast_in_dim3A_202 = vector.broadcast %broadcast_in_dim3A_201 : f32 to vector<16xf32>
      %broadcast_in_dim3A_203 = arith.constant 0.000000e+00 : f32
      %broadcast_in_dim3A_204 = vector.broadcast %broadcast_in_dim3A_203 : f32 to vector<16xf32>
      %broadcast_in_dim3A_205 = arith.constant 0.000000e+00 : f32
      %broadcast_in_dim3A_206 = vector.broadcast %broadcast_in_dim3A_205 : f32 to vector<16xf32>
      %broadcast_in_dim3A_207 = arith.constant 0.000000e+00 : f32
      %broadcast_in_dim3A_208 = vector.broadcast %broadcast_in_dim3A_207 : f32 to vector<16xf32>
      %parallel_loop3A_209 = arith.constant 0 : i32
      %parallel_loop3A_210 = arith.constant 64 : i32
      %parallel_loop3A_211 = arith.constant 1 : i32
      %parallel_loop3A_212:8 = scf.for %parallel_loop3A_585 = %parallel_loop3A_209 to %parallel_loop3A_210 step %parallel_loop3A_211 iter_args(%parallel_loop3A_586 = %broadcast_in_dim3A_194, %parallel_loop3A_587 = %broadcast_in_dim3A_196, %parallel_loop3A_588 = %broadcast_in_dim3A_198, %parallel_loop3A_589 = %broadcast_in_dim3A_200, %parallel_loop3A_590 = %broadcast_in_dim3A_202, %parallel_loop3A_591 = %broadcast_in_dim3A_204, %parallel_loop3A_592 = %broadcast_in_dim3A_206, %parallel_loop3A_593 = %broadcast_in_dim3A_208) -> (vector<16xf32>, vector<16xf32>, vector<16xf32>, vector<16xf32>, vector<16xf32>, vector<16xf32>, vector<16xf32>, vector<16xf32>)  : i32 {
        %parallel_loop3A_594 = vector.broadcast %parallel_loop3A_585 : i32 to vector<16xi32>
        %parallel_loop3A_595 = arith.addi %parallel_loop3A_594, %iota3A : vector<16xi32>
        %parallel_loop3A_596 = arith.constant 63 : i32
        %parallel_loop3A_597 = vector.broadcast %parallel_loop3A_596 : i32 to vector<16xi32>
        %parallel_loop3A_598 = arith.andi %parallel_loop3A_595, %parallel_loop3A_597 : vector<16xi32>
        %parallel_loop3A_599 = tpu.vector_load_idx %arg10[%add3A_2, %parallel_loop3A_598] : memref<128x64xi32, #tpu.memory_space<vmem>>[vector<16xi32>, vector<16xi32>], vector<16xi32>,
        %parallel_loop3A_600 = vector.bitcast %parallel_loop3A_599 : vector<16xi32> to vector<32xbf16>
        %parallel_loop3A_601 = tpu.unpack_subelements %parallel_loop3A_600, 0 {pack_format = #tpu.pack_format<interleaved>} : vector<32xbf16> -> vector<16xf32>
        %parallel_loop3A_602 = tpu.unpack_subelements %parallel_loop3A_600, 1 {pack_format = #tpu.pack_format<interleaved>} : vector<32xbf16> -> vector<16xf32>
        %parallel_loop3A_603 = tpu.vector_load_idx %arg11[%add3A_2, %parallel_loop3A_598] : memref<128x64xi32, #tpu.memory_space<vmem>>[vector<16xi32>, vector<16xi32>], vector<16xi32>,
        %parallel_loop3A_604 = vector.bitcast %parallel_loop3A_603 : vector<16xi32> to vector<32xbf16>
        %parallel_loop3A_605 = tpu.unpack_subelements %parallel_loop3A_604, 0 {pack_format = #tpu.pack_format<interleaved>} : vector<32xbf16> -> vector<16xf32>
        %parallel_loop3A_606 = tpu.unpack_subelements %parallel_loop3A_604, 1 {pack_format = #tpu.pack_format<interleaved>} : vector<32xbf16> -> vector<16xf32>
        %parallel_loop3A_607 = tpu.vector_load_idx %arg12[%add3A_2, %parallel_loop3A_598] : memref<128x64xi32, #tpu.memory_space<vmem>>[vector<16xi32>, vector<16xi32>], vector<16xi32>,
        %parallel_loop3A_608 = vector.bitcast %parallel_loop3A_607 : vector<16xi32> to vector<32xbf16>
        %parallel_loop3A_609 = tpu.unpack_subelements %parallel_loop3A_608, 0 {pack_format = #tpu.pack_format<interleaved>} : vector<32xbf16> -> vector<16xf32>
        %parallel_loop3A_610 = tpu.unpack_subelements %parallel_loop3A_608, 1 {pack_format = #tpu.pack_format<interleaved>} : vector<32xbf16> -> vector<16xf32>
        %parallel_loop3A_611 = arith.subf %parallel_loop3A_609, %parallel_loop3A_605 : vector<16xf32>
        %parallel_loop3A_612 = arith.mulf %parallel_loop3A_601, %parallel_loop3A_611 : vector<16xf32>
        %parallel_loop3A_613 = arith.addf %parallel_loop3A_586, %parallel_loop3A_612 : vector<16xf32>
        %parallel_loop3A_614 = arith.subf %parallel_loop3A_610, %parallel_loop3A_606 : vector<16xf32>
        %parallel_loop3A_615 = arith.mulf %parallel_loop3A_602, %parallel_loop3A_614 : vector<16xf32>
        %parallel_loop3A_616 = arith.addf %parallel_loop3A_613, %parallel_loop3A_615 : vector<16xf32>
        %parallel_loop3A_617 = tpu.vector_load_idx %arg10[%add3A_5, %parallel_loop3A_598] : memref<128x64xi32, #tpu.memory_space<vmem>>[vector<16xi32>, vector<16xi32>], vector<16xi32>,
        %parallel_loop3A_618 = vector.bitcast %parallel_loop3A_617 : vector<16xi32> to vector<32xbf16>
        %parallel_loop3A_619 = tpu.unpack_subelements %parallel_loop3A_618, 0 {pack_format = #tpu.pack_format<interleaved>} : vector<32xbf16> -> vector<16xf32>
        %parallel_loop3A_620 = tpu.unpack_subelements %parallel_loop3A_618, 1 {pack_format = #tpu.pack_format<interleaved>} : vector<32xbf16> -> vector<16xf32>
        %parallel_loop3A_621 = tpu.vector_load_idx %arg11[%add3A_5, %parallel_loop3A_598] : memref<128x64xi32, #tpu.memory_space<vmem>>[vector<16xi32>, vector<16xi32>], vector<16xi32>,
        %parallel_loop3A_622 = vector.bitcast %parallel_loop3A_621 : vector<16xi32> to vector<32xbf16>
        %parallel_loop3A_623 = tpu.unpack_subelements %parallel_loop3A_622, 0 {pack_format = #tpu.pack_format<interleaved>} : vector<32xbf16> -> vector<16xf32>
        %parallel_loop3A_624 = tpu.unpack_subelements %parallel_loop3A_622, 1 {pack_format = #tpu.pack_format<interleaved>} : vector<32xbf16> -> vector<16xf32>
        %parallel_loop3A_625 = tpu.vector_load_idx %arg12[%add3A_5, %parallel_loop3A_598] : memref<128x64xi32, #tpu.memory_space<vmem>>[vector<16xi32>, vector<16xi32>], vector<16xi32>,
        %parallel_loop3A_626 = vector.bitcast %parallel_loop3A_625 : vector<16xi32> to vector<32xbf16>
        %parallel_loop3A_627 = tpu.unpack_subelements %parallel_loop3A_626, 0 {pack_format = #tpu.pack_format<interleaved>} : vector<32xbf16> -> vector<16xf32>
        %parallel_loop3A_628 = tpu.unpack_subelements %parallel_loop3A_626, 1 {pack_format = #tpu.pack_format<interleaved>} : vector<32xbf16> -> vector<16xf32>
        %parallel_loop3A_629 = arith.subf %parallel_loop3A_627, %parallel_loop3A_623 : vector<16xf32>
        %parallel_loop3A_630 = arith.mulf %parallel_loop3A_619, %parallel_loop3A_629 : vector<16xf32>
        %parallel_loop3A_631 = arith.addf %parallel_loop3A_587, %parallel_loop3A_630 : vector<16xf32>
        %parallel_loop3A_632 = arith.subf %parallel_loop3A_628, %parallel_loop3A_624 : vector<16xf32>
        %parallel_loop3A_633 = arith.mulf %parallel_loop3A_620, %parallel_loop3A_632 : vector<16xf32>
        %parallel_loop3A_634 = arith.addf %parallel_loop3A_631, %parallel_loop3A_633 : vector<16xf32>
        %parallel_loop3A_635 = tpu.vector_load_idx %arg10[%add3A_8, %parallel_loop3A_598] : memref<128x64xi32, #tpu.memory_space<vmem>>[vector<16xi32>, vector<16xi32>], vector<16xi32>,
        %parallel_loop3A_636 = vector.bitcast %parallel_loop3A_635 : vector<16xi32> to vector<32xbf16>
        %parallel_loop3A_637 = tpu.unpack_subelements %parallel_loop3A_636, 0 {pack_format = #tpu.pack_format<interleaved>} : vector<32xbf16> -> vector<16xf32>
        %parallel_loop3A_638 = tpu.unpack_subelements %parallel_loop3A_636, 1 {pack_format = #tpu.pack_format<interleaved>} : vector<32xbf16> -> vector<16xf32>
        %parallel_loop3A_639 = tpu.vector_load_idx %arg11[%add3A_8, %parallel_loop3A_598] : memref<128x64xi32, #tpu.memory_space<vmem>>[vector<16xi32>, vector<16xi32>], vector<16xi32>,
        %parallel_loop3A_640 = vector.bitcast %parallel_loop3A_639 : vector<16xi32> to vector<32xbf16>
        %parallel_loop3A_641 = tpu.unpack_subelements %parallel_loop3A_640, 0 {pack_format = #tpu.pack_format<interleaved>} : vector<32xbf16> -> vector<16xf32>
        %parallel_loop3A_642 = tpu.unpack_subelements %parallel_loop3A_640, 1 {pack_format = #tpu.pack_format<interleaved>} : vector<32xbf16> -> vector<16xf32>
        %parallel_loop3A_643 = tpu.vector_load_idx %arg12[%add3A_8, %parallel_loop3A_598] : memref<128x64xi32, #tpu.memory_space<vmem>>[vector<16xi32>, vector<16xi32>], vector<16xi32>,
        %parallel_loop3A_644 = vector.bitcast %parallel_loop3A_643 : vector<16xi32> to vector<32xbf16>
        %parallel_loop3A_645 = tpu.unpack_subelements %parallel_loop3A_644, 0 {pack_format = #tpu.pack_format<interleaved>} : vector<32xbf16> -> vector<16xf32>
        %parallel_loop3A_646 = tpu.unpack_subelements %parallel_loop3A_644, 1 {pack_format = #tpu.pack_format<interleaved>} : vector<32xbf16> -> vector<16xf32>
        %parallel_loop3A_647 = arith.subf %parallel_loop3A_645, %parallel_loop3A_641 : vector<16xf32>
        %parallel_loop3A_648 = arith.mulf %parallel_loop3A_637, %parallel_loop3A_647 : vector<16xf32>
        %parallel_loop3A_649 = arith.addf %parallel_loop3A_588, %parallel_loop3A_648 : vector<16xf32>
        %parallel_loop3A_650 = arith.subf %parallel_loop3A_646, %parallel_loop3A_642 : vector<16xf32>
        %parallel_loop3A_651 = arith.mulf %parallel_loop3A_638, %parallel_loop3A_650 : vector<16xf32>
        %parallel_loop3A_652 = arith.addf %parallel_loop3A_649, %parallel_loop3A_651 : vector<16xf32>
        %parallel_loop3A_653 = tpu.vector_load_idx %arg10[%add3A_11, %parallel_loop3A_598] : memref<128x64xi32, #tpu.memory_space<vmem>>[vector<16xi32>, vector<16xi32>], vector<16xi32>,
        %parallel_loop3A_654 = vector.bitcast %parallel_loop3A_653 : vector<16xi32> to vector<32xbf16>
        %parallel_loop3A_655 = tpu.unpack_subelements %parallel_loop3A_654, 0 {pack_format = #tpu.pack_format<interleaved>} : vector<32xbf16> -> vector<16xf32>
        %parallel_loop3A_656 = tpu.unpack_subelements %parallel_loop3A_654, 1 {pack_format = #tpu.pack_format<interleaved>} : vector<32xbf16> -> vector<16xf32>
        %parallel_loop3A_657 = tpu.vector_load_idx %arg11[%add3A_11, %parallel_loop3A_598] : memref<128x64xi32, #tpu.memory_space<vmem>>[vector<16xi32>, vector<16xi32>], vector<16xi32>,
        %parallel_loop3A_658 = vector.bitcast %parallel_loop3A_657 : vector<16xi32> to vector<32xbf16>
        %parallel_loop3A_659 = tpu.unpack_subelements %parallel_loop3A_658, 0 {pack_format = #tpu.pack_format<interleaved>} : vector<32xbf16> -> vector<16xf32>
        %parallel_loop3A_660 = tpu.unpack_subelements %parallel_loop3A_658, 1 {pack_format = #tpu.pack_format<interleaved>} : vector<32xbf16> -> vector<16xf32>
        %parallel_loop3A_661 = tpu.vector_load_idx %arg12[%add3A_11, %parallel_loop3A_598] : memref<128x64xi32, #tpu.memory_space<vmem>>[vector<16xi32>, vector<16xi32>], vector<16xi32>,
        %parallel_loop3A_662 = vector.bitcast %parallel_loop3A_661 : vector<16xi32> to vector<32xbf16>
        %parallel_loop3A_663 = tpu.unpack_subelements %parallel_loop3A_662, 0 {pack_format = #tpu.pack_format<interleaved>} : vector<32xbf16> -> vector<16xf32>
        %parallel_loop3A_664 = tpu.unpack_subelements %parallel_loop3A_662, 1 {pack_format = #tpu.pack_format<interleaved>} : vector<32xbf16> -> vector<16xf32>
        %parallel_loop3A_665 = arith.subf %parallel_loop3A_663, %parallel_loop3A_659 : vector<16xf32>
        %parallel_loop3A_666 = arith.mulf %parallel_loop3A_655, %parallel_loop3A_665 : vector<16xf32>
        %parallel_loop3A_667 = arith.addf %parallel_loop3A_589, %parallel_loop3A_666 : vector<16xf32>
        %parallel_loop3A_668 = arith.subf %parallel_loop3A_664, %parallel_loop3A_660 : vector<16xf32>
        %parallel_loop3A_669 = arith.mulf %parallel_loop3A_656, %parallel_loop3A_668 : vector<16xf32>
        %parallel_loop3A_670 = arith.addf %parallel_loop3A_667, %parallel_loop3A_669 : vector<16xf32>
        %parallel_loop3A_671 = tpu.vector_load_idx %arg10[%add3A_14, %parallel_loop3A_598] : memref<128x64xi32, #tpu.memory_space<vmem>>[vector<16xi32>, vector<16xi32>], vector<16xi32>,
        %parallel_loop3A_672 = vector.bitcast %parallel_loop3A_671 : vector<16xi32> to vector<32xbf16>
        %parallel_loop3A_673 = tpu.unpack_subelements %parallel_loop3A_672, 0 {pack_format = #tpu.pack_format<interleaved>} : vector<32xbf16> -> vector<16xf32>
        %parallel_loop3A_674 = tpu.unpack_subelements %parallel_loop3A_672, 1 {pack_format = #tpu.pack_format<interleaved>} : vector<32xbf16> -> vector<16xf32>
        %parallel_loop3A_675 = tpu.vector_load_idx %arg11[%add3A_14, %parallel_loop3A_598] : memref<128x64xi32, #tpu.memory_space<vmem>>[vector<16xi32>, vector<16xi32>], vector<16xi32>,
        %parallel_loop3A_676 = vector.bitcast %parallel_loop3A_675 : vector<16xi32> to vector<32xbf16>
        %parallel_loop3A_677 = tpu.unpack_subelements %parallel_loop3A_676, 0 {pack_format = #tpu.pack_format<interleaved>} : vector<32xbf16> -> vector<16xf32>
        %parallel_loop3A_678 = tpu.unpack_subelements %parallel_loop3A_676, 1 {pack_format = #tpu.pack_format<interleaved>} : vector<32xbf16> -> vector<16xf32>
        %parallel_loop3A_679 = tpu.vector_load_idx %arg12[%add3A_14, %parallel_loop3A_598] : memref<128x64xi32, #tpu.memory_space<vmem>>[vector<16xi32>, vector<16xi32>], vector<16xi32>,
        %parallel_loop3A_680 = vector.bitcast %parallel_loop3A_679 : vector<16xi32> to vector<32xbf16>
        %parallel_loop3A_681 = tpu.unpack_subelements %parallel_loop3A_680, 0 {pack_format = #tpu.pack_format<interleaved>} : vector<32xbf16> -> vector<16xf32>
        %parallel_loop3A_682 = tpu.unpack_subelements %parallel_loop3A_680, 1 {pack_format = #tpu.pack_format<interleaved>} : vector<32xbf16> -> vector<16xf32>
        %parallel_loop3A_683 = arith.subf %parallel_loop3A_681, %parallel_loop3A_677 : vector<16xf32>
        %parallel_loop3A_684 = arith.mulf %parallel_loop3A_673, %parallel_loop3A_683 : vector<16xf32>
        %parallel_loop3A_685 = arith.addf %parallel_loop3A_590, %parallel_loop3A_684 : vector<16xf32>
        %parallel_loop3A_686 = arith.subf %parallel_loop3A_682, %parallel_loop3A_678 : vector<16xf32>
        %parallel_loop3A_687 = arith.mulf %parallel_loop3A_674, %parallel_loop3A_686 : vector<16xf32>
        %parallel_loop3A_688 = arith.addf %parallel_loop3A_685, %parallel_loop3A_687 : vector<16xf32>
        %parallel_loop3A_689 = tpu.vector_load_idx %arg10[%add3A_17, %parallel_loop3A_598] : memref<128x64xi32, #tpu.memory_space<vmem>>[vector<16xi32>, vector<16xi32>], vector<16xi32>,
        %parallel_loop3A_690 = vector.bitcast %parallel_loop3A_689 : vector<16xi32> to vector<32xbf16>
        %parallel_loop3A_691 = tpu.unpack_subelements %parallel_loop3A_690, 0 {pack_format = #tpu.pack_format<interleaved>} : vector<32xbf16> -> vector<16xf32>
        %parallel_loop3A_692 = tpu.unpack_subelements %parallel_loop3A_690, 1 {pack_format = #tpu.pack_format<interleaved>} : vector<32xbf16> -> vector<16xf32>
        %parallel_loop3A_693 = tpu.vector_load_idx %arg11[%add3A_17, %parallel_loop3A_598] : memref<128x64xi32, #tpu.memory_space<vmem>>[vector<16xi32>, vector<16xi32>], vector<16xi32>,
        %parallel_loop3A_694 = vector.bitcast %parallel_loop3A_693 : vector<16xi32> to vector<32xbf16>
        %parallel_loop3A_695 = tpu.unpack_subelements %parallel_loop3A_694, 0 {pack_format = #tpu.pack_format<interleaved>} : vector<32xbf16> -> vector<16xf32>
        %parallel_loop3A_696 = tpu.unpack_subelements %parallel_loop3A_694, 1 {pack_format = #tpu.pack_format<interleaved>} : vector<32xbf16> -> vector<16xf32>
        %parallel_loop3A_697 = tpu.vector_load_idx %arg12[%add3A_17, %parallel_loop3A_598] : memref<128x64xi32, #tpu.memory_space<vmem>>[vector<16xi32>, vector<16xi32>], vector<16xi32>,
        %parallel_loop3A_698 = vector.bitcast %parallel_loop3A_697 : vector<16xi32> to vector<32xbf16>
        %parallel_loop3A_699 = tpu.unpack_subelements %parallel_loop3A_698, 0 {pack_format = #tpu.pack_format<interleaved>} : vector<32xbf16> -> vector<16xf32>
        %parallel_loop3A_700 = tpu.unpack_subelements %parallel_loop3A_698, 1 {pack_format = #tpu.pack_format<interleaved>} : vector<32xbf16> -> vector<16xf32>
        %parallel_loop3A_701 = arith.subf %parallel_loop3A_699, %parallel_loop3A_695 : vector<16xf32>
        %parallel_loop3A_702 = arith.mulf %parallel_loop3A_691, %parallel_loop3A_701 : vector<16xf32>
        %parallel_loop3A_703 = arith.addf %parallel_loop3A_591, %parallel_loop3A_702 : vector<16xf32>
        %parallel_loop3A_704 = arith.subf %parallel_loop3A_700, %parallel_loop3A_696 : vector<16xf32>
        %parallel_loop3A_705 = arith.mulf %parallel_loop3A_692, %parallel_loop3A_704 : vector<16xf32>
        %parallel_loop3A_706 = arith.addf %parallel_loop3A_703, %parallel_loop3A_705 : vector<16xf32>
        %parallel_loop3A_707 = tpu.vector_load_idx %arg10[%add3A_20, %parallel_loop3A_598] : memref<128x64xi32, #tpu.memory_space<vmem>>[vector<16xi32>, vector<16xi32>], vector<16xi32>,
        %parallel_loop3A_708 = vector.bitcast %parallel_loop3A_707 : vector<16xi32> to vector<32xbf16>
        %parallel_loop3A_709 = tpu.unpack_subelements %parallel_loop3A_708, 0 {pack_format = #tpu.pack_format<interleaved>} : vector<32xbf16> -> vector<16xf32>
        %parallel_loop3A_710 = tpu.unpack_subelements %parallel_loop3A_708, 1 {pack_format = #tpu.pack_format<interleaved>} : vector<32xbf16> -> vector<16xf32>
        %parallel_loop3A_711 = tpu.vector_load_idx %arg11[%add3A_20, %parallel_loop3A_598] : memref<128x64xi32, #tpu.memory_space<vmem>>[vector<16xi32>, vector<16xi32>], vector<16xi32>,
        %parallel_loop3A_712 = vector.bitcast %parallel_loop3A_711 : vector<16xi32> to vector<32xbf16>
        %parallel_loop3A_713 = tpu.unpack_subelements %parallel_loop3A_712, 0 {pack_format = #tpu.pack_format<interleaved>} : vector<32xbf16> -> vector<16xf32>
        %parallel_loop3A_714 = tpu.unpack_subelements %parallel_loop3A_712, 1 {pack_format = #tpu.pack_format<interleaved>} : vector<32xbf16> -> vector<16xf32>
        %parallel_loop3A_715 = tpu.vector_load_idx %arg12[%add3A_20, %parallel_loop3A_598] : memref<128x64xi32, #tpu.memory_space<vmem>>[vector<16xi32>, vector<16xi32>], vector<16xi32>,
        %parallel_loop3A_716 = vector.bitcast %parallel_loop3A_715 : vector<16xi32> to vector<32xbf16>
        %parallel_loop3A_717 = tpu.unpack_subelements %parallel_loop3A_716, 0 {pack_format = #tpu.pack_format<interleaved>} : vector<32xbf16> -> vector<16xf32>
        %parallel_loop3A_718 = tpu.unpack_subelements %parallel_loop3A_716, 1 {pack_format = #tpu.pack_format<interleaved>} : vector<32xbf16> -> vector<16xf32>
        %parallel_loop3A_719 = arith.subf %parallel_loop3A_717, %parallel_loop3A_713 : vector<16xf32>
        %parallel_loop3A_720 = arith.mulf %parallel_loop3A_709, %parallel_loop3A_719 : vector<16xf32>
        %parallel_loop3A_721 = arith.addf %parallel_loop3A_592, %parallel_loop3A_720 : vector<16xf32>
        %parallel_loop3A_722 = arith.subf %parallel_loop3A_718, %parallel_loop3A_714 : vector<16xf32>
        %parallel_loop3A_723 = arith.mulf %parallel_loop3A_710, %parallel_loop3A_722 : vector<16xf32>
        %parallel_loop3A_724 = arith.addf %parallel_loop3A_721, %parallel_loop3A_723 : vector<16xf32>
        %parallel_loop3A_725 = tpu.vector_load_idx %arg10[%add3A_23, %parallel_loop3A_598] : memref<128x64xi32, #tpu.memory_space<vmem>>[vector<16xi32>, vector<16xi32>], vector<16xi32>,
        %parallel_loop3A_726 = vector.bitcast %parallel_loop3A_725 : vector<16xi32> to vector<32xbf16>
        %parallel_loop3A_727 = tpu.unpack_subelements %parallel_loop3A_726, 0 {pack_format = #tpu.pack_format<interleaved>} : vector<32xbf16> -> vector<16xf32>
        %parallel_loop3A_728 = tpu.unpack_subelements %parallel_loop3A_726, 1 {pack_format = #tpu.pack_format<interleaved>} : vector<32xbf16> -> vector<16xf32>
        %parallel_loop3A_729 = tpu.vector_load_idx %arg11[%add3A_23, %parallel_loop3A_598] : memref<128x64xi32, #tpu.memory_space<vmem>>[vector<16xi32>, vector<16xi32>], vector<16xi32>,
        %parallel_loop3A_730 = vector.bitcast %parallel_loop3A_729 : vector<16xi32> to vector<32xbf16>
        %parallel_loop3A_731 = tpu.unpack_subelements %parallel_loop3A_730, 0 {pack_format = #tpu.pack_format<interleaved>} : vector<32xbf16> -> vector<16xf32>
        %parallel_loop3A_732 = tpu.unpack_subelements %parallel_loop3A_730, 1 {pack_format = #tpu.pack_format<interleaved>} : vector<32xbf16> -> vector<16xf32>
        %parallel_loop3A_733 = tpu.vector_load_idx %arg12[%add3A_23, %parallel_loop3A_598] : memref<128x64xi32, #tpu.memory_space<vmem>>[vector<16xi32>, vector<16xi32>], vector<16xi32>,
        %parallel_loop3A_734 = vector.bitcast %parallel_loop3A_733 : vector<16xi32> to vector<32xbf16>
        %parallel_loop3A_735 = tpu.unpack_subelements %parallel_loop3A_734, 0 {pack_format = #tpu.pack_format<interleaved>} : vector<32xbf16> -> vector<16xf32>
        %parallel_loop3A_736 = tpu.unpack_subelements %parallel_loop3A_734, 1 {pack_format = #tpu.pack_format<interleaved>} : vector<32xbf16> -> vector<16xf32>
        %parallel_loop3A_737 = arith.subf %parallel_loop3A_735, %parallel_loop3A_731 : vector<16xf32>
        %parallel_loop3A_738 = arith.mulf %parallel_loop3A_727, %parallel_loop3A_737 : vector<16xf32>
        %parallel_loop3A_739 = arith.addf %parallel_loop3A_593, %parallel_loop3A_738 : vector<16xf32>
        %parallel_loop3A_740 = arith.subf %parallel_loop3A_736, %parallel_loop3A_732 : vector<16xf32>
        %parallel_loop3A_741 = arith.mulf %parallel_loop3A_728, %parallel_loop3A_740 : vector<16xf32>
        %parallel_loop3A_742 = arith.addf %parallel_loop3A_739, %parallel_loop3A_741 : vector<16xf32>
        scf.yield %parallel_loop3A_616, %parallel_loop3A_634, %parallel_loop3A_652, %parallel_loop3A_670, %parallel_loop3A_688, %parallel_loop3A_706, %parallel_loop3A_724, %parallel_loop3A_742 : vector<16xf32>, vector<16xf32>, vector<16xf32>, vector<16xf32>, vector<16xf32>, vector<16xf32>, vector<16xf32>, vector<16xf32>
      } {sc.loop_unroll_factor = 4 : i64, sc.parallel_access}
      %get3A_213 = arith.constant 0 : index
      %get3A_214 = tpu.vector_load %arg22[%get3A_213] {strides = array<i32>} : memref<16xf32, #tpu.memory_space<vmem>>, vector<16xf32>,
      %add3A_215 = arith.constant 2.000000e-01 : f32
      %add3A_216 = vector.broadcast %add3A_215 : f32 to vector<16xf32>
      %add3A_217 = arith.addf %parallel_loop3A_212#0, %add3A_216 : vector<16xf32>
      %max3A_218 = arith.constant 0.000000e+00 : f32
      %max3A_219 = vector.broadcast %max3A_218 : f32 to vector<16xf32>
      %max3A_220 = arith.maximumf %add3A_217, %max3A_219 : vector<16xf32>
      %add3A_221 = arith.addf %get3A_214, %max3A_220 : vector<16xf32>
      %add3A_222 = arith.constant 2.000000e-01 : f32
      %add3A_223 = vector.broadcast %add3A_222 : f32 to vector<16xf32>
      %add3A_224 = arith.addf %parallel_loop3A_212#1, %add3A_223 : vector<16xf32>
      %max3A_225 = arith.constant 0.000000e+00 : f32
      %max3A_226 = vector.broadcast %max3A_225 : f32 to vector<16xf32>
      %max3A_227 = arith.maximumf %add3A_224, %max3A_226 : vector<16xf32>
      %add3A_228 = arith.addf %add3A_221, %max3A_227 : vector<16xf32>
      %add3A_229 = arith.constant 2.000000e-01 : f32
      %add3A_230 = vector.broadcast %add3A_229 : f32 to vector<16xf32>
      %add3A_231 = arith.addf %parallel_loop3A_212#2, %add3A_230 : vector<16xf32>
      %max3A_232 = arith.constant 0.000000e+00 : f32
      %max3A_233 = vector.broadcast %max3A_232 : f32 to vector<16xf32>
      %max3A_234 = arith.maximumf %add3A_231, %max3A_233 : vector<16xf32>
      %add3A_235 = arith.addf %add3A_228, %max3A_234 : vector<16xf32>
      %add3A_236 = arith.constant 2.000000e-01 : f32
      %add3A_237 = vector.broadcast %add3A_236 : f32 to vector<16xf32>
      %add3A_238 = arith.addf %parallel_loop3A_212#3, %add3A_237 : vector<16xf32>
      %max3A_239 = arith.constant 0.000000e+00 : f32
      %max3A_240 = vector.broadcast %max3A_239 : f32 to vector<16xf32>
      %max3A_241 = arith.maximumf %add3A_238, %max3A_240 : vector<16xf32>
      %add3A_242 = arith.addf %add3A_235, %max3A_241 : vector<16xf32>
      %add3A_243 = arith.constant 2.000000e-01 : f32
      %add3A_244 = vector.broadcast %add3A_243 : f32 to vector<16xf32>
      %add3A_245 = arith.addf %parallel_loop3A_212#4, %add3A_244 : vector<16xf32>
      %max3A_246 = arith.constant 0.000000e+00 : f32
      %max3A_247 = vector.broadcast %max3A_246 : f32 to vector<16xf32>
      %max3A_248 = arith.maximumf %add3A_245, %max3A_247 : vector<16xf32>
      %add3A_249 = arith.addf %add3A_242, %max3A_248 : vector<16xf32>
      %add3A_250 = arith.constant 2.000000e-01 : f32
      %add3A_251 = vector.broadcast %add3A_250 : f32 to vector<16xf32>
      %add3A_252 = arith.addf %parallel_loop3A_212#5, %add3A_251 : vector<16xf32>
      %max3A_253 = arith.constant 0.000000e+00 : f32
      %max3A_254 = vector.broadcast %max3A_253 : f32 to vector<16xf32>
      %max3A_255 = arith.maximumf %add3A_252, %max3A_254 : vector<16xf32>
      %add3A_256 = arith.addf %add3A_249, %max3A_255 : vector<16xf32>
      %add3A_257 = arith.constant 2.000000e-01 : f32
      %add3A_258 = vector.broadcast %add3A_257 : f32 to vector<16xf32>
      %add3A_259 = arith.addf %parallel_loop3A_212#6, %add3A_258 : vector<16xf32>
      %max3A_260 = arith.constant 0.000000e+00 : f32
      %max3A_261 = vector.broadcast %max3A_260 : f32 to vector<16xf32>
      %max3A_262 = arith.maximumf %add3A_259, %max3A_261 : vector<16xf32>
      %add3A_263 = arith.addf %add3A_256, %max3A_262 : vector<16xf32>
      %add3A_264 = arith.constant 2.000000e-01 : f32
      %add3A_265 = vector.broadcast %add3A_264 : f32 to vector<16xf32>
      %add3A_266 = arith.addf %parallel_loop3A_212#7, %add3A_265 : vector<16xf32>
      %max3A_267 = arith.constant 0.000000e+00 : f32
      %max3A_268 = vector.broadcast %max3A_267 : f32 to vector<16xf32>
      %max3A_269 = arith.maximumf %add3A_266, %max3A_268 : vector<16xf32>
      %add3A_270 = arith.addf %add3A_263, %max3A_269 : vector<16xf32>
      %swap3A_271 = arith.constant 0 : index
      %swap3A_272 = tpu.vector_load %arg22[%swap3A_271] {strides = array<i32>} : memref<16xf32, #tpu.memory_space<vmem>>, vector<16xf32>,
      tpu.vector_store %arg22[%swap3A_271], %add3A_270 {strides = array<i32>} : memref<16xf32, #tpu.memory_space<vmem>>, vector<16xf32>,
      %add3A_273 = arith.constant 1 : i32
      %add3A_274 = arith.addi %mul3A_171, %add3A_273 : i32
      %dma_wait3A_275 = arith.constant 0 : i32
      %dma_wait3A_276 = tpu.memref_slice %arg7[%dma_wait3A_275] : memref<3200xi32, #tpu.memory_space<vmem>> -> memref<128xi32, #tpu.memory_space<vmem>>
      %dma_wait3A_277 = arith.constant 0 : i32
      %dma_wait3A_278 = arith.constant 0 : i32
      %dma_wait3A_279 = tpu.memref_slice %arg2[%dma_wait3A_277, %dma_wait3A_278] : memref<100000x64xi32, #tpu.memory_space<hbm>> -> memref<100000x64xi32, #tpu.memory_space<hbm>>
      tpu.wait_indirect_dma semaphore(%arg24 : memref<!tpu.dma_semaphore, #tpu.memory_space<semaphore_mem>>) src(%dma_wait3A_279 : memref<100000x64xi32, #tpu.memory_space<hbm>>) dst(%arg13 : memref<128x64xi32, #tpu.memory_space<vmem>>)
      %dma_wait3A_280 = arith.constant 0 : i32
      %dma_wait3A_281 = tpu.memref_slice %arg7[%dma_wait3A_280] : memref<3200xi32, #tpu.memory_space<vmem>> -> memref<128xi32, #tpu.memory_space<vmem>>
      %dma_wait3A_282 = arith.constant 0 : i32
      %dma_wait3A_283 = arith.constant 0 : i32
      %dma_wait3A_284 = tpu.memref_slice %arg2[%dma_wait3A_282, %dma_wait3A_283] : memref<100000x64xi32, #tpu.memory_space<hbm>> -> memref<100000x64xi32, #tpu.memory_space<hbm>>
      tpu.wait_indirect_dma semaphore(%arg24 : memref<!tpu.dma_semaphore, #tpu.memory_space<semaphore_mem>>) src(%dma_wait3A_284 : memref<100000x64xi32, #tpu.memory_space<hbm>>) dst(%arg14 : memref<128x64xi32, #tpu.memory_space<vmem>>)
      %dma_wait3A_285 = arith.constant 0 : i32
      %dma_wait3A_286 = tpu.memref_slice %arg7[%dma_wait3A_285] : memref<3200xi32, #tpu.memory_space<vmem>> -> memref<128xi32, #tpu.memory_space<vmem>>
      %dma_wait3A_287 = arith.constant 0 : i32
      %dma_wait3A_288 = arith.constant 0 : i32
      %dma_wait3A_289 = tpu.memref_slice %arg2[%dma_wait3A_287, %dma_wait3A_288] : memref<100000x64xi32, #tpu.memory_space<hbm>> -> memref<100000x64xi32, #tpu.memory_space<hbm>>
      tpu.wait_indirect_dma semaphore(%arg24 : memref<!tpu.dma_semaphore, #tpu.memory_space<semaphore_mem>>) src(%dma_wait3A_289 : memref<100000x64xi32, #tpu.memory_space<hbm>>) dst(%arg15 : memref<128x64xi32, #tpu.memory_space<vmem>>)
      %add3A_290 = arith.constant 3 : i32
      %add3A_291 = arith.addi %add3A_274, %add3A_290 : i32
      %lt3A_292 = arith.constant 25 : i32
      %lt3A_293 = arith.cmpi slt, %add3A_291, %lt3A_292 : i32
      %convert_element_type3A_294 = arith.extui %lt3A_293 : i1 to i32
      %cond3A_295 = arith.constant 0 : i32
      %cond3A_296 = arith.cmpi ne, %convert_element_type3A_294, %cond3A_295 : i32
      scf.if %cond3A_296 {
        %add3A_585 = arith.constant 3 : i32
        %add3A_586 = arith.addi %add3A_274, %add3A_585 : i32
        %mul3A_587 = arith.constant 128 : i32
        %mul3A_588 = arith.muli %add3A_586, %mul3A_587 : i32
        %dma_start3A_589 = tpu.memref_slice %arg7[%mul3A_588] : memref<3200xi32, #tpu.memory_space<vmem>> -> memref<128xi32, #tpu.memory_space<vmem>>
        %dma_start3A_590 = arith.constant 0 : i32
        %dma_start3A_591 = arith.constant 0 : i32
        %dma_start3A_592 = tpu.memref_slice %arg2[%dma_start3A_590, %dma_start3A_591] : memref<100000x64xi32, #tpu.memory_space<hbm>> -> memref<100000x64xi32, #tpu.memory_space<hbm>>
        tpu.enqueue_indirect_dma source(%dma_start3A_592 : memref<100000x64xi32, #tpu.memory_space<hbm>>) target(%arg10 : memref<128x64xi32, #tpu.memory_space<vmem>>) offsets(%dma_start3A_589 : memref<128xi32, #tpu.memory_space<vmem>>) semaphore(%arg23 : memref<!tpu.dma_semaphore, #tpu.memory_space<semaphore_mem>>)
        %dma_start3A_593 = tpu.memref_slice %arg8[%mul3A_588] : memref<3200xi32, #tpu.memory_space<vmem>> -> memref<128xi32, #tpu.memory_space<vmem>>
        %dma_start3A_594 = arith.constant 0 : i32
        %dma_start3A_595 = arith.constant 0 : i32
        %dma_start3A_596 = tpu.memref_slice %arg2[%dma_start3A_594, %dma_start3A_595] : memref<100000x64xi32, #tpu.memory_space<hbm>> -> memref<100000x64xi32, #tpu.memory_space<hbm>>
        tpu.enqueue_indirect_dma source(%dma_start3A_596 : memref<100000x64xi32, #tpu.memory_space<hbm>>) target(%arg11 : memref<128x64xi32, #tpu.memory_space<vmem>>) offsets(%dma_start3A_593 : memref<128xi32, #tpu.memory_space<vmem>>) semaphore(%arg23 : memref<!tpu.dma_semaphore, #tpu.memory_space<semaphore_mem>>)
        %dma_start3A_597 = tpu.memref_slice %arg9[%mul3A_588] : memref<3200xi32, #tpu.memory_space<vmem>> -> memref<128xi32, #tpu.memory_space<vmem>>
        %dma_start3A_598 = arith.constant 0 : i32
        %dma_start3A_599 = arith.constant 0 : i32
        %dma_start3A_600 = tpu.memref_slice %arg2[%dma_start3A_598, %dma_start3A_599] : memref<100000x64xi32, #tpu.memory_space<hbm>> -> memref<100000x64xi32, #tpu.memory_space<hbm>>
        tpu.enqueue_indirect_dma source(%dma_start3A_600 : memref<100000x64xi32, #tpu.memory_space<hbm>>) target(%arg12 : memref<128x64xi32, #tpu.memory_space<vmem>>) offsets(%dma_start3A_597 : memref<128xi32, #tpu.memory_space<vmem>>) semaphore(%arg23 : memref<!tpu.dma_semaphore, #tpu.memory_space<semaphore_mem>>)
      } else {
      }
      %broadcast_in_dim3A_297 = arith.constant 0.000000e+00 : f32
      %broadcast_in_dim3A_298 = vector.broadcast %broadcast_in_dim3A_297 : f32 to vector<16xf32>
      %broadcast_in_dim3A_299 = arith.constant 0.000000e+00 : f32
      %broadcast_in_dim3A_300 = vector.broadcast %broadcast_in_dim3A_299 : f32 to vector<16xf32>
      %broadcast_in_dim3A_301 = arith.constant 0.000000e+00 : f32
      %broadcast_in_dim3A_302 = vector.broadcast %broadcast_in_dim3A_301 : f32 to vector<16xf32>
      %broadcast_in_dim3A_303 = arith.constant 0.000000e+00 : f32
      %broadcast_in_dim3A_304 = vector.broadcast %broadcast_in_dim3A_303 : f32 to vector<16xf32>
      %broadcast_in_dim3A_305 = arith.constant 0.000000e+00 : f32
      %broadcast_in_dim3A_306 = vector.broadcast %broadcast_in_dim3A_305 : f32 to vector<16xf32>
      %broadcast_in_dim3A_307 = arith.constant 0.000000e+00 : f32
      %broadcast_in_dim3A_308 = vector.broadcast %broadcast_in_dim3A_307 : f32 to vector<16xf32>
      %broadcast_in_dim3A_309 = arith.constant 0.000000e+00 : f32
      %broadcast_in_dim3A_310 = vector.broadcast %broadcast_in_dim3A_309 : f32 to vector<16xf32>
      %broadcast_in_dim3A_311 = arith.constant 0.000000e+00 : f32
      %broadcast_in_dim3A_312 = vector.broadcast %broadcast_in_dim3A_311 : f32 to vector<16xf32>
      %parallel_loop3A_313 = arith.constant 0 : i32
      %parallel_loop3A_314 = arith.constant 64 : i32
      %parallel_loop3A_315 = arith.constant 1 : i32
      %parallel_loop3A_316:8 = scf.for %parallel_loop3A_585 = %parallel_loop3A_313 to %parallel_loop3A_314 step %parallel_loop3A_315 iter_args(%parallel_loop3A_586 = %broadcast_in_dim3A_298, %parallel_loop3A_587 = %broadcast_in_dim3A_300, %parallel_loop3A_588 = %broadcast_in_dim3A_302, %parallel_loop3A_589 = %broadcast_in_dim3A_304, %parallel_loop3A_590 = %broadcast_in_dim3A_306, %parallel_loop3A_591 = %broadcast_in_dim3A_308, %parallel_loop3A_592 = %broadcast_in_dim3A_310, %parallel_loop3A_593 = %broadcast_in_dim3A_312) -> (vector<16xf32>, vector<16xf32>, vector<16xf32>, vector<16xf32>, vector<16xf32>, vector<16xf32>, vector<16xf32>, vector<16xf32>)  : i32 {
        %parallel_loop3A_594 = vector.broadcast %parallel_loop3A_585 : i32 to vector<16xi32>
        %parallel_loop3A_595 = arith.addi %parallel_loop3A_594, %iota3A : vector<16xi32>
        %parallel_loop3A_596 = arith.constant 63 : i32
        %parallel_loop3A_597 = vector.broadcast %parallel_loop3A_596 : i32 to vector<16xi32>
        %parallel_loop3A_598 = arith.andi %parallel_loop3A_595, %parallel_loop3A_597 : vector<16xi32>
        %parallel_loop3A_599 = tpu.vector_load_idx %arg13[%add3A_2, %parallel_loop3A_598] : memref<128x64xi32, #tpu.memory_space<vmem>>[vector<16xi32>, vector<16xi32>], vector<16xi32>,
        %parallel_loop3A_600 = vector.bitcast %parallel_loop3A_599 : vector<16xi32> to vector<32xbf16>
        %parallel_loop3A_601 = tpu.unpack_subelements %parallel_loop3A_600, 0 {pack_format = #tpu.pack_format<interleaved>} : vector<32xbf16> -> vector<16xf32>
        %parallel_loop3A_602 = tpu.unpack_subelements %parallel_loop3A_600, 1 {pack_format = #tpu.pack_format<interleaved>} : vector<32xbf16> -> vector<16xf32>
        %parallel_loop3A_603 = tpu.vector_load_idx %arg14[%add3A_2, %parallel_loop3A_598] : memref<128x64xi32, #tpu.memory_space<vmem>>[vector<16xi32>, vector<16xi32>], vector<16xi32>,
        %parallel_loop3A_604 = vector.bitcast %parallel_loop3A_603 : vector<16xi32> to vector<32xbf16>
        %parallel_loop3A_605 = tpu.unpack_subelements %parallel_loop3A_604, 0 {pack_format = #tpu.pack_format<interleaved>} : vector<32xbf16> -> vector<16xf32>
        %parallel_loop3A_606 = tpu.unpack_subelements %parallel_loop3A_604, 1 {pack_format = #tpu.pack_format<interleaved>} : vector<32xbf16> -> vector<16xf32>
        %parallel_loop3A_607 = tpu.vector_load_idx %arg15[%add3A_2, %parallel_loop3A_598] : memref<128x64xi32, #tpu.memory_space<vmem>>[vector<16xi32>, vector<16xi32>], vector<16xi32>,
        %parallel_loop3A_608 = vector.bitcast %parallel_loop3A_607 : vector<16xi32> to vector<32xbf16>
        %parallel_loop3A_609 = tpu.unpack_subelements %parallel_loop3A_608, 0 {pack_format = #tpu.pack_format<interleaved>} : vector<32xbf16> -> vector<16xf32>
        %parallel_loop3A_610 = tpu.unpack_subelements %parallel_loop3A_608, 1 {pack_format = #tpu.pack_format<interleaved>} : vector<32xbf16> -> vector<16xf32>
        %parallel_loop3A_611 = arith.subf %parallel_loop3A_609, %parallel_loop3A_605 : vector<16xf32>
        %parallel_loop3A_612 = arith.mulf %parallel_loop3A_601, %parallel_loop3A_611 : vector<16xf32>
        %parallel_loop3A_613 = arith.addf %parallel_loop3A_586, %parallel_loop3A_612 : vector<16xf32>
        %parallel_loop3A_614 = arith.subf %parallel_loop3A_610, %parallel_loop3A_606 : vector<16xf32>
        %parallel_loop3A_615 = arith.mulf %parallel_loop3A_602, %parallel_loop3A_614 : vector<16xf32>
        %parallel_loop3A_616 = arith.addf %parallel_loop3A_613, %parallel_loop3A_615 : vector<16xf32>
        %parallel_loop3A_617 = tpu.vector_load_idx %arg13[%add3A_5, %parallel_loop3A_598] : memref<128x64xi32, #tpu.memory_space<vmem>>[vector<16xi32>, vector<16xi32>], vector<16xi32>,
        %parallel_loop3A_618 = vector.bitcast %parallel_loop3A_617 : vector<16xi32> to vector<32xbf16>
        %parallel_loop3A_619 = tpu.unpack_subelements %parallel_loop3A_618, 0 {pack_format = #tpu.pack_format<interleaved>} : vector<32xbf16> -> vector<16xf32>
        %parallel_loop3A_620 = tpu.unpack_subelements %parallel_loop3A_618, 1 {pack_format = #tpu.pack_format<interleaved>} : vector<32xbf16> -> vector<16xf32>
        %parallel_loop3A_621 = tpu.vector_load_idx %arg14[%add3A_5, %parallel_loop3A_598] : memref<128x64xi32, #tpu.memory_space<vmem>>[vector<16xi32>, vector<16xi32>], vector<16xi32>,
        %parallel_loop3A_622 = vector.bitcast %parallel_loop3A_621 : vector<16xi32> to vector<32xbf16>
        %parallel_loop3A_623 = tpu.unpack_subelements %parallel_loop3A_622, 0 {pack_format = #tpu.pack_format<interleaved>} : vector<32xbf16> -> vector<16xf32>
        %parallel_loop3A_624 = tpu.unpack_subelements %parallel_loop3A_622, 1 {pack_format = #tpu.pack_format<interleaved>} : vector<32xbf16> -> vector<16xf32>
        %parallel_loop3A_625 = tpu.vector_load_idx %arg15[%add3A_5, %parallel_loop3A_598] : memref<128x64xi32, #tpu.memory_space<vmem>>[vector<16xi32>, vector<16xi32>], vector<16xi32>,
        %parallel_loop3A_626 = vector.bitcast %parallel_loop3A_625 : vector<16xi32> to vector<32xbf16>
        %parallel_loop3A_627 = tpu.unpack_subelements %parallel_loop3A_626, 0 {pack_format = #tpu.pack_format<interleaved>} : vector<32xbf16> -> vector<16xf32>
        %parallel_loop3A_628 = tpu.unpack_subelements %parallel_loop3A_626, 1 {pack_format = #tpu.pack_format<interleaved>} : vector<32xbf16> -> vector<16xf32>
        %parallel_loop3A_629 = arith.subf %parallel_loop3A_627, %parallel_loop3A_623 : vector<16xf32>
        %parallel_loop3A_630 = arith.mulf %parallel_loop3A_619, %parallel_loop3A_629 : vector<16xf32>
        %parallel_loop3A_631 = arith.addf %parallel_loop3A_587, %parallel_loop3A_630 : vector<16xf32>
        %parallel_loop3A_632 = arith.subf %parallel_loop3A_628, %parallel_loop3A_624 : vector<16xf32>
        %parallel_loop3A_633 = arith.mulf %parallel_loop3A_620, %parallel_loop3A_632 : vector<16xf32>
        %parallel_loop3A_634 = arith.addf %parallel_loop3A_631, %parallel_loop3A_633 : vector<16xf32>
        %parallel_loop3A_635 = tpu.vector_load_idx %arg13[%add3A_8, %parallel_loop3A_598] : memref<128x64xi32, #tpu.memory_space<vmem>>[vector<16xi32>, vector<16xi32>], vector<16xi32>,
        %parallel_loop3A_636 = vector.bitcast %parallel_loop3A_635 : vector<16xi32> to vector<32xbf16>
        %parallel_loop3A_637 = tpu.unpack_subelements %parallel_loop3A_636, 0 {pack_format = #tpu.pack_format<interleaved>} : vector<32xbf16> -> vector<16xf32>
        %parallel_loop3A_638 = tpu.unpack_subelements %parallel_loop3A_636, 1 {pack_format = #tpu.pack_format<interleaved>} : vector<32xbf16> -> vector<16xf32>
        %parallel_loop3A_639 = tpu.vector_load_idx %arg14[%add3A_8, %parallel_loop3A_598] : memref<128x64xi32, #tpu.memory_space<vmem>>[vector<16xi32>, vector<16xi32>], vector<16xi32>,
        %parallel_loop3A_640 = vector.bitcast %parallel_loop3A_639 : vector<16xi32> to vector<32xbf16>
        %parallel_loop3A_641 = tpu.unpack_subelements %parallel_loop3A_640, 0 {pack_format = #tpu.pack_format<interleaved>} : vector<32xbf16> -> vector<16xf32>
        %parallel_loop3A_642 = tpu.unpack_subelements %parallel_loop3A_640, 1 {pack_format = #tpu.pack_format<interleaved>} : vector<32xbf16> -> vector<16xf32>
        %parallel_loop3A_643 = tpu.vector_load_idx %arg15[%add3A_8, %parallel_loop3A_598] : memref<128x64xi32, #tpu.memory_space<vmem>>[vector<16xi32>, vector<16xi32>], vector<16xi32>,
        %parallel_loop3A_644 = vector.bitcast %parallel_loop3A_643 : vector<16xi32> to vector<32xbf16>
        %parallel_loop3A_645 = tpu.unpack_subelements %parallel_loop3A_644, 0 {pack_format = #tpu.pack_format<interleaved>} : vector<32xbf16> -> vector<16xf32>
        %parallel_loop3A_646 = tpu.unpack_subelements %parallel_loop3A_644, 1 {pack_format = #tpu.pack_format<interleaved>} : vector<32xbf16> -> vector<16xf32>
        %parallel_loop3A_647 = arith.subf %parallel_loop3A_645, %parallel_loop3A_641 : vector<16xf32>
        %parallel_loop3A_648 = arith.mulf %parallel_loop3A_637, %parallel_loop3A_647 : vector<16xf32>
        %parallel_loop3A_649 = arith.addf %parallel_loop3A_588, %parallel_loop3A_648 : vector<16xf32>
        %parallel_loop3A_650 = arith.subf %parallel_loop3A_646, %parallel_loop3A_642 : vector<16xf32>
        %parallel_loop3A_651 = arith.mulf %parallel_loop3A_638, %parallel_loop3A_650 : vector<16xf32>
        %parallel_loop3A_652 = arith.addf %parallel_loop3A_649, %parallel_loop3A_651 : vector<16xf32>
        %parallel_loop3A_653 = tpu.vector_load_idx %arg13[%add3A_11, %parallel_loop3A_598] : memref<128x64xi32, #tpu.memory_space<vmem>>[vector<16xi32>, vector<16xi32>], vector<16xi32>,
        %parallel_loop3A_654 = vector.bitcast %parallel_loop3A_653 : vector<16xi32> to vector<32xbf16>
        %parallel_loop3A_655 = tpu.unpack_subelements %parallel_loop3A_654, 0 {pack_format = #tpu.pack_format<interleaved>} : vector<32xbf16> -> vector<16xf32>
        %parallel_loop3A_656 = tpu.unpack_subelements %parallel_loop3A_654, 1 {pack_format = #tpu.pack_format<interleaved>} : vector<32xbf16> -> vector<16xf32>
        %parallel_loop3A_657 = tpu.vector_load_idx %arg14[%add3A_11, %parallel_loop3A_598] : memref<128x64xi32, #tpu.memory_space<vmem>>[vector<16xi32>, vector<16xi32>], vector<16xi32>,
        %parallel_loop3A_658 = vector.bitcast %parallel_loop3A_657 : vector<16xi32> to vector<32xbf16>
        %parallel_loop3A_659 = tpu.unpack_subelements %parallel_loop3A_658, 0 {pack_format = #tpu.pack_format<interleaved>} : vector<32xbf16> -> vector<16xf32>
        %parallel_loop3A_660 = tpu.unpack_subelements %parallel_loop3A_658, 1 {pack_format = #tpu.pack_format<interleaved>} : vector<32xbf16> -> vector<16xf32>
        %parallel_loop3A_661 = tpu.vector_load_idx %arg15[%add3A_11, %parallel_loop3A_598] : memref<128x64xi32, #tpu.memory_space<vmem>>[vector<16xi32>, vector<16xi32>], vector<16xi32>,
        %parallel_loop3A_662 = vector.bitcast %parallel_loop3A_661 : vector<16xi32> to vector<32xbf16>
        %parallel_loop3A_663 = tpu.unpack_subelements %parallel_loop3A_662, 0 {pack_format = #tpu.pack_format<interleaved>} : vector<32xbf16> -> vector<16xf32>
        %parallel_loop3A_664 = tpu.unpack_subelements %parallel_loop3A_662, 1 {pack_format = #tpu.pack_format<interleaved>} : vector<32xbf16> -> vector<16xf32>
        %parallel_loop3A_665 = arith.subf %parallel_loop3A_663, %parallel_loop3A_659 : vector<16xf32>
        %parallel_loop3A_666 = arith.mulf %parallel_loop3A_655, %parallel_loop3A_665 : vector<16xf32>
        %parallel_loop3A_667 = arith.addf %parallel_loop3A_589, %parallel_loop3A_666 : vector<16xf32>
        %parallel_loop3A_668 = arith.subf %parallel_loop3A_664, %parallel_loop3A_660 : vector<16xf32>
        %parallel_loop3A_669 = arith.mulf %parallel_loop3A_656, %parallel_loop3A_668 : vector<16xf32>
        %parallel_loop3A_670 = arith.addf %parallel_loop3A_667, %parallel_loop3A_669 : vector<16xf32>
        %parallel_loop3A_671 = tpu.vector_load_idx %arg13[%add3A_14, %parallel_loop3A_598] : memref<128x64xi32, #tpu.memory_space<vmem>>[vector<16xi32>, vector<16xi32>], vector<16xi32>,
        %parallel_loop3A_672 = vector.bitcast %parallel_loop3A_671 : vector<16xi32> to vector<32xbf16>
        %parallel_loop3A_673 = tpu.unpack_subelements %parallel_loop3A_672, 0 {pack_format = #tpu.pack_format<interleaved>} : vector<32xbf16> -> vector<16xf32>
        %parallel_loop3A_674 = tpu.unpack_subelements %parallel_loop3A_672, 1 {pack_format = #tpu.pack_format<interleaved>} : vector<32xbf16> -> vector<16xf32>
        %parallel_loop3A_675 = tpu.vector_load_idx %arg14[%add3A_14, %parallel_loop3A_598] : memref<128x64xi32, #tpu.memory_space<vmem>>[vector<16xi32>, vector<16xi32>], vector<16xi32>,
        %parallel_loop3A_676 = vector.bitcast %parallel_loop3A_675 : vector<16xi32> to vector<32xbf16>
        %parallel_loop3A_677 = tpu.unpack_subelements %parallel_loop3A_676, 0 {pack_format = #tpu.pack_format<interleaved>} : vector<32xbf16> -> vector<16xf32>
        %parallel_loop3A_678 = tpu.unpack_subelements %parallel_loop3A_676, 1 {pack_format = #tpu.pack_format<interleaved>} : vector<32xbf16> -> vector<16xf32>
        %parallel_loop3A_679 = tpu.vector_load_idx %arg15[%add3A_14, %parallel_loop3A_598] : memref<128x64xi32, #tpu.memory_space<vmem>>[vector<16xi32>, vector<16xi32>], vector<16xi32>,
        %parallel_loop3A_680 = vector.bitcast %parallel_loop3A_679 : vector<16xi32> to vector<32xbf16>
        %parallel_loop3A_681 = tpu.unpack_subelements %parallel_loop3A_680, 0 {pack_format = #tpu.pack_format<interleaved>} : vector<32xbf16> -> vector<16xf32>
        %parallel_loop3A_682 = tpu.unpack_subelements %parallel_loop3A_680, 1 {pack_format = #tpu.pack_format<interleaved>} : vector<32xbf16> -> vector<16xf32>
        %parallel_loop3A_683 = arith.subf %parallel_loop3A_681, %parallel_loop3A_677 : vector<16xf32>
        %parallel_loop3A_684 = arith.mulf %parallel_loop3A_673, %parallel_loop3A_683 : vector<16xf32>
        %parallel_loop3A_685 = arith.addf %parallel_loop3A_590, %parallel_loop3A_684 : vector<16xf32>
        %parallel_loop3A_686 = arith.subf %parallel_loop3A_682, %parallel_loop3A_678 : vector<16xf32>
        %parallel_loop3A_687 = arith.mulf %parallel_loop3A_674, %parallel_loop3A_686 : vector<16xf32>
        %parallel_loop3A_688 = arith.addf %parallel_loop3A_685, %parallel_loop3A_687 : vector<16xf32>
        %parallel_loop3A_689 = tpu.vector_load_idx %arg13[%add3A_17, %parallel_loop3A_598] : memref<128x64xi32, #tpu.memory_space<vmem>>[vector<16xi32>, vector<16xi32>], vector<16xi32>,
        %parallel_loop3A_690 = vector.bitcast %parallel_loop3A_689 : vector<16xi32> to vector<32xbf16>
        %parallel_loop3A_691 = tpu.unpack_subelements %parallel_loop3A_690, 0 {pack_format = #tpu.pack_format<interleaved>} : vector<32xbf16> -> vector<16xf32>
        %parallel_loop3A_692 = tpu.unpack_subelements %parallel_loop3A_690, 1 {pack_format = #tpu.pack_format<interleaved>} : vector<32xbf16> -> vector<16xf32>
        %parallel_loop3A_693 = tpu.vector_load_idx %arg14[%add3A_17, %parallel_loop3A_598] : memref<128x64xi32, #tpu.memory_space<vmem>>[vector<16xi32>, vector<16xi32>], vector<16xi32>,
        %parallel_loop3A_694 = vector.bitcast %parallel_loop3A_693 : vector<16xi32> to vector<32xbf16>
        %parallel_loop3A_695 = tpu.unpack_subelements %parallel_loop3A_694, 0 {pack_format = #tpu.pack_format<interleaved>} : vector<32xbf16> -> vector<16xf32>
        %parallel_loop3A_696 = tpu.unpack_subelements %parallel_loop3A_694, 1 {pack_format = #tpu.pack_format<interleaved>} : vector<32xbf16> -> vector<16xf32>
        %parallel_loop3A_697 = tpu.vector_load_idx %arg15[%add3A_17, %parallel_loop3A_598] : memref<128x64xi32, #tpu.memory_space<vmem>>[vector<16xi32>, vector<16xi32>], vector<16xi32>,
        %parallel_loop3A_698 = vector.bitcast %parallel_loop3A_697 : vector<16xi32> to vector<32xbf16>
        %parallel_loop3A_699 = tpu.unpack_subelements %parallel_loop3A_698, 0 {pack_format = #tpu.pack_format<interleaved>} : vector<32xbf16> -> vector<16xf32>
        %parallel_loop3A_700 = tpu.unpack_subelements %parallel_loop3A_698, 1 {pack_format = #tpu.pack_format<interleaved>} : vector<32xbf16> -> vector<16xf32>
        %parallel_loop3A_701 = arith.subf %parallel_loop3A_699, %parallel_loop3A_695 : vector<16xf32>
        %parallel_loop3A_702 = arith.mulf %parallel_loop3A_691, %parallel_loop3A_701 : vector<16xf32>
        %parallel_loop3A_703 = arith.addf %parallel_loop3A_591, %parallel_loop3A_702 : vector<16xf32>
        %parallel_loop3A_704 = arith.subf %parallel_loop3A_700, %parallel_loop3A_696 : vector<16xf32>
        %parallel_loop3A_705 = arith.mulf %parallel_loop3A_692, %parallel_loop3A_704 : vector<16xf32>
        %parallel_loop3A_706 = arith.addf %parallel_loop3A_703, %parallel_loop3A_705 : vector<16xf32>
        %parallel_loop3A_707 = tpu.vector_load_idx %arg13[%add3A_20, %parallel_loop3A_598] : memref<128x64xi32, #tpu.memory_space<vmem>>[vector<16xi32>, vector<16xi32>], vector<16xi32>,
        %parallel_loop3A_708 = vector.bitcast %parallel_loop3A_707 : vector<16xi32> to vector<32xbf16>
        %parallel_loop3A_709 = tpu.unpack_subelements %parallel_loop3A_708, 0 {pack_format = #tpu.pack_format<interleaved>} : vector<32xbf16> -> vector<16xf32>
        %parallel_loop3A_710 = tpu.unpack_subelements %parallel_loop3A_708, 1 {pack_format = #tpu.pack_format<interleaved>} : vector<32xbf16> -> vector<16xf32>
        %parallel_loop3A_711 = tpu.vector_load_idx %arg14[%add3A_20, %parallel_loop3A_598] : memref<128x64xi32, #tpu.memory_space<vmem>>[vector<16xi32>, vector<16xi32>], vector<16xi32>,
        %parallel_loop3A_712 = vector.bitcast %parallel_loop3A_711 : vector<16xi32> to vector<32xbf16>
        %parallel_loop3A_713 = tpu.unpack_subelements %parallel_loop3A_712, 0 {pack_format = #tpu.pack_format<interleaved>} : vector<32xbf16> -> vector<16xf32>
        %parallel_loop3A_714 = tpu.unpack_subelements %parallel_loop3A_712, 1 {pack_format = #tpu.pack_format<interleaved>} : vector<32xbf16> -> vector<16xf32>
        %parallel_loop3A_715 = tpu.vector_load_idx %arg15[%add3A_20, %parallel_loop3A_598] : memref<128x64xi32, #tpu.memory_space<vmem>>[vector<16xi32>, vector<16xi32>], vector<16xi32>,
        %parallel_loop3A_716 = vector.bitcast %parallel_loop3A_715 : vector<16xi32> to vector<32xbf16>
        %parallel_loop3A_717 = tpu.unpack_subelements %parallel_loop3A_716, 0 {pack_format = #tpu.pack_format<interleaved>} : vector<32xbf16> -> vector<16xf32>
        %parallel_loop3A_718 = tpu.unpack_subelements %parallel_loop3A_716, 1 {pack_format = #tpu.pack_format<interleaved>} : vector<32xbf16> -> vector<16xf32>
        %parallel_loop3A_719 = arith.subf %parallel_loop3A_717, %parallel_loop3A_713 : vector<16xf32>
        %parallel_loop3A_720 = arith.mulf %parallel_loop3A_709, %parallel_loop3A_719 : vector<16xf32>
        %parallel_loop3A_721 = arith.addf %parallel_loop3A_592, %parallel_loop3A_720 : vector<16xf32>
        %parallel_loop3A_722 = arith.subf %parallel_loop3A_718, %parallel_loop3A_714 : vector<16xf32>
        %parallel_loop3A_723 = arith.mulf %parallel_loop3A_710, %parallel_loop3A_722 : vector<16xf32>
        %parallel_loop3A_724 = arith.addf %parallel_loop3A_721, %parallel_loop3A_723 : vector<16xf32>
        %parallel_loop3A_725 = tpu.vector_load_idx %arg13[%add3A_23, %parallel_loop3A_598] : memref<128x64xi32, #tpu.memory_space<vmem>>[vector<16xi32>, vector<16xi32>], vector<16xi32>,
        %parallel_loop3A_726 = vector.bitcast %parallel_loop3A_725 : vector<16xi32> to vector<32xbf16>
        %parallel_loop3A_727 = tpu.unpack_subelements %parallel_loop3A_726, 0 {pack_format = #tpu.pack_format<interleaved>} : vector<32xbf16> -> vector<16xf32>
        %parallel_loop3A_728 = tpu.unpack_subelements %parallel_loop3A_726, 1 {pack_format = #tpu.pack_format<interleaved>} : vector<32xbf16> -> vector<16xf32>
        %parallel_loop3A_729 = tpu.vector_load_idx %arg14[%add3A_23, %parallel_loop3A_598] : memref<128x64xi32, #tpu.memory_space<vmem>>[vector<16xi32>, vector<16xi32>], vector<16xi32>,
        %parallel_loop3A_730 = vector.bitcast %parallel_loop3A_729 : vector<16xi32> to vector<32xbf16>
        %parallel_loop3A_731 = tpu.unpack_subelements %parallel_loop3A_730, 0 {pack_format = #tpu.pack_format<interleaved>} : vector<32xbf16> -> vector<16xf32>
        %parallel_loop3A_732 = tpu.unpack_subelements %parallel_loop3A_730, 1 {pack_format = #tpu.pack_format<interleaved>} : vector<32xbf16> -> vector<16xf32>
        %parallel_loop3A_733 = tpu.vector_load_idx %arg15[%add3A_23, %parallel_loop3A_598] : memref<128x64xi32, #tpu.memory_space<vmem>>[vector<16xi32>, vector<16xi32>], vector<16xi32>,
        %parallel_loop3A_734 = vector.bitcast %parallel_loop3A_733 : vector<16xi32> to vector<32xbf16>
        %parallel_loop3A_735 = tpu.unpack_subelements %parallel_loop3A_734, 0 {pack_format = #tpu.pack_format<interleaved>} : vector<32xbf16> -> vector<16xf32>
        %parallel_loop3A_736 = tpu.unpack_subelements %parallel_loop3A_734, 1 {pack_format = #tpu.pack_format<interleaved>} : vector<32xbf16> -> vector<16xf32>
        %parallel_loop3A_737 = arith.subf %parallel_loop3A_735, %parallel_loop3A_731 : vector<16xf32>
        %parallel_loop3A_738 = arith.mulf %parallel_loop3A_727, %parallel_loop3A_737 : vector<16xf32>
        %parallel_loop3A_739 = arith.addf %parallel_loop3A_593, %parallel_loop3A_738 : vector<16xf32>
        %parallel_loop3A_740 = arith.subf %parallel_loop3A_736, %parallel_loop3A_732 : vector<16xf32>
        %parallel_loop3A_741 = arith.mulf %parallel_loop3A_728, %parallel_loop3A_740 : vector<16xf32>
        %parallel_loop3A_742 = arith.addf %parallel_loop3A_739, %parallel_loop3A_741 : vector<16xf32>
        scf.yield %parallel_loop3A_616, %parallel_loop3A_634, %parallel_loop3A_652, %parallel_loop3A_670, %parallel_loop3A_688, %parallel_loop3A_706, %parallel_loop3A_724, %parallel_loop3A_742 : vector<16xf32>, vector<16xf32>, vector<16xf32>, vector<16xf32>, vector<16xf32>, vector<16xf32>, vector<16xf32>, vector<16xf32>
      } {sc.loop_unroll_factor = 4 : i64, sc.parallel_access}
      %get3A_317 = arith.constant 0 : index
      %get3A_318 = tpu.vector_load %arg22[%get3A_317] {strides = array<i32>} : memref<16xf32, #tpu.memory_space<vmem>>, vector<16xf32>,
      %add3A_319 = arith.constant 2.000000e-01 : f32
      %add3A_320 = vector.broadcast %add3A_319 : f32 to vector<16xf32>
      %add3A_321 = arith.addf %parallel_loop3A_316#0, %add3A_320 : vector<16xf32>
      %max3A_322 = arith.constant 0.000000e+00 : f32
      %max3A_323 = vector.broadcast %max3A_322 : f32 to vector<16xf32>
      %max3A_324 = arith.maximumf %add3A_321, %max3A_323 : vector<16xf32>
      %add3A_325 = arith.addf %get3A_318, %max3A_324 : vector<16xf32>
      %add3A_326 = arith.constant 2.000000e-01 : f32
      %add3A_327 = vector.broadcast %add3A_326 : f32 to vector<16xf32>
      %add3A_328 = arith.addf %parallel_loop3A_316#1, %add3A_327 : vector<16xf32>
      %max3A_329 = arith.constant 0.000000e+00 : f32
      %max3A_330 = vector.broadcast %max3A_329 : f32 to vector<16xf32>
      %max3A_331 = arith.maximumf %add3A_328, %max3A_330 : vector<16xf32>
      %add3A_332 = arith.addf %add3A_325, %max3A_331 : vector<16xf32>
      %add3A_333 = arith.constant 2.000000e-01 : f32
      %add3A_334 = vector.broadcast %add3A_333 : f32 to vector<16xf32>
      %add3A_335 = arith.addf %parallel_loop3A_316#2, %add3A_334 : vector<16xf32>
      %max3A_336 = arith.constant 0.000000e+00 : f32
      %max3A_337 = vector.broadcast %max3A_336 : f32 to vector<16xf32>
      %max3A_338 = arith.maximumf %add3A_335, %max3A_337 : vector<16xf32>
      %add3A_339 = arith.addf %add3A_332, %max3A_338 : vector<16xf32>
      %add3A_340 = arith.constant 2.000000e-01 : f32
      %add3A_341 = vector.broadcast %add3A_340 : f32 to vector<16xf32>
      %add3A_342 = arith.addf %parallel_loop3A_316#3, %add3A_341 : vector<16xf32>
      %max3A_343 = arith.constant 0.000000e+00 : f32
      %max3A_344 = vector.broadcast %max3A_343 : f32 to vector<16xf32>
      %max3A_345 = arith.maximumf %add3A_342, %max3A_344 : vector<16xf32>
      %add3A_346 = arith.addf %add3A_339, %max3A_345 : vector<16xf32>
      %add3A_347 = arith.constant 2.000000e-01 : f32
      %add3A_348 = vector.broadcast %add3A_347 : f32 to vector<16xf32>
      %add3A_349 = arith.addf %parallel_loop3A_316#4, %add3A_348 : vector<16xf32>
      %max3A_350 = arith.constant 0.000000e+00 : f32
      %max3A_351 = vector.broadcast %max3A_350 : f32 to vector<16xf32>
      %max3A_352 = arith.maximumf %add3A_349, %max3A_351 : vector<16xf32>
      %add3A_353 = arith.addf %add3A_346, %max3A_352 : vector<16xf32>
      %add3A_354 = arith.constant 2.000000e-01 : f32
      %add3A_355 = vector.broadcast %add3A_354 : f32 to vector<16xf32>
      %add3A_356 = arith.addf %parallel_loop3A_316#5, %add3A_355 : vector<16xf32>
      %max3A_357 = arith.constant 0.000000e+00 : f32
      %max3A_358 = vector.broadcast %max3A_357 : f32 to vector<16xf32>
      %max3A_359 = arith.maximumf %add3A_356, %max3A_358 : vector<16xf32>
      %add3A_360 = arith.addf %add3A_353, %max3A_359 : vector<16xf32>
      %add3A_361 = arith.constant 2.000000e-01 : f32
      %add3A_362 = vector.broadcast %add3A_361 : f32 to vector<16xf32>
      %add3A_363 = arith.addf %parallel_loop3A_316#6, %add3A_362 : vector<16xf32>
      %max3A_364 = arith.constant 0.000000e+00 : f32
      %max3A_365 = vector.broadcast %max3A_364 : f32 to vector<16xf32>
      %max3A_366 = arith.maximumf %add3A_363, %max3A_365 : vector<16xf32>
      %add3A_367 = arith.addf %add3A_360, %max3A_366 : vector<16xf32>
      %add3A_368 = arith.constant 2.000000e-01 : f32
      %add3A_369 = vector.broadcast %add3A_368 : f32 to vector<16xf32>
      %add3A_370 = arith.addf %parallel_loop3A_316#7, %add3A_369 : vector<16xf32>
      %max3A_371 = arith.constant 0.000000e+00 : f32
      %max3A_372 = vector.broadcast %max3A_371 : f32 to vector<16xf32>
      %max3A_373 = arith.maximumf %add3A_370, %max3A_372 : vector<16xf32>
      %add3A_374 = arith.addf %add3A_367, %max3A_373 : vector<16xf32>
      %swap3A_375 = arith.constant 0 : index
      %swap3A_376 = tpu.vector_load %arg22[%swap3A_375] {strides = array<i32>} : memref<16xf32, #tpu.memory_space<vmem>>, vector<16xf32>,
      tpu.vector_store %arg22[%swap3A_375], %add3A_374 {strides = array<i32>} : memref<16xf32, #tpu.memory_space<vmem>>, vector<16xf32>,
      %add3A_377 = arith.constant 2 : i32
      %add3A_378 = arith.addi %mul3A_171, %add3A_377 : i32
      %dma_wait3A_379 = arith.constant 0 : i32
      %dma_wait3A_380 = tpu.memref_slice %arg7[%dma_wait3A_379] : memref<3200xi32, #tpu.memory_space<vmem>> -> memref<128xi32, #tpu.memory_space<vmem>>
      %dma_wait3A_381 = arith.constant 0 : i32
      %dma_wait3A_382 = arith.constant 0 : i32
      %dma_wait3A_383 = tpu.memref_slice %arg2[%dma_wait3A_381, %dma_wait3A_382] : memref<100000x64xi32, #tpu.memory_space<hbm>> -> memref<100000x64xi32, #tpu.memory_space<hbm>>
      tpu.wait_indirect_dma semaphore(%arg25 : memref<!tpu.dma_semaphore, #tpu.memory_space<semaphore_mem>>) src(%dma_wait3A_383 : memref<100000x64xi32, #tpu.memory_space<hbm>>) dst(%arg16 : memref<128x64xi32, #tpu.memory_space<vmem>>)
      %dma_wait3A_384 = arith.constant 0 : i32
      %dma_wait3A_385 = tpu.memref_slice %arg7[%dma_wait3A_384] : memref<3200xi32, #tpu.memory_space<vmem>> -> memref<128xi32, #tpu.memory_space<vmem>>
      %dma_wait3A_386 = arith.constant 0 : i32
      %dma_wait3A_387 = arith.constant 0 : i32
      %dma_wait3A_388 = tpu.memref_slice %arg2[%dma_wait3A_386, %dma_wait3A_387] : memref<100000x64xi32, #tpu.memory_space<hbm>> -> memref<100000x64xi32, #tpu.memory_space<hbm>>
      tpu.wait_indirect_dma semaphore(%arg25 : memref<!tpu.dma_semaphore, #tpu.memory_space<semaphore_mem>>) src(%dma_wait3A_388 : memref<100000x64xi32, #tpu.memory_space<hbm>>) dst(%arg17 : memref<128x64xi32, #tpu.memory_space<vmem>>)
      %dma_wait3A_389 = arith.constant 0 : i32
      %dma_wait3A_390 = tpu.memref_slice %arg7[%dma_wait3A_389] : memref<3200xi32, #tpu.memory_space<vmem>> -> memref<128xi32, #tpu.memory_space<vmem>>
      %dma_wait3A_391 = arith.constant 0 : i32
      %dma_wait3A_392 = arith.constant 0 : i32
      %dma_wait3A_393 = tpu.memref_slice %arg2[%dma_wait3A_391, %dma_wait3A_392] : memref<100000x64xi32, #tpu.memory_space<hbm>> -> memref<100000x64xi32, #tpu.memory_space<hbm>>
      tpu.wait_indirect_dma semaphore(%arg25 : memref<!tpu.dma_semaphore, #tpu.memory_space<semaphore_mem>>) src(%dma_wait3A_393 : memref<100000x64xi32, #tpu.memory_space<hbm>>) dst(%arg18 : memref<128x64xi32, #tpu.memory_space<vmem>>)
      %add3A_394 = arith.constant 3 : i32
      %add3A_395 = arith.addi %add3A_378, %add3A_394 : i32
      %lt3A_396 = arith.constant 25 : i32
      %lt3A_397 = arith.cmpi slt, %add3A_395, %lt3A_396 : i32
      %convert_element_type3A_398 = arith.extui %lt3A_397 : i1 to i32
      %cond3A_399 = arith.constant 0 : i32
      %cond3A_400 = arith.cmpi ne, %convert_element_type3A_398, %cond3A_399 : i32
      scf.if %cond3A_400 {
        %add3A_585 = arith.constant 3 : i32
        %add3A_586 = arith.addi %add3A_378, %add3A_585 : i32
        %mul3A_587 = arith.constant 128 : i32
        %mul3A_588 = arith.muli %add3A_586, %mul3A_587 : i32
        %dma_start3A_589 = tpu.memref_slice %arg7[%mul3A_588] : memref<3200xi32, #tpu.memory_space<vmem>> -> memref<128xi32, #tpu.memory_space<vmem>>
        %dma_start3A_590 = arith.constant 0 : i32
        %dma_start3A_591 = arith.constant 0 : i32
        %dma_start3A_592 = tpu.memref_slice %arg2[%dma_start3A_590, %dma_start3A_591] : memref<100000x64xi32, #tpu.memory_space<hbm>> -> memref<100000x64xi32, #tpu.memory_space<hbm>>
        tpu.enqueue_indirect_dma source(%dma_start3A_592 : memref<100000x64xi32, #tpu.memory_space<hbm>>) target(%arg13 : memref<128x64xi32, #tpu.memory_space<vmem>>) offsets(%dma_start3A_589 : memref<128xi32, #tpu.memory_space<vmem>>) semaphore(%arg24 : memref<!tpu.dma_semaphore, #tpu.memory_space<semaphore_mem>>)
        %dma_start3A_593 = tpu.memref_slice %arg8[%mul3A_588] : memref<3200xi32, #tpu.memory_space<vmem>> -> memref<128xi32, #tpu.memory_space<vmem>>
        %dma_start3A_594 = arith.constant 0 : i32
        %dma_start3A_595 = arith.constant 0 : i32
        %dma_start3A_596 = tpu.memref_slice %arg2[%dma_start3A_594, %dma_start3A_595] : memref<100000x64xi32, #tpu.memory_space<hbm>> -> memref<100000x64xi32, #tpu.memory_space<hbm>>
        tpu.enqueue_indirect_dma source(%dma_start3A_596 : memref<100000x64xi32, #tpu.memory_space<hbm>>) target(%arg14 : memref<128x64xi32, #tpu.memory_space<vmem>>) offsets(%dma_start3A_593 : memref<128xi32, #tpu.memory_space<vmem>>) semaphore(%arg24 : memref<!tpu.dma_semaphore, #tpu.memory_space<semaphore_mem>>)
        %dma_start3A_597 = tpu.memref_slice %arg9[%mul3A_588] : memref<3200xi32, #tpu.memory_space<vmem>> -> memref<128xi32, #tpu.memory_space<vmem>>
        %dma_start3A_598 = arith.constant 0 : i32
        %dma_start3A_599 = arith.constant 0 : i32
        %dma_start3A_600 = tpu.memref_slice %arg2[%dma_start3A_598, %dma_start3A_599] : memref<100000x64xi32, #tpu.memory_space<hbm>> -> memref<100000x64xi32, #tpu.memory_space<hbm>>
        tpu.enqueue_indirect_dma source(%dma_start3A_600 : memref<100000x64xi32, #tpu.memory_space<hbm>>) target(%arg15 : memref<128x64xi32, #tpu.memory_space<vmem>>) offsets(%dma_start3A_597 : memref<128xi32, #tpu.memory_space<vmem>>) semaphore(%arg24 : memref<!tpu.dma_semaphore, #tpu.memory_space<semaphore_mem>>)
      } else {
      }
      %broadcast_in_dim3A_401 = arith.constant 0.000000e+00 : f32
      %broadcast_in_dim3A_402 = vector.broadcast %broadcast_in_dim3A_401 : f32 to vector<16xf32>
      %broadcast_in_dim3A_403 = arith.constant 0.000000e+00 : f32
      %broadcast_in_dim3A_404 = vector.broadcast %broadcast_in_dim3A_403 : f32 to vector<16xf32>
      %broadcast_in_dim3A_405 = arith.constant 0.000000e+00 : f32
      %broadcast_in_dim3A_406 = vector.broadcast %broadcast_in_dim3A_405 : f32 to vector<16xf32>
      %broadcast_in_dim3A_407 = arith.constant 0.000000e+00 : f32
      %broadcast_in_dim3A_408 = vector.broadcast %broadcast_in_dim3A_407 : f32 to vector<16xf32>
      %broadcast_in_dim3A_409 = arith.constant 0.000000e+00 : f32
      %broadcast_in_dim3A_410 = vector.broadcast %broadcast_in_dim3A_409 : f32 to vector<16xf32>
      %broadcast_in_dim3A_411 = arith.constant 0.000000e+00 : f32
      %broadcast_in_dim3A_412 = vector.broadcast %broadcast_in_dim3A_411 : f32 to vector<16xf32>
      %broadcast_in_dim3A_413 = arith.constant 0.000000e+00 : f32
      %broadcast_in_dim3A_414 = vector.broadcast %broadcast_in_dim3A_413 : f32 to vector<16xf32>
      %broadcast_in_dim3A_415 = arith.constant 0.000000e+00 : f32
      %broadcast_in_dim3A_416 = vector.broadcast %broadcast_in_dim3A_415 : f32 to vector<16xf32>
      %parallel_loop3A_417 = arith.constant 0 : i32
      %parallel_loop3A_418 = arith.constant 64 : i32
      %parallel_loop3A_419 = arith.constant 1 : i32
      %parallel_loop3A_420:8 = scf.for %parallel_loop3A_585 = %parallel_loop3A_417 to %parallel_loop3A_418 step %parallel_loop3A_419 iter_args(%parallel_loop3A_586 = %broadcast_in_dim3A_402, %parallel_loop3A_587 = %broadcast_in_dim3A_404, %parallel_loop3A_588 = %broadcast_in_dim3A_406, %parallel_loop3A_589 = %broadcast_in_dim3A_408, %parallel_loop3A_590 = %broadcast_in_dim3A_410, %parallel_loop3A_591 = %broadcast_in_dim3A_412, %parallel_loop3A_592 = %broadcast_in_dim3A_414, %parallel_loop3A_593 = %broadcast_in_dim3A_416) -> (vector<16xf32>, vector<16xf32>, vector<16xf32>, vector<16xf32>, vector<16xf32>, vector<16xf32>, vector<16xf32>, vector<16xf32>)  : i32 {
        %parallel_loop3A_594 = vector.broadcast %parallel_loop3A_585 : i32 to vector<16xi32>
        %parallel_loop3A_595 = arith.addi %parallel_loop3A_594, %iota3A : vector<16xi32>
        %parallel_loop3A_596 = arith.constant 63 : i32
        %parallel_loop3A_597 = vector.broadcast %parallel_loop3A_596 : i32 to vector<16xi32>
        %parallel_loop3A_598 = arith.andi %parallel_loop3A_595, %parallel_loop3A_597 : vector<16xi32>
        %parallel_loop3A_599 = tpu.vector_load_idx %arg16[%add3A_2, %parallel_loop3A_598] : memref<128x64xi32, #tpu.memory_space<vmem>>[vector<16xi32>, vector<16xi32>], vector<16xi32>,
        %parallel_loop3A_600 = vector.bitcast %parallel_loop3A_599 : vector<16xi32> to vector<32xbf16>
        %parallel_loop3A_601 = tpu.unpack_subelements %parallel_loop3A_600, 0 {pack_format = #tpu.pack_format<interleaved>} : vector<32xbf16> -> vector<16xf32>
        %parallel_loop3A_602 = tpu.unpack_subelements %parallel_loop3A_600, 1 {pack_format = #tpu.pack_format<interleaved>} : vector<32xbf16> -> vector<16xf32>
        %parallel_loop3A_603 = tpu.vector_load_idx %arg17[%add3A_2, %parallel_loop3A_598] : memref<128x64xi32, #tpu.memory_space<vmem>>[vector<16xi32>, vector<16xi32>], vector<16xi32>,
        %parallel_loop3A_604 = vector.bitcast %parallel_loop3A_603 : vector<16xi32> to vector<32xbf16>
        %parallel_loop3A_605 = tpu.unpack_subelements %parallel_loop3A_604, 0 {pack_format = #tpu.pack_format<interleaved>} : vector<32xbf16> -> vector<16xf32>
        %parallel_loop3A_606 = tpu.unpack_subelements %parallel_loop3A_604, 1 {pack_format = #tpu.pack_format<interleaved>} : vector<32xbf16> -> vector<16xf32>
        %parallel_loop3A_607 = tpu.vector_load_idx %arg18[%add3A_2, %parallel_loop3A_598] : memref<128x64xi32, #tpu.memory_space<vmem>>[vector<16xi32>, vector<16xi32>], vector<16xi32>,
        %parallel_loop3A_608 = vector.bitcast %parallel_loop3A_607 : vector<16xi32> to vector<32xbf16>
        %parallel_loop3A_609 = tpu.unpack_subelements %parallel_loop3A_608, 0 {pack_format = #tpu.pack_format<interleaved>} : vector<32xbf16> -> vector<16xf32>
        %parallel_loop3A_610 = tpu.unpack_subelements %parallel_loop3A_608, 1 {pack_format = #tpu.pack_format<interleaved>} : vector<32xbf16> -> vector<16xf32>
        %parallel_loop3A_611 = arith.subf %parallel_loop3A_609, %parallel_loop3A_605 : vector<16xf32>
        %parallel_loop3A_612 = arith.mulf %parallel_loop3A_601, %parallel_loop3A_611 : vector<16xf32>
        %parallel_loop3A_613 = arith.addf %parallel_loop3A_586, %parallel_loop3A_612 : vector<16xf32>
        %parallel_loop3A_614 = arith.subf %parallel_loop3A_610, %parallel_loop3A_606 : vector<16xf32>
        %parallel_loop3A_615 = arith.mulf %parallel_loop3A_602, %parallel_loop3A_614 : vector<16xf32>
        %parallel_loop3A_616 = arith.addf %parallel_loop3A_613, %parallel_loop3A_615 : vector<16xf32>
        %parallel_loop3A_617 = tpu.vector_load_idx %arg16[%add3A_5, %parallel_loop3A_598] : memref<128x64xi32, #tpu.memory_space<vmem>>[vector<16xi32>, vector<16xi32>], vector<16xi32>,
        %parallel_loop3A_618 = vector.bitcast %parallel_loop3A_617 : vector<16xi32> to vector<32xbf16>
        %parallel_loop3A_619 = tpu.unpack_subelements %parallel_loop3A_618, 0 {pack_format = #tpu.pack_format<interleaved>} : vector<32xbf16> -> vector<16xf32>
        %parallel_loop3A_620 = tpu.unpack_subelements %parallel_loop3A_618, 1 {pack_format = #tpu.pack_format<interleaved>} : vector<32xbf16> -> vector<16xf32>
        %parallel_loop3A_621 = tpu.vector_load_idx %arg17[%add3A_5, %parallel_loop3A_598] : memref<128x64xi32, #tpu.memory_space<vmem>>[vector<16xi32>, vector<16xi32>], vector<16xi32>,
        %parallel_loop3A_622 = vector.bitcast %parallel_loop3A_621 : vector<16xi32> to vector<32xbf16>
        %parallel_loop3A_623 = tpu.unpack_subelements %parallel_loop3A_622, 0 {pack_format = #tpu.pack_format<interleaved>} : vector<32xbf16> -> vector<16xf32>
        %parallel_loop3A_624 = tpu.unpack_subelements %parallel_loop3A_622, 1 {pack_format = #tpu.pack_format<interleaved>} : vector<32xbf16> -> vector<16xf32>
        %parallel_loop3A_625 = tpu.vector_load_idx %arg18[%add3A_5, %parallel_loop3A_598] : memref<128x64xi32, #tpu.memory_space<vmem>>[vector<16xi32>, vector<16xi32>], vector<16xi32>,
        %parallel_loop3A_626 = vector.bitcast %parallel_loop3A_625 : vector<16xi32> to vector<32xbf16>
        %parallel_loop3A_627 = tpu.unpack_subelements %parallel_loop3A_626, 0 {pack_format = #tpu.pack_format<interleaved>} : vector<32xbf16> -> vector<16xf32>
        %parallel_loop3A_628 = tpu.unpack_subelements %parallel_loop3A_626, 1 {pack_format = #tpu.pack_format<interleaved>} : vector<32xbf16> -> vector<16xf32>
        %parallel_loop3A_629 = arith.subf %parallel_loop3A_627, %parallel_loop3A_623 : vector<16xf32>
        %parallel_loop3A_630 = arith.mulf %parallel_loop3A_619, %parallel_loop3A_629 : vector<16xf32>
        %parallel_loop3A_631 = arith.addf %parallel_loop3A_587, %parallel_loop3A_630 : vector<16xf32>
        %parallel_loop3A_632 = arith.subf %parallel_loop3A_628, %parallel_loop3A_624 : vector<16xf32>
        %parallel_loop3A_633 = arith.mulf %parallel_loop3A_620, %parallel_loop3A_632 : vector<16xf32>
        %parallel_loop3A_634 = arith.addf %parallel_loop3A_631, %parallel_loop3A_633 : vector<16xf32>
        %parallel_loop3A_635 = tpu.vector_load_idx %arg16[%add3A_8, %parallel_loop3A_598] : memref<128x64xi32, #tpu.memory_space<vmem>>[vector<16xi32>, vector<16xi32>], vector<16xi32>,
        %parallel_loop3A_636 = vector.bitcast %parallel_loop3A_635 : vector<16xi32> to vector<32xbf16>
        %parallel_loop3A_637 = tpu.unpack_subelements %parallel_loop3A_636, 0 {pack_format = #tpu.pack_format<interleaved>} : vector<32xbf16> -> vector<16xf32>
        %parallel_loop3A_638 = tpu.unpack_subelements %parallel_loop3A_636, 1 {pack_format = #tpu.pack_format<interleaved>} : vector<32xbf16> -> vector<16xf32>
        %parallel_loop3A_639 = tpu.vector_load_idx %arg17[%add3A_8, %parallel_loop3A_598] : memref<128x64xi32, #tpu.memory_space<vmem>>[vector<16xi32>, vector<16xi32>], vector<16xi32>,
        %parallel_loop3A_640 = vector.bitcast %parallel_loop3A_639 : vector<16xi32> to vector<32xbf16>
        %parallel_loop3A_641 = tpu.unpack_subelements %parallel_loop3A_640, 0 {pack_format = #tpu.pack_format<interleaved>} : vector<32xbf16> -> vector<16xf32>
        %parallel_loop3A_642 = tpu.unpack_subelements %parallel_loop3A_640, 1 {pack_format = #tpu.pack_format<interleaved>} : vector<32xbf16> -> vector<16xf32>
        %parallel_loop3A_643 = tpu.vector_load_idx %arg18[%add3A_8, %parallel_loop3A_598] : memref<128x64xi32, #tpu.memory_space<vmem>>[vector<16xi32>, vector<16xi32>], vector<16xi32>,
        %parallel_loop3A_644 = vector.bitcast %parallel_loop3A_643 : vector<16xi32> to vector<32xbf16>
        %parallel_loop3A_645 = tpu.unpack_subelements %parallel_loop3A_644, 0 {pack_format = #tpu.pack_format<interleaved>} : vector<32xbf16> -> vector<16xf32>
        %parallel_loop3A_646 = tpu.unpack_subelements %parallel_loop3A_644, 1 {pack_format = #tpu.pack_format<interleaved>} : vector<32xbf16> -> vector<16xf32>
        %parallel_loop3A_647 = arith.subf %parallel_loop3A_645, %parallel_loop3A_641 : vector<16xf32>
        %parallel_loop3A_648 = arith.mulf %parallel_loop3A_637, %parallel_loop3A_647 : vector<16xf32>
        %parallel_loop3A_649 = arith.addf %parallel_loop3A_588, %parallel_loop3A_648 : vector<16xf32>
        %parallel_loop3A_650 = arith.subf %parallel_loop3A_646, %parallel_loop3A_642 : vector<16xf32>
        %parallel_loop3A_651 = arith.mulf %parallel_loop3A_638, %parallel_loop3A_650 : vector<16xf32>
        %parallel_loop3A_652 = arith.addf %parallel_loop3A_649, %parallel_loop3A_651 : vector<16xf32>
        %parallel_loop3A_653 = tpu.vector_load_idx %arg16[%add3A_11, %parallel_loop3A_598] : memref<128x64xi32, #tpu.memory_space<vmem>>[vector<16xi32>, vector<16xi32>], vector<16xi32>,
        %parallel_loop3A_654 = vector.bitcast %parallel_loop3A_653 : vector<16xi32> to vector<32xbf16>
        %parallel_loop3A_655 = tpu.unpack_subelements %parallel_loop3A_654, 0 {pack_format = #tpu.pack_format<interleaved>} : vector<32xbf16> -> vector<16xf32>
        %parallel_loop3A_656 = tpu.unpack_subelements %parallel_loop3A_654, 1 {pack_format = #tpu.pack_format<interleaved>} : vector<32xbf16> -> vector<16xf32>
        %parallel_loop3A_657 = tpu.vector_load_idx %arg17[%add3A_11, %parallel_loop3A_598] : memref<128x64xi32, #tpu.memory_space<vmem>>[vector<16xi32>, vector<16xi32>], vector<16xi32>,
        %parallel_loop3A_658 = vector.bitcast %parallel_loop3A_657 : vector<16xi32> to vector<32xbf16>
        %parallel_loop3A_659 = tpu.unpack_subelements %parallel_loop3A_658, 0 {pack_format = #tpu.pack_format<interleaved>} : vector<32xbf16> -> vector<16xf32>
        %parallel_loop3A_660 = tpu.unpack_subelements %parallel_loop3A_658, 1 {pack_format = #tpu.pack_format<interleaved>} : vector<32xbf16> -> vector<16xf32>
        %parallel_loop3A_661 = tpu.vector_load_idx %arg18[%add3A_11, %parallel_loop3A_598] : memref<128x64xi32, #tpu.memory_space<vmem>>[vector<16xi32>, vector<16xi32>], vector<16xi32>,
        %parallel_loop3A_662 = vector.bitcast %parallel_loop3A_661 : vector<16xi32> to vector<32xbf16>
        %parallel_loop3A_663 = tpu.unpack_subelements %parallel_loop3A_662, 0 {pack_format = #tpu.pack_format<interleaved>} : vector<32xbf16> -> vector<16xf32>
        %parallel_loop3A_664 = tpu.unpack_subelements %parallel_loop3A_662, 1 {pack_format = #tpu.pack_format<interleaved>} : vector<32xbf16> -> vector<16xf32>
        %parallel_loop3A_665 = arith.subf %parallel_loop3A_663, %parallel_loop3A_659 : vector<16xf32>
        %parallel_loop3A_666 = arith.mulf %parallel_loop3A_655, %parallel_loop3A_665 : vector<16xf32>
        %parallel_loop3A_667 = arith.addf %parallel_loop3A_589, %parallel_loop3A_666 : vector<16xf32>
        %parallel_loop3A_668 = arith.subf %parallel_loop3A_664, %parallel_loop3A_660 : vector<16xf32>
        %parallel_loop3A_669 = arith.mulf %parallel_loop3A_656, %parallel_loop3A_668 : vector<16xf32>
        %parallel_loop3A_670 = arith.addf %parallel_loop3A_667, %parallel_loop3A_669 : vector<16xf32>
        %parallel_loop3A_671 = tpu.vector_load_idx %arg16[%add3A_14, %parallel_loop3A_598] : memref<128x64xi32, #tpu.memory_space<vmem>>[vector<16xi32>, vector<16xi32>], vector<16xi32>,
        %parallel_loop3A_672 = vector.bitcast %parallel_loop3A_671 : vector<16xi32> to vector<32xbf16>
        %parallel_loop3A_673 = tpu.unpack_subelements %parallel_loop3A_672, 0 {pack_format = #tpu.pack_format<interleaved>} : vector<32xbf16> -> vector<16xf32>
        %parallel_loop3A_674 = tpu.unpack_subelements %parallel_loop3A_672, 1 {pack_format = #tpu.pack_format<interleaved>} : vector<32xbf16> -> vector<16xf32>
        %parallel_loop3A_675 = tpu.vector_load_idx %arg17[%add3A_14, %parallel_loop3A_598] : memref<128x64xi32, #tpu.memory_space<vmem>>[vector<16xi32>, vector<16xi32>], vector<16xi32>,
        %parallel_loop3A_676 = vector.bitcast %parallel_loop3A_675 : vector<16xi32> to vector<32xbf16>
        %parallel_loop3A_677 = tpu.unpack_subelements %parallel_loop3A_676, 0 {pack_format = #tpu.pack_format<interleaved>} : vector<32xbf16> -> vector<16xf32>
        %parallel_loop3A_678 = tpu.unpack_subelements %parallel_loop3A_676, 1 {pack_format = #tpu.pack_format<interleaved>} : vector<32xbf16> -> vector<16xf32>
        %parallel_loop3A_679 = tpu.vector_load_idx %arg18[%add3A_14, %parallel_loop3A_598] : memref<128x64xi32, #tpu.memory_space<vmem>>[vector<16xi32>, vector<16xi32>], vector<16xi32>,
        %parallel_loop3A_680 = vector.bitcast %parallel_loop3A_679 : vector<16xi32> to vector<32xbf16>
        %parallel_loop3A_681 = tpu.unpack_subelements %parallel_loop3A_680, 0 {pack_format = #tpu.pack_format<interleaved>} : vector<32xbf16> -> vector<16xf32>
        %parallel_loop3A_682 = tpu.unpack_subelements %parallel_loop3A_680, 1 {pack_format = #tpu.pack_format<interleaved>} : vector<32xbf16> -> vector<16xf32>
        %parallel_loop3A_683 = arith.subf %parallel_loop3A_681, %parallel_loop3A_677 : vector<16xf32>
        %parallel_loop3A_684 = arith.mulf %parallel_loop3A_673, %parallel_loop3A_683 : vector<16xf32>
        %parallel_loop3A_685 = arith.addf %parallel_loop3A_590, %parallel_loop3A_684 : vector<16xf32>
        %parallel_loop3A_686 = arith.subf %parallel_loop3A_682, %parallel_loop3A_678 : vector<16xf32>
        %parallel_loop3A_687 = arith.mulf %parallel_loop3A_674, %parallel_loop3A_686 : vector<16xf32>
        %parallel_loop3A_688 = arith.addf %parallel_loop3A_685, %parallel_loop3A_687 : vector<16xf32>
        %parallel_loop3A_689 = tpu.vector_load_idx %arg16[%add3A_17, %parallel_loop3A_598] : memref<128x64xi32, #tpu.memory_space<vmem>>[vector<16xi32>, vector<16xi32>], vector<16xi32>,
        %parallel_loop3A_690 = vector.bitcast %parallel_loop3A_689 : vector<16xi32> to vector<32xbf16>
        %parallel_loop3A_691 = tpu.unpack_subelements %parallel_loop3A_690, 0 {pack_format = #tpu.pack_format<interleaved>} : vector<32xbf16> -> vector<16xf32>
        %parallel_loop3A_692 = tpu.unpack_subelements %parallel_loop3A_690, 1 {pack_format = #tpu.pack_format<interleaved>} : vector<32xbf16> -> vector<16xf32>
        %parallel_loop3A_693 = tpu.vector_load_idx %arg17[%add3A_17, %parallel_loop3A_598] : memref<128x64xi32, #tpu.memory_space<vmem>>[vector<16xi32>, vector<16xi32>], vector<16xi32>,
        %parallel_loop3A_694 = vector.bitcast %parallel_loop3A_693 : vector<16xi32> to vector<32xbf16>
        %parallel_loop3A_695 = tpu.unpack_subelements %parallel_loop3A_694, 0 {pack_format = #tpu.pack_format<interleaved>} : vector<32xbf16> -> vector<16xf32>
        %parallel_loop3A_696 = tpu.unpack_subelements %parallel_loop3A_694, 1 {pack_format = #tpu.pack_format<interleaved>} : vector<32xbf16> -> vector<16xf32>
        %parallel_loop3A_697 = tpu.vector_load_idx %arg18[%add3A_17, %parallel_loop3A_598] : memref<128x64xi32, #tpu.memory_space<vmem>>[vector<16xi32>, vector<16xi32>], vector<16xi32>,
        %parallel_loop3A_698 = vector.bitcast %parallel_loop3A_697 : vector<16xi32> to vector<32xbf16>
        %parallel_loop3A_699 = tpu.unpack_subelements %parallel_loop3A_698, 0 {pack_format = #tpu.pack_format<interleaved>} : vector<32xbf16> -> vector<16xf32>
        %parallel_loop3A_700 = tpu.unpack_subelements %parallel_loop3A_698, 1 {pack_format = #tpu.pack_format<interleaved>} : vector<32xbf16> -> vector<16xf32>
        %parallel_loop3A_701 = arith.subf %parallel_loop3A_699, %parallel_loop3A_695 : vector<16xf32>
        %parallel_loop3A_702 = arith.mulf %parallel_loop3A_691, %parallel_loop3A_701 : vector<16xf32>
        %parallel_loop3A_703 = arith.addf %parallel_loop3A_591, %parallel_loop3A_702 : vector<16xf32>
        %parallel_loop3A_704 = arith.subf %parallel_loop3A_700, %parallel_loop3A_696 : vector<16xf32>
        %parallel_loop3A_705 = arith.mulf %parallel_loop3A_692, %parallel_loop3A_704 : vector<16xf32>
        %parallel_loop3A_706 = arith.addf %parallel_loop3A_703, %parallel_loop3A_705 : vector<16xf32>
        %parallel_loop3A_707 = tpu.vector_load_idx %arg16[%add3A_20, %parallel_loop3A_598] : memref<128x64xi32, #tpu.memory_space<vmem>>[vector<16xi32>, vector<16xi32>], vector<16xi32>,
        %parallel_loop3A_708 = vector.bitcast %parallel_loop3A_707 : vector<16xi32> to vector<32xbf16>
        %parallel_loop3A_709 = tpu.unpack_subelements %parallel_loop3A_708, 0 {pack_format = #tpu.pack_format<interleaved>} : vector<32xbf16> -> vector<16xf32>
        %parallel_loop3A_710 = tpu.unpack_subelements %parallel_loop3A_708, 1 {pack_format = #tpu.pack_format<interleaved>} : vector<32xbf16> -> vector<16xf32>
        %parallel_loop3A_711 = tpu.vector_load_idx %arg17[%add3A_20, %parallel_loop3A_598] : memref<128x64xi32, #tpu.memory_space<vmem>>[vector<16xi32>, vector<16xi32>], vector<16xi32>,
        %parallel_loop3A_712 = vector.bitcast %parallel_loop3A_711 : vector<16xi32> to vector<32xbf16>
        %parallel_loop3A_713 = tpu.unpack_subelements %parallel_loop3A_712, 0 {pack_format = #tpu.pack_format<interleaved>} : vector<32xbf16> -> vector<16xf32>
        %parallel_loop3A_714 = tpu.unpack_subelements %parallel_loop3A_712, 1 {pack_format = #tpu.pack_format<interleaved>} : vector<32xbf16> -> vector<16xf32>
        %parallel_loop3A_715 = tpu.vector_load_idx %arg18[%add3A_20, %parallel_loop3A_598] : memref<128x64xi32, #tpu.memory_space<vmem>>[vector<16xi32>, vector<16xi32>], vector<16xi32>,
        %parallel_loop3A_716 = vector.bitcast %parallel_loop3A_715 : vector<16xi32> to vector<32xbf16>
        %parallel_loop3A_717 = tpu.unpack_subelements %parallel_loop3A_716, 0 {pack_format = #tpu.pack_format<interleaved>} : vector<32xbf16> -> vector<16xf32>
        %parallel_loop3A_718 = tpu.unpack_subelements %parallel_loop3A_716, 1 {pack_format = #tpu.pack_format<interleaved>} : vector<32xbf16> -> vector<16xf32>
        %parallel_loop3A_719 = arith.subf %parallel_loop3A_717, %parallel_loop3A_713 : vector<16xf32>
        %parallel_loop3A_720 = arith.mulf %parallel_loop3A_709, %parallel_loop3A_719 : vector<16xf32>
        %parallel_loop3A_721 = arith.addf %parallel_loop3A_592, %parallel_loop3A_720 : vector<16xf32>
        %parallel_loop3A_722 = arith.subf %parallel_loop3A_718, %parallel_loop3A_714 : vector<16xf32>
        %parallel_loop3A_723 = arith.mulf %parallel_loop3A_710, %parallel_loop3A_722 : vector<16xf32>
        %parallel_loop3A_724 = arith.addf %parallel_loop3A_721, %parallel_loop3A_723 : vector<16xf32>
        %parallel_loop3A_725 = tpu.vector_load_idx %arg16[%add3A_23, %parallel_loop3A_598] : memref<128x64xi32, #tpu.memory_space<vmem>>[vector<16xi32>, vector<16xi32>], vector<16xi32>,
        %parallel_loop3A_726 = vector.bitcast %parallel_loop3A_725 : vector<16xi32> to vector<32xbf16>
        %parallel_loop3A_727 = tpu.unpack_subelements %parallel_loop3A_726, 0 {pack_format = #tpu.pack_format<interleaved>} : vector<32xbf16> -> vector<16xf32>
        %parallel_loop3A_728 = tpu.unpack_subelements %parallel_loop3A_726, 1 {pack_format = #tpu.pack_format<interleaved>} : vector<32xbf16> -> vector<16xf32>
        %parallel_loop3A_729 = tpu.vector_load_idx %arg17[%add3A_23, %parallel_loop3A_598] : memref<128x64xi32, #tpu.memory_space<vmem>>[vector<16xi32>, vector<16xi32>], vector<16xi32>,
        %parallel_loop3A_730 = vector.bitcast %parallel_loop3A_729 : vector<16xi32> to vector<32xbf16>
        %parallel_loop3A_731 = tpu.unpack_subelements %parallel_loop3A_730, 0 {pack_format = #tpu.pack_format<interleaved>} : vector<32xbf16> -> vector<16xf32>
        %parallel_loop3A_732 = tpu.unpack_subelements %parallel_loop3A_730, 1 {pack_format = #tpu.pack_format<interleaved>} : vector<32xbf16> -> vector<16xf32>
        %parallel_loop3A_733 = tpu.vector_load_idx %arg18[%add3A_23, %parallel_loop3A_598] : memref<128x64xi32, #tpu.memory_space<vmem>>[vector<16xi32>, vector<16xi32>], vector<16xi32>,
        %parallel_loop3A_734 = vector.bitcast %parallel_loop3A_733 : vector<16xi32> to vector<32xbf16>
        %parallel_loop3A_735 = tpu.unpack_subelements %parallel_loop3A_734, 0 {pack_format = #tpu.pack_format<interleaved>} : vector<32xbf16> -> vector<16xf32>
        %parallel_loop3A_736 = tpu.unpack_subelements %parallel_loop3A_734, 1 {pack_format = #tpu.pack_format<interleaved>} : vector<32xbf16> -> vector<16xf32>
        %parallel_loop3A_737 = arith.subf %parallel_loop3A_735, %parallel_loop3A_731 : vector<16xf32>
        %parallel_loop3A_738 = arith.mulf %parallel_loop3A_727, %parallel_loop3A_737 : vector<16xf32>
        %parallel_loop3A_739 = arith.addf %parallel_loop3A_593, %parallel_loop3A_738 : vector<16xf32>
        %parallel_loop3A_740 = arith.subf %parallel_loop3A_736, %parallel_loop3A_732 : vector<16xf32>
        %parallel_loop3A_741 = arith.mulf %parallel_loop3A_728, %parallel_loop3A_740 : vector<16xf32>
        %parallel_loop3A_742 = arith.addf %parallel_loop3A_739, %parallel_loop3A_741 : vector<16xf32>
        scf.yield %parallel_loop3A_616, %parallel_loop3A_634, %parallel_loop3A_652, %parallel_loop3A_670, %parallel_loop3A_688, %parallel_loop3A_706, %parallel_loop3A_724, %parallel_loop3A_742 : vector<16xf32>, vector<16xf32>, vector<16xf32>, vector<16xf32>, vector<16xf32>, vector<16xf32>, vector<16xf32>, vector<16xf32>
      } {sc.loop_unroll_factor = 4 : i64, sc.parallel_access}
      %get3A_421 = arith.constant 0 : index
      %get3A_422 = tpu.vector_load %arg22[%get3A_421] {strides = array<i32>} : memref<16xf32, #tpu.memory_space<vmem>>, vector<16xf32>,
      %add3A_423 = arith.constant 2.000000e-01 : f32
      %add3A_424 = vector.broadcast %add3A_423 : f32 to vector<16xf32>
      %add3A_425 = arith.addf %parallel_loop3A_420#0, %add3A_424 : vector<16xf32>
      %max3A_426 = arith.constant 0.000000e+00 : f32
      %max3A_427 = vector.broadcast %max3A_426 : f32 to vector<16xf32>
      %max3A_428 = arith.maximumf %add3A_425, %max3A_427 : vector<16xf32>
      %add3A_429 = arith.addf %get3A_422, %max3A_428 : vector<16xf32>
      %add3A_430 = arith.constant 2.000000e-01 : f32
      %add3A_431 = vector.broadcast %add3A_430 : f32 to vector<16xf32>
      %add3A_432 = arith.addf %parallel_loop3A_420#1, %add3A_431 : vector<16xf32>
      %max3A_433 = arith.constant 0.000000e+00 : f32
      %max3A_434 = vector.broadcast %max3A_433 : f32 to vector<16xf32>
      %max3A_435 = arith.maximumf %add3A_432, %max3A_434 : vector<16xf32>
      %add3A_436 = arith.addf %add3A_429, %max3A_435 : vector<16xf32>
      %add3A_437 = arith.constant 2.000000e-01 : f32
      %add3A_438 = vector.broadcast %add3A_437 : f32 to vector<16xf32>
      %add3A_439 = arith.addf %parallel_loop3A_420#2, %add3A_438 : vector<16xf32>
      %max3A_440 = arith.constant 0.000000e+00 : f32
      %max3A_441 = vector.broadcast %max3A_440 : f32 to vector<16xf32>
      %max3A_442 = arith.maximumf %add3A_439, %max3A_441 : vector<16xf32>
      %add3A_443 = arith.addf %add3A_436, %max3A_442 : vector<16xf32>
      %add3A_444 = arith.constant 2.000000e-01 : f32
      %add3A_445 = vector.broadcast %add3A_444 : f32 to vector<16xf32>
      %add3A_446 = arith.addf %parallel_loop3A_420#3, %add3A_445 : vector<16xf32>
      %max3A_447 = arith.constant 0.000000e+00 : f32
      %max3A_448 = vector.broadcast %max3A_447 : f32 to vector<16xf32>
      %max3A_449 = arith.maximumf %add3A_446, %max3A_448 : vector<16xf32>
      %add3A_450 = arith.addf %add3A_443, %max3A_449 : vector<16xf32>
      %add3A_451 = arith.constant 2.000000e-01 : f32
      %add3A_452 = vector.broadcast %add3A_451 : f32 to vector<16xf32>
      %add3A_453 = arith.addf %parallel_loop3A_420#4, %add3A_452 : vector<16xf32>
      %max3A_454 = arith.constant 0.000000e+00 : f32
      %max3A_455 = vector.broadcast %max3A_454 : f32 to vector<16xf32>
      %max3A_456 = arith.maximumf %add3A_453, %max3A_455 : vector<16xf32>
      %add3A_457 = arith.addf %add3A_450, %max3A_456 : vector<16xf32>
      %add3A_458 = arith.constant 2.000000e-01 : f32
      %add3A_459 = vector.broadcast %add3A_458 : f32 to vector<16xf32>
      %add3A_460 = arith.addf %parallel_loop3A_420#5, %add3A_459 : vector<16xf32>
      %max3A_461 = arith.constant 0.000000e+00 : f32
      %max3A_462 = vector.broadcast %max3A_461 : f32 to vector<16xf32>
      %max3A_463 = arith.maximumf %add3A_460, %max3A_462 : vector<16xf32>
      %add3A_464 = arith.addf %add3A_457, %max3A_463 : vector<16xf32>
      %add3A_465 = arith.constant 2.000000e-01 : f32
      %add3A_466 = vector.broadcast %add3A_465 : f32 to vector<16xf32>
      %add3A_467 = arith.addf %parallel_loop3A_420#6, %add3A_466 : vector<16xf32>
      %max3A_468 = arith.constant 0.000000e+00 : f32
      %max3A_469 = vector.broadcast %max3A_468 : f32 to vector<16xf32>
      %max3A_470 = arith.maximumf %add3A_467, %max3A_469 : vector<16xf32>
      %add3A_471 = arith.addf %add3A_464, %max3A_470 : vector<16xf32>
      %add3A_472 = arith.constant 2.000000e-01 : f32
      %add3A_473 = vector.broadcast %add3A_472 : f32 to vector<16xf32>
      %add3A_474 = arith.addf %parallel_loop3A_420#7, %add3A_473 : vector<16xf32>
      %max3A_475 = arith.constant 0.000000e+00 : f32
      %max3A_476 = vector.broadcast %max3A_475 : f32 to vector<16xf32>
      %max3A_477 = arith.maximumf %add3A_474, %max3A_476 : vector<16xf32>
      %add3A_478 = arith.addf %add3A_471, %max3A_477 : vector<16xf32>
      %swap3A_479 = arith.constant 0 : index
      %swap3A_480 = tpu.vector_load %arg22[%swap3A_479] {strides = array<i32>} : memref<16xf32, #tpu.memory_space<vmem>>, vector<16xf32>,
      tpu.vector_store %arg22[%swap3A_479], %add3A_478 {strides = array<i32>} : memref<16xf32, #tpu.memory_space<vmem>>, vector<16xf32>,
      %add3A_481 = arith.constant 3 : i32
      %add3A_482 = arith.addi %mul3A_171, %add3A_481 : i32
      %dma_wait3A_483 = arith.constant 0 : i32
      %dma_wait3A_484 = tpu.memref_slice %arg7[%dma_wait3A_483] : memref<3200xi32, #tpu.memory_space<vmem>> -> memref<128xi32, #tpu.memory_space<vmem>>
      %dma_wait3A_485 = arith.constant 0 : i32
      %dma_wait3A_486 = arith.constant 0 : i32
      %dma_wait3A_487 = tpu.memref_slice %arg2[%dma_wait3A_485, %dma_wait3A_486] : memref<100000x64xi32, #tpu.memory_space<hbm>> -> memref<100000x64xi32, #tpu.memory_space<hbm>>
      tpu.wait_indirect_dma semaphore(%arg26 : memref<!tpu.dma_semaphore, #tpu.memory_space<semaphore_mem>>) src(%dma_wait3A_487 : memref<100000x64xi32, #tpu.memory_space<hbm>>) dst(%arg19 : memref<128x64xi32, #tpu.memory_space<vmem>>)
      %dma_wait3A_488 = arith.constant 0 : i32
      %dma_wait3A_489 = tpu.memref_slice %arg7[%dma_wait3A_488] : memref<3200xi32, #tpu.memory_space<vmem>> -> memref<128xi32, #tpu.memory_space<vmem>>
      %dma_wait3A_490 = arith.constant 0 : i32
      %dma_wait3A_491 = arith.constant 0 : i32
      %dma_wait3A_492 = tpu.memref_slice %arg2[%dma_wait3A_490, %dma_wait3A_491] : memref<100000x64xi32, #tpu.memory_space<hbm>> -> memref<100000x64xi32, #tpu.memory_space<hbm>>
      tpu.wait_indirect_dma semaphore(%arg26 : memref<!tpu.dma_semaphore, #tpu.memory_space<semaphore_mem>>) src(%dma_wait3A_492 : memref<100000x64xi32, #tpu.memory_space<hbm>>) dst(%arg20 : memref<128x64xi32, #tpu.memory_space<vmem>>)
      %dma_wait3A_493 = arith.constant 0 : i32
      %dma_wait3A_494 = tpu.memref_slice %arg7[%dma_wait3A_493] : memref<3200xi32, #tpu.memory_space<vmem>> -> memref<128xi32, #tpu.memory_space<vmem>>
      %dma_wait3A_495 = arith.constant 0 : i32
      %dma_wait3A_496 = arith.constant 0 : i32
      %dma_wait3A_497 = tpu.memref_slice %arg2[%dma_wait3A_495, %dma_wait3A_496] : memref<100000x64xi32, #tpu.memory_space<hbm>> -> memref<100000x64xi32, #tpu.memory_space<hbm>>
      tpu.wait_indirect_dma semaphore(%arg26 : memref<!tpu.dma_semaphore, #tpu.memory_space<semaphore_mem>>) src(%dma_wait3A_497 : memref<100000x64xi32, #tpu.memory_space<hbm>>) dst(%arg21 : memref<128x64xi32, #tpu.memory_space<vmem>>)
      %add3A_498 = arith.constant 3 : i32
      %add3A_499 = arith.addi %add3A_482, %add3A_498 : i32
      %lt3A_500 = arith.constant 25 : i32
      %lt3A_501 = arith.cmpi slt, %add3A_499, %lt3A_500 : i32
      %convert_element_type3A_502 = arith.extui %lt3A_501 : i1 to i32
      %cond3A_503 = arith.constant 0 : i32
      %cond3A_504 = arith.cmpi ne, %convert_element_type3A_502, %cond3A_503 : i32
      scf.if %cond3A_504 {
        %add3A_585 = arith.constant 3 : i32
        %add3A_586 = arith.addi %add3A_482, %add3A_585 : i32
        %mul3A_587 = arith.constant 128 : i32
        %mul3A_588 = arith.muli %add3A_586, %mul3A_587 : i32
        %dma_start3A_589 = tpu.memref_slice %arg7[%mul3A_588] : memref<3200xi32, #tpu.memory_space<vmem>> -> memref<128xi32, #tpu.memory_space<vmem>>
        %dma_start3A_590 = arith.constant 0 : i32
        %dma_start3A_591 = arith.constant 0 : i32
        %dma_start3A_592 = tpu.memref_slice %arg2[%dma_start3A_590, %dma_start3A_591] : memref<100000x64xi32, #tpu.memory_space<hbm>> -> memref<100000x64xi32, #tpu.memory_space<hbm>>
        tpu.enqueue_indirect_dma source(%dma_start3A_592 : memref<100000x64xi32, #tpu.memory_space<hbm>>) target(%arg16 : memref<128x64xi32, #tpu.memory_space<vmem>>) offsets(%dma_start3A_589 : memref<128xi32, #tpu.memory_space<vmem>>) semaphore(%arg25 : memref<!tpu.dma_semaphore, #tpu.memory_space<semaphore_mem>>)
        %dma_start3A_593 = tpu.memref_slice %arg8[%mul3A_588] : memref<3200xi32, #tpu.memory_space<vmem>> -> memref<128xi32, #tpu.memory_space<vmem>>
        %dma_start3A_594 = arith.constant 0 : i32
        %dma_start3A_595 = arith.constant 0 : i32
        %dma_start3A_596 = tpu.memref_slice %arg2[%dma_start3A_594, %dma_start3A_595] : memref<100000x64xi32, #tpu.memory_space<hbm>> -> memref<100000x64xi32, #tpu.memory_space<hbm>>
        tpu.enqueue_indirect_dma source(%dma_start3A_596 : memref<100000x64xi32, #tpu.memory_space<hbm>>) target(%arg17 : memref<128x64xi32, #tpu.memory_space<vmem>>) offsets(%dma_start3A_593 : memref<128xi32, #tpu.memory_space<vmem>>) semaphore(%arg25 : memref<!tpu.dma_semaphore, #tpu.memory_space<semaphore_mem>>)
        %dma_start3A_597 = tpu.memref_slice %arg9[%mul3A_588] : memref<3200xi32, #tpu.memory_space<vmem>> -> memref<128xi32, #tpu.memory_space<vmem>>
        %dma_start3A_598 = arith.constant 0 : i32
        %dma_start3A_599 = arith.constant 0 : i32
        %dma_start3A_600 = tpu.memref_slice %arg2[%dma_start3A_598, %dma_start3A_599] : memref<100000x64xi32, #tpu.memory_space<hbm>> -> memref<100000x64xi32, #tpu.memory_space<hbm>>
        tpu.enqueue_indirect_dma source(%dma_start3A_600 : memref<100000x64xi32, #tpu.memory_space<hbm>>) target(%arg18 : memref<128x64xi32, #tpu.memory_space<vmem>>) offsets(%dma_start3A_597 : memref<128xi32, #tpu.memory_space<vmem>>) semaphore(%arg25 : memref<!tpu.dma_semaphore, #tpu.memory_space<semaphore_mem>>)
      } else {
      }
      %broadcast_in_dim3A_505 = arith.constant 0.000000e+00 : f32
      %broadcast_in_dim3A_506 = vector.broadcast %broadcast_in_dim3A_505 : f32 to vector<16xf32>
      %broadcast_in_dim3A_507 = arith.constant 0.000000e+00 : f32
      %broadcast_in_dim3A_508 = vector.broadcast %broadcast_in_dim3A_507 : f32 to vector<16xf32>
      %broadcast_in_dim3A_509 = arith.constant 0.000000e+00 : f32
      %broadcast_in_dim3A_510 = vector.broadcast %broadcast_in_dim3A_509 : f32 to vector<16xf32>
      %broadcast_in_dim3A_511 = arith.constant 0.000000e+00 : f32
      %broadcast_in_dim3A_512 = vector.broadcast %broadcast_in_dim3A_511 : f32 to vector<16xf32>
      %broadcast_in_dim3A_513 = arith.constant 0.000000e+00 : f32
      %broadcast_in_dim3A_514 = vector.broadcast %broadcast_in_dim3A_513 : f32 to vector<16xf32>
      %broadcast_in_dim3A_515 = arith.constant 0.000000e+00 : f32
      %broadcast_in_dim3A_516 = vector.broadcast %broadcast_in_dim3A_515 : f32 to vector<16xf32>
      %broadcast_in_dim3A_517 = arith.constant 0.000000e+00 : f32
      %broadcast_in_dim3A_518 = vector.broadcast %broadcast_in_dim3A_517 : f32 to vector<16xf32>
      %broadcast_in_dim3A_519 = arith.constant 0.000000e+00 : f32
      %broadcast_in_dim3A_520 = vector.broadcast %broadcast_in_dim3A_519 : f32 to vector<16xf32>
      %parallel_loop3A_521 = arith.constant 0 : i32
      %parallel_loop3A_522 = arith.constant 64 : i32
      %parallel_loop3A_523 = arith.constant 1 : i32
      %parallel_loop3A_524:8 = scf.for %parallel_loop3A_585 = %parallel_loop3A_521 to %parallel_loop3A_522 step %parallel_loop3A_523 iter_args(%parallel_loop3A_586 = %broadcast_in_dim3A_506, %parallel_loop3A_587 = %broadcast_in_dim3A_508, %parallel_loop3A_588 = %broadcast_in_dim3A_510, %parallel_loop3A_589 = %broadcast_in_dim3A_512, %parallel_loop3A_590 = %broadcast_in_dim3A_514, %parallel_loop3A_591 = %broadcast_in_dim3A_516, %parallel_loop3A_592 = %broadcast_in_dim3A_518, %parallel_loop3A_593 = %broadcast_in_dim3A_520) -> (vector<16xf32>, vector<16xf32>, vector<16xf32>, vector<16xf32>, vector<16xf32>, vector<16xf32>, vector<16xf32>, vector<16xf32>)  : i32 {
        %parallel_loop3A_594 = vector.broadcast %parallel_loop3A_585 : i32 to vector<16xi32>
        %parallel_loop3A_595 = arith.addi %parallel_loop3A_594, %iota3A : vector<16xi32>
        %parallel_loop3A_596 = arith.constant 63 : i32
        %parallel_loop3A_597 = vector.broadcast %parallel_loop3A_596 : i32 to vector<16xi32>
        %parallel_loop3A_598 = arith.andi %parallel_loop3A_595, %parallel_loop3A_597 : vector<16xi32>
        %parallel_loop3A_599 = tpu.vector_load_idx %arg19[%add3A_2, %parallel_loop3A_598] : memref<128x64xi32, #tpu.memory_space<vmem>>[vector<16xi32>, vector<16xi32>], vector<16xi32>,
        %parallel_loop3A_600 = vector.bitcast %parallel_loop3A_599 : vector<16xi32> to vector<32xbf16>
        %parallel_loop3A_601 = tpu.unpack_subelements %parallel_loop3A_600, 0 {pack_format = #tpu.pack_format<interleaved>} : vector<32xbf16> -> vector<16xf32>
        %parallel_loop3A_602 = tpu.unpack_subelements %parallel_loop3A_600, 1 {pack_format = #tpu.pack_format<interleaved>} : vector<32xbf16> -> vector<16xf32>
        %parallel_loop3A_603 = tpu.vector_load_idx %arg20[%add3A_2, %parallel_loop3A_598] : memref<128x64xi32, #tpu.memory_space<vmem>>[vector<16xi32>, vector<16xi32>], vector<16xi32>,
        %parallel_loop3A_604 = vector.bitcast %parallel_loop3A_603 : vector<16xi32> to vector<32xbf16>
        %parallel_loop3A_605 = tpu.unpack_subelements %parallel_loop3A_604, 0 {pack_format = #tpu.pack_format<interleaved>} : vector<32xbf16> -> vector<16xf32>
        %parallel_loop3A_606 = tpu.unpack_subelements %parallel_loop3A_604, 1 {pack_format = #tpu.pack_format<interleaved>} : vector<32xbf16> -> vector<16xf32>
        %parallel_loop3A_607 = tpu.vector_load_idx %arg21[%add3A_2, %parallel_loop3A_598] : memref<128x64xi32, #tpu.memory_space<vmem>>[vector<16xi32>, vector<16xi32>], vector<16xi32>,
        %parallel_loop3A_608 = vector.bitcast %parallel_loop3A_607 : vector<16xi32> to vector<32xbf16>
        %parallel_loop3A_609 = tpu.unpack_subelements %parallel_loop3A_608, 0 {pack_format = #tpu.pack_format<interleaved>} : vector<32xbf16> -> vector<16xf32>
        %parallel_loop3A_610 = tpu.unpack_subelements %parallel_loop3A_608, 1 {pack_format = #tpu.pack_format<interleaved>} : vector<32xbf16> -> vector<16xf32>
        %parallel_loop3A_611 = arith.subf %parallel_loop3A_609, %parallel_loop3A_605 : vector<16xf32>
        %parallel_loop3A_612 = arith.mulf %parallel_loop3A_601, %parallel_loop3A_611 : vector<16xf32>
        %parallel_loop3A_613 = arith.addf %parallel_loop3A_586, %parallel_loop3A_612 : vector<16xf32>
        %parallel_loop3A_614 = arith.subf %parallel_loop3A_610, %parallel_loop3A_606 : vector<16xf32>
        %parallel_loop3A_615 = arith.mulf %parallel_loop3A_602, %parallel_loop3A_614 : vector<16xf32>
        %parallel_loop3A_616 = arith.addf %parallel_loop3A_613, %parallel_loop3A_615 : vector<16xf32>
        %parallel_loop3A_617 = tpu.vector_load_idx %arg19[%add3A_5, %parallel_loop3A_598] : memref<128x64xi32, #tpu.memory_space<vmem>>[vector<16xi32>, vector<16xi32>], vector<16xi32>,
        %parallel_loop3A_618 = vector.bitcast %parallel_loop3A_617 : vector<16xi32> to vector<32xbf16>
        %parallel_loop3A_619 = tpu.unpack_subelements %parallel_loop3A_618, 0 {pack_format = #tpu.pack_format<interleaved>} : vector<32xbf16> -> vector<16xf32>
        %parallel_loop3A_620 = tpu.unpack_subelements %parallel_loop3A_618, 1 {pack_format = #tpu.pack_format<interleaved>} : vector<32xbf16> -> vector<16xf32>
        %parallel_loop3A_621 = tpu.vector_load_idx %arg20[%add3A_5, %parallel_loop3A_598] : memref<128x64xi32, #tpu.memory_space<vmem>>[vector<16xi32>, vector<16xi32>], vector<16xi32>,
        %parallel_loop3A_622 = vector.bitcast %parallel_loop3A_621 : vector<16xi32> to vector<32xbf16>
        %parallel_loop3A_623 = tpu.unpack_subelements %parallel_loop3A_622, 0 {pack_format = #tpu.pack_format<interleaved>} : vector<32xbf16> -> vector<16xf32>
        %parallel_loop3A_624 = tpu.unpack_subelements %parallel_loop3A_622, 1 {pack_format = #tpu.pack_format<interleaved>} : vector<32xbf16> -> vector<16xf32>
        %parallel_loop3A_625 = tpu.vector_load_idx %arg21[%add3A_5, %parallel_loop3A_598] : memref<128x64xi32, #tpu.memory_space<vmem>>[vector<16xi32>, vector<16xi32>], vector<16xi32>,
        %parallel_loop3A_626 = vector.bitcast %parallel_loop3A_625 : vector<16xi32> to vector<32xbf16>
        %parallel_loop3A_627 = tpu.unpack_subelements %parallel_loop3A_626, 0 {pack_format = #tpu.pack_format<interleaved>} : vector<32xbf16> -> vector<16xf32>
        %parallel_loop3A_628 = tpu.unpack_subelements %parallel_loop3A_626, 1 {pack_format = #tpu.pack_format<interleaved>} : vector<32xbf16> -> vector<16xf32>
        %parallel_loop3A_629 = arith.subf %parallel_loop3A_627, %parallel_loop3A_623 : vector<16xf32>
        %parallel_loop3A_630 = arith.mulf %parallel_loop3A_619, %parallel_loop3A_629 : vector<16xf32>
        %parallel_loop3A_631 = arith.addf %parallel_loop3A_587, %parallel_loop3A_630 : vector<16xf32>
        %parallel_loop3A_632 = arith.subf %parallel_loop3A_628, %parallel_loop3A_624 : vector<16xf32>
        %parallel_loop3A_633 = arith.mulf %parallel_loop3A_620, %parallel_loop3A_632 : vector<16xf32>
        %parallel_loop3A_634 = arith.addf %parallel_loop3A_631, %parallel_loop3A_633 : vector<16xf32>
        %parallel_loop3A_635 = tpu.vector_load_idx %arg19[%add3A_8, %parallel_loop3A_598] : memref<128x64xi32, #tpu.memory_space<vmem>>[vector<16xi32>, vector<16xi32>], vector<16xi32>,
        %parallel_loop3A_636 = vector.bitcast %parallel_loop3A_635 : vector<16xi32> to vector<32xbf16>
        %parallel_loop3A_637 = tpu.unpack_subelements %parallel_loop3A_636, 0 {pack_format = #tpu.pack_format<interleaved>} : vector<32xbf16> -> vector<16xf32>
        %parallel_loop3A_638 = tpu.unpack_subelements %parallel_loop3A_636, 1 {pack_format = #tpu.pack_format<interleaved>} : vector<32xbf16> -> vector<16xf32>
        %parallel_loop3A_639 = tpu.vector_load_idx %arg20[%add3A_8, %parallel_loop3A_598] : memref<128x64xi32, #tpu.memory_space<vmem>>[vector<16xi32>, vector<16xi32>], vector<16xi32>,
        %parallel_loop3A_640 = vector.bitcast %parallel_loop3A_639 : vector<16xi32> to vector<32xbf16>
        %parallel_loop3A_641 = tpu.unpack_subelements %parallel_loop3A_640, 0 {pack_format = #tpu.pack_format<interleaved>} : vector<32xbf16> -> vector<16xf32>
        %parallel_loop3A_642 = tpu.unpack_subelements %parallel_loop3A_640, 1 {pack_format = #tpu.pack_format<interleaved>} : vector<32xbf16> -> vector<16xf32>
        %parallel_loop3A_643 = tpu.vector_load_idx %arg21[%add3A_8, %parallel_loop3A_598] : memref<128x64xi32, #tpu.memory_space<vmem>>[vector<16xi32>, vector<16xi32>], vector<16xi32>,
        %parallel_loop3A_644 = vector.bitcast %parallel_loop3A_643 : vector<16xi32> to vector<32xbf16>
        %parallel_loop3A_645 = tpu.unpack_subelements %parallel_loop3A_644, 0 {pack_format = #tpu.pack_format<interleaved>} : vector<32xbf16> -> vector<16xf32>
        %parallel_loop3A_646 = tpu.unpack_subelements %parallel_loop3A_644, 1 {pack_format = #tpu.pack_format<interleaved>} : vector<32xbf16> -> vector<16xf32>
        %parallel_loop3A_647 = arith.subf %parallel_loop3A_645, %parallel_loop3A_641 : vector<16xf32>
        %parallel_loop3A_648 = arith.mulf %parallel_loop3A_637, %parallel_loop3A_647 : vector<16xf32>
        %parallel_loop3A_649 = arith.addf %parallel_loop3A_588, %parallel_loop3A_648 : vector<16xf32>
        %parallel_loop3A_650 = arith.subf %parallel_loop3A_646, %parallel_loop3A_642 : vector<16xf32>
        %parallel_loop3A_651 = arith.mulf %parallel_loop3A_638, %parallel_loop3A_650 : vector<16xf32>
        %parallel_loop3A_652 = arith.addf %parallel_loop3A_649, %parallel_loop3A_651 : vector<16xf32>
        %parallel_loop3A_653 = tpu.vector_load_idx %arg19[%add3A_11, %parallel_loop3A_598] : memref<128x64xi32, #tpu.memory_space<vmem>>[vector<16xi32>, vector<16xi32>], vector<16xi32>,
        %parallel_loop3A_654 = vector.bitcast %parallel_loop3A_653 : vector<16xi32> to vector<32xbf16>
        %parallel_loop3A_655 = tpu.unpack_subelements %parallel_loop3A_654, 0 {pack_format = #tpu.pack_format<interleaved>} : vector<32xbf16> -> vector<16xf32>
        %parallel_loop3A_656 = tpu.unpack_subelements %parallel_loop3A_654, 1 {pack_format = #tpu.pack_format<interleaved>} : vector<32xbf16> -> vector<16xf32>
        %parallel_loop3A_657 = tpu.vector_load_idx %arg20[%add3A_11, %parallel_loop3A_598] : memref<128x64xi32, #tpu.memory_space<vmem>>[vector<16xi32>, vector<16xi32>], vector<16xi32>,
        %parallel_loop3A_658 = vector.bitcast %parallel_loop3A_657 : vector<16xi32> to vector<32xbf16>
        %parallel_loop3A_659 = tpu.unpack_subelements %parallel_loop3A_658, 0 {pack_format = #tpu.pack_format<interleaved>} : vector<32xbf16> -> vector<16xf32>
        %parallel_loop3A_660 = tpu.unpack_subelements %parallel_loop3A_658, 1 {pack_format = #tpu.pack_format<interleaved>} : vector<32xbf16> -> vector<16xf32>
        %parallel_loop3A_661 = tpu.vector_load_idx %arg21[%add3A_11, %parallel_loop3A_598] : memref<128x64xi32, #tpu.memory_space<vmem>>[vector<16xi32>, vector<16xi32>], vector<16xi32>,
        %parallel_loop3A_662 = vector.bitcast %parallel_loop3A_661 : vector<16xi32> to vector<32xbf16>
        %parallel_loop3A_663 = tpu.unpack_subelements %parallel_loop3A_662, 0 {pack_format = #tpu.pack_format<interleaved>} : vector<32xbf16> -> vector<16xf32>
        %parallel_loop3A_664 = tpu.unpack_subelements %parallel_loop3A_662, 1 {pack_format = #tpu.pack_format<interleaved>} : vector<32xbf16> -> vector<16xf32>
        %parallel_loop3A_665 = arith.subf %parallel_loop3A_663, %parallel_loop3A_659 : vector<16xf32>
        %parallel_loop3A_666 = arith.mulf %parallel_loop3A_655, %parallel_loop3A_665 : vector<16xf32>
        %parallel_loop3A_667 = arith.addf %parallel_loop3A_589, %parallel_loop3A_666 : vector<16xf32>
        %parallel_loop3A_668 = arith.subf %parallel_loop3A_664, %parallel_loop3A_660 : vector<16xf32>
        %parallel_loop3A_669 = arith.mulf %parallel_loop3A_656, %parallel_loop3A_668 : vector<16xf32>
        %parallel_loop3A_670 = arith.addf %parallel_loop3A_667, %parallel_loop3A_669 : vector<16xf32>
        %parallel_loop3A_671 = tpu.vector_load_idx %arg19[%add3A_14, %parallel_loop3A_598] : memref<128x64xi32, #tpu.memory_space<vmem>>[vector<16xi32>, vector<16xi32>], vector<16xi32>,
        %parallel_loop3A_672 = vector.bitcast %parallel_loop3A_671 : vector<16xi32> to vector<32xbf16>
        %parallel_loop3A_673 = tpu.unpack_subelements %parallel_loop3A_672, 0 {pack_format = #tpu.pack_format<interleaved>} : vector<32xbf16> -> vector<16xf32>
        %parallel_loop3A_674 = tpu.unpack_subelements %parallel_loop3A_672, 1 {pack_format = #tpu.pack_format<interleaved>} : vector<32xbf16> -> vector<16xf32>
        %parallel_loop3A_675 = tpu.vector_load_idx %arg20[%add3A_14, %parallel_loop3A_598] : memref<128x64xi32, #tpu.memory_space<vmem>>[vector<16xi32>, vector<16xi32>], vector<16xi32>,
        %parallel_loop3A_676 = vector.bitcast %parallel_loop3A_675 : vector<16xi32> to vector<32xbf16>
        %parallel_loop3A_677 = tpu.unpack_subelements %parallel_loop3A_676, 0 {pack_format = #tpu.pack_format<interleaved>} : vector<32xbf16> -> vector<16xf32>
        %parallel_loop3A_678 = tpu.unpack_subelements %parallel_loop3A_676, 1 {pack_format = #tpu.pack_format<interleaved>} : vector<32xbf16> -> vector<16xf32>
        %parallel_loop3A_679 = tpu.vector_load_idx %arg21[%add3A_14, %parallel_loop3A_598] : memref<128x64xi32, #tpu.memory_space<vmem>>[vector<16xi32>, vector<16xi32>], vector<16xi32>,
        %parallel_loop3A_680 = vector.bitcast %parallel_loop3A_679 : vector<16xi32> to vector<32xbf16>
        %parallel_loop3A_681 = tpu.unpack_subelements %parallel_loop3A_680, 0 {pack_format = #tpu.pack_format<interleaved>} : vector<32xbf16> -> vector<16xf32>
        %parallel_loop3A_682 = tpu.unpack_subelements %parallel_loop3A_680, 1 {pack_format = #tpu.pack_format<interleaved>} : vector<32xbf16> -> vector<16xf32>
        %parallel_loop3A_683 = arith.subf %parallel_loop3A_681, %parallel_loop3A_677 : vector<16xf32>
        %parallel_loop3A_684 = arith.mulf %parallel_loop3A_673, %parallel_loop3A_683 : vector<16xf32>
        %parallel_loop3A_685 = arith.addf %parallel_loop3A_590, %parallel_loop3A_684 : vector<16xf32>
        %parallel_loop3A_686 = arith.subf %parallel_loop3A_682, %parallel_loop3A_678 : vector<16xf32>
        %parallel_loop3A_687 = arith.mulf %parallel_loop3A_674, %parallel_loop3A_686 : vector<16xf32>
        %parallel_loop3A_688 = arith.addf %parallel_loop3A_685, %parallel_loop3A_687 : vector<16xf32>
        %parallel_loop3A_689 = tpu.vector_load_idx %arg19[%add3A_17, %parallel_loop3A_598] : memref<128x64xi32, #tpu.memory_space<vmem>>[vector<16xi32>, vector<16xi32>], vector<16xi32>,
        %parallel_loop3A_690 = vector.bitcast %parallel_loop3A_689 : vector<16xi32> to vector<32xbf16>
        %parallel_loop3A_691 = tpu.unpack_subelements %parallel_loop3A_690, 0 {pack_format = #tpu.pack_format<interleaved>} : vector<32xbf16> -> vector<16xf32>
        %parallel_loop3A_692 = tpu.unpack_subelements %parallel_loop3A_690, 1 {pack_format = #tpu.pack_format<interleaved>} : vector<32xbf16> -> vector<16xf32>
        %parallel_loop3A_693 = tpu.vector_load_idx %arg20[%add3A_17, %parallel_loop3A_598] : memref<128x64xi32, #tpu.memory_space<vmem>>[vector<16xi32>, vector<16xi32>], vector<16xi32>,
        %parallel_loop3A_694 = vector.bitcast %parallel_loop3A_693 : vector<16xi32> to vector<32xbf16>
        %parallel_loop3A_695 = tpu.unpack_subelements %parallel_loop3A_694, 0 {pack_format = #tpu.pack_format<interleaved>} : vector<32xbf16> -> vector<16xf32>
        %parallel_loop3A_696 = tpu.unpack_subelements %parallel_loop3A_694, 1 {pack_format = #tpu.pack_format<interleaved>} : vector<32xbf16> -> vector<16xf32>
        %parallel_loop3A_697 = tpu.vector_load_idx %arg21[%add3A_17, %parallel_loop3A_598] : memref<128x64xi32, #tpu.memory_space<vmem>>[vector<16xi32>, vector<16xi32>], vector<16xi32>,
        %parallel_loop3A_698 = vector.bitcast %parallel_loop3A_697 : vector<16xi32> to vector<32xbf16>
        %parallel_loop3A_699 = tpu.unpack_subelements %parallel_loop3A_698, 0 {pack_format = #tpu.pack_format<interleaved>} : vector<32xbf16> -> vector<16xf32>
        %parallel_loop3A_700 = tpu.unpack_subelements %parallel_loop3A_698, 1 {pack_format = #tpu.pack_format<interleaved>} : vector<32xbf16> -> vector<16xf32>
        %parallel_loop3A_701 = arith.subf %parallel_loop3A_699, %parallel_loop3A_695 : vector<16xf32>
        %parallel_loop3A_702 = arith.mulf %parallel_loop3A_691, %parallel_loop3A_701 : vector<16xf32>
        %parallel_loop3A_703 = arith.addf %parallel_loop3A_591, %parallel_loop3A_702 : vector<16xf32>
        %parallel_loop3A_704 = arith.subf %parallel_loop3A_700, %parallel_loop3A_696 : vector<16xf32>
        %parallel_loop3A_705 = arith.mulf %parallel_loop3A_692, %parallel_loop3A_704 : vector<16xf32>
        %parallel_loop3A_706 = arith.addf %parallel_loop3A_703, %parallel_loop3A_705 : vector<16xf32>
        %parallel_loop3A_707 = tpu.vector_load_idx %arg19[%add3A_20, %parallel_loop3A_598] : memref<128x64xi32, #tpu.memory_space<vmem>>[vector<16xi32>, vector<16xi32>], vector<16xi32>,
        %parallel_loop3A_708 = vector.bitcast %parallel_loop3A_707 : vector<16xi32> to vector<32xbf16>
        %parallel_loop3A_709 = tpu.unpack_subelements %parallel_loop3A_708, 0 {pack_format = #tpu.pack_format<interleaved>} : vector<32xbf16> -> vector<16xf32>
        %parallel_loop3A_710 = tpu.unpack_subelements %parallel_loop3A_708, 1 {pack_format = #tpu.pack_format<interleaved>} : vector<32xbf16> -> vector<16xf32>
        %parallel_loop3A_711 = tpu.vector_load_idx %arg20[%add3A_20, %parallel_loop3A_598] : memref<128x64xi32, #tpu.memory_space<vmem>>[vector<16xi32>, vector<16xi32>], vector<16xi32>,
        %parallel_loop3A_712 = vector.bitcast %parallel_loop3A_711 : vector<16xi32> to vector<32xbf16>
        %parallel_loop3A_713 = tpu.unpack_subelements %parallel_loop3A_712, 0 {pack_format = #tpu.pack_format<interleaved>} : vector<32xbf16> -> vector<16xf32>
        %parallel_loop3A_714 = tpu.unpack_subelements %parallel_loop3A_712, 1 {pack_format = #tpu.pack_format<interleaved>} : vector<32xbf16> -> vector<16xf32>
        %parallel_loop3A_715 = tpu.vector_load_idx %arg21[%add3A_20, %parallel_loop3A_598] : memref<128x64xi32, #tpu.memory_space<vmem>>[vector<16xi32>, vector<16xi32>], vector<16xi32>,
        %parallel_loop3A_716 = vector.bitcast %parallel_loop3A_715 : vector<16xi32> to vector<32xbf16>
        %parallel_loop3A_717 = tpu.unpack_subelements %parallel_loop3A_716, 0 {pack_format = #tpu.pack_format<interleaved>} : vector<32xbf16> -> vector<16xf32>
        %parallel_loop3A_718 = tpu.unpack_subelements %parallel_loop3A_716, 1 {pack_format = #tpu.pack_format<interleaved>} : vector<32xbf16> -> vector<16xf32>
        %parallel_loop3A_719 = arith.subf %parallel_loop3A_717, %parallel_loop3A_713 : vector<16xf32>
        %parallel_loop3A_720 = arith.mulf %parallel_loop3A_709, %parallel_loop3A_719 : vector<16xf32>
        %parallel_loop3A_721 = arith.addf %parallel_loop3A_592, %parallel_loop3A_720 : vector<16xf32>
        %parallel_loop3A_722 = arith.subf %parallel_loop3A_718, %parallel_loop3A_714 : vector<16xf32>
        %parallel_loop3A_723 = arith.mulf %parallel_loop3A_710, %parallel_loop3A_722 : vector<16xf32>
        %parallel_loop3A_724 = arith.addf %parallel_loop3A_721, %parallel_loop3A_723 : vector<16xf32>
        %parallel_loop3A_725 = tpu.vector_load_idx %arg19[%add3A_23, %parallel_loop3A_598] : memref<128x64xi32, #tpu.memory_space<vmem>>[vector<16xi32>, vector<16xi32>], vector<16xi32>,
        %parallel_loop3A_726 = vector.bitcast %parallel_loop3A_725 : vector<16xi32> to vector<32xbf16>
        %parallel_loop3A_727 = tpu.unpack_subelements %parallel_loop3A_726, 0 {pack_format = #tpu.pack_format<interleaved>} : vector<32xbf16> -> vector<16xf32>
        %parallel_loop3A_728 = tpu.unpack_subelements %parallel_loop3A_726, 1 {pack_format = #tpu.pack_format<interleaved>} : vector<32xbf16> -> vector<16xf32>
        %parallel_loop3A_729 = tpu.vector_load_idx %arg20[%add3A_23, %parallel_loop3A_598] : memref<128x64xi32, #tpu.memory_space<vmem>>[vector<16xi32>, vector<16xi32>], vector<16xi32>,
        %parallel_loop3A_730 = vector.bitcast %parallel_loop3A_729 : vector<16xi32> to vector<32xbf16>
        %parallel_loop3A_731 = tpu.unpack_subelements %parallel_loop3A_730, 0 {pack_format = #tpu.pack_format<interleaved>} : vector<32xbf16> -> vector<16xf32>
        %parallel_loop3A_732 = tpu.unpack_subelements %parallel_loop3A_730, 1 {pack_format = #tpu.pack_format<interleaved>} : vector<32xbf16> -> vector<16xf32>
        %parallel_loop3A_733 = tpu.vector_load_idx %arg21[%add3A_23, %parallel_loop3A_598] : memref<128x64xi32, #tpu.memory_space<vmem>>[vector<16xi32>, vector<16xi32>], vector<16xi32>,
        %parallel_loop3A_734 = vector.bitcast %parallel_loop3A_733 : vector<16xi32> to vector<32xbf16>
        %parallel_loop3A_735 = tpu.unpack_subelements %parallel_loop3A_734, 0 {pack_format = #tpu.pack_format<interleaved>} : vector<32xbf16> -> vector<16xf32>
        %parallel_loop3A_736 = tpu.unpack_subelements %parallel_loop3A_734, 1 {pack_format = #tpu.pack_format<interleaved>} : vector<32xbf16> -> vector<16xf32>
        %parallel_loop3A_737 = arith.subf %parallel_loop3A_735, %parallel_loop3A_731 : vector<16xf32>
        %parallel_loop3A_738 = arith.mulf %parallel_loop3A_727, %parallel_loop3A_737 : vector<16xf32>
        %parallel_loop3A_739 = arith.addf %parallel_loop3A_593, %parallel_loop3A_738 : vector<16xf32>
        %parallel_loop3A_740 = arith.subf %parallel_loop3A_736, %parallel_loop3A_732 : vector<16xf32>
        %parallel_loop3A_741 = arith.mulf %parallel_loop3A_728, %parallel_loop3A_740 : vector<16xf32>
        %parallel_loop3A_742 = arith.addf %parallel_loop3A_739, %parallel_loop3A_741 : vector<16xf32>
        scf.yield %parallel_loop3A_616, %parallel_loop3A_634, %parallel_loop3A_652, %parallel_loop3A_670, %parallel_loop3A_688, %parallel_loop3A_706, %parallel_loop3A_724, %parallel_loop3A_742 : vector<16xf32>, vector<16xf32>, vector<16xf32>, vector<16xf32>, vector<16xf32>, vector<16xf32>, vector<16xf32>, vector<16xf32>
      } {sc.loop_unroll_factor = 4 : i64, sc.parallel_access}
      %get3A_525 = arith.constant 0 : index
      %get3A_526 = tpu.vector_load %arg22[%get3A_525] {strides = array<i32>} : memref<16xf32, #tpu.memory_space<vmem>>, vector<16xf32>,
      %add3A_527 = arith.constant 2.000000e-01 : f32
      %add3A_528 = vector.broadcast %add3A_527 : f32 to vector<16xf32>
      %add3A_529 = arith.addf %parallel_loop3A_524#0, %add3A_528 : vector<16xf32>
      %max3A_530 = arith.constant 0.000000e+00 : f32
      %max3A_531 = vector.broadcast %max3A_530 : f32 to vector<16xf32>
      %max3A_532 = arith.maximumf %add3A_529, %max3A_531 : vector<16xf32>
      %add3A_533 = arith.addf %get3A_526, %max3A_532 : vector<16xf32>
      %add3A_534 = arith.constant 2.000000e-01 : f32
      %add3A_535 = vector.broadcast %add3A_534 : f32 to vector<16xf32>
      %add3A_536 = arith.addf %parallel_loop3A_524#1, %add3A_535 : vector<16xf32>
      %max3A_537 = arith.constant 0.000000e+00 : f32
      %max3A_538 = vector.broadcast %max3A_537 : f32 to vector<16xf32>
      %max3A_539 = arith.maximumf %add3A_536, %max3A_538 : vector<16xf32>
      %add3A_540 = arith.addf %add3A_533, %max3A_539 : vector<16xf32>
      %add3A_541 = arith.constant 2.000000e-01 : f32
      %add3A_542 = vector.broadcast %add3A_541 : f32 to vector<16xf32>
      %add3A_543 = arith.addf %parallel_loop3A_524#2, %add3A_542 : vector<16xf32>
      %max3A_544 = arith.constant 0.000000e+00 : f32
      %max3A_545 = vector.broadcast %max3A_544 : f32 to vector<16xf32>
      %max3A_546 = arith.maximumf %add3A_543, %max3A_545 : vector<16xf32>
      %add3A_547 = arith.addf %add3A_540, %max3A_546 : vector<16xf32>
      %add3A_548 = arith.constant 2.000000e-01 : f32
      %add3A_549 = vector.broadcast %add3A_548 : f32 to vector<16xf32>
      %add3A_550 = arith.addf %parallel_loop3A_524#3, %add3A_549 : vector<16xf32>
      %max3A_551 = arith.constant 0.000000e+00 : f32
      %max3A_552 = vector.broadcast %max3A_551 : f32 to vector<16xf32>
      %max3A_553 = arith.maximumf %add3A_550, %max3A_552 : vector<16xf32>
      %add3A_554 = arith.addf %add3A_547, %max3A_553 : vector<16xf32>
      %add3A_555 = arith.constant 2.000000e-01 : f32
      %add3A_556 = vector.broadcast %add3A_555 : f32 to vector<16xf32>
      %add3A_557 = arith.addf %parallel_loop3A_524#4, %add3A_556 : vector<16xf32>
      %max3A_558 = arith.constant 0.000000e+00 : f32
      %max3A_559 = vector.broadcast %max3A_558 : f32 to vector<16xf32>
      %max3A_560 = arith.maximumf %add3A_557, %max3A_559 : vector<16xf32>
      %add3A_561 = arith.addf %add3A_554, %max3A_560 : vector<16xf32>
      %add3A_562 = arith.constant 2.000000e-01 : f32
      %add3A_563 = vector.broadcast %add3A_562 : f32 to vector<16xf32>
      %add3A_564 = arith.addf %parallel_loop3A_524#5, %add3A_563 : vector<16xf32>
      %max3A_565 = arith.constant 0.000000e+00 : f32
      %max3A_566 = vector.broadcast %max3A_565 : f32 to vector<16xf32>
      %max3A_567 = arith.maximumf %add3A_564, %max3A_566 : vector<16xf32>
      %add3A_568 = arith.addf %add3A_561, %max3A_567 : vector<16xf32>
      %add3A_569 = arith.constant 2.000000e-01 : f32
      %add3A_570 = vector.broadcast %add3A_569 : f32 to vector<16xf32>
      %add3A_571 = arith.addf %parallel_loop3A_524#6, %add3A_570 : vector<16xf32>
      %max3A_572 = arith.constant 0.000000e+00 : f32
      %max3A_573 = vector.broadcast %max3A_572 : f32 to vector<16xf32>
      %max3A_574 = arith.maximumf %add3A_571, %max3A_573 : vector<16xf32>
      %add3A_575 = arith.addf %add3A_568, %max3A_574 : vector<16xf32>
      %add3A_576 = arith.constant 2.000000e-01 : f32
      %add3A_577 = vector.broadcast %add3A_576 : f32 to vector<16xf32>
      %add3A_578 = arith.addf %parallel_loop3A_524#7, %add3A_577 : vector<16xf32>
      %max3A_579 = arith.constant 0.000000e+00 : f32
      %max3A_580 = vector.broadcast %max3A_579 : f32 to vector<16xf32>
      %max3A_581 = arith.maximumf %add3A_578, %max3A_580 : vector<16xf32>
      %add3A_582 = arith.addf %add3A_575, %max3A_581 : vector<16xf32>
      %swap3A_583 = arith.constant 0 : index
      %swap3A_584 = tpu.vector_load %arg22[%swap3A_583] {strides = array<i32>} : memref<16xf32, #tpu.memory_space<vmem>>, vector<16xf32>,
      tpu.vector_store %arg22[%swap3A_583], %add3A_582 {strides = array<i32>} : memref<16xf32, #tpu.memory_space<vmem>>, vector<16xf32>,
    }
    %scan3A_77 = arith.constant 6 : i32
    %dma_wait3A = arith.constant 0 : i32
    %dma_wait3A_78 = tpu.memref_slice %arg7[%dma_wait3A] : memref<3200xi32, #tpu.memory_space<vmem>> -> memref<128xi32, #tpu.memory_space<vmem>>
    %dma_wait3A_79 = arith.constant 0 : i32
    %dma_wait3A_80 = arith.constant 0 : i32
    %dma_wait3A_81 = tpu.memref_slice %arg2[%dma_wait3A_79, %dma_wait3A_80] : memref<100000x64xi32, #tpu.memory_space<hbm>> -> memref<100000x64xi32, #tpu.memory_space<hbm>>
    tpu.wait_indirect_dma semaphore(%arg23 : memref<!tpu.dma_semaphore, #tpu.memory_space<semaphore_mem>>) src(%dma_wait3A_81 : memref<100000x64xi32, #tpu.memory_space<hbm>>) dst(%arg10 : memref<128x64xi32, #tpu.memory_space<vmem>>)
    %dma_wait3A_82 = arith.constant 0 : i32
    %dma_wait3A_83 = tpu.memref_slice %arg7[%dma_wait3A_82] : memref<3200xi32, #tpu.memory_space<vmem>> -> memref<128xi32, #tpu.memory_space<vmem>>
    %dma_wait3A_84 = arith.constant 0 : i32
    %dma_wait3A_85 = arith.constant 0 : i32
    %dma_wait3A_86 = tpu.memref_slice %arg2[%dma_wait3A_84, %dma_wait3A_85] : memref<100000x64xi32, #tpu.memory_space<hbm>> -> memref<100000x64xi32, #tpu.memory_space<hbm>>
    tpu.wait_indirect_dma semaphore(%arg23 : memref<!tpu.dma_semaphore, #tpu.memory_space<semaphore_mem>>) src(%dma_wait3A_86 : memref<100000x64xi32, #tpu.memory_space<hbm>>) dst(%arg11 : memref<128x64xi32, #tpu.memory_space<vmem>>)
    %dma_wait3A_87 = arith.constant 0 : i32
    %dma_wait3A_88 = tpu.memref_slice %arg7[%dma_wait3A_87] : memref<3200xi32, #tpu.memory_space<vmem>> -> memref<128xi32, #tpu.memory_space<vmem>>
    %dma_wait3A_89 = arith.constant 0 : i32
    %dma_wait3A_90 = arith.constant 0 : i32
    %dma_wait3A_91 = tpu.memref_slice %arg2[%dma_wait3A_89, %dma_wait3A_90] : memref<100000x64xi32, #tpu.memory_space<hbm>> -> memref<100000x64xi32, #tpu.memory_space<hbm>>
    tpu.wait_indirect_dma semaphore(%arg23 : memref<!tpu.dma_semaphore, #tpu.memory_space<semaphore_mem>>) src(%dma_wait3A_91 : memref<100000x64xi32, #tpu.memory_space<hbm>>) dst(%arg12 : memref<128x64xi32, #tpu.memory_space<vmem>>)
    %broadcast_in_dim3A_92 = arith.constant 0.000000e+00 : f32
    %broadcast_in_dim3A_93 = vector.broadcast %broadcast_in_dim3A_92 : f32 to vector<16xf32>
    %broadcast_in_dim3A_94 = arith.constant 0.000000e+00 : f32
    %broadcast_in_dim3A_95 = vector.broadcast %broadcast_in_dim3A_94 : f32 to vector<16xf32>
    %broadcast_in_dim3A_96 = arith.constant 0.000000e+00 : f32
    %broadcast_in_dim3A_97 = vector.broadcast %broadcast_in_dim3A_96 : f32 to vector<16xf32>
    %broadcast_in_dim3A_98 = arith.constant 0.000000e+00 : f32
    %broadcast_in_dim3A_99 = vector.broadcast %broadcast_in_dim3A_98 : f32 to vector<16xf32>
    %broadcast_in_dim3A_100 = arith.constant 0.000000e+00 : f32
    %broadcast_in_dim3A_101 = vector.broadcast %broadcast_in_dim3A_100 : f32 to vector<16xf32>
    %broadcast_in_dim3A_102 = arith.constant 0.000000e+00 : f32
    %broadcast_in_dim3A_103 = vector.broadcast %broadcast_in_dim3A_102 : f32 to vector<16xf32>
    %broadcast_in_dim3A_104 = arith.constant 0.000000e+00 : f32
    %broadcast_in_dim3A_105 = vector.broadcast %broadcast_in_dim3A_104 : f32 to vector<16xf32>
    %broadcast_in_dim3A_106 = arith.constant 0.000000e+00 : f32
    %broadcast_in_dim3A_107 = vector.broadcast %broadcast_in_dim3A_106 : f32 to vector<16xf32>
    %parallel_loop3A = arith.constant 0 : i32
    %parallel_loop3A_108 = arith.constant 64 : i32
    %parallel_loop3A_109 = arith.constant 1 : i32
    %parallel_loop3A_110:8 = scf.for %parallel_loop3A_169 = %parallel_loop3A to %parallel_loop3A_108 step %parallel_loop3A_109 iter_args(%parallel_loop3A_170 = %broadcast_in_dim3A_93, %parallel_loop3A_171 = %broadcast_in_dim3A_95, %parallel_loop3A_172 = %broadcast_in_dim3A_97, %parallel_loop3A_173 = %broadcast_in_dim3A_99, %parallel_loop3A_174 = %broadcast_in_dim3A_101, %parallel_loop3A_175 = %broadcast_in_dim3A_103, %parallel_loop3A_176 = %broadcast_in_dim3A_105, %parallel_loop3A_177 = %broadcast_in_dim3A_107) -> (vector<16xf32>, vector<16xf32>, vector<16xf32>, vector<16xf32>, vector<16xf32>, vector<16xf32>, vector<16xf32>, vector<16xf32>)  : i32 {
      %parallel_loop3A_178 = vector.broadcast %parallel_loop3A_169 : i32 to vector<16xi32>
      %parallel_loop3A_179 = arith.addi %parallel_loop3A_178, %iota3A : vector<16xi32>
      %parallel_loop3A_180 = arith.constant 63 : i32
      %parallel_loop3A_181 = vector.broadcast %parallel_loop3A_180 : i32 to vector<16xi32>
      %parallel_loop3A_182 = arith.andi %parallel_loop3A_179, %parallel_loop3A_181 : vector<16xi32>
      %parallel_loop3A_183 = tpu.vector_load_idx %arg10[%add3A_2, %parallel_loop3A_182] : memref<128x64xi32, #tpu.memory_space<vmem>>[vector<16xi32>, vector<16xi32>], vector<16xi32>,
      %parallel_loop3A_184 = vector.bitcast %parallel_loop3A_183 : vector<16xi32> to vector<32xbf16>
      %parallel_loop3A_185 = tpu.unpack_subelements %parallel_loop3A_184, 0 {pack_format = #tpu.pack_format<interleaved>} : vector<32xbf16> -> vector<16xf32>
      %parallel_loop3A_186 = tpu.unpack_subelements %parallel_loop3A_184, 1 {pack_format = #tpu.pack_format<interleaved>} : vector<32xbf16> -> vector<16xf32>
      %parallel_loop3A_187 = tpu.vector_load_idx %arg11[%add3A_2, %parallel_loop3A_182] : memref<128x64xi32, #tpu.memory_space<vmem>>[vector<16xi32>, vector<16xi32>], vector<16xi32>,
      %parallel_loop3A_188 = vector.bitcast %parallel_loop3A_187 : vector<16xi32> to vector<32xbf16>
      %parallel_loop3A_189 = tpu.unpack_subelements %parallel_loop3A_188, 0 {pack_format = #tpu.pack_format<interleaved>} : vector<32xbf16> -> vector<16xf32>
      %parallel_loop3A_190 = tpu.unpack_subelements %parallel_loop3A_188, 1 {pack_format = #tpu.pack_format<interleaved>} : vector<32xbf16> -> vector<16xf32>
      %parallel_loop3A_191 = tpu.vector_load_idx %arg12[%add3A_2, %parallel_loop3A_182] : memref<128x64xi32, #tpu.memory_space<vmem>>[vector<16xi32>, vector<16xi32>], vector<16xi32>,
      %parallel_loop3A_192 = vector.bitcast %parallel_loop3A_191 : vector<16xi32> to vector<32xbf16>
      %parallel_loop3A_193 = tpu.unpack_subelements %parallel_loop3A_192, 0 {pack_format = #tpu.pack_format<interleaved>} : vector<32xbf16> -> vector<16xf32>
      %parallel_loop3A_194 = tpu.unpack_subelements %parallel_loop3A_192, 1 {pack_format = #tpu.pack_format<interleaved>} : vector<32xbf16> -> vector<16xf32>
      %parallel_loop3A_195 = arith.subf %parallel_loop3A_193, %parallel_loop3A_189 : vector<16xf32>
      %parallel_loop3A_196 = arith.mulf %parallel_loop3A_185, %parallel_loop3A_195 : vector<16xf32>
      %parallel_loop3A_197 = arith.addf %parallel_loop3A_170, %parallel_loop3A_196 : vector<16xf32>
      %parallel_loop3A_198 = arith.subf %parallel_loop3A_194, %parallel_loop3A_190 : vector<16xf32>
      %parallel_loop3A_199 = arith.mulf %parallel_loop3A_186, %parallel_loop3A_198 : vector<16xf32>
      %parallel_loop3A_200 = arith.addf %parallel_loop3A_197, %parallel_loop3A_199 : vector<16xf32>
      %parallel_loop3A_201 = tpu.vector_load_idx %arg10[%add3A_5, %parallel_loop3A_182] : memref<128x64xi32, #tpu.memory_space<vmem>>[vector<16xi32>, vector<16xi32>], vector<16xi32>,
      %parallel_loop3A_202 = vector.bitcast %parallel_loop3A_201 : vector<16xi32> to vector<32xbf16>
      %parallel_loop3A_203 = tpu.unpack_subelements %parallel_loop3A_202, 0 {pack_format = #tpu.pack_format<interleaved>} : vector<32xbf16> -> vector<16xf32>
      %parallel_loop3A_204 = tpu.unpack_subelements %parallel_loop3A_202, 1 {pack_format = #tpu.pack_format<interleaved>} : vector<32xbf16> -> vector<16xf32>
      %parallel_loop3A_205 = tpu.vector_load_idx %arg11[%add3A_5, %parallel_loop3A_182] : memref<128x64xi32, #tpu.memory_space<vmem>>[vector<16xi32>, vector<16xi32>], vector<16xi32>,
      %parallel_loop3A_206 = vector.bitcast %parallel_loop3A_205 : vector<16xi32> to vector<32xbf16>
      %parallel_loop3A_207 = tpu.unpack_subelements %parallel_loop3A_206, 0 {pack_format = #tpu.pack_format<interleaved>} : vector<32xbf16> -> vector<16xf32>
      %parallel_loop3A_208 = tpu.unpack_subelements %parallel_loop3A_206, 1 {pack_format = #tpu.pack_format<interleaved>} : vector<32xbf16> -> vector<16xf32>
      %parallel_loop3A_209 = tpu.vector_load_idx %arg12[%add3A_5, %parallel_loop3A_182] : memref<128x64xi32, #tpu.memory_space<vmem>>[vector<16xi32>, vector<16xi32>], vector<16xi32>,
      %parallel_loop3A_210 = vector.bitcast %parallel_loop3A_209 : vector<16xi32> to vector<32xbf16>
      %parallel_loop3A_211 = tpu.unpack_subelements %parallel_loop3A_210, 0 {pack_format = #tpu.pack_format<interleaved>} : vector<32xbf16> -> vector<16xf32>
      %parallel_loop3A_212 = tpu.unpack_subelements %parallel_loop3A_210, 1 {pack_format = #tpu.pack_format<interleaved>} : vector<32xbf16> -> vector<16xf32>
      %parallel_loop3A_213 = arith.subf %parallel_loop3A_211, %parallel_loop3A_207 : vector<16xf32>
      %parallel_loop3A_214 = arith.mulf %parallel_loop3A_203, %parallel_loop3A_213 : vector<16xf32>
      %parallel_loop3A_215 = arith.addf %parallel_loop3A_171, %parallel_loop3A_214 : vector<16xf32>
      %parallel_loop3A_216 = arith.subf %parallel_loop3A_212, %parallel_loop3A_208 : vector<16xf32>
      %parallel_loop3A_217 = arith.mulf %parallel_loop3A_204, %parallel_loop3A_216 : vector<16xf32>
      %parallel_loop3A_218 = arith.addf %parallel_loop3A_215, %parallel_loop3A_217 : vector<16xf32>
      %parallel_loop3A_219 = tpu.vector_load_idx %arg10[%add3A_8, %parallel_loop3A_182] : memref<128x64xi32, #tpu.memory_space<vmem>>[vector<16xi32>, vector<16xi32>], vector<16xi32>,
      %parallel_loop3A_220 = vector.bitcast %parallel_loop3A_219 : vector<16xi32> to vector<32xbf16>
      %parallel_loop3A_221 = tpu.unpack_subelements %parallel_loop3A_220, 0 {pack_format = #tpu.pack_format<interleaved>} : vector<32xbf16> -> vector<16xf32>
      %parallel_loop3A_222 = tpu.unpack_subelements %parallel_loop3A_220, 1 {pack_format = #tpu.pack_format<interleaved>} : vector<32xbf16> -> vector<16xf32>
      %parallel_loop3A_223 = tpu.vector_load_idx %arg11[%add3A_8, %parallel_loop3A_182] : memref<128x64xi32, #tpu.memory_space<vmem>>[vector<16xi32>, vector<16xi32>], vector<16xi32>,
      %parallel_loop3A_224 = vector.bitcast %parallel_loop3A_223 : vector<16xi32> to vector<32xbf16>
      %parallel_loop3A_225 = tpu.unpack_subelements %parallel_loop3A_224, 0 {pack_format = #tpu.pack_format<interleaved>} : vector<32xbf16> -> vector<16xf32>
      %parallel_loop3A_226 = tpu.unpack_subelements %parallel_loop3A_224, 1 {pack_format = #tpu.pack_format<interleaved>} : vector<32xbf16> -> vector<16xf32>
      %parallel_loop3A_227 = tpu.vector_load_idx %arg12[%add3A_8, %parallel_loop3A_182] : memref<128x64xi32, #tpu.memory_space<vmem>>[vector<16xi32>, vector<16xi32>], vector<16xi32>,
      %parallel_loop3A_228 = vector.bitcast %parallel_loop3A_227 : vector<16xi32> to vector<32xbf16>
      %parallel_loop3A_229 = tpu.unpack_subelements %parallel_loop3A_228, 0 {pack_format = #tpu.pack_format<interleaved>} : vector<32xbf16> -> vector<16xf32>
      %parallel_loop3A_230 = tpu.unpack_subelements %parallel_loop3A_228, 1 {pack_format = #tpu.pack_format<interleaved>} : vector<32xbf16> -> vector<16xf32>
      %parallel_loop3A_231 = arith.subf %parallel_loop3A_229, %parallel_loop3A_225 : vector<16xf32>
      %parallel_loop3A_232 = arith.mulf %parallel_loop3A_221, %parallel_loop3A_231 : vector<16xf32>
      %parallel_loop3A_233 = arith.addf %parallel_loop3A_172, %parallel_loop3A_232 : vector<16xf32>
      %parallel_loop3A_234 = arith.subf %parallel_loop3A_230, %parallel_loop3A_226 : vector<16xf32>
      %parallel_loop3A_235 = arith.mulf %parallel_loop3A_222, %parallel_loop3A_234 : vector<16xf32>
      %parallel_loop3A_236 = arith.addf %parallel_loop3A_233, %parallel_loop3A_235 : vector<16xf32>
      %parallel_loop3A_237 = tpu.vector_load_idx %arg10[%add3A_11, %parallel_loop3A_182] : memref<128x64xi32, #tpu.memory_space<vmem>>[vector<16xi32>, vector<16xi32>], vector<16xi32>,
      %parallel_loop3A_238 = vector.bitcast %parallel_loop3A_237 : vector<16xi32> to vector<32xbf16>
      %parallel_loop3A_239 = tpu.unpack_subelements %parallel_loop3A_238, 0 {pack_format = #tpu.pack_format<interleaved>} : vector<32xbf16> -> vector<16xf32>
      %parallel_loop3A_240 = tpu.unpack_subelements %parallel_loop3A_238, 1 {pack_format = #tpu.pack_format<interleaved>} : vector<32xbf16> -> vector<16xf32>
      %parallel_loop3A_241 = tpu.vector_load_idx %arg11[%add3A_11, %parallel_loop3A_182] : memref<128x64xi32, #tpu.memory_space<vmem>>[vector<16xi32>, vector<16xi32>], vector<16xi32>,
      %parallel_loop3A_242 = vector.bitcast %parallel_loop3A_241 : vector<16xi32> to vector<32xbf16>
      %parallel_loop3A_243 = tpu.unpack_subelements %parallel_loop3A_242, 0 {pack_format = #tpu.pack_format<interleaved>} : vector<32xbf16> -> vector<16xf32>
      %parallel_loop3A_244 = tpu.unpack_subelements %parallel_loop3A_242, 1 {pack_format = #tpu.pack_format<interleaved>} : vector<32xbf16> -> vector<16xf32>
      %parallel_loop3A_245 = tpu.vector_load_idx %arg12[%add3A_11, %parallel_loop3A_182] : memref<128x64xi32, #tpu.memory_space<vmem>>[vector<16xi32>, vector<16xi32>], vector<16xi32>,
      %parallel_loop3A_246 = vector.bitcast %parallel_loop3A_245 : vector<16xi32> to vector<32xbf16>
      %parallel_loop3A_247 = tpu.unpack_subelements %parallel_loop3A_246, 0 {pack_format = #tpu.pack_format<interleaved>} : vector<32xbf16> -> vector<16xf32>
      %parallel_loop3A_248 = tpu.unpack_subelements %parallel_loop3A_246, 1 {pack_format = #tpu.pack_format<interleaved>} : vector<32xbf16> -> vector<16xf32>
      %parallel_loop3A_249 = arith.subf %parallel_loop3A_247, %parallel_loop3A_243 : vector<16xf32>
      %parallel_loop3A_250 = arith.mulf %parallel_loop3A_239, %parallel_loop3A_249 : vector<16xf32>
      %parallel_loop3A_251 = arith.addf %parallel_loop3A_173, %parallel_loop3A_250 : vector<16xf32>
      %parallel_loop3A_252 = arith.subf %parallel_loop3A_248, %parallel_loop3A_244 : vector<16xf32>
      %parallel_loop3A_253 = arith.mulf %parallel_loop3A_240, %parallel_loop3A_252 : vector<16xf32>
      %parallel_loop3A_254 = arith.addf %parallel_loop3A_251, %parallel_loop3A_253 : vector<16xf32>
      %parallel_loop3A_255 = tpu.vector_load_idx %arg10[%add3A_14, %parallel_loop3A_182] : memref<128x64xi32, #tpu.memory_space<vmem>>[vector<16xi32>, vector<16xi32>], vector<16xi32>,
      %parallel_loop3A_256 = vector.bitcast %parallel_loop3A_255 : vector<16xi32> to vector<32xbf16>
      %parallel_loop3A_257 = tpu.unpack_subelements %parallel_loop3A_256, 0 {pack_format = #tpu.pack_format<interleaved>} : vector<32xbf16> -> vector<16xf32>
      %parallel_loop3A_258 = tpu.unpack_subelements %parallel_loop3A_256, 1 {pack_format = #tpu.pack_format<interleaved>} : vector<32xbf16> -> vector<16xf32>
      %parallel_loop3A_259 = tpu.vector_load_idx %arg11[%add3A_14, %parallel_loop3A_182] : memref<128x64xi32, #tpu.memory_space<vmem>>[vector<16xi32>, vector<16xi32>], vector<16xi32>,
      %parallel_loop3A_260 = vector.bitcast %parallel_loop3A_259 : vector<16xi32> to vector<32xbf16>
      %parallel_loop3A_261 = tpu.unpack_subelements %parallel_loop3A_260, 0 {pack_format = #tpu.pack_format<interleaved>} : vector<32xbf16> -> vector<16xf32>
      %parallel_loop3A_262 = tpu.unpack_subelements %parallel_loop3A_260, 1 {pack_format = #tpu.pack_format<interleaved>} : vector<32xbf16> -> vector<16xf32>
      %parallel_loop3A_263 = tpu.vector_load_idx %arg12[%add3A_14, %parallel_loop3A_182] : memref<128x64xi32, #tpu.memory_space<vmem>>[vector<16xi32>, vector<16xi32>], vector<16xi32>,
      %parallel_loop3A_264 = vector.bitcast %parallel_loop3A_263 : vector<16xi32> to vector<32xbf16>
      %parallel_loop3A_265 = tpu.unpack_subelements %parallel_loop3A_264, 0 {pack_format = #tpu.pack_format<interleaved>} : vector<32xbf16> -> vector<16xf32>
      %parallel_loop3A_266 = tpu.unpack_subelements %parallel_loop3A_264, 1 {pack_format = #tpu.pack_format<interleaved>} : vector<32xbf16> -> vector<16xf32>
      %parallel_loop3A_267 = arith.subf %parallel_loop3A_265, %parallel_loop3A_261 : vector<16xf32>
      %parallel_loop3A_268 = arith.mulf %parallel_loop3A_257, %parallel_loop3A_267 : vector<16xf32>
      %parallel_loop3A_269 = arith.addf %parallel_loop3A_174, %parallel_loop3A_268 : vector<16xf32>
      %parallel_loop3A_270 = arith.subf %parallel_loop3A_266, %parallel_loop3A_262 : vector<16xf32>
      %parallel_loop3A_271 = arith.mulf %parallel_loop3A_258, %parallel_loop3A_270 : vector<16xf32>
      %parallel_loop3A_272 = arith.addf %parallel_loop3A_269, %parallel_loop3A_271 : vector<16xf32>
      %parallel_loop3A_273 = tpu.vector_load_idx %arg10[%add3A_17, %parallel_loop3A_182] : memref<128x64xi32, #tpu.memory_space<vmem>>[vector<16xi32>, vector<16xi32>], vector<16xi32>,
      %parallel_loop3A_274 = vector.bitcast %parallel_loop3A_273 : vector<16xi32> to vector<32xbf16>
      %parallel_loop3A_275 = tpu.unpack_subelements %parallel_loop3A_274, 0 {pack_format = #tpu.pack_format<interleaved>} : vector<32xbf16> -> vector<16xf32>
      %parallel_loop3A_276 = tpu.unpack_subelements %parallel_loop3A_274, 1 {pack_format = #tpu.pack_format<interleaved>} : vector<32xbf16> -> vector<16xf32>
      %parallel_loop3A_277 = tpu.vector_load_idx %arg11[%add3A_17, %parallel_loop3A_182] : memref<128x64xi32, #tpu.memory_space<vmem>>[vector<16xi32>, vector<16xi32>], vector<16xi32>,
      %parallel_loop3A_278 = vector.bitcast %parallel_loop3A_277 : vector<16xi32> to vector<32xbf16>
      %parallel_loop3A_279 = tpu.unpack_subelements %parallel_loop3A_278, 0 {pack_format = #tpu.pack_format<interleaved>} : vector<32xbf16> -> vector<16xf32>
      %parallel_loop3A_280 = tpu.unpack_subelements %parallel_loop3A_278, 1 {pack_format = #tpu.pack_format<interleaved>} : vector<32xbf16> -> vector<16xf32>
      %parallel_loop3A_281 = tpu.vector_load_idx %arg12[%add3A_17, %parallel_loop3A_182] : memref<128x64xi32, #tpu.memory_space<vmem>>[vector<16xi32>, vector<16xi32>], vector<16xi32>,
      %parallel_loop3A_282 = vector.bitcast %parallel_loop3A_281 : vector<16xi32> to vector<32xbf16>
      %parallel_loop3A_283 = tpu.unpack_subelements %parallel_loop3A_282, 0 {pack_format = #tpu.pack_format<interleaved>} : vector<32xbf16> -> vector<16xf32>
      %parallel_loop3A_284 = tpu.unpack_subelements %parallel_loop3A_282, 1 {pack_format = #tpu.pack_format<interleaved>} : vector<32xbf16> -> vector<16xf32>
      %parallel_loop3A_285 = arith.subf %parallel_loop3A_283, %parallel_loop3A_279 : vector<16xf32>
      %parallel_loop3A_286 = arith.mulf %parallel_loop3A_275, %parallel_loop3A_285 : vector<16xf32>
      %parallel_loop3A_287 = arith.addf %parallel_loop3A_175, %parallel_loop3A_286 : vector<16xf32>
      %parallel_loop3A_288 = arith.subf %parallel_loop3A_284, %parallel_loop3A_280 : vector<16xf32>
      %parallel_loop3A_289 = arith.mulf %parallel_loop3A_276, %parallel_loop3A_288 : vector<16xf32>
      %parallel_loop3A_290 = arith.addf %parallel_loop3A_287, %parallel_loop3A_289 : vector<16xf32>
      %parallel_loop3A_291 = tpu.vector_load_idx %arg10[%add3A_20, %parallel_loop3A_182] : memref<128x64xi32, #tpu.memory_space<vmem>>[vector<16xi32>, vector<16xi32>], vector<16xi32>,
      %parallel_loop3A_292 = vector.bitcast %parallel_loop3A_291 : vector<16xi32> to vector<32xbf16>
      %parallel_loop3A_293 = tpu.unpack_subelements %parallel_loop3A_292, 0 {pack_format = #tpu.pack_format<interleaved>} : vector<32xbf16> -> vector<16xf32>
      %parallel_loop3A_294 = tpu.unpack_subelements %parallel_loop3A_292, 1 {pack_format = #tpu.pack_format<interleaved>} : vector<32xbf16> -> vector<16xf32>
      %parallel_loop3A_295 = tpu.vector_load_idx %arg11[%add3A_20, %parallel_loop3A_182] : memref<128x64xi32, #tpu.memory_space<vmem>>[vector<16xi32>, vector<16xi32>], vector<16xi32>,
      %parallel_loop3A_296 = vector.bitcast %parallel_loop3A_295 : vector<16xi32> to vector<32xbf16>
      %parallel_loop3A_297 = tpu.unpack_subelements %parallel_loop3A_296, 0 {pack_format = #tpu.pack_format<interleaved>} : vector<32xbf16> -> vector<16xf32>
      %parallel_loop3A_298 = tpu.unpack_subelements %parallel_loop3A_296, 1 {pack_format = #tpu.pack_format<interleaved>} : vector<32xbf16> -> vector<16xf32>
      %parallel_loop3A_299 = tpu.vector_load_idx %arg12[%add3A_20, %parallel_loop3A_182] : memref<128x64xi32, #tpu.memory_space<vmem>>[vector<16xi32>, vector<16xi32>], vector<16xi32>,
      %parallel_loop3A_300 = vector.bitcast %parallel_loop3A_299 : vector<16xi32> to vector<32xbf16>
      %parallel_loop3A_301 = tpu.unpack_subelements %parallel_loop3A_300, 0 {pack_format = #tpu.pack_format<interleaved>} : vector<32xbf16> -> vector<16xf32>
      %parallel_loop3A_302 = tpu.unpack_subelements %parallel_loop3A_300, 1 {pack_format = #tpu.pack_format<interleaved>} : vector<32xbf16> -> vector<16xf32>
      %parallel_loop3A_303 = arith.subf %parallel_loop3A_301, %parallel_loop3A_297 : vector<16xf32>
      %parallel_loop3A_304 = arith.mulf %parallel_loop3A_293, %parallel_loop3A_303 : vector<16xf32>
      %parallel_loop3A_305 = arith.addf %parallel_loop3A_176, %parallel_loop3A_304 : vector<16xf32>
      %parallel_loop3A_306 = arith.subf %parallel_loop3A_302, %parallel_loop3A_298 : vector<16xf32>
      %parallel_loop3A_307 = arith.mulf %parallel_loop3A_294, %parallel_loop3A_306 : vector<16xf32>
      %parallel_loop3A_308 = arith.addf %parallel_loop3A_305, %parallel_loop3A_307 : vector<16xf32>
      %parallel_loop3A_309 = tpu.vector_load_idx %arg10[%add3A_23, %parallel_loop3A_182] : memref<128x64xi32, #tpu.memory_space<vmem>>[vector<16xi32>, vector<16xi32>], vector<16xi32>,
      %parallel_loop3A_310 = vector.bitcast %parallel_loop3A_309 : vector<16xi32> to vector<32xbf16>
      %parallel_loop3A_311 = tpu.unpack_subelements %parallel_loop3A_310, 0 {pack_format = #tpu.pack_format<interleaved>} : vector<32xbf16> -> vector<16xf32>
      %parallel_loop3A_312 = tpu.unpack_subelements %parallel_loop3A_310, 1 {pack_format = #tpu.pack_format<interleaved>} : vector<32xbf16> -> vector<16xf32>
      %parallel_loop3A_313 = tpu.vector_load_idx %arg11[%add3A_23, %parallel_loop3A_182] : memref<128x64xi32, #tpu.memory_space<vmem>>[vector<16xi32>, vector<16xi32>], vector<16xi32>,
      %parallel_loop3A_314 = vector.bitcast %parallel_loop3A_313 : vector<16xi32> to vector<32xbf16>
      %parallel_loop3A_315 = tpu.unpack_subelements %parallel_loop3A_314, 0 {pack_format = #tpu.pack_format<interleaved>} : vector<32xbf16> -> vector<16xf32>
      %parallel_loop3A_316 = tpu.unpack_subelements %parallel_loop3A_314, 1 {pack_format = #tpu.pack_format<interleaved>} : vector<32xbf16> -> vector<16xf32>
      %parallel_loop3A_317 = tpu.vector_load_idx %arg12[%add3A_23, %parallel_loop3A_182] : memref<128x64xi32, #tpu.memory_space<vmem>>[vector<16xi32>, vector<16xi32>], vector<16xi32>,
      %parallel_loop3A_318 = vector.bitcast %parallel_loop3A_317 : vector<16xi32> to vector<32xbf16>
      %parallel_loop3A_319 = tpu.unpack_subelements %parallel_loop3A_318, 0 {pack_format = #tpu.pack_format<interleaved>} : vector<32xbf16> -> vector<16xf32>
      %parallel_loop3A_320 = tpu.unpack_subelements %parallel_loop3A_318, 1 {pack_format = #tpu.pack_format<interleaved>} : vector<32xbf16> -> vector<16xf32>
      %parallel_loop3A_321 = arith.subf %parallel_loop3A_319, %parallel_loop3A_315 : vector<16xf32>
      %parallel_loop3A_322 = arith.mulf %parallel_loop3A_311, %parallel_loop3A_321 : vector<16xf32>
      %parallel_loop3A_323 = arith.addf %parallel_loop3A_177, %parallel_loop3A_322 : vector<16xf32>
      %parallel_loop3A_324 = arith.subf %parallel_loop3A_320, %parallel_loop3A_316 : vector<16xf32>
      %parallel_loop3A_325 = arith.mulf %parallel_loop3A_312, %parallel_loop3A_324 : vector<16xf32>
      %parallel_loop3A_326 = arith.addf %parallel_loop3A_323, %parallel_loop3A_325 : vector<16xf32>
      scf.yield %parallel_loop3A_200, %parallel_loop3A_218, %parallel_loop3A_236, %parallel_loop3A_254, %parallel_loop3A_272, %parallel_loop3A_290, %parallel_loop3A_308, %parallel_loop3A_326 : vector<16xf32>, vector<16xf32>, vector<16xf32>, vector<16xf32>, vector<16xf32>, vector<16xf32>, vector<16xf32>, vector<16xf32>
    } {sc.loop_unroll_factor = 4 : i64, sc.parallel_access}
    %get3A = arith.constant 0 : index
    %get3A_111 = tpu.vector_load %arg22[%get3A] {strides = array<i32>} : memref<16xf32, #tpu.memory_space<vmem>>, vector<16xf32>,
    %add3A_112 = arith.constant 2.000000e-01 : f32
    %add3A_113 = vector.broadcast %add3A_112 : f32 to vector<16xf32>
    %add3A_114 = arith.addf %parallel_loop3A_110#0, %add3A_113 : vector<16xf32>
    %max3A = arith.constant 0.000000e+00 : f32
    %max3A_115 = vector.broadcast %max3A : f32 to vector<16xf32>
    %max3A_116 = arith.maximumf %add3A_114, %max3A_115 : vector<16xf32>
    %add3A_117 = arith.addf %get3A_111, %max3A_116 : vector<16xf32>
    %add3A_118 = arith.constant 2.000000e-01 : f32
    %add3A_119 = vector.broadcast %add3A_118 : f32 to vector<16xf32>
    %add3A_120 = arith.addf %parallel_loop3A_110#1, %add3A_119 : vector<16xf32>
    %max3A_121 = arith.constant 0.000000e+00 : f32
    %max3A_122 = vector.broadcast %max3A_121 : f32 to vector<16xf32>
    %max3A_123 = arith.maximumf %add3A_120, %max3A_122 : vector<16xf32>
    %add3A_124 = arith.addf %add3A_117, %max3A_123 : vector<16xf32>
    %add3A_125 = arith.constant 2.000000e-01 : f32
    %add3A_126 = vector.broadcast %add3A_125 : f32 to vector<16xf32>
    %add3A_127 = arith.addf %parallel_loop3A_110#2, %add3A_126 : vector<16xf32>
    %max3A_128 = arith.constant 0.000000e+00 : f32
    %max3A_129 = vector.broadcast %max3A_128 : f32 to vector<16xf32>
    %max3A_130 = arith.maximumf %add3A_127, %max3A_129 : vector<16xf32>
    %add3A_131 = arith.addf %add3A_124, %max3A_130 : vector<16xf32>
    %add3A_132 = arith.constant 2.000000e-01 : f32
    %add3A_133 = vector.broadcast %add3A_132 : f32 to vector<16xf32>
    %add3A_134 = arith.addf %parallel_loop3A_110#3, %add3A_133 : vector<16xf32>
    %max3A_135 = arith.constant 0.000000e+00 : f32
    %max3A_136 = vector.broadcast %max3A_135 : f32 to vector<16xf32>
    %max3A_137 = arith.maximumf %add3A_134, %max3A_136 : vector<16xf32>
    %add3A_138 = arith.addf %add3A_131, %max3A_137 : vector<16xf32>
    %add3A_139 = arith.constant 2.000000e-01 : f32
    %add3A_140 = vector.broadcast %add3A_139 : f32 to vector<16xf32>
    %add3A_141 = arith.addf %parallel_loop3A_110#4, %add3A_140 : vector<16xf32>
    %max3A_142 = arith.constant 0.000000e+00 : f32
    %max3A_143 = vector.broadcast %max3A_142 : f32 to vector<16xf32>
    %max3A_144 = arith.maximumf %add3A_141, %max3A_143 : vector<16xf32>
    %add3A_145 = arith.addf %add3A_138, %max3A_144 : vector<16xf32>
    %add3A_146 = arith.constant 2.000000e-01 : f32
    %add3A_147 = vector.broadcast %add3A_146 : f32 to vector<16xf32>
    %add3A_148 = arith.addf %parallel_loop3A_110#5, %add3A_147 : vector<16xf32>
    %max3A_149 = arith.constant 0.000000e+00 : f32
    %max3A_150 = vector.broadcast %max3A_149 : f32 to vector<16xf32>
    %max3A_151 = arith.maximumf %add3A_148, %max3A_150 : vector<16xf32>
    %add3A_152 = arith.addf %add3A_145, %max3A_151 : vector<16xf32>
    %add3A_153 = arith.constant 2.000000e-01 : f32
    %add3A_154 = vector.broadcast %add3A_153 : f32 to vector<16xf32>
    %add3A_155 = arith.addf %parallel_loop3A_110#6, %add3A_154 : vector<16xf32>
    %max3A_156 = arith.constant 0.000000e+00 : f32
    %max3A_157 = vector.broadcast %max3A_156 : f32 to vector<16xf32>
    %max3A_158 = arith.maximumf %add3A_155, %max3A_157 : vector<16xf32>
    %add3A_159 = arith.addf %add3A_152, %max3A_158 : vector<16xf32>
    %add3A_160 = arith.constant 2.000000e-01 : f32
    %add3A_161 = vector.broadcast %add3A_160 : f32 to vector<16xf32>
    %add3A_162 = arith.addf %parallel_loop3A_110#7, %add3A_161 : vector<16xf32>
    %max3A_163 = arith.constant 0.000000e+00 : f32
    %max3A_164 = vector.broadcast %max3A_163 : f32 to vector<16xf32>
    %max3A_165 = arith.maximumf %add3A_162, %max3A_164 : vector<16xf32>
    %add3A_166 = arith.addf %add3A_159, %max3A_165 : vector<16xf32>
    %swap3A_167 = arith.constant 0 : index
    %swap3A_168 = tpu.vector_load %arg22[%swap3A_167] {strides = array<i32>} : memref<16xf32, #tpu.memory_space<vmem>>, vector<16xf32>,
    tpu.vector_store %arg22[%swap3A_167], %add3A_166 {strides = array<i32>} : memref<16xf32, #tpu.memory_space<vmem>>, vector<16xf32>,
    "tpu.region"() ({
      %run_scoped3A = tpu.sem_alloc : memref<!tpu.dma_semaphore, #tpu.memory_space<semaphore_mem>>
      %dma_start3A_169 = arith.constant 0 : i32
      %dma_start3A_170 = tpu.memref_slice %arg6[%add3A, %dma_start3A_169] : memref<32x16xf32, #tpu.memory_space<hbm>> -> memref<1x16xf32, #tpu.memory_space<hbm>>
      %dma_start3A_171 = tpu.memref_squeeze %dma_start3A_170 : memref<1x16xf32, #tpu.memory_space<hbm>> -> memref<16xf32, #tpu.memory_space<hbm>>
      %dma_start3A_172 = arith.constant 0 : i32
      %dma_start3A_173 = tpu.memref_slice %arg6[%add3A, %dma_start3A_172] : memref<32x16xf32, #tpu.memory_space<hbm>> -> memref<1x16xf32, #tpu.memory_space<hbm>>
      %dma_start3A_174 = tpu.memref_squeeze %dma_start3A_173 : memref<1x16xf32, #tpu.memory_space<hbm>> -> memref<16xf32, #tpu.memory_space<hbm>>
      tpu.enqueue_dma source(%arg22 : memref<16xf32, #tpu.memory_space<vmem>>) target(%dma_start3A_174 : memref<16xf32, #tpu.memory_space<hbm>>) target_semaphore(%run_scoped3A : memref<!tpu.dma_semaphore, #tpu.memory_space<semaphore_mem>>)
      %dma_wait3A_175 = arith.constant 0 : i32
      %dma_wait3A_176 = tpu.memref_slice %arg6[%add3A, %dma_wait3A_175] : memref<32x16xf32, #tpu.memory_space<hbm>> -> memref<1x16xf32, #tpu.memory_space<hbm>>
      %dma_wait3A_177 = tpu.memref_squeeze %dma_wait3A_176 : memref<1x16xf32, #tpu.memory_space<hbm>> -> memref<16xf32, #tpu.memory_space<hbm>>
      %dma_wait3A_178 = arith.constant 0 : i32
      %dma_wait3A_179 = tpu.memref_slice %arg6[%add3A, %dma_wait3A_178] : memref<32x16xf32, #tpu.memory_space<hbm>> -> memref<1x16xf32, #tpu.memory_space<hbm>>
      %dma_wait3A_180 = tpu.memref_squeeze %dma_wait3A_179 : memref<1x16xf32, #tpu.memory_space<hbm>> -> memref<16xf32, #tpu.memory_space<hbm>>
      tpu.wait_dma2 semaphore(%run_scoped3A : memref<!tpu.dma_semaphore, #tpu.memory_space<semaphore_mem>>) src(%arg22 : memref<16xf32, #tpu.memory_space<vmem>>) dst(%dma_wait3A_180 : memref<16xf32, #tpu.memory_space<hbm>>)
      tpu.yield
    }) : () -> ()
    return
  }
}

module attributes {stable_mosaic.version = 14 : i64} {
  func.func @_sum_body(%arg0: memref<32x16xf32, #tpu.memory_space<vmem>>, %arg1: memref<1x1xf32, #tpu.memory_space<vmem>>) attributes {dimension_semantics = [], scalar_prefetch = 0 : i64, scratch_operands = 0 : i64, tpu.core_type = #tpu.core_type<tc>} {
    %get3A = arith.constant 0 : index
    %get3A_0 = arith.constant 0 : index
    %get3A_1 = vector.load %arg0[%get3A, %get3A_0] : memref<32x16xf32, #tpu.memory_space<vmem>>, vector<32x16xf32>
    %reduce_sum3A = vector.shape_cast %get3A_1 : vector<32x16xf32> to vector<1x32x16xf32>
    %reduce_sum3A_2 = arith.constant dense<0.000000e+00> : vector<1xf32>
    %reduce_sum3A_3 = vector.multi_reduction <add>, %reduce_sum3A, %reduce_sum3A_2 [1, 2] : vector<1x32x16xf32> to vector<1xf32>
    %reduce_sum3A_4 = vector.shape_cast %reduce_sum3A_3 : vector<1xf32> to vector<1x1x1xf32>
    %reduce_sum3A_5 = vector.extract %reduce_sum3A_4[0, 0, 0] : f32 from vector<1x1x1xf32>
    %sub3A = arith.constant 4.800000e+02 : f32
    %sub3A_6 = arith.subf %reduce_sum3A_5, %sub3A : f32
    %div3A = arith.constant 1.000000e+05 : f32
    %div3A_7 = arith.divf %sub3A_6, %div3A : f32
    %reshape3A = vector.broadcast %div3A_7 : f32 to vector<1x1xf32>
    %swap3A = arith.constant 0 : index
    %swap3A_8 = arith.constant 0 : index
    %swap3A_9 = vector.load %arg1[%swap3A, %swap3A_8] : memref<1x1xf32, #tpu.memory_space<vmem>>, vector<1x1xf32>
    tpu.vector_store %arg1[%swap3A, %swap3A_8], %reshape3A {strides = array<i32>} : memref<1x1xf32, #tpu.memory_space<vmem>>, vector<1x1xf32>,
    return
  }
}

module attributes {stable_mosaic.version = 14 : i64} {
  func.func @_normalize_body(%arg0: i32, %arg1: memref<1000x128xf32, #tpu.memory_space<vmem>>, %arg2: memref<1000x128xf32, #tpu.memory_space<vmem>>) attributes {dimension_semantics = [#tpu.dimension_semantics<arbitrary>], iteration_bounds = array<i64: 100>, scalar_prefetch = 0 : i64, scratch_operands = 0 : i64, tpu.core_type = #tpu.core_type<tc>, window_params = [{transform_indices = @transform_0, window_bounds = array<i64: 1000, 128>}, {transform_indices = @transform_1, window_bounds = array<i64: 1000, 128>}]} {
    %get3A = arith.constant 0 : index
    %get3A_0 = arith.constant 0 : index
    %get3A_1 = vector.load %arg1[%get3A, %get3A_0] : memref<1000x128xf32, #tpu.memory_space<vmem>>, vector<1000x128xf32>
    %mul3A = arith.mulf %get3A_1, %get3A_1 : vector<1000x128xf32>
    %reduce_sum3A = arith.constant dense<0.000000e+00> : vector<1000xf32>
    %reduce_sum3A_2 = vector.multi_reduction <add>, %mul3A, %reduce_sum3A [1] : vector<1000x128xf32> to vector<1000xf32>
    %broadcast_in_dim3A = vector.shape_cast %reduce_sum3A_2 : vector<1000xf32> to vector<1000x1xf32>
    %max3A = arith.constant 1.000000e-16 : f32
    %max3A_3 = vector.broadcast %max3A : f32 to vector<1000x1xf32>
    %max3A_4 = arith.maximumf %broadcast_in_dim3A, %max3A_3 : vector<1000x1xf32>
    %rsqrt3A = math.rsqrt %max3A_4 : vector<1000x1xf32>
    %mul3A_5 = vector.broadcast %rsqrt3A : vector<1000x1xf32> to vector<1000x128xf32>
    %mul3A_6 = arith.mulf %get3A_1, %mul3A_5 : vector<1000x128xf32>
    %swap3A = arith.constant 0 : index
    %swap3A_7 = arith.constant 0 : index
    %swap3A_8 = vector.load %arg2[%swap3A, %swap3A_7] : memref<1000x128xf32, #tpu.memory_space<vmem>>, vector<1000x128xf32>
    tpu.vector_store %arg2[%swap3A, %swap3A_7], %mul3A_6 {strides = array<i32>} : memref<1000x128xf32, #tpu.memory_space<vmem>>, vector<1000x128xf32>,
    return
  }
  func.func @transform_0(%arg0: i32) -> (i32, i32) {
    %c0_i32 = arith.constant 0 : i32
    %c0_i32_0 = arith.constant 0 : i32
    return %arg0, %c0_i32 : i32, i32
  }
  func.func @transform_1(%arg0: i32) -> (i32, i32) {
    %c0_i32 = arith.constant 0 : i32
    %c0_i32_0 = arith.constant 0 : i32
    return %arg0, %c0_i32 : i32, i32
  }
}

</mosaic_0001>

<sc_bundles>
// kernel: kernel.6.cloned.1.call-start
scs
__scs_entry_jumppad:
0x0: {  	(pc) =	sbr.rel $0x88, $3  }
0x1: {  	(tag) =	ssettag $0x0;
	lr =	simm.s32 $0x1  }
0x2: {  	[smem:$0x3F9F] =	sst lr;
	_ =	strace $0xD0000000  }
0x3: {  	_ = 	snop  }
0x4: {  	_ = 	snop  }
0x5: {  	_ = 	snop  }
0x6: {  	_ = 	snop  }
0x7: {  	_ = 	snop  }
__scs_overlays_trampoline_lowered:
0x8: {  	[smem:$0x3FAE] =	sst s0  }
0x9: {  	[smem:$0x3FAF] =	sst s1  }
0xa: {  	[smem:$0x3FB0] =	sst s2  }
0xb: {  	[smem:$0x3FB1] =	sst s3  }
0xc: {  	[smem:$0x3FB2] =	sst s4  }
0xd: {  	[smem:$0x3FB3] =	sst s5  }
0xe: {  	[smem:$0x3FB4] =	sst s6  }
0xf: {  	[smem:$0x3FB5] =	sst s7  }
0x10: {  	[smem:$0x3FB6] =	sst s8  }
0x11: {  	[smem:$0x3FB7] =	sst s9;
	s0 =	simm.s32 @!p0 $0x0  }
0x12: {  	s1 =	sld [smem:$0x3F9D];
	s0 =	simm.s32 @p0 $0x1  }
0x13: {  	[smem:$0x3FB8] =	sst s0;
	s0 =	simm.s32 @!p1 $0x0  }
0x14: {  	s2 =	sld [smem:$0x3F9C];
	s0 =	simm.s32 @p1 $0x1  }
0x15: {  	[smem:$0x3FB9] =	sst s0;
	s0 =	simm.s32 @!p2 $0x0  }
0x16: {  	s3 =	sld [smem:$0x3FDB];
	s0 =	simm.s32 @p2 $0x1  }
0x17: {  	s4 =	simm.s32 $0x1BF5;
	[smem:$0x3FBB] =	sst s0  }
0x18: {  	s0 =	sld [smem:$0x3F9E];
	_ =	swait.ge [sflag:s4], $0x0  }
0x19: {  	s7 =	sld [smem:$0x3F9F]  }
0x1a: {  	s8 =	sadd.s32 $0xFFFFE003, lr  }
0x1b: {  	s9 =	sadd.s32 $0xFFFFFEF7, lr;
	s5 =	simm.s32 $0xFFFFFFFF;
	p2 =	slt.u32 s8, $0xFFFFF086  }
0x1c: {  	p1 =	slt.u32 s9, $0xF7A;
	s5 =	simm.s32 @!p2 $0x0  }
0x1d: {  	s5 =	simm.s32 @p1 $0x1;
	p0 =	seq.s32 s7, s2  }
0x1e: {  	s7 =	smul.u32 @!p0 $0xF7A, s2;
	p2 =	seq.s32 @!p0 s5, $0x0  }
0x1f: {  	s9 =	smul.u32 $0xF7A, s1;
	s8 =	simm.s32 @!p0 $0x1BF5;
	p2 =	por !p2, p0  }
0x20: {  	[sflag:s8] =	ssyncset.s32 @!p0 $0xFFFFF086;
	s6 =	sadd.s32 @!p0 s3, s7;
	s7 =	simm.s32 @!p0 $0x108  }
0x21: {  	s3 =	sadd.s32 s3, s9;
	s6 =	sadd.s32 @!p0 $0x88, s6;
	s7 =	simm.s32 @p2 $0x1082  }
0x22: {  	[simem:s7], [sflag:s8] =	dma.local @!p0 [hbm:s6], $0xF7A  }
0x23: {  	s9 =	sor.u32 $0xD0000000, s2;
	s6 =	simm.s32 $0x108;
	_ =	swait.ge @!p0 [sflag:s8], $0x0  }
0x24: {  	s3 =	sadd.s32 $0x88, s3;
	s6 =	simm.s32 @!p1 $0x1082;
	[sflag:s4] =	ssyncset.s32 $0xFFFFF086  }
0x25: {  	[simem:s6], [sflag:s4] =	dma.local [hbm:s3], $0xF7A  }
0x26: {  	[smem:$0x3F9F] =	sst s1;
	(tag) =	ssettag s2;
	_ =	strace s9  }
0x27: {  	s1 =	sld [smem:$0x3FAF]  }
0x28: {  	s2 =	sld [smem:$0x3FB0]  }
0x29: {  	s4 =	sld [smem:$0x3FB2]  }
0x2a: {  	p0 =	seq.s32 s5, $0x0;
	s5 =	sld [smem:$0x3FB3]  }
0x2b: {  	s6 =	sld [smem:$0x3FB4]  }
0x2c: {  	s7 =	sld [smem:$0x3FB5]  }
0x2d: {  	s3 =	simm.s32 $0x108;
	s8 =	sld [smem:$0x3FB6]  }
0x2e: {  	s3 =	simm.s32 @!p0 $0x1082;
	s9 =	sld [smem:$0x3FB7]  }
0x2f: {  	lr =	sadd.s32 s0, s3;
	s0 =	sld [smem:$0x3FAE]  }
0x30: {  	s3 =	sld [smem:$0x3FB1]  }
0x31: {  	[smem:$0x3FBA] =	sst s10  }
0x32: {  	s10 =	sld [smem:$0x3FB8];
	_ =	sdelay $0x3  }
0x33: {  	p0 =	seq.s32 s10, $0x1;
	s10 =	sld [smem:$0x3FBA];
	_ =	sdelay $0x3  }
0x34: {  	[smem:$0x3FBA] =	sst s10  }
0x35: {  	s10 =	sld [smem:$0x3FB9];
	_ =	sdelay $0x3  }
0x36: {  	p1 =	seq.s32 s10, $0x1;
	s10 =	sld [smem:$0x3FBA];
	_ =	sdelay $0x3  }
0x37: {  	[smem:$0x3FBA] =	sst s10  }
0x38: {  	s10 =	sld [smem:$0x3FBB]  }
0x39: {  	_ = 	snop;
	(pc) =	sbr.ind lr, $3  }
0x3a: {  	_ = 	snop  }
0x3b: {  	_ = 	snop  }
0x3c: {  	p2 =	seq.s32 s10, $0x1;
	s10 =	sld [smem:$0x3FBA]  }
0x3d: {  	_ =	shalt  }
0x3e: {  	_ =	shalt  }
0x3f: {  	_ =	shalt  }
0x40: {  	_ =	shalt  }
0x41: {  	_ =	shalt  }
0x42: {  	_ =	shalt  }
0x43: {  	_ =	shalt  }
0x44: {  	_ =	shalt  }
0x45: {  	_ =	shalt  }
0x46: {  	_ =	shalt  }
0x47: {  	_ =	shalt  }
0x48: {  	_ =	shalt  }
0x49: {  	_ =	shalt  }
0x4a: {  	_ =	shalt  }
0x4b: {  	_ =	shalt  }
0x4c: {  	_ =	shalt  }
0x4d: {  	_ =	shalt  }
0x4e: {  	_ =	shalt  }
0x4f: {  	_ =	shalt  }
0x50: {  	_ =	shalt  }
0x51: {  	_ =	shalt  }
0x52: {  	_ =	shalt  }
0x53: {  	_ =	shalt  }
0x54: {  	_ =	shalt  }
0x55: {  	_ =	shalt  }
0x56: {  	_ =	shalt  }
0x57: {  	_ =	shalt  }
0x58: {  	_ =	shalt  }
0x59: {  	_ =	shalt  }
0x5a: {  	_ =	shalt  }
0x5b: {  	_ =	shalt  }
0x5c: {  	_ =	shalt  }
0x5d: {  	_ =	shalt  }
0x5e: {  	_ =	shalt  }
0x5f: {  	_ =	shalt  }
0x60: {  	_ =	shalt  }
0x61: {  	_ =	shalt  }
0x62: {  	_ =	shalt  }
0x63: {  	_ =	shalt  }
0x64: {  	_ =	shalt  }
0x65: {  	_ =	shalt  }
0x66: {  	_ =	shalt  }
0x67: {  	_ =	shalt  }
0x68: {  	_ =	shalt  }
0x69: {  	_ =	shalt  }
0x6a: {  	_ =	shalt  }
0x6b: {  	_ =	shalt  }
0x6c: {  	_ =	shalt  }
0x6d: {  	_ =	shalt  }
0x6e: {  	_ =	shalt  }
0x6f: {  	_ =	shalt  }
0x70: {  	_ =	shalt  }
0x71: {  	_ =	shalt  }
0x72: {  	_ =	shalt  }
0x73: {  	_ =	shalt  }
0x74: {  	_ =	shalt  }
0x75: {  	_ =	shalt  }
0x76: {  	_ =	shalt  }
0x77: {  	_ =	shalt  }
0x78: {  	_ =	shalt  }
0x79: {  	_ =	shalt  }
0x7a: {  	_ =	shalt  }
0x7b: {  	_ =	shalt  }
0x7c: {  	_ =	shalt  }
0x7d: {  	_ =	shalt  }
0x7e: {  	_ =	shalt  }
0x7f: {  	_ =	shalt  }
0x80: {  	_ =	shalt  }
0x81: {  	_ =	shalt  }
0x82: {  	_ =	shalt  }
0x83: {  	_ =	shalt  }
0x84: {  	_ =	shalt  }
0x85: {  	_ =	shalt  }
0x86: {  	_ =	shalt  }
0x87: {  	_ =	shalt  }
.Lfunc_end0:
.L_simem_size_0:
called_computation_lowered:
.L_overlay_start_0:
0x88: {  	s2 =	sld [smem:$0x3FD9]  }
0x89: {  	s3 =	sld [smem:$0x3FFE];
	_ =	sdelay $0x1  }
0x8a: {  	s1 =	srdreg.scid  }
0x8b: {  	s0 =	sand.u32 $0x1, s1  }
0x8c: {  	s16 =	sshll.u32 s0, $0xA;
	s2 =	sadd.s32 s3, s2  }
0x8d: {  	s2 =	sadd.s32 s2, s16  }
0x8e: {  	[smem:$0x3FC6] =	sst s2  }
0x8f: {  	_ = 	snop  }
0x90: {  	(tm) =	ssettm $0x1  }
0x91: {  	s17 =	sld [smem:$0x3FFB];
	_ =	sdelay $0x3  }
0x92: {  	_ =	strace s17  }
0x93: {  	s2 =	sld [smem:$0x3FFC];
	_ =	sdelay $0x3  }
0x94: {  	_ =	strace s2  }
0x95: {  	s2 =	sld [smem:$0x3FFD];
	_ =	sdelay $0x3  }
0x96: {  	_ =	strace s2  }
0x97: {  	_ =	strace $0x8FFFFFFF  }
0x98: {  	s18 =	sld [smem:$0x3FDB];
	_ =	sdelay $0x1  }
0x99: {  	s19 =	simm.s32 $_scs_section_size  }
0x9a: {  	s4 =	simm.s32 $_size__tile_overlayer_lowered;
	s5 =	simm.s32 $_tile_overlayer_lowered  }
0x9b: {  	s22 =	simm.s32 $0x1BFF;
	s21 =	sshll.u32 s5, $0x1;
	s2 =	sadd.s32 s19, s18  }
0x9c: {  	s6 =	simm.s32 $0x0;
	s20 =	sshll.u32 s4, $0x1;
	s4 =	sadd.s32 s21, s2  }
0x9d: {  	[timem:s6], [sflag:s22] =	dma.local [hbm:s4], s20  }
0x9e: {  	_ =	swait.ge [sflag:s22], s20  }
0x9f: {  	s3 =	ssub.s32 $0x0, s20;
	[sflag:s22] =	ssyncset.done $0x0  }
0xa0: {  	[sflag:s22] =	ssyncadd.s32 s3;
	_ =	sdelay $0x1  }
0xa1: {  	s23 =	simm.s32 $0x1B8B  }
0xa2: {  	_ =	swait.ge [sflag:s23], $0x1  }
0xa3: {  	[sflag:s23] =	ssyncset.done $0x0  }
0xa4: {  	s25 =	simm.s32 $0x1B8E;
	s24 =	sld [smem:$0x3FFE];
	[sflag:s23] =	ssyncadd.s32 $0xFFFFFFFF  }
0xa5: {  	s26 =	simm.s32 $execute0_lowered;
	[smem:$0x3FD2] =	sst s25  }
0xa6: {  	s4 =	sshll.u32 s26, $0x1;
	_ =	strace $0x80000046;
	[dreg:$0x1] =	wrdreg $0xFFFFFFFF  }
0xa7: {  	s28 =	simm.s32 $_size_execute0_lowered;
	s2 =	sadd.s32 s2, s4;
	[dreg:$0x0] =	wrdreg $0x0  }
0xa8: {  	s4 =	sshll.u32 s28, $0x1;
	[dreg:$0x2] =	wrdreg s2  }
0xa9: {  	[dreg:$0x3] =	wrdreg s4  }
0xaa: {  	[dreg:$0x4] =	wrdreg $0xC0  }
0xab: {  	_ =	task [dreg:s6], $0x5FFFF  }
0xac: {  	[dreg:$0x1] =	wrdreg $0xFFFFFFFF  }
0xad: {  	[dreg:$0x0] =	wrdreg $0x60  }
0xae: {  	[dreg:$0x2] =	wrdreg s24  }
0xaf: {  	[dreg:$0x3] =	wrdreg $0x9  }
0xb0: {  	_ =	task.clear_ibuf [dreg:s6], $0x4FFFF;
	_ =	strace $0x90000046  }
0xb1: {  	s29 =	simm.s32 $0x9;
	_ =	strace $0x80000048  }
0xb2: {  	_ =	swait.ge [sflag:s29], $0x1  }
0xb3: {  	[sflag:s29] =	ssyncadd.s32 $0xFFFFFFFF  }
0xb4: {  	_ =	strace $0x90000048  }
0xb5: {  	_ =	sfence  }
0xb6: {  	s30 =	sld [smem:$0x0];
	_ =	sdelay $0x2  }
0xb7: {  	s31 =	sshll.u32 s1, $0xD;
	s1 =	sshrl.u32 s1, $0x2  }
0xb8: {  	s3 =	sand.u32 $0x4000, s31;
	s1 =	sadd.s32 s1, s30  }
0xb9: {  	s0 =	sor.u32 s3, s0;
	s1 =	sshll.u32 s1, $0x11  }
0xba: {  	s0 =	sor.u32 s1, s0  }
0xbb: {  	s0 =	sadd.s32 $0x8F2B, s0  }
0xbc: {  	[sflag:s0] =	ssyncadd.remote.s32 $0x1  }
0xbd: {  	_ =	sfence.sel $0xFFFF  }
0xbe: {  	[dreg:$0x0] =	wrdreg $0xFFFFFFFF;
	(pc) =	sbr.abs _section_cstart, $3  }
0xbf: {  	[dreg:$0x1] =	wrdreg $0xFFFFFFFF  }
0xc0: {  	_ =	task.clear_ibuf [dreg:s6], $0x2FFFF;
	_ =	strace $0x9FFFFFFF  }
0xc1: {  	(tm) =	ssettm $0x7FFFFFFF  }
tec
execute0_lowered:
.L_overlay_start_1:
0x0: {  	(tag) =	ssettag $0x1  }
0x1: {  	s2 =	rddreg [dreg:$0x0]  }
0x2: {  	s0 =	rddreg [dreg:$0x1]  }
0x3: {  	s4 =	srdreg.scid;
	s1 =	stileid.u32;
	s3 =	simm.s32 $0x0  }
0x4: {  	s11 =	simm.s32 $0x1;
	s12 =	simm.s32 $0x3E80;
	s13 =	simm.s32 $0x7D00  }
0x5: {  	s14 =	simm.s32 $0x2;
	s5 =	sand.u32 $0x1, s4;
	s30 =	sshll.u32 s1, $0x1  }
0x6: {  	s15 =	simm.s32 $0x9C40;
	s16 =	simm.s32 $0x3;
	s6 =	sor.u32 s5, s30  }
0x7: {  	s17 =	simm.s32 $0x4;
	s18 =	simm.s32 $0x0;
	s7 =	smul.u32 $0x30D40, s6  }
0x8: {  	[smem:$0x7FF] =	sst s3;
	s8 =	ssub.s32 $0x2, s5;
	s9 =	smul.u32 $0xC350, s6  }
0x9: {  	s4 =	sadd.s32 $0x186A00, s2;
	s10 =	sshrl.u32 s8, $0x1;
	s5 =	smul.u32 $0xC35, s6  }
0xa: {  	_ =	strace $0x80000047;
	s10 =	ssub.s32 s8, s10;
	s7 =	sshrl.u32 s7, $0x3  }
0xb: {  	s6 =	sadd.s32 s2, s9;
	s8 =	sadd.s32 $0xFA, s5;
	s31 =	sadd.s32 s4, s7  }
0xc: {  	s10 =	smax.u32 s10, $0x1;
	s7 =	sadd.s32 $0x7D, s5;
	s9 =	sadd.s32 $0x5DC0, s31  }
.LBB2_1:
0xd: {  	[tilespmem:s3], [sflag:$0x1] =	stream.linear.gather [hbm4b:s6+s3], $0x3E80, $0x38;
	[tilespmem:$0xBB80] =	vst v63  }
0xe: {  	s19 =	simm.s32 $0x0  }
.LBB2_2:
0xf: {  	s21 =	smul.u32 $0xFA, s19;
	_ =	sdelay $0x1  }
0x10: {  	s20 =	sadd.s32 s21, s7  }
0x11: {  	_ =	swait.ge [sflag:s11], $0x3E80;
	s22 =	sshll.u32 s20, $0x4  }
0x12: {  	[sflag:s11] =	ssyncset.done $0x0;
	s22 =	sand.u32 $0x1FFFFFF0, s22  }
0x13: {  	p0 =	seq.s32 s19, $0x0;
	[sflag:s11] =	ssyncadd.s32 $0xFFFFC180;
	s22 =	sadd.s32 s2, s22  }
0x14: {  	[tilespmem:s12], [sflag:$0x2] =	stream.linear.gather [hbm4b:s22+s3], $0x3E80, $0x38;
	[tilespmem:$0xBB80] =	vst v63  }
0x15: {  	s22 =	simm.s32 @!p0 $0x3  }
0x16: {  	_ =	swait.ge @!p0 [sflag:s22], $0x1F40  }
0x17: {  	[sflag:s22] =	ssyncset.done @!p0 $0x0  }
0x18: {  	[sflag:s22] =	ssyncadd.s32 @!p0 $0xFFFFE0C0;
	s22 =	simm.s32 $0x40  }
0x19: {  	v0 =	vld [tilespmem:s22+$0xFFFFFFC0]  }
0x1a: {  	v1 =	vld [tilespmem:s22+$0x0];
	_ =	sdelay $0x4  }
0x1b: {  	s23 =	simm.s32 $0x0;
	v0 =	vpack.i.f32.bf16 v1, v0  }
0x1c: {  	[tilespmem:s23+$0x7D00] =	vst v0  }
0x1d: {  	v0 =	vld [tilespmem:s22+$0xFFFFFFD0]  }
0x1e: {  	v1 =	vld [tilespmem:s22+$0x10];
	_ =	sdelay $0x4  }
0x1f: {  	v0 =	vpack.i.f32.bf16 v1, v0  }
0x20: {  	[tilespmem:s23+$0x7D10] =	vst v0  }
0x21: {  	v0 =	vld [tilespmem:s22+$0xFFFFFFE0]  }
0x22: {  	v1 =	vld [tilespmem:s22+$0x20];
	_ =	sdelay $0x4  }
0x23: {  	v0 =	vpack.i.f32.bf16 v1, v0  }
0x24: {  	[tilespmem:s23+$0x7D20] =	vst v0  }
0x25: {  	v0 =	vld [tilespmem:s22+$0xFFFFFFF0]  }
0x26: {  	s24 =	simm.s32 $0x100;
	v1 =	vld [tilespmem:s22+$0x30]  }
.LBB2_3:
0x27: {  	_ = 	snop  }
0x28: {  	p1 =	sne.s32 s24, $0x7C00  }
0x29: {  	s22 =	sadd.s32 $0x80, s22;
	s25 =	smov.u32 s24;
	s24 =	sadd.s32 $0x100, s24  }
0x2a: {  	_ = 	snop  }
0x2b: {  	v0 =	vpack.i.f32.bf16 v1, v0  }
0x2c: {  	[tilespmem:s23+$0x7D30] =	vst v0  }
0x2d: {  	v0 =	vld [tilespmem:s22+$0xFFFFFFC0]  }
0x2e: {  	v1 =	vld [tilespmem:s22+$0x0];
	_ =	sdelay $0x4  }
0x2f: {  	s23 =	sshra.s32 s25, $0x2;
	v0 =	vpack.i.f32.bf16 v1, v0  }
0x30: {  	[tilespmem:s23+$0x7D00] =	vst v0  }
0x31: {  	v0 =	vld [tilespmem:s22+$0xFFFFFFD0]  }
0x32: {  	v1 =	vld [tilespmem:s22+$0x10];
	_ =	sdelay $0x4  }
0x33: {  	v0 =	vpack.i.f32.bf16 v1, v0  }
0x34: {  	[tilespmem:s23+$0x7D10] =	vst v0  }
0x35: {  	v0 =	vld [tilespmem:s22+$0xFFFFFFE0]  }
0x36: {  	v1 =	vld [tilespmem:s22+$0x20];
	_ =	sdelay $0x3  }
.Ltmp0:
0x37: {  	(pc) =	sbr.rel @p1 .LBB2_3-.Ltmp0, $4  }
0x38: {  	v0 =	vpack.i.f32.bf16 v1, v0  }
0x39: {  	[tilespmem:s23+$0x7D20] =	vst v0  }
0x3a: {  	v0 =	vld [tilespmem:s22+$0xFFFFFFF0]  }
0x3b: {  	v1 =	vld [tilespmem:s22+$0x30]  }
0x3c: {  	_ =	sdelay $0x2  }
0x3d: {  	s22 =	sadd.s32 s5, s21  }
0x3e: {  	s22 =	sshll.u32 s22, $0x3;
	v0 =	vpack.i.f32.bf16 v1, v0  }
0x3f: {  	s31 =	sadd.s32 s21, s8;
	s22 =	sadd.s32 s4, s22;
	[tilespmem:s23+$0x7D30] =	vst v0  }
0x40: {  	[hbm4b:s22+s3] =	stream.linear.scatter [tilespmem:s13], [sflag:$0x3], $0x1F40, $0x38;
	[tilespmem:$0xBB80] =	vst v63  }
0x41: {  	s21 =	sshll.u32 s31, $0x4;
	_ =	swait.ge [sflag:s14], $0x3E80  }
0x42: {  	s21 =	sand.u32 $0x1FFFFFF0, s21;
	[sflag:s14] =	ssyncset.done $0x0  }
0x43: {  	s21 =	sadd.s32 s2, s21;
	[sflag:s14] =	ssyncadd.s32 $0xFFFFC180  }
0x44: {  	[tilespmem:s3], [sflag:$0x1] =	stream.linear.gather [hbm4b:s21+s3], $0x3E80, $0x38;
	[tilespmem:$0xBB80] =	vst v63  }
0x45: {  	s21 =	simm.s32 @!p0 $0x4  }
0x46: {  	_ =	swait.ge @!p0 [sflag:s21], $0x1F40  }
0x47: {  	[sflag:s21] =	ssyncset.done @!p0 $0x0  }
0x48: {  	[sflag:s21] =	ssyncadd.s32 @!p0 $0xFFFFE0C0;
	s21 =	simm.s32 $0x3EC0  }
0x49: {  	v0 =	vld [tilespmem:s21+$0xFFFFFFC0]  }
0x4a: {  	v1 =	vld [tilespmem:s21+$0x0];
	_ =	sdelay $0x4  }
0x4b: {  	s22 =	simm.s32 $0x0;
	v0 =	vpack.i.f32.bf16 v1, v0  }
0x4c: {  	[tilespmem:s22+$0x9C40] =	vst v0  }
0x4d: {  	v0 =	vld [tilespmem:s21+$0xFFFFFFD0]  }
0x4e: {  	v1 =	vld [tilespmem:s21+$0x10];
	_ =	sdelay $0x4  }
0x4f: {  	v0 =	vpack.i.f32.bf16 v1, v0  }
0x50: {  	[tilespmem:s22+$0x9C50] =	vst v0  }
0x51: {  	v0 =	vld [tilespmem:s21+$0xFFFFFFE0]  }
0x52: {  	v1 =	vld [tilespmem:s21+$0x20];
	_ =	sdelay $0x4  }
0x53: {  	v0 =	vpack.i.f32.bf16 v1, v0  }
0x54: {  	[tilespmem:s22+$0x9C60] =	vst v0  }
0x55: {  	v0 =	vld [tilespmem:s21+$0xFFFFFFF0]  }
0x56: {  	s23 =	simm.s32 $0x100;
	v1 =	vld [tilespmem:s21+$0x30]  }
.LBB2_5:
0x57: {  	_ = 	snop  }
0x58: {  	p0 =	sne.s32 s23, $0x7C00  }
0x59: {  	s21 =	sadd.s32 $0x80, s21;
	s24 =	smov.u32 s23;
	s23 =	sadd.s32 $0x100, s23  }
0x5a: {  	_ = 	snop  }
0x5b: {  	v0 =	vpack.i.f32.bf16 v1, v0  }
0x5c: {  	[tilespmem:s22+$0x9C70] =	vst v0  }
0x5d: {  	v0 =	vld [tilespmem:s21+$0xFFFFFFC0]  }
0x5e: {  	v1 =	vld [tilespmem:s21+$0x0];
	_ =	sdelay $0x4  }
0x5f: {  	s22 =	sshra.s32 s24, $0x2;
	v0 =	vpack.i.f32.bf16 v1, v0  }
0x60: {  	[tilespmem:s22+$0x9C40] =	vst v0  }
0x61: {  	v0 =	vld [tilespmem:s21+$0xFFFFFFD0]  }
0x62: {  	v1 =	vld [tilespmem:s21+$0x10];
	_ =	sdelay $0x4  }
0x63: {  	v0 =	vpack.i.f32.bf16 v1, v0  }
0x64: {  	[tilespmem:s22+$0x9C50] =	vst v0  }
0x65: {  	v0 =	vld [tilespmem:s21+$0xFFFFFFE0]  }
0x66: {  	v1 =	vld [tilespmem:s21+$0x20];
	_ =	sdelay $0x3  }
.Ltmp1:
0x67: {  	(pc) =	sbr.rel @p0 .LBB2_5-.Ltmp1, $4  }
0x68: {  	v0 =	vpack.i.f32.bf16 v1, v0  }
0x69: {  	[tilespmem:s22+$0x9C60] =	vst v0  }
0x6a: {  	v0 =	vld [tilespmem:s21+$0xFFFFFFF0]  }
0x6b: {  	v1 =	vld [tilespmem:s21+$0x30]  }
0x6c: {  	s19 =	sadd.s32 $0x1, s19  }
0x6d: {  	p0 =	sne.s32 s19, $0xC  }
.Ltmp2:
0x6e: {  	_ = 	snop;
	(pc) =	sbr.rel @p0 .LBB2_2-.Ltmp2, $4  }
0x6f: {  	s20 =	sshll.u32 s20, $0x3  }
0x70: {  	s20 =	sand.u32 $0x1FFFFFF8, s20;
	v0 =	vpack.i.f32.bf16 v1, v0  }
0x71: {  	s20 =	sadd.s32 s4, s20;
	[tilespmem:s22+$0x9C70] =	vst v0  }
0x72: {  	[hbm4b:s20+s3] =	stream.linear.scatter [tilespmem:s15], [sflag:$0x4], $0x1F40, $0x38;
	[tilespmem:$0xBB80] =	vst v63  }
0x73: {  	_ =	swait.ge [sflag:s11], $0x3E80  }
0x74: {  	[sflag:s11] =	ssyncset.done $0x0  }
0x75: {  	[sflag:s11] =	ssyncadd.s32 $0xFFFFC180  }
0x76: {  	_ =	swait.ge [sflag:s16], $0x1F40  }
0x77: {  	[sflag:s16] =	ssyncset.done $0x0  }
0x78: {  	s19 =	simm.s32 $0x40;
	[sflag:s16] =	ssyncadd.s32 $0xFFFFE0C0  }
0x79: {  	v0 =	vld [tilespmem:s19+$0xFFFFFFC0]  }
0x7a: {  	v1 =	vld [tilespmem:s19+$0x0];
	_ =	sdelay $0x4  }
0x7b: {  	s20 =	simm.s32 $0x0;
	v0 =	vpack.i.f32.bf16 v1, v0  }
0x7c: {  	[tilespmem:s20+$0x7D00] =	vst v0  }
0x7d: {  	v0 =	vld [tilespmem:s19+$0xFFFFFFD0]  }
0x7e: {  	v1 =	vld [tilespmem:s19+$0x10];
	_ =	sdelay $0x4  }
0x7f: {  	v0 =	vpack.i.f32.bf16 v1, v0  }
0x80: {  	[tilespmem:s20+$0x7D10] =	vst v0  }
0x81: {  	v0 =	vld [tilespmem:s19+$0xFFFFFFE0]  }
0x82: {  	v1 =	vld [tilespmem:s19+$0x20];
	_ =	sdelay $0x4  }
0x83: {  	v0 =	vpack.i.f32.bf16 v1, v0  }
0x84: {  	[tilespmem:s20+$0x7D20] =	vst v0  }
0x85: {  	v0 =	vld [tilespmem:s19+$0xFFFFFFF0]  }
0x86: {  	s21 =	simm.s32 $0x100;
	v1 =	vld [tilespmem:s19+$0x30]  }
.LBB2_8:
0x87: {  	_ = 	snop  }
0x88: {  	p0 =	sne.s32 s21, $0x7C00  }
0x89: {  	s19 =	sadd.s32 $0x80, s19;
	s22 =	smov.u32 s21;
	s21 =	sadd.s32 $0x100, s21  }
0x8a: {  	_ = 	snop  }
0x8b: {  	v0 =	vpack.i.f32.bf16 v1, v0  }
0x8c: {  	[tilespmem:s20+$0x7D30] =	vst v0  }
0x8d: {  	v0 =	vld [tilespmem:s19+$0xFFFFFFC0]  }
0x8e: {  	v1 =	vld [tilespmem:s19+$0x0];
	_ =	sdelay $0x4  }
0x8f: {  	s20 =	sshra.s32 s22, $0x2;
	v0 =	vpack.i.f32.bf16 v1, v0  }
0x90: {  	[tilespmem:s20+$0x7D00] =	vst v0  }
0x91: {  	v0 =	vld [tilespmem:s19+$0xFFFFFFD0]  }
0x92: {  	v1 =	vld [tilespmem:s19+$0x10];
	_ =	sdelay $0x4  }
0x93: {  	v0 =	vpack.i.f32.bf16 v1, v0  }
0x94: {  	[tilespmem:s20+$0x7D10] =	vst v0  }
0x95: {  	v0 =	vld [tilespmem:s19+$0xFFFFFFE0]  }
0x96: {  	v1 =	vld [tilespmem:s19+$0x20];
	_ =	sdelay $0x3  }
.Ltmp3:
0x97: {  	(pc) =	sbr.rel @p0 .LBB2_8-.Ltmp3, $4  }
0x98: {  	v0 =	vpack.i.f32.bf16 v1, v0  }
0x99: {  	[tilespmem:s20+$0x7D20] =	vst v0  }
0x9a: {  	v0 =	vld [tilespmem:s19+$0xFFFFFFF0]  }
0x9b: {  	v1 =	vld [tilespmem:s19+$0x30]  }
0x9c: {  	_ =	sdelay $0x3  }
0x9d: {  	v0 =	vpack.i.f32.bf16 v1, v0  }
0x9e: {  	s18 =	sadd.s32 $0x1, s18;
	[tilespmem:s20+$0x7D30] =	vst v0  }
0x9f: {  	[hbm4b:s9+s3] =	stream.linear.scatter [tilespmem:s13], [sflag:$0x3], $0x1F40, $0x38;
	[tilespmem:$0xBB80] =	vst v63  }
0xa0: {  	p0 =	sne.s32 s18, s10;
	_ =	swait.ge [sflag:s17], $0x1F40  }
.Ltmp4:
0xa1: {  	[sflag:s17] =	ssyncset.done $0x0;
	(pc) =	sbr.rel @p0 .LBB2_1-.Ltmp4, $4  }
0xa2: {  	[sflag:s17] =	ssyncadd.s32 $0xFFFFE0C0  }
0xa3: {  	_ =	swait.ge [sflag:s16], $0x1F40  }
0xa4: {  	[sflag:s16] =	ssyncset.done $0x0  }
0xa5: {  	[sflag:s16] =	ssyncadd.s32 $0xFFFFE0C0  }
0xa6: {  	_ =	sfence.sel $0x180000  }
0xa7: {  	[bflag:$0x0] =	sbarrier.arrive $0xFFFF  }
0xa8: {  	p0 =	sne.s32 s1, $0x0;
	_ =	strace $0x90000047  }
0xa9: {  	s0 =	sadd.s32 @!p0 $0x100000, s0;
	[bflag:$0x2] =	sbarrier.arrive $0xFFFF  }
0xaa: {  	[sflag:s0] =	ssyncadd.tile.s32 @!p0 $0x1;
	_ =	shalt  }
.Lfunc_end2:
_tile_overlayer_lowered:
.L_overlay_start_2:
0xab: {  	(tag) =	ssettag $0x2  }
0xac: {  	s0 =	rddreg [dreg:$0x0];
	s2 =	stileid.u32  }
0xad: {  	s1 =	rddreg [dreg:$0x1];
	p0 =	sne.s32 s2, $0x0  }
0xae: {  	s3 =	rddreg [dreg:$0x2];
	[bflag:$0x3] =	sbarrier.arrive $0xFFFF;
	s2 =	simm.s32 @!p0 $0x1C05  }
0xaf: {  	[timem:s3], [sflag:s2] =	dma.local @!p0 [hbm:s0], s1  }
0xb0: {  	s0 =	simm.s32 @!p0 $0x5  }
0xb1: {  	_ =	swait.ge @!p0 [sflag:s0], s1  }
0xb2: {  	s1 =	ssub.s32 @!p0 $0x0, s1;
	[sflag:s0] =	ssyncset.done @!p0 $0x0  }
0xb3: {  	[sflag:s0] =	ssyncadd.s32 @!p0 s1  }
0xb4: {  	[bflag:$0x3] =	sbarrier.arrive $0xFFFF  }
0xb5: {  	_ =	shalt  }

// kernel: kernel.9.cloned.1.call-start
scs
__scs_entry_jumppad:
0x0: {  	(pc) =	sbr.rel $0x88, $3  }
0x1: {  	(tag) =	ssettag $0x0;
	lr =	simm.s32 $0x1  }
0x2: {  	[smem:$0x3F9F] =	sst lr;
	_ =	strace $0xD0000000  }
0x3: {  	_ = 	snop  }
0x4: {  	_ = 	snop  }
0x5: {  	_ = 	snop  }
0x6: {  	_ = 	snop  }
0x7: {  	_ = 	snop  }
__scs_overlays_trampoline_lowered:
0x8: {  	[smem:$0x3FAE] =	sst s0  }
0x9: {  	[smem:$0x3FAF] =	sst s1  }
0xa: {  	[smem:$0x3FB0] =	sst s2  }
0xb: {  	[smem:$0x3FB1] =	sst s3  }
0xc: {  	[smem:$0x3FB2] =	sst s4  }
0xd: {  	[smem:$0x3FB3] =	sst s5  }
0xe: {  	[smem:$0x3FB4] =	sst s6  }
0xf: {  	[smem:$0x3FB5] =	sst s7  }
0x10: {  	[smem:$0x3FB6] =	sst s8  }
0x11: {  	[smem:$0x3FB7] =	sst s9;
	s0 =	simm.s32 @!p0 $0x0  }
0x12: {  	s1 =	sld [smem:$0x3F9D];
	s0 =	simm.s32 @p0 $0x1  }
0x13: {  	[smem:$0x3FB8] =	sst s0;
	s0 =	simm.s32 @!p1 $0x0  }
0x14: {  	s2 =	sld [smem:$0x3F9C];
	s0 =	simm.s32 @p1 $0x1  }
0x15: {  	[smem:$0x3FB9] =	sst s0;
	s0 =	simm.s32 @!p2 $0x0  }
0x16: {  	s3 =	sld [smem:$0x3FDB];
	s0 =	simm.s32 @p2 $0x1  }
0x17: {  	s4 =	simm.s32 $0x1BF5;
	[smem:$0x3FBB] =	sst s0  }
0x18: {  	s0 =	sld [smem:$0x3F9E];
	_ =	swait.ge [sflag:s4], $0x0  }
0x19: {  	s7 =	sld [smem:$0x3F9F]  }
0x1a: {  	s8 =	sadd.s32 $0xFFFFE003, lr  }
0x1b: {  	s9 =	sadd.s32 $0xFFFFFEF7, lr;
	s5 =	simm.s32 $0xFFFFFFFF;
	p2 =	slt.u32 s8, $0xFFFFF086  }
0x1c: {  	p1 =	slt.u32 s9, $0xF7A;
	s5 =	simm.s32 @!p2 $0x0  }
0x1d: {  	s5 =	simm.s32 @p1 $0x1;
	p0 =	seq.s32 s7, s2  }
0x1e: {  	s7 =	smul.u32 @!p0 $0xF7A, s2;
	p2 =	seq.s32 @!p0 s5, $0x0  }
0x1f: {  	s9 =	smul.u32 $0xF7A, s1;
	s8 =	simm.s32 @!p0 $0x1BF5;
	p2 =	por !p2, p0  }
0x20: {  	[sflag:s8] =	ssyncset.s32 @!p0 $0xFFFFF086;
	s6 =	sadd.s32 @!p0 s3, s7;
	s7 =	simm.s32 @!p0 $0x108  }
0x21: {  	s3 =	sadd.s32 s3, s9;
	s6 =	sadd.s32 @!p0 $0x88, s6;
	s7 =	simm.s32 @p2 $0x1082  }
0x22: {  	[simem:s7], [sflag:s8] =	dma.local @!p0 [hbm:s6], $0xF7A  }
0x23: {  	s9 =	sor.u32 $0xD0000000, s2;
	s6 =	simm.s32 $0x108;
	_ =	swait.ge @!p0 [sflag:s8], $0x0  }
0x24: {  	s3 =	sadd.s32 $0x88, s3;
	s6 =	simm.s32 @!p1 $0x1082;
	[sflag:s4] =	ssyncset.s32 $0xFFFFF086  }
0x25: {  	[simem:s6], [sflag:s4] =	dma.local [hbm:s3], $0xF7A  }
0x26: {  	[smem:$0x3F9F] =	sst s1;
	(tag) =	ssettag s2;
	_ =	strace s9  }
0x27: {  	s1 =	sld [smem:$0x3FAF]  }
0x28: {  	s2 =	sld [smem:$0x3FB0]  }
0x29: {  	s4 =	sld [smem:$0x3FB2]  }
0x2a: {  	p0 =	seq.s32 s5, $0x0;
	s5 =	sld [smem:$0x3FB3]  }
0x2b: {  	s6 =	sld [smem:$0x3FB4]  }
0x2c: {  	s7 =	sld [smem:$0x3FB5]  }
0x2d: {  	s3 =	simm.s32 $0x108;
	s8 =	sld [smem:$0x3FB6]  }
0x2e: {  	s3 =	simm.s32 @!p0 $0x1082;
	s9 =	sld [smem:$0x3FB7]  }
0x2f: {  	lr =	sadd.s32 s0, s3;
	s0 =	sld [smem:$0x3FAE]  }
0x30: {  	s3 =	sld [smem:$0x3FB1]  }
0x31: {  	[smem:$0x3FBA] =	sst s10  }
0x32: {  	s10 =	sld [smem:$0x3FB8];
	_ =	sdelay $0x3  }
0x33: {  	p0 =	seq.s32 s10, $0x1;
	s10 =	sld [smem:$0x3FBA];
	_ =	sdelay $0x3  }
0x34: {  	[smem:$0x3FBA] =	sst s10  }
0x35: {  	s10 =	sld [smem:$0x3FB9];
	_ =	sdelay $0x3  }
0x36: {  	p1 =	seq.s32 s10, $0x1;
	s10 =	sld [smem:$0x3FBA];
	_ =	sdelay $0x3  }
0x37: {  	[smem:$0x3FBA] =	sst s10  }
0x38: {  	s10 =	sld [smem:$0x3FBB]  }
0x39: {  	_ = 	snop;
	(pc) =	sbr.ind lr, $3  }
0x3a: {  	_ = 	snop  }
0x3b: {  	_ = 	snop  }
0x3c: {  	p2 =	seq.s32 s10, $0x1;
	s10 =	sld [smem:$0x3FBA]  }
0x3d: {  	_ =	shalt  }
0x3e: {  	_ =	shalt  }
0x3f: {  	_ =	shalt  }
0x40: {  	_ =	shalt  }
0x41: {  	_ =	shalt  }
0x42: {  	_ =	shalt  }
0x43: {  	_ =	shalt  }
0x44: {  	_ =	shalt  }
0x45: {  	_ =	shalt  }
0x46: {  	_ =	shalt  }
0x47: {  	_ =	shalt  }
0x48: {  	_ =	shalt  }
0x49: {  	_ =	shalt  }
0x4a: {  	_ =	shalt  }
0x4b: {  	_ =	shalt  }
0x4c: {  	_ =	shalt  }
0x4d: {  	_ =	shalt  }
0x4e: {  	_ =	shalt  }
0x4f: {  	_ =	shalt  }
0x50: {  	_ =	shalt  }
0x51: {  	_ =	shalt  }
0x52: {  	_ =	shalt  }
0x53: {  	_ =	shalt  }
0x54: {  	_ =	shalt  }
0x55: {  	_ =	shalt  }
0x56: {  	_ =	shalt  }
0x57: {  	_ =	shalt  }
0x58: {  	_ =	shalt  }
0x59: {  	_ =	shalt  }
0x5a: {  	_ =	shalt  }
0x5b: {  	_ =	shalt  }
0x5c: {  	_ =	shalt  }
0x5d: {  	_ =	shalt  }
0x5e: {  	_ =	shalt  }
0x5f: {  	_ =	shalt  }
0x60: {  	_ =	shalt  }
0x61: {  	_ =	shalt  }
0x62: {  	_ =	shalt  }
0x63: {  	_ =	shalt  }
0x64: {  	_ =	shalt  }
0x65: {  	_ =	shalt  }
0x66: {  	_ =	shalt  }
0x67: {  	_ =	shalt  }
0x68: {  	_ =	shalt  }
0x69: {  	_ =	shalt  }
0x6a: {  	_ =	shalt  }
0x6b: {  	_ =	shalt  }
0x6c: {  	_ =	shalt  }
0x6d: {  	_ =	shalt  }
0x6e: {  	_ =	shalt  }
0x6f: {  	_ =	shalt  }
0x70: {  	_ =	shalt  }
0x71: {  	_ =	shalt  }
0x72: {  	_ =	shalt  }
0x73: {  	_ =	shalt  }
0x74: {  	_ =	shalt  }
0x75: {  	_ =	shalt  }
0x76: {  	_ =	shalt  }
0x77: {  	_ =	shalt  }
0x78: {  	_ =	shalt  }
0x79: {  	_ =	shalt  }
0x7a: {  	_ =	shalt  }
0x7b: {  	_ =	shalt  }
0x7c: {  	_ =	shalt  }
0x7d: {  	_ =	shalt  }
0x7e: {  	_ =	shalt  }
0x7f: {  	_ =	shalt  }
0x80: {  	_ =	shalt  }
0x81: {  	_ =	shalt  }
0x82: {  	_ =	shalt  }
0x83: {  	_ =	shalt  }
0x84: {  	_ =	shalt  }
0x85: {  	_ =	shalt  }
0x86: {  	_ =	shalt  }
0x87: {  	_ =	shalt  }
.Lfunc_end0:
.L_simem_size_0:
called_computation.1_lowered:
.L_overlay_start_0:
0x88: {  	s2 =	sld [smem:$0x3FD9]  }
0x89: {  	s3 =	sld [smem:$0x3FFE];
	_ =	sdelay $0x1  }
0x8a: {  	s1 =	srdreg.scid  }
0x8b: {  	s0 =	sand.u32 $0x1, s1  }
0x8c: {  	s16 =	sshll.u32 s0, $0xA;
	s2 =	sadd.s32 s3, s2  }
0x8d: {  	s2 =	sadd.s32 s2, s16  }
0x8e: {  	[smem:$0x3FC6] =	sst s2  }
0x8f: {  	_ = 	snop  }
0x90: {  	(tm) =	ssettm $0x1  }
0x91: {  	s17 =	sld [smem:$0x3FFB];
	_ =	sdelay $0x3  }
0x92: {  	_ =	strace s17  }
0x93: {  	s2 =	sld [smem:$0x3FFC];
	_ =	sdelay $0x3  }
0x94: {  	_ =	strace s2  }
0x95: {  	s2 =	sld [smem:$0x3FFD];
	_ =	sdelay $0x3  }
0x96: {  	_ =	strace s2  }
0x97: {  	_ =	strace $0x8FFFFFFF  }
0x98: {  	s18 =	sld [smem:$0x3FDB];
	_ =	sdelay $0x1  }
0x99: {  	s19 =	simm.s32 $_scs_section_size  }
0x9a: {  	s4 =	simm.s32 $_size__tile_overlayer_lowered;
	s5 =	simm.s32 $_tile_overlayer_lowered  }
0x9b: {  	s22 =	simm.s32 $0x1BFF;
	s21 =	sshll.u32 s5, $0x1;
	s2 =	sadd.s32 s19, s18  }
0x9c: {  	s6 =	simm.s32 $0x0;
	s20 =	sshll.u32 s4, $0x1;
	s4 =	sadd.s32 s21, s2  }
0x9d: {  	[timem:s6], [sflag:s22] =	dma.local [hbm:s4], s20  }
0x9e: {  	_ =	swait.ge [sflag:s22], s20  }
0x9f: {  	s3 =	ssub.s32 $0x0, s20;
	[sflag:s22] =	ssyncset.done $0x0  }
0xa0: {  	[sflag:s22] =	ssyncadd.s32 s3;
	_ =	sdelay $0x1  }
0xa1: {  	s23 =	simm.s32 $0x1B8B  }
0xa2: {  	_ =	swait.ge [sflag:s23], $0x1  }
0xa3: {  	[sflag:s23] =	ssyncset.done $0x0  }
0xa4: {  	s25 =	simm.s32 $0x1B8E;
	s24 =	sld [smem:$0x3FFE];
	[sflag:s23] =	ssyncadd.s32 $0xFFFFFFFF  }
0xa5: {  	s26 =	simm.s32 $execute0_lowered;
	[smem:$0x3FD2] =	sst s25  }
0xa6: {  	s4 =	sshll.u32 s26, $0x1;
	_ =	strace $0x80000049;
	[dreg:$0x1] =	wrdreg $0xFFFFFFFF  }
0xa7: {  	s28 =	simm.s32 $_size_execute0_lowered;
	s2 =	sadd.s32 s2, s4;
	[dreg:$0x0] =	wrdreg $0x0  }
0xa8: {  	s4 =	sshll.u32 s28, $0x1;
	[dreg:$0x2] =	wrdreg s2  }
0xa9: {  	[dreg:$0x3] =	wrdreg s4  }
0xaa: {  	[dreg:$0x4] =	wrdreg $0xC0  }
0xab: {  	_ =	task [dreg:s6], $0x5FFFF  }
0xac: {  	[dreg:$0x1] =	wrdreg $0xFFFFFFFF  }
0xad: {  	[dreg:$0x0] =	wrdreg $0x60  }
0xae: {  	[dreg:$0x2] =	wrdreg s24  }
0xaf: {  	[dreg:$0x3] =	wrdreg $0x9  }
0xb0: {  	_ =	task.clear_ibuf [dreg:s6], $0x4FFFF;
	_ =	strace $0x90000049  }
0xb1: {  	s29 =	simm.s32 $0x9;
	_ =	strace $0x8000004B  }
0xb2: {  	_ =	swait.ge [sflag:s29], $0x1  }
0xb3: {  	[sflag:s29] =	ssyncadd.s32 $0xFFFFFFFF  }
0xb4: {  	_ =	strace $0x9000004B  }
0xb5: {  	_ =	sfence  }
0xb6: {  	s30 =	sld [smem:$0x0];
	_ =	sdelay $0x2  }
0xb7: {  	s31 =	sshll.u32 s1, $0xD;
	s1 =	sshrl.u32 s1, $0x2  }
0xb8: {  	s3 =	sand.u32 $0x4000, s31;
	s1 =	sadd.s32 s1, s30  }
0xb9: {  	s0 =	sor.u32 s3, s0;
	s1 =	sshll.u32 s1, $0x11  }
0xba: {  	s0 =	sor.u32 s1, s0  }
0xbb: {  	s0 =	sadd.s32 $0x8F2B, s0  }
0xbc: {  	[sflag:s0] =	ssyncadd.remote.s32 $0x1  }
0xbd: {  	_ =	sfence.sel $0xFFFF  }
0xbe: {  	[dreg:$0x0] =	wrdreg $0xFFFFFFFF;
	(pc) =	sbr.abs _section_cstart, $3  }
0xbf: {  	[dreg:$0x1] =	wrdreg $0xFFFFFFFF  }
0xc0: {  	_ =	task.clear_ibuf [dreg:s6], $0x2FFFF;
	_ =	strace $0x9FFFFFFF  }
0xc1: {  	(tm) =	ssettm $0x7FFFFFFF  }
tec
execute0_lowered:
.L_overlay_start_1:
0x0: {  	(tag) =	ssettag $0x1  }
0x1: {  	s0 =	srdreg.scid  }
0x2: {  	s2 =	stileid.u32;
	s1 =	rddreg [dreg:$0x0];
	s9 =	simm.s32 $0x5  }
0x3: {  	s12 =	simm.s32 $0x80;
	s13 =	simm.s32 $0x2580;
	s14 =	simm.s32 $0x4580  }
0x4: {  	s15 =	simm.s32 $0x6580;
	s16 =	simm.s32 $0x8580;
	s18 =	simm.s32 $0xA580  }
0x5: {  	s20 =	simm.s32 $0xC580;
	s22 =	simm.s32 $0xE580;
	s24 =	simm.s32 $0x10580  }
0x6: {  	s26 =	simm.s32 $0x12580;
	s28 =	simm.s32 $0x1;
	s29 =	simm.s32 $0x14580  }
0x7: {  	s30 =	simm.s32 $0x16580;
	s0 =	sand.u32 $0x1, s0;
	s3 =	sshll.u32 s2, $0x1  }
0x8: {  	s31 =	simm.s32 $0x18580;
	s17 =	simm.s32 $0x4;
	s6 =	sor.u32 s0, s3  }
0x9: {  	v0 =	vlaneseq.u32;
	s21 =	simm.s32 $0x0;
	s2 =	simm.s32 $0x0;
	s4 =	smul.u32 $0x190, s6  }
0xa: {  	v1 =	vmul.u32 $0x40, v0;
	[smem:$0x7FF] =	sst s2;
	s0 =	ssub.s32 $0x2, s0;
	s3 =	sadd.s32 $0x186A00, s1  }
0xb: {  	_ =	strace $0x8000004A;
	s5 =	sshrl.u32 s0, $0x1;
	s7 =	sadd.s32 s4, s1  }
0xc: {  	v2 =	vimm.f32 $0.0e+00;
	s8 =	sshll.u32 s6, $0x1;
	v4 =	vor.u32 $0x800, v1;
	s0 =	ssub.s32 s0, s5;
	s4 =	sadd.s32 $0x24A000, s7  }
0xd: {  	v3 =	vor.u32 $0x400, v1;
	v5 =	vor.u32 $0xC00, v1;
	v6 =	vor.u32 $0x1000, v1;
	s5 =	sadd.s32 $0x24D200, s7;
	s6 =	sadd.s32 $0x250400, s7;
	s7 =	sadd.s32 s1, s8  }
0xe: {  	v7 =	vor.u32 $0x1400, v1;
	v8 =	vor.u32 $0x1800, v1;
	v9 =	vor.u32 $0x1C00, v1;
	s8 =	smax.u32 s0, $0x1;
	s1 =	simm.s32 $0x2;
	s0 =	simm.s32 $0x3  }
.LBB2_1:
0xf: {  	[tilespmem:$0x1A580] =	vst v2  }
0x10: {  	[tilespmem:s2], [sflag:$0x5] =	stream.linear.gather [hbm4b:s4+s2], $0xC80, $0x38;
	[tilespmem:$0x1A590] =	vst v63  }
0x11: {  	_ =	swait.ge [sflag:s9], $0xC80  }
0x12: {  	[sflag:s9] =	ssyncset.done $0x0  }
0x13: {  	s10 =	simm.s32 $0xC80;
	[sflag:s9] =	ssyncadd.s32 $0xFFFFF380  }
0x14: {  	[tilespmem:s10], [sflag:$0x5] =	stream.linear.gather [hbm4b:s5+s2], $0xC80, $0x38;
	[tilespmem:$0x1A590] =	vst v63  }
0x15: {  	_ =	swait.ge [sflag:s9], $0xC80  }
0x16: {  	[sflag:s9] =	ssyncset.done $0x0  }
0x17: {  	s11 =	simm.s32 $0x1900;
	[sflag:s9] =	ssyncadd.s32 $0xFFFFF380  }
0x18: {  	[tilespmem:s11], [sflag:$0x5] =	stream.linear.gather [hbm4b:s6+s2], $0xC80, $0x38;
	[tilespmem:$0x1A590] =	vst v63  }
0x19: {  	_ =	swait.ge [sflag:s9], $0xC80  }
0x1a: {  	[sflag:s9] =	ssyncset.done $0x0  }
0x1b: {  	[sflag:s9] =	ssyncadd.s32 $0xFFFFF380  }
0x1c: {  	[tilespmem:s13], [sflag:$0x1] =	stream.indirect.gather [hbm4b:s3+s12], $0x40, s2, s12, $0xb8;
	[tilespmem:$0x1A590] =	vst v63  }
0x1d: {  	_ = 	snop  }
0x1e: {  	[tilespmem:s14], [sflag:$0x1] =	stream.indirect.gather [hbm4b:s3+s12], $0x40, s10, s12, $0xb8;
	[tilespmem:$0x1A590] =	vst v63  }
0x1f: {  	_ = 	snop  }
0x20: {  	[tilespmem:s15], [sflag:$0x1] =	stream.indirect.gather [hbm4b:s3+s12], $0x40, s11, s12, $0xb8;
	[tilespmem:$0x1A590] =	vst v63  }
0x21: {  	_ = 	snop  }
0x22: {  	[tilespmem:s16], [sflag:$0x2] =	stream.indirect.gather [hbm4b:s3+s12], $0x40, s12, s12, $0xb8;
	[tilespmem:$0x1A590] =	vst v63  }
0x23: {  	s25 =	simm.s32 $0xD00  }
0x24: {  	[tilespmem:s18], [sflag:$0x2] =	stream.indirect.gather [hbm4b:s3+s12], $0x40, s25, s12, $0xb8;
	[tilespmem:$0x1A590] =	vst v63  }
0x25: {  	s11 =	simm.s32 $0x1980  }
0x26: {  	[tilespmem:s20], [sflag:$0x2] =	stream.indirect.gather [hbm4b:s3+s12], $0x40, s11, s12, $0xb8;
	[tilespmem:$0x1A590] =	vst v63  }
0x27: {  	s19 =	simm.s32 $0x100  }
0x28: {  	[tilespmem:s22], [sflag:$0x3] =	stream.indirect.gather [hbm4b:s3+s12], $0x40, s19, s12, $0xb8;
	[tilespmem:$0x1A590] =	vst v63  }
0x29: {  	s23 =	simm.s32 $0xD80  }
0x2a: {  	[tilespmem:s24], [sflag:$0x3] =	stream.indirect.gather [hbm4b:s3+s12], $0x40, s23, s12, $0xb8;
	[tilespmem:$0x1A590] =	vst v63  }
0x2b: {  	s25 =	simm.s32 $0x1A00;
	s23 =	simm.s32 $0x0  }
0x2c: {  	[tilespmem:s26], [sflag:$0x3] =	stream.indirect.gather [hbm4b:s3+s12], $0x40, s25, s12, $0xb8;
	[tilespmem:$0x1A590] =	vst v63  }
.LBB2_2:
0x2d: {  	_ =	swait.ge [sflag:s28], $0x2000  }
0x2e: {  	[sflag:s28] =	ssyncset.done $0x0  }
0x2f: {  	[sflag:s28] =	ssyncadd.s32 $0xFFFFE000  }
0x30: {  	_ =	swait.ge [sflag:s28], $0x2000  }
0x31: {  	[sflag:s28] =	ssyncset.done $0x0  }
0x32: {  	[sflag:s28] =	ssyncadd.s32 $0xFFFFE000  }
0x33: {  	_ =	swait.ge [sflag:s28], $0x2000  }
0x34: {  	s25 =	sshll.u32 s23, $0x9;
	[sflag:s28] =	ssyncset.done $0x0  }
0x35: {  	s19 =	sor.u32 $0x180, s25;
	[sflag:s28] =	ssyncadd.s32 $0xFFFFE000  }
0x36: {  	[tilespmem:s29], [sflag:$0x4] =	stream.indirect.gather [hbm4b:s3+s12], $0x40, s19, s12, $0xb8;
	[tilespmem:$0x1A590] =	vst v63  }
0x37: {  	s10 =	sadd.s32 $0xE00, s25  }
0x38: {  	v10 =	vimm.f32 $0.0e+00;
	v11 =	vimm.f32 $0.0e+00;
	[tilespmem:s30], [sflag:$0x4] =	stream.indirect.gather [hbm4b:s3+s12], $0x40, s10, s12, $0xb8;
	[tilespmem:$0x1A590] =	vst v63  }
0x39: {  	v14 =	vimm.f32 $0.0e+00;
	v17 =	vimm.f32 $0.0e+00;
	v12 =	vimm.f32 $0.0e+00;
	s11 =	sadd.s32 $0x1A80, s25;
	s19 =	simm.s32 $0x0  }
0x3a: {  	v16 =	vimm.f32 $0.0e+00;
	v13 =	vimm.f32 $0.0e+00;
	v15 =	vimm.f32 $0.0e+00;
	[tilespmem:s31], [sflag:$0x4] =	stream.indirect.gather [hbm4b:s3+s12], $0x40, s11, s12, $0xb8;
	[tilespmem:$0x1A590] =	vst v63  }
.LBB2_3:
0x3b: {  	v18 =	vadd.s32 s19, v0  }
0x3c: {  	v18 =	vand.u32 $0x3F, v18  }
0x3d: {  	v19 =	vor.u32 v1, v18;
	_ =	sdelay $0x2  }
0x3e: {  	v20 =	vor.u32 v3, v18;
	_ =	sdelay $0x1  }
0x3f: {  	v21 =	vld.idx.msk [tilespmem:v19+s13+$0x0], $0xffff  }
0x40: {  	v24 =	vor.u32 v4, v18;
	v22 =	vld.idx.msk [tilespmem:v19+s14+$0x0], $0xffff  }
0x41: {  	v19 =	vld.idx.msk [tilespmem:v19+s15+$0x0], $0xffff  }
0x42: {  	v23 =	vld.idx.msk [tilespmem:v20+s14+$0x0], $0xffff  }
0x43: {  	v26 =	vor.u32 v5, v18;
	v25 =	vld.idx.msk [tilespmem:v20+s15+$0x0], $0xffff  }
0x44: {  	v20 =	vld.idx.msk [tilespmem:v20+s13+$0x0], $0xffff  }
0x45: {  	v63 =	vld.idx.msk [tilespmem:v24+s13+$0x0], $0xffff  }
0x46: {  	v40 =	vor.u32 v6, v18;
	v32 =	vld.idx.msk [tilespmem:v24+s14+$0x0], $0xffff  }
0x47: {  	v24 =	vld.idx.msk [tilespmem:v24+s15+$0x0], $0xffff  }
0x48: {  	v47 =	vor.u32 v7, v18;
	v36 =	vld.idx.msk [tilespmem:v26+s14+$0x0], $0xffff  }
0x49: {  	v56 =	vor.u32 v8, v18;
	v18 =	vor.u32 v9, v18;
	v39 =	vld.idx.msk [tilespmem:v26+s15+$0x0], $0xffff;
	v27 =	vunpack.i.u.bf16.f32 v21  }
0x4a: {  	v42 =	vld.idx.msk [tilespmem:v26+s13+$0x0], $0xffff;
	v28 =	vunpack.i.l.bf16.f32 v22;
	v29 =	vunpack.i.l.bf16.f32 v19;
	v21 =	vunpack.i.l.bf16.f32 v21  }
0x4b: {  	v53 =	vld.idx.msk [tilespmem:v40+s15+$0x0], $0xffff;
	v22 =	vunpack.i.u.bf16.f32 v22;
	v19 =	vunpack.i.u.bf16.f32 v19;
	v30 =	vunpack.i.l.bf16.f32 v23  }
0x4c: {  	v51 =	vld.idx.msk [tilespmem:v40+s14+$0x0], $0xffff;
	v31 =	vunpack.i.l.bf16.f32 v25;
	v35 =	vunpack.i.l.bf16.f32 v20;
	v23 =	vunpack.i.u.bf16.f32 v23  }
0x4d: {  	v25 =	vunpack.i.u.bf16.f32 v25;
	v20 =	vunpack.i.u.bf16.f32 v20;
	v41 =	vunpack.i.u.bf16.f32 v63  }
0x4e: {  	v43 =	vunpack.i.l.bf16.f32 v63;
	v44 =	vunpack.i.l.bf16.f32 v32;
	v45 =	vunpack.i.l.bf16.f32 v24  }
0x4f: {  	v46 =	vunpack.i.u.bf16.f32 v32;
	v24 =	vunpack.i.u.bf16.f32 v24;
	v48 =	vunpack.i.l.bf16.f32 v36  }
0x50: {  	v55 =	vld.idx.msk [tilespmem:v47+s14+$0x0], $0xffff;
	v49 =	vunpack.i.l.bf16.f32 v39;
	v52 =	vunpack.i.l.bf16.f32 v42;
	v58 =	vunpack.i.l.bf16.f32 v53  }
0x51: {  	v57 =	vld.idx.msk [tilespmem:v47+s15+$0x0], $0xffff;
	v62 =	vunpack.i.u.bf16.f32 v51;
	v28 =	vsub.f32 v29, v28;
	v19 =	vsub.f32 v19, v22  }
0x52: {  	v33 =	vld.idx.msk [tilespmem:v56+s14+$0x0], $0xffff;
	v63 =	vunpack.i.u.bf16.f32 v53;
	v34 =	vsub.f32 v31, v30;
	v38 =	vsub.f32 v25, v23  }
0x53: {  	v24 =	vsub.f32 v24, v46;
	v50 =	vsub.f32 v49, v48;
	v30 =	vunpack.i.u.bf16.f32 v36  }
0x54: {  	v23 =	vunpack.i.u.bf16.f32 v39;
	v22 =	vunpack.i.u.bf16.f32 v42;
	v21 =	vmul.f32 v28, v21  }
0x55: {  	v25 =	vld.idx.msk [tilespmem:v40+s13+$0x0], $0xffff;
	v23 =	vsub.f32 v23, v30;
	v37 =	vmul.f32 v34, v35;
	v19 =	vmul.f32 v19, v27  }
0x56: {  	v20 =	vmul.f32 v38, v20;
	v27 =	vsub.f32 v45, v44;
	v54 =	vmul.f32 v50, v52  }
0x57: {  	v36 =	vld.idx.msk [tilespmem:v56+s15+$0x0], $0xffff;
	v34 =	vunpack.i.l.bf16.f32 v55;
	v35 =	vunpack.i.l.bf16.f32 v57;
	v28 =	vunpack.i.u.bf16.f32 v33  }
0x58: {  	s10 =	sadd.s32 $0x1, s19;
	v40 =	vld.idx.msk [tilespmem:v18+s15+$0x0], $0xffff;
	v15 =	vadd.f32 v21, v15;
	v13 =	vadd.f32 v37, v13;
	v26 =	vmul.f32 v27, v43  }
0x59: {  	v21 =	vmul.f32 v24, v41;
	v12 =	vadd.f32 v54, v12;
	v37 =	vadd.s32 s10, v0  }
0x5a: {  	v24 =	vunpack.i.u.bf16.f32 v55;
	v60 =	vunpack.i.u.bf16.f32 v25;
	v61 =	vunpack.i.l.bf16.f32 v25  }
0x5b: {  	v25 =	vsub.f32 v63, v62;
	v16 =	vadd.f32 v26, v16;
	v26 =	vand.u32 $0x3F, v37  }
0x5c: {  	v59 =	vld.idx.msk [tilespmem:v47+s13+$0x0], $0xffff;
	v41 =	vunpack.i.l.bf16.f32 v36;
	v30 =	vunpack.i.u.bf16.f32 v36;
	v39 =	vor.u32 v1, v26  }
0x5d: {  	v38 =	vld.idx.msk [tilespmem:v18+s14+$0x0], $0xffff;
	v47 =	vunpack.i.l.bf16.f32 v40;
	v29 =	vunpack.i.u.bf16.f32 v40;
	v15 =	vadd.f32 v15, v19  }
0x5e: {  	v19 =	vmul.f32 v23, v22;
	v13 =	vadd.f32 v13, v20;
	v20 =	vsub.f32 v35, v34  }
0x5f: {  	v18 =	vld.idx.msk [tilespmem:v18+s13+$0x0], $0xffff;
	v22 =	vunpack.i.u.bf16.f32 v57;
	v44 =	vsub.f32 v30, v28;
	v42 =	vor.u32 v3, v26  }
0x60: {  	v27 =	vld.idx.msk [tilespmem:v56+s13+$0x0], $0xffff;
	v23 =	vmul.f32 v25, v60;
	v12 =	vadd.f32 v12, v19;
	v19 =	vunpack.i.l.bf16.f32 v51  }
0x61: {  	v22 =	vsub.f32 v22, v24;
	v53 =	vor.u32 v4, v26;
	v19 =	vsub.f32 v58, v19;
	v45 =	vld.idx.msk [tilespmem:v39+s13+$0x0], $0xffff  }
0x62: {  	v46 =	vunpack.i.l.bf16.f32 v38;
	v56 =	vor.u32 v5, v26;
	v16 =	vadd.f32 v16, v21;
	v48 =	vld.idx.msk [tilespmem:v39+s14+$0x0], $0xffff  }
0x63: {  	v21 =	vunpack.i.u.bf16.f32 v59;
	v49 =	vsub.f32 v47, v46;
	v19 =	vmul.f32 v19, v61;
	v25 =	vld.idx.msk [tilespmem:v39+s15+$0x0], $0xffff  }
0x64: {  	v50 =	vunpack.i.l.bf16.f32 v18;
	v34 =	vor.u32 v6, v26;
	v21 =	vmul.f32 v22, v21;
	v51 =	vld.idx.msk [tilespmem:v42+s14+$0x0], $0xffff  }
0x65: {  	v22 =	vmul.f32 v49, v50;
	v52 =	vld.idx.msk [tilespmem:v42+s15+$0x0], $0xffff;
	v17 =	vadd.f32 v19, v17;
	v19 =	vunpack.i.l.bf16.f32 v59  }
0x66: {  	v18 =	vunpack.i.u.bf16.f32 v18;
	v43 =	vunpack.i.l.bf16.f32 v27;
	v60 =	vld.idx.msk [tilespmem:v53+s14+$0x0], $0xffff;
	v19 =	vmul.f32 v20, v19  }
0x67: {  	v27 =	vunpack.i.u.bf16.f32 v27;
	v10 =	vadd.f32 v22, v10;
	v62 =	vld.idx.msk [tilespmem:v53+s15+$0x0], $0xffff;
	v20 =	vunpack.i.u.bf16.f32 v38  }
0x68: {  	v35 =	vld.idx.msk [tilespmem:v56+s14+$0x0], $0xffff;
	v20 =	vsub.f32 v29, v20;
	v14 =	vadd.f32 v19, v14;
	v19 =	vunpack.i.l.bf16.f32 v33  }
0x69: {  	v39 =	vor.u32 v7, v26;
	v17 =	vadd.f32 v17, v23;
	v19 =	vsub.f32 v41, v19  }
0x6a: {  	v40 =	vld.idx.msk [tilespmem:v34+s15+$0x0], $0xffff;
	v18 =	vmul.f32 v20, v18;
	v54 =	vunpack.i.l.bf16.f32 v48;
	v55 =	vunpack.i.l.bf16.f32 v25  }
0x6b: {  	v57 =	vunpack.i.u.bf16.f32 v48;
	v58 =	vunpack.i.l.bf16.f32 v51;
	v59 =	vunpack.i.l.bf16.f32 v52  }
0x6c: {  	v25 =	vunpack.i.u.bf16.f32 v25;
	v30 =	vunpack.i.u.bf16.f32 v51;
	v28 =	vunpack.i.u.bf16.f32 v45  }
0x6d: {  	v22 =	vld.idx.msk [tilespmem:v56+s13+$0x0], $0xffff;
	v37 =	vunpack.i.l.bf16.f32 v62;
	v41 =	vunpack.i.l.bf16.f32 v35;
	v31 =	vunpack.i.u.bf16.f32 v60  }
0x6e: {  	v38 =	vld.idx.msk [tilespmem:v34+s14+$0x0], $0xffff;
	v23 =	vunpack.i.u.bf16.f32 v62;
	v24 =	vunpack.i.u.bf16.f32 v35;
	v19 =	vmul.f32 v19, v43  }
0x6f: {  	v29 =	vld.idx.msk [tilespmem:v34+s13+$0x0], $0xffff;
	v46 =	vunpack.i.l.bf16.f32 v40;
	v51 =	vor.u32 v9, v26;
	v14 =	vadd.f32 v14, v21  }
0x70: {  	v33 =	vld.idx.msk [tilespmem:v53+s13+$0x0], $0xffff;
	v20 =	vsub.f32 v55, v54;
	v11 =	vadd.f32 v19, v11;
	v19 =	vmul.f32 v44, v27  }
0x71: {  	v36 =	vld.idx.msk [tilespmem:v56+s15+$0x0], $0xffff;
	v53 =	vunpack.i.u.bf16.f32 v40;
	v61 =	vsub.f32 v59, v58;
	v21 =	vsub.f32 v25, v57  }
0x72: {  	v10 =	vadd.f32 v10, v18;
	v18 =	vunpack.i.l.bf16.f32 v45;
	v11 =	vadd.f32 v11, v19;
	v19 =	vld.idx.msk [tilespmem:v42+s13+$0x0], $0xffff  }
0x73: {  	v47 =	vld.idx.msk [tilespmem:v39+s15+$0x0], $0xffff;
	v43 =	vunpack.i.l.bf16.f32 v22;
	v45 =	vunpack.i.l.bf16.f32 v38;
	v22 =	vunpack.i.u.bf16.f32 v22  }
0x74: {  	v18 =	vmul.f32 v20, v18;
	v21 =	vmul.f32 v21, v28;
	v48 =	vsub.f32 v46, v45  }
0x75: {  	v49 =	vunpack.i.l.bf16.f32 v29;
	v27 =	vunpack.i.u.bf16.f32 v52;
	v25 =	vunpack.i.l.bf16.f32 v33  }
0x76: {  	v52 =	vunpack.i.u.bf16.f32 v29;
	v15 =	vadd.f32 v18, v15;
	v18 =	vsub.f32 v27, v30  }
0x77: {  	s11 =	sadd.s32 $0x2, s19;
	v44 =	vld.idx.msk [tilespmem:v39+s14+$0x0], $0xffff;
	v27 =	vunpack.i.u.bf16.f32 v36;
	v50 =	vmul.f32 v48, v49;
	v63 =	vunpack.i.l.bf16.f32 v19  }
0x78: {  	v55 =	vunpack.i.l.bf16.f32 v47;
	v20 =	vmul.f32 v61, v63;
	v61 =	vadd.s32 s11, v0  }
0x79: {  	v42 =	vunpack.i.l.bf16.f32 v36;
	v19 =	vunpack.i.u.bf16.f32 v19;
	v29 =	vand.u32 $0x3F, v61  }
0x7a: {  	v18 =	vmul.f32 v18, v19;
	v19 =	vunpack.i.l.bf16.f32 v60;
	v36 =	vor.u32 v3, v29  }
0x7b: {  	v59 =	vunpack.i.u.bf16.f32 v47;
	v62 =	vld.idx.msk [tilespmem:v51+s14+$0x0], $0xffff;
	v15 =	vadd.f32 v15, v21;
	v19 =	vsub.f32 v37, v19  }
0x7c: {  	v17 =	vadd.f32 v50, v17;
	v54 =	vunpack.i.l.bf16.f32 v44;
	v63 =	vld.idx.msk [tilespmem:v51+s15+$0x0], $0xffff;
	v13 =	vadd.f32 v20, v13  }
0x7d: {  	v46 =	vor.u32 v4, v29;
	v19 =	vmul.f32 v19, v25;
	v25 =	vsub.f32 v42, v41  }
0x7e: {  	v21 =	vld.idx.msk [tilespmem:v39+s13+$0x0], $0xffff;
	v13 =	vadd.f32 v13, v18;
	v18 =	vunpack.i.u.bf16.f32 v33;
	v33 =	vor.u32 v8, v26  }
0x7f: {  	v20 =	vunpack.i.u.bf16.f32 v38;
	v16 =	vadd.f32 v19, v16;
	v19 =	vsub.f32 v23, v31;
	v45 =	vld.idx.msk [tilespmem:v36+s14+$0x0], $0xffff  }
0x80: {  	v20 =	vsub.f32 v53, v20;
	v26 =	vunpack.i.u.bf16.f32 v62;
	v23 =	vmul.f32 v25, v43;
	v47 =	vld.idx.msk [tilespmem:v36+s15+$0x0], $0xffff  }
0x81: {  	v18 =	vmul.f32 v19, v18;
	v19 =	vsub.f32 v27, v24;
	v24 =	vunpack.i.u.bf16.f32 v63;
	v50 =	vld.idx.msk [tilespmem:v36+s13+$0x0], $0xffff  }
0x82: {  	v25 =	vunpack.i.u.bf16.f32 v44;
	v31 =	vor.u32 v1, v29;
	v44 =	vsub.f32 v24, v26;
	v26 =	vld.idx.msk [tilespmem:v46+s13+$0x0], $0xffff  }
0x83: {  	v57 =	vunpack.i.l.bf16.f32 v21;
	v21 =	vunpack.i.u.bf16.f32 v21;
	v37 =	vunpack.i.l.bf16.f32 v62;
	v56 =	vld.idx.msk [tilespmem:v33+s13+$0x0], $0xffff  }
0x84: {  	v62 =	vor.u32 v7, v29;
	v20 =	vmul.f32 v20, v52;
	v25 =	vsub.f32 v59, v25;
	v58 =	vld.idx.msk [tilespmem:v33+s14+$0x0], $0xffff  }
0x85: {  	v12 =	vadd.f32 v23, v12;
	v19 =	vmul.f32 v19, v22;
	v22 =	vsub.f32 v55, v54;
	v60 =	vld.idx.msk [tilespmem:v33+s15+$0x0], $0xffff  }
0x86: {  	v38 =	vunpack.i.l.bf16.f32 v63;
	v17 =	vadd.f32 v17, v20;
	v16 =	vadd.f32 v16, v18;
	v55 =	vld.idx.msk [tilespmem:v46+s15+$0x0], $0xffff  }
0x87: {  	v18 =	vmul.f32 v25, v21;
	v39 =	vld.idx.msk [tilespmem:v31+s14+$0x0], $0xffff;
	v22 =	vmul.f32 v22, v57;
	v12 =	vadd.f32 v12, v19  }
0x88: {  	v19 =	vld.idx.msk [tilespmem:v51+s13+$0x0], $0xffff;
	v51 =	vor.u32 v5, v29;
	v57 =	vor.u32 v6, v29;
	v53 =	vunpack.i.l.bf16.f32 v45  }
0x89: {  	v40 =	vld.idx.msk [tilespmem:v31+s15+$0x0], $0xffff;
	v54 =	vunpack.i.l.bf16.f32 v47;
	v24 =	vunpack.i.u.bf16.f32 v45;
	v14 =	vadd.f32 v22, v14  }
0x8a: {  	v43 =	vld.idx.msk [tilespmem:v31+s13+$0x0], $0xffff;
	v22 =	vsub.f32 v38, v37;
	v63 =	vunpack.i.l.bf16.f32 v26;
	v36 =	vunpack.i.u.bf16.f32 v26  }
0x8b: {  	v33 =	vunpack.i.l.bf16.f32 v56;
	v34 =	vunpack.i.l.bf16.f32 v58;
	v35 =	vunpack.i.l.bf16.f32 v60  }
0x8c: {  	v27 =	vunpack.i.u.bf16.f32 v58;
	v30 =	vunpack.i.u.bf16.f32 v60;
	v60 =	vunpack.i.l.bf16.f32 v55  }
0x8d: {  	v14 =	vadd.f32 v14, v18;
	v18 =	vunpack.i.u.bf16.f32 v56;
	v21 =	vsub.f32 v35, v34  }
0x8e: {  	v41 =	vsub.f32 v30, v27;
	v48 =	vunpack.i.l.bf16.f32 v39;
	v49 =	vunpack.i.l.bf16.f32 v40  }
0x8f: {  	v52 =	vunpack.i.u.bf16.f32 v39;
	v25 =	vunpack.i.u.bf16.f32 v40;
	v27 =	vunpack.i.u.bf16.f32 v43  }
0x90: {  	v56 =	vunpack.i.l.bf16.f32 v50;
	v42 =	vunpack.i.l.bf16.f32 v19;
	v19 =	vunpack.i.u.bf16.f32 v19;
	v58 =	vld.idx.msk [tilespmem:v51+s14+$0x0], $0xffff  }
0x91: {  	v23 =	vsub.f32 v25, v52;
	v59 =	vld.idx.msk [tilespmem:v51+s15+$0x0], $0xffff;
	v20 =	vmul.f32 v21, v33;
	v22 =	vmul.f32 v22, v42  }
0x92: {  	s11 =	sadd.s32 $0x3, s19;
	v61 =	vld.idx.msk [tilespmem:v51+s13+$0x0], $0xffff;
	v18 =	vmul.f32 v41, v18;
	v19 =	vmul.f32 v44, v19;
	v21 =	vunpack.i.u.bf16.f32 v47  }
0x93: {  	v34 =	vld.idx.msk [tilespmem:v57+s14+$0x0], $0xffff;
	v33 =	vunpack.i.u.bf16.f32 v55;
	v55 =	vadd.s32 s11, v0;
	v23 =	vmul.f32 v23, v27  }
0x94: {  	v35 =	vld.idx.msk [tilespmem:v57+s15+$0x0], $0xffff;
	v21 =	vsub.f32 v21, v24;
	v32 =	vand.u32 $0x3F, v55;
	v11 =	vadd.f32 v20, v11  }
0x95: {  	v39 =	vld.idx.msk [tilespmem:v57+s13+$0x0], $0xffff;
	v10 =	vadd.f32 v22, v10;
	v20 =	vunpack.i.u.bf16.f32 v50;
	v57 =	vor.u32 v1, v32  }
0x96: {  	v20 =	vmul.f32 v21, v20;
	v11 =	vadd.f32 v11, v18;
	v18 =	vsub.f32 v49, v48  }
0x97: {  	v41 =	vld.idx.msk [tilespmem:v62+s14+$0x0], $0xffff;
	v10 =	vadd.f32 v10, v19;
	v19 =	vunpack.i.l.bf16.f32 v43;
	v37 =	vunpack.i.l.bf16.f32 v58  }
0x98: {  	v42 =	vld.idx.msk [tilespmem:v62+s15+$0x0], $0xffff;
	v38 =	vunpack.i.l.bf16.f32 v59;
	v40 =	vunpack.i.l.bf16.f32 v61;
	v25 =	vunpack.i.u.bf16.f32 v58  }
0x99: {  	v22 =	vld.idx.msk [tilespmem:v62+s13+$0x0], $0xffff;
	v43 =	vor.u32 v8, v29;
	v21 =	vunpack.i.u.bf16.f32 v61;
	v18 =	vmul.f32 v18, v19  }
0x9a: {  	v44 =	vunpack.i.l.bf16.f32 v34;
	v45 =	vunpack.i.l.bf16.f32 v35;
	v47 =	vunpack.i.u.bf16.f32 v39;
	v19 =	vld.idx.msk [tilespmem:v46+s14+$0x0], $0xffff  }
0x9b: {  	v24 =	vunpack.i.l.bf16.f32 v39;
	v15 =	vadd.f32 v18, v15;
	v18 =	vsub.f32 v54, v53  }
0x9c: {  	v48 =	vor.u32 v9, v29;
	v49 =	vunpack.i.u.bf16.f32 v34;
	v50 =	vunpack.i.l.bf16.f32 v41  }
0x9d: {  	v51 =	vunpack.i.l.bf16.f32 v42;
	v27 =	vunpack.i.u.bf16.f32 v41;
	v39 =	vld.idx.msk [tilespmem:v57+s15+$0x0], $0xffff;
	v18 =	vmul.f32 v18, v56  }
0x9e: {  	v46 =	vsub.f32 v45, v44;
	v58 =	vunpack.i.u.bf16.f32 v22;
	v15 =	vadd.f32 v15, v23  }
0x9f: {  	v52 =	vld.idx.msk [tilespmem:v43+s13+$0x0], $0xffff;
	v23 =	vunpack.i.u.bf16.f32 v59;
	v13 =	vadd.f32 v18, v13;
	v18 =	vunpack.i.l.bf16.f32 v19  }
0xa0: {  	v26 =	vld.idx.msk [tilespmem:v43+s15+$0x0], $0xffff;
	v23 =	vsub.f32 v23, v25;
	v25 =	vunpack.i.u.bf16.f32 v42;
	v18 =	vsub.f32 v60, v18  }
0xa1: {  	v53 =	vunpack.i.l.bf16.f32 v22;
	v54 =	vld.idx.msk [tilespmem:v43+s14+$0x0], $0xffff;
	v19 =	vunpack.i.u.bf16.f32 v19;
	v25 =	vsub.f32 v25, v27  }
0xa2: {  	v56 =	vld.idx.msk [tilespmem:v48+s14+$0x0], $0xffff;
	v45 =	vunpack.i.l.bf16.f32 v39;
	v19 =	vsub.f32 v33, v19;
	v18 =	vmul.f32 v18, v63  }
0xa3: {  	v59 =	vld.idx.msk [tilespmem:v48+s15+$0x0], $0xffff;
	v28 =	vunpack.i.u.bf16.f32 v39;
	v60 =	vor.u32 v3, v32;
	v13 =	vadd.f32 v13, v20  }
0xa4: {  	v16 =	vadd.f32 v18, v16;
	v18 =	vmul.f32 v19, v36;
	v19 =	vsub.f32 v38, v37  }
0xa5: {  	v20 =	vunpack.i.u.bf16.f32 v35;
	v61 =	vunpack.i.l.bf16.f32 v26;
	v62 =	vunpack.i.u.bf16.f32 v52  }
0xa6: {  	v34 =	vunpack.i.u.bf16.f32 v54;
	v26 =	vunpack.i.u.bf16.f32 v26;
	v19 =	vmul.f32 v19, v40  }
0xa7: {  	v20 =	vsub.f32 v20, v49;
	v63 =	vunpack.i.l.bf16.f32 v52;
	v35 =	vunpack.i.l.bf16.f32 v56  }
0xa8: {  	v33 =	vld.idx.msk [tilespmem:v57+s13+$0x0], $0xffff;
	v27 =	vunpack.i.u.bf16.f32 v56;
	v22 =	vunpack.i.u.bf16.f32 v59;
	v12 =	vadd.f32 v19, v12  }
0xa9: {  	v19 =	vmul.f32 v23, v21;
	v21 =	vmul.f32 v46, v24;
	v24 =	vsub.f32 v51, v50  }
0xaa: {  	v22 =	vsub.f32 v22, v27;
	v20 =	vmul.f32 v20, v47;
	v36 =	vunpack.i.l.bf16.f32 v59;
	v37 =	vld.idx.msk [tilespmem:v57+s14+$0x0], $0xffff  }
0xab: {  	v47 =	vor.u32 v5, v32;
	v38 =	vsub.f32 v36, v35;
	v41 =	vld.idx.msk [tilespmem:v60+s14+$0x0], $0xffff;
	v24 =	vmul.f32 v24, v53  }
0xac: {  	v42 =	vld.idx.msk [tilespmem:v60+s15+$0x0], $0xffff;
	v16 =	vadd.f32 v16, v18;
	v18 =	vmul.f32 v25, v58;
	v25 =	vsub.f32 v26, v34  }
0xad: {  	v43 =	vunpack.i.l.bf16.f32 v33;
	v12 =	vadd.f32 v12, v19;
	v19 =	vld.idx.msk [tilespmem:v48+s13+$0x0], $0xffff;
	v14 =	vadd.f32 v24, v14  }
0xae: {  	v58 =	vor.u32 v6, v32;
	v23 =	vmul.f32 v25, v62;
	v17 =	vadd.f32 v21, v17  }
0xaf: {  	v44 =	vunpack.i.l.bf16.f32 v37;
	v14 =	vadd.f32 v14, v18;
	v18 =	vunpack.i.l.bf16.f32 v54  }
0xb0: {  	v46 =	vunpack.i.u.bf16.f32 v37;
	v17 =	vadd.f32 v17, v20;
	v20 =	vld.idx.msk [tilespmem:v60+s13+$0x0], $0xffff;
	v18 =	vsub.f32 v61, v18  }
0xb1: {  	v48 =	vunpack.i.l.bf16.f32 v41;
	v26 =	vunpack.i.u.bf16.f32 v42;
	v54 =	vunpack.i.u.bf16.f32 v41  }
0xb2: {  	v56 =	vld.idx.msk [tilespmem:v47+s14+$0x0], $0xffff;
	v40 =	vunpack.i.l.bf16.f32 v19;
	v61 =	vor.u32 v7, v32;
	v18 =	vmul.f32 v18, v63  }
0xb3: {  	v57 =	vld.idx.msk [tilespmem:v47+s15+$0x0], $0xffff;
	v49 =	vunpack.i.l.bf16.f32 v42;
	v26 =	vsub.f32 v26, v54;
	v24 =	vmul.f32 v38, v40  }
0xb4: {  	v36 =	vld.idx.msk [tilespmem:v58+s14+$0x0], $0xffff;
	v11 =	vadd.f32 v18, v11;
	v18 =	vunpack.i.u.bf16.f32 v19;
	v19 =	vor.u32 v4, v32  }
0xb5: {  	v50 =	vsub.f32 v28, v46;
	v38 =	vld.idx.msk [tilespmem:v58+s15+$0x0], $0xffff;
	v53 =	vunpack.i.l.bf16.f32 v20;
	v20 =	vunpack.i.u.bf16.f32 v20  }
0xb6: {  	v10 =	vadd.f32 v24, v10;
	v24 =	vsub.f32 v45, v44;
	v20 =	vmul.f32 v26, v20;
	v26 =	vld.idx.msk [tilespmem:v58+s13+$0x0], $0xffff  }
0xb7: {  	v21 =	vunpack.i.u.bf16.f32 v33;
	v51 =	vsub.f32 v49, v48;
	v34 =	vunpack.i.l.bf16.f32 v56;
	v41 =	vld.idx.msk [tilespmem:v61+s14+$0x0], $0xffff  }
0xb8: {  	v35 =	vunpack.i.l.bf16.f32 v57;
	v18 =	vmul.f32 v22, v18;
	v22 =	vmul.f32 v24, v43;
	v43 =	vld.idx.msk [tilespmem:v61+s15+$0x0], $0xffff  }
0xb9: {  	v21 =	vmul.f32 v50, v21;
	v37 =	vsub.f32 v35, v34;
	v27 =	vmul.f32 v51, v53;
	v52 =	vld.idx.msk [tilespmem:v19+s13+$0x0], $0xffff  }
0xba: {  	v40 =	vor.u32 v8, v32;
	v30 =	vunpack.i.u.bf16.f32 v36;
	v44 =	vor.u32 v9, v32;
	v55 =	vld.idx.msk [tilespmem:v19+s14+$0x0], $0xffff  }
0xbb: {  	v45 =	vunpack.i.l.bf16.f32 v36;
	v13 =	vadd.f32 v27, v13;
	v24 =	vunpack.i.u.bf16.f32 v57;
	v19 =	vld.idx.msk [tilespmem:v19+s15+$0x0], $0xffff  }
0xbc: {  	v11 =	vadd.f32 v11, v23;
	v46 =	vunpack.i.l.bf16.f32 v38;
	v28 =	vunpack.i.u.bf16.f32 v38  }
0xbd: {  	v15 =	vadd.f32 v22, v15;
	v10 =	vadd.f32 v10, v18;
	v22 =	vunpack.i.u.bf16.f32 v56  }
0xbe: {  	v23 =	vld.idx.msk [tilespmem:v61+s13+$0x0], $0xffff;
	v13 =	vadd.f32 v13, v20;
	v42 =	vsub.f32 v24, v22;
	v48 =	vunpack.i.l.bf16.f32 v26  }
0xbf: {  	v49 =	vld.idx.msk [tilespmem:v40+s15+$0x0], $0xffff;
	v15 =	vadd.f32 v15, v21;
	v50 =	vunpack.i.l.bf16.f32 v41;
	v51 =	vunpack.i.l.bf16.f32 v43  }
0xc0: {  	v18 =	vld.idx.msk [tilespmem:v47+s13+$0x0], $0xffff;
	v27 =	vunpack.i.u.bf16.f32 v41;
	v59 =	vunpack.i.l.bf16.f32 v55;
	v60 =	vunpack.i.l.bf16.f32 v19  }
0xc1: {  	v29 =	vld.idx.msk [tilespmem:v40+s13+$0x0], $0xffff;
	v22 =	vunpack.i.u.bf16.f32 v43;
	v24 =	vsub.f32 v51, v50;
	v20 =	vsub.f32 v60, v59  }
0xc2: {  	v63 =	vunpack.i.l.bf16.f32 v52;
	v33 =	vunpack.i.u.bf16.f32 v55;
	v19 =	vunpack.i.u.bf16.f32 v19  }
0xc3: {  	v53 =	vunpack.i.l.bf16.f32 v23;
	v19 =	vsub.f32 v19, v33;
	v20 =	vmul.f32 v20, v63  }
0xc4: {  	v47 =	vld.idx.msk [tilespmem:v40+s14+$0x0], $0xffff;
	v22 =	vsub.f32 v22, v27;
	v56 =	vunpack.i.l.bf16.f32 v49;
	v62 =	vunpack.i.u.bf16.f32 v52  }
0xc5: {  	v54 =	vld.idx.msk [tilespmem:v44+s15+$0x0], $0xffff;
	v39 =	vunpack.i.l.bf16.f32 v18;
	v19 =	vmul.f32 v19, v62;
	v16 =	vadd.f32 v20, v16  }
0xc6: {  	v23 =	vunpack.i.u.bf16.f32 v23;
	v57 =	vunpack.i.l.bf16.f32 v29;
	v21 =	vmul.f32 v37, v39  }
0xc7: {  	v18 =	vunpack.i.u.bf16.f32 v18;
	v52 =	vld.idx.msk [tilespmem:v44+s14+$0x0], $0xffff;
	v16 =	vadd.f32 v16, v19;
	v19 =	vsub.f32 v46, v45  }
0xc8: {  	v18 =	vmul.f32 v42, v18;
	v24 =	vmul.f32 v24, v53;
	v12 =	vadd.f32 v21, v12  }
0xc9: {  	v25 =	vunpack.i.u.bf16.f32 v49;
	v22 =	vmul.f32 v22, v23;
	v21 =	vld.idx.msk [tilespmem:v44+s13+$0x0], $0xffff;
	v19 =	vmul.f32 v19, v48  }
0xca: {  	v61 =	vunpack.i.u.bf16.f32 v54;
	v55 =	vunpack.i.l.bf16.f32 v47;
	v12 =	vadd.f32 v12, v18  }
0xcb: {  	v59 =	vunpack.i.l.bf16.f32 v54;
	v17 =	vadd.f32 v19, v17;
	v19 =	vsub.f32 v28, v30  }
0xcc: {  	v18 =	vunpack.i.u.bf16.f32 v26;
	v58 =	vunpack.i.l.bf16.f32 v52;
	v26 =	vunpack.i.u.bf16.f32 v52  }
0xcd: {  	v23 =	vsub.f32 v59, v58;
	v18 =	vmul.f32 v19, v18;
	v19 =	vsub.f32 v56, v55  }
0xce: {  	v20 =	vunpack.i.u.bf16.f32 v47;
	v60 =	vunpack.i.l.bf16.f32 v21;
	v62 =	vsub.f32 v61, v26  }
0xcf: {  	p0 =	slt.u32 s19, $0x3C;
	v21 =	vunpack.i.u.bf16.f32 v21;
	v23 =	vmul.f32 v23, v60;
	v19 =	vmul.f32 v19, v57  }
.Ltmp0:
0xd0: {  	v14 =	vadd.f32 v24, v14;
	v20 =	vsub.f32 v25, v20;
	v63 =	vmul.f32 v62, v21;
	(pc) =	sbr.rel @p0 .LBB2_3-.Ltmp0, $4  }
0xd1: {  	v10 =	vadd.f32 v23, v10;
	v11 =	vadd.f32 v19, v11;
	v19 =	vunpack.i.u.bf16.f32 v29  }
0xd2: {  	v19 =	vmul.f32 v20, v19  }
0xd3: {  	v14 =	vadd.f32 v14, v22;
	v10 =	vadd.f32 v10, v63  }
0xd4: {  	s19 =	sadd.s32 $0x4, s19;
	v17 =	vadd.f32 v17, v18;
	v11 =	vadd.f32 v11, v19  }
0xd5: {  	v18 =	vld [tilespmem:$0x1A580];
	_ =	sdelay $0x1  }
0xd6: {  	v15 =	vadd.f32 $2.000000030e-01, v15;
	_ =	sdelay $0x1  }
0xd7: {  	v13 =	vadd.f32 $2.000000030e-01, v13;
	v15 =	vmax.f32 v15, $0.0e+00  }
0xd8: {  	v15 =	vadd.f32 v18, v15  }
0xd9: {  	v16 =	vadd.f32 $2.000000030e-01, v16;
	v13 =	vmax.f32 v13, $0.0e+00  }
0xda: {  	v13 =	vadd.f32 v15, v13  }
0xdb: {  	v12 =	vadd.f32 $2.000000030e-01, v12;
	v15 =	vmax.f32 v16, $0.0e+00  }
0xdc: {  	v13 =	vadd.f32 v13, v15  }
0xdd: {  	v12 =	vmax.f32 v12, $0.0e+00;
	v15 =	vadd.f32 $2.000000030e-01, v17  }
0xde: {  	v12 =	vadd.f32 v13, v12  }
0xdf: {  	v14 =	vadd.f32 $2.000000030e-01, v14;
	v13 =	vmax.f32 v15, $0.0e+00  }
0xe0: {  	v12 =	vadd.f32 v12, v13  }
0xe1: {  	v11 =	vadd.f32 $2.000000030e-01, v11;
	v13 =	vmax.f32 v14, $0.0e+00  }
0xe2: {  	v12 =	vadd.f32 v12, v13  }
0xe3: {  	v10 =	vadd.f32 $2.000000030e-01, v10;
	v11 =	vmax.f32 v11, $0.0e+00  }
0xe4: {  	v11 =	vadd.f32 v12, v11  }
0xe5: {  	v10 =	vmax.f32 v10, $0.0e+00  }
0xe6: {  	v10 =	vadd.f32 v11, v10;
	_ =	sdelay $0x1  }
0xe7: {  	[tilespmem:$0x1A580] =	vst v10  }
0xe8: {  	_ =	swait.ge [sflag:s1], $0x2000  }
0xe9: {  	[sflag:s1] =	ssyncset.done $0x0  }
0xea: {  	[sflag:s1] =	ssyncadd.s32 $0xFFFFE000  }
0xeb: {  	_ =	swait.ge [sflag:s1], $0x2000  }
0xec: {  	[sflag:s1] =	ssyncset.done $0x0  }
0xed: {  	[sflag:s1] =	ssyncadd.s32 $0xFFFFE000  }
0xee: {  	_ =	swait.ge [sflag:s1], $0x2000  }
0xef: {  	[sflag:s1] =	ssyncset.done $0x0  }
0xf0: {  	s10 =	sadd.s32 $0x200, s25;
	[sflag:s1] =	ssyncadd.s32 $0xFFFFE000  }
0xf1: {  	[tilespmem:s13], [sflag:$0x1] =	stream.indirect.gather [hbm4b:s3+s12], $0x40, s10, s12, $0xb8;
	[tilespmem:$0x1A590] =	vst v63  }
0xf2: {  	s11 =	sadd.s32 $0xE80, s25  }
0xf3: {  	[tilespmem:s14], [sflag:$0x1] =	stream.indirect.gather [hbm4b:s3+s12], $0x40, s11, s12, $0xb8;
	[tilespmem:$0x1A590] =	vst v63  }
0xf4: {  	s19 =	sadd.s32 $0x1B00, s25;
	v16 =	vimm.f32 $0.0e+00;
	v17 =	vimm.f32 $0.0e+00  }
0xf5: {  	v15 =	vimm.f32 $0.0e+00;
	v14 =	vimm.f32 $0.0e+00;
	v13 =	vimm.f32 $0.0e+00;
	[tilespmem:s15], [sflag:$0x1] =	stream.indirect.gather [hbm4b:s3+s12], $0x40, s19, s12, $0xb8;
	[tilespmem:$0x1A590] =	vst v63  }
0xf6: {  	v12 =	vimm.f32 $0.0e+00;
	v11 =	vimm.f32 $0.0e+00;
	v10 =	vimm.f32 $0.0e+00;
	s19 =	simm.s32 $0x0  }
.LBB2_5:
0xf7: {  	v18 =	vadd.s32 s19, v0  }
0xf8: {  	v18 =	vand.u32 $0x3F, v18  }
0xf9: {  	v19 =	vor.u32 v1, v18;
	_ =	sdelay $0x2  }
0xfa: {  	v20 =	vor.u32 v3, v18;
	_ =	sdelay $0x1  }
0xfb: {  	v21 =	vld.idx.msk [tilespmem:v19+s16+$0x0], $0xffff  }
0xfc: {  	v24 =	vor.u32 v4, v18;
	v22 =	vld.idx.msk [tilespmem:v19+s18+$0x0], $0xffff  }
0xfd: {  	v19 =	vld.idx.msk [tilespmem:v19+s20+$0x0], $0xffff  }
0xfe: {  	v23 =	vld.idx.msk [tilespmem:v20+s18+$0x0], $0xffff  }
0xff: {  	v26 =	vor.u32 v5, v18;
	v25 =	vld.idx.msk [tilespmem:v20+s20+$0x0], $0xffff  }
0x100: {  	v20 =	vld.idx.msk [tilespmem:v20+s16+$0x0], $0xffff  }
0x101: {  	v63 =	vld.idx.msk [tilespmem:v24+s16+$0x0], $0xffff  }
0x102: {  	v40 =	vor.u32 v6, v18;
	v32 =	vld.idx.msk [tilespmem:v24+s18+$0x0], $0xffff  }
0x103: {  	v24 =	vld.idx.msk [tilespmem:v24+s20+$0x0], $0xffff  }
0x104: {  	v47 =	vor.u32 v7, v18;
	v36 =	vld.idx.msk [tilespmem:v26+s18+$0x0], $0xffff  }
0x105: {  	v56 =	vor.u32 v8, v18;
	v18 =	vor.u32 v9, v18;
	v39 =	vld.idx.msk [tilespmem:v26+s20+$0x0], $0xffff;
	v27 =	vunpack.i.u.bf16.f32 v21  }
0x106: {  	v42 =	vld.idx.msk [tilespmem:v26+s16+$0x0], $0xffff;
	v28 =	vunpack.i.l.bf16.f32 v22;
	v29 =	vunpack.i.l.bf16.f32 v19;
	v21 =	vunpack.i.l.bf16.f32 v21  }
0x107: {  	v53 =	vld.idx.msk [tilespmem:v40+s20+$0x0], $0xffff;
	v22 =	vunpack.i.u.bf16.f32 v22;
	v19 =	vunpack.i.u.bf16.f32 v19;
	v30 =	vunpack.i.l.bf16.f32 v23  }
0x108: {  	v51 =	vld.idx.msk [tilespmem:v40+s18+$0x0], $0xffff;
	v31 =	vunpack.i.l.bf16.f32 v25;
	v35 =	vunpack.i.l.bf16.f32 v20;
	v23 =	vunpack.i.u.bf16.f32 v23  }
0x109: {  	v25 =	vunpack.i.u.bf16.f32 v25;
	v20 =	vunpack.i.u.bf16.f32 v20;
	v41 =	vunpack.i.u.bf16.f32 v63  }
0x10a: {  	v43 =	vunpack.i.l.bf16.f32 v63;
	v44 =	vunpack.i.l.bf16.f32 v32;
	v45 =	vunpack.i.l.bf16.f32 v24  }
0x10b: {  	v46 =	vunpack.i.u.bf16.f32 v32;
	v24 =	vunpack.i.u.bf16.f32 v24;
	v48 =	vunpack.i.l.bf16.f32 v36  }
0x10c: {  	v55 =	vld.idx.msk [tilespmem:v47+s18+$0x0], $0xffff;
	v49 =	vunpack.i.l.bf16.f32 v39;
	v52 =	vunpack.i.l.bf16.f32 v42;
	v58 =	vunpack.i.l.bf16.f32 v53  }
0x10d: {  	v57 =	vld.idx.msk [tilespmem:v47+s20+$0x0], $0xffff;
	v62 =	vunpack.i.u.bf16.f32 v51;
	v28 =	vsub.f32 v29, v28;
	v19 =	vsub.f32 v19, v22  }
0x10e: {  	v33 =	vld.idx.msk [tilespmem:v56+s18+$0x0], $0xffff;
	v63 =	vunpack.i.u.bf16.f32 v53;
	v34 =	vsub.f32 v31, v30;
	v38 =	vsub.f32 v25, v23  }
0x10f: {  	v24 =	vsub.f32 v24, v46;
	v50 =	vsub.f32 v49, v48;
	v30 =	vunpack.i.u.bf16.f32 v36  }
0x110: {  	v23 =	vunpack.i.u.bf16.f32 v39;
	v22 =	vunpack.i.u.bf16.f32 v42;
	v21 =	vmul.f32 v28, v21  }
0x111: {  	v25 =	vld.idx.msk [tilespmem:v40+s16+$0x0], $0xffff;
	v23 =	vsub.f32 v23, v30;
	v37 =	vmul.f32 v34, v35;
	v19 =	vmul.f32 v19, v27  }
0x112: {  	v20 =	vmul.f32 v38, v20;
	v27 =	vsub.f32 v45, v44;
	v54 =	vmul.f32 v50, v52  }
0x113: {  	v36 =	vld.idx.msk [tilespmem:v56+s20+$0x0], $0xffff;
	v34 =	vunpack.i.l.bf16.f32 v55;
	v35 =	vunpack.i.l.bf16.f32 v57;
	v28 =	vunpack.i.u.bf16.f32 v33  }
0x114: {  	s10 =	sadd.s32 $0x1, s19;
	v40 =	vld.idx.msk [tilespmem:v18+s20+$0x0], $0xffff;
	v15 =	vadd.f32 v21, v15;
	v13 =	vadd.f32 v37, v13;
	v26 =	vmul.f32 v27, v43  }
0x115: {  	v21 =	vmul.f32 v24, v41;
	v12 =	vadd.f32 v54, v12;
	v37 =	vadd.s32 s10, v0  }
0x116: {  	v24 =	vunpack.i.u.bf16.f32 v55;
	v60 =	vunpack.i.u.bf16.f32 v25;
	v61 =	vunpack.i.l.bf16.f32 v25  }
0x117: {  	v25 =	vsub.f32 v63, v62;
	v16 =	vadd.f32 v26, v16;
	v26 =	vand.u32 $0x3F, v37  }
0x118: {  	v59 =	vld.idx.msk [tilespmem:v47+s16+$0x0], $0xffff;
	v41 =	vunpack.i.l.bf16.f32 v36;
	v30 =	vunpack.i.u.bf16.f32 v36;
	v39 =	vor.u32 v1, v26  }
0x119: {  	v38 =	vld.idx.msk [tilespmem:v18+s18+$0x0], $0xffff;
	v47 =	vunpack.i.l.bf16.f32 v40;
	v29 =	vunpack.i.u.bf16.f32 v40;
	v15 =	vadd.f32 v15, v19  }
0x11a: {  	v19 =	vmul.f32 v23, v22;
	v13 =	vadd.f32 v13, v20;
	v20 =	vsub.f32 v35, v34  }
0x11b: {  	v18 =	vld.idx.msk [tilespmem:v18+s16+$0x0], $0xffff;
	v22 =	vunpack.i.u.bf16.f32 v57;
	v44 =	vsub.f32 v30, v28;
	v42 =	vor.u32 v3, v26  }
0x11c: {  	v27 =	vld.idx.msk [tilespmem:v56+s16+$0x0], $0xffff;
	v23 =	vmul.f32 v25, v60;
	v12 =	vadd.f32 v12, v19;
	v19 =	vunpack.i.l.bf16.f32 v51  }
0x11d: {  	v22 =	vsub.f32 v22, v24;
	v53 =	vor.u32 v4, v26;
	v19 =	vsub.f32 v58, v19;
	v45 =	vld.idx.msk [tilespmem:v39+s16+$0x0], $0xffff  }
0x11e: {  	v46 =	vunpack.i.l.bf16.f32 v38;
	v56 =	vor.u32 v5, v26;
	v16 =	vadd.f32 v16, v21;
	v48 =	vld.idx.msk [tilespmem:v39+s18+$0x0], $0xffff  }
0x11f: {  	v21 =	vunpack.i.u.bf16.f32 v59;
	v49 =	vsub.f32 v47, v46;
	v19 =	vmul.f32 v19, v61;
	v25 =	vld.idx.msk [tilespmem:v39+s20+$0x0], $0xffff  }
0x120: {  	v50 =	vunpack.i.l.bf16.f32 v18;
	v34 =	vor.u32 v6, v26;
	v21 =	vmul.f32 v22, v21;
	v51 =	vld.idx.msk [tilespmem:v42+s18+$0x0], $0xffff  }
0x121: {  	v22 =	vmul.f32 v49, v50;
	v52 =	vld.idx.msk [tilespmem:v42+s20+$0x0], $0xffff;
	v17 =	vadd.f32 v19, v17;
	v19 =	vunpack.i.l.bf16.f32 v59  }
0x122: {  	v18 =	vunpack.i.u.bf16.f32 v18;
	v43 =	vunpack.i.l.bf16.f32 v27;
	v60 =	vld.idx.msk [tilespmem:v53+s18+$0x0], $0xffff;
	v19 =	vmul.f32 v20, v19  }
0x123: {  	v27 =	vunpack.i.u.bf16.f32 v27;
	v10 =	vadd.f32 v22, v10;
	v62 =	vld.idx.msk [tilespmem:v53+s20+$0x0], $0xffff;
	v20 =	vunpack.i.u.bf16.f32 v38  }
0x124: {  	v35 =	vld.idx.msk [tilespmem:v56+s18+$0x0], $0xffff;
	v20 =	vsub.f32 v29, v20;
	v14 =	vadd.f32 v19, v14;
	v19 =	vunpack.i.l.bf16.f32 v33  }
0x125: {  	v39 =	vor.u32 v7, v26;
	v17 =	vadd.f32 v17, v23;
	v19 =	vsub.f32 v41, v19  }
0x126: {  	v40 =	vld.idx.msk [tilespmem:v34+s20+$0x0], $0xffff;
	v18 =	vmul.f32 v20, v18;
	v54 =	vunpack.i.l.bf16.f32 v48;
	v55 =	vunpack.i.l.bf16.f32 v25  }
0x127: {  	v57 =	vunpack.i.u.bf16.f32 v48;
	v58 =	vunpack.i.l.bf16.f32 v51;
	v59 =	vunpack.i.l.bf16.f32 v52  }
0x128: {  	v25 =	vunpack.i.u.bf16.f32 v25;
	v30 =	vunpack.i.u.bf16.f32 v51;
	v28 =	vunpack.i.u.bf16.f32 v45  }
0x129: {  	v22 =	vld.idx.msk [tilespmem:v56+s16+$0x0], $0xffff;
	v37 =	vunpack.i.l.bf16.f32 v62;
	v41 =	vunpack.i.l.bf16.f32 v35;
	v31 =	vunpack.i.u.bf16.f32 v60  }
0x12a: {  	v38 =	vld.idx.msk [tilespmem:v34+s18+$0x0], $0xffff;
	v23 =	vunpack.i.u.bf16.f32 v62;
	v24 =	vunpack.i.u.bf16.f32 v35;
	v19 =	vmul.f32 v19, v43  }
0x12b: {  	v29 =	vld.idx.msk [tilespmem:v34+s16+$0x0], $0xffff;
	v46 =	vunpack.i.l.bf16.f32 v40;
	v51 =	vor.u32 v9, v26;
	v14 =	vadd.f32 v14, v21  }
0x12c: {  	v33 =	vld.idx.msk [tilespmem:v53+s16+$0x0], $0xffff;
	v20 =	vsub.f32 v55, v54;
	v11 =	vadd.f32 v19, v11;
	v19 =	vmul.f32 v44, v27  }
0x12d: {  	v36 =	vld.idx.msk [tilespmem:v56+s20+$0x0], $0xffff;
	v53 =	vunpack.i.u.bf16.f32 v40;
	v61 =	vsub.f32 v59, v58;
	v21 =	vsub.f32 v25, v57  }
0x12e: {  	v10 =	vadd.f32 v10, v18;
	v18 =	vunpack.i.l.bf16.f32 v45;
	v11 =	vadd.f32 v11, v19;
	v19 =	vld.idx.msk [tilespmem:v42+s16+$0x0], $0xffff  }
0x12f: {  	v47 =	vld.idx.msk [tilespmem:v39+s20+$0x0], $0xffff;
	v43 =	vunpack.i.l.bf16.f32 v22;
	v45 =	vunpack.i.l.bf16.f32 v38;
	v22 =	vunpack.i.u.bf16.f32 v22  }
0x130: {  	v18 =	vmul.f32 v20, v18;
	v21 =	vmul.f32 v21, v28;
	v48 =	vsub.f32 v46, v45  }
0x131: {  	v49 =	vunpack.i.l.bf16.f32 v29;
	v27 =	vunpack.i.u.bf16.f32 v52;
	v25 =	vunpack.i.l.bf16.f32 v33  }
0x132: {  	v52 =	vunpack.i.u.bf16.f32 v29;
	v15 =	vadd.f32 v18, v15;
	v18 =	vsub.f32 v27, v30  }
0x133: {  	s11 =	sadd.s32 $0x2, s19;
	v44 =	vld.idx.msk [tilespmem:v39+s18+$0x0], $0xffff;
	v27 =	vunpack.i.u.bf16.f32 v36;
	v50 =	vmul.f32 v48, v49;
	v63 =	vunpack.i.l.bf16.f32 v19  }
0x134: {  	v55 =	vunpack.i.l.bf16.f32 v47;
	v20 =	vmul.f32 v61, v63;
	v61 =	vadd.s32 s11, v0  }
0x135: {  	v42 =	vunpack.i.l.bf16.f32 v36;
	v19 =	vunpack.i.u.bf16.f32 v19;
	v29 =	vand.u32 $0x3F, v61  }
0x136: {  	v18 =	vmul.f32 v18, v19;
	v19 =	vunpack.i.l.bf16.f32 v60;
	v36 =	vor.u32 v3, v29  }
0x137: {  	v59 =	vunpack.i.u.bf16.f32 v47;
	v62 =	vld.idx.msk [tilespmem:v51+s18+$0x0], $0xffff;
	v15 =	vadd.f32 v15, v21;
	v19 =	vsub.f32 v37, v19  }
0x138: {  	v17 =	vadd.f32 v50, v17;
	v54 =	vunpack.i.l.bf16.f32 v44;
	v63 =	vld.idx.msk [tilespmem:v51+s20+$0x0], $0xffff;
	v13 =	vadd.f32 v20, v13  }
0x139: {  	v46 =	vor.u32 v4, v29;
	v19 =	vmul.f32 v19, v25;
	v25 =	vsub.f32 v42, v41  }
0x13a: {  	v21 =	vld.idx.msk [tilespmem:v39+s16+$0x0], $0xffff;
	v13 =	vadd.f32 v13, v18;
	v18 =	vunpack.i.u.bf16.f32 v33;
	v33 =	vor.u32 v8, v26  }
0x13b: {  	v20 =	vunpack.i.u.bf16.f32 v38;
	v16 =	vadd.f32 v19, v16;
	v19 =	vsub.f32 v23, v31;
	v45 =	vld.idx.msk [tilespmem:v36+s18+$0x0], $0xffff  }
0x13c: {  	v20 =	vsub.f32 v53, v20;
	v26 =	vunpack.i.u.bf16.f32 v62;
	v23 =	vmul.f32 v25, v43;
	v47 =	vld.idx.msk [tilespmem:v36+s20+$0x0], $0xffff  }
0x13d: {  	v18 =	vmul.f32 v19, v18;
	v19 =	vsub.f32 v27, v24;
	v24 =	vunpack.i.u.bf16.f32 v63;
	v50 =	vld.idx.msk [tilespmem:v36+s16+$0x0], $0xffff  }
0x13e: {  	v25 =	vunpack.i.u.bf16.f32 v44;
	v31 =	vor.u32 v1, v29;
	v44 =	vsub.f32 v24, v26;
	v26 =	vld.idx.msk [tilespmem:v46+s16+$0x0], $0xffff  }
0x13f: {  	v57 =	vunpack.i.l.bf16.f32 v21;
	v21 =	vunpack.i.u.bf16.f32 v21;
	v37 =	vunpack.i.l.bf16.f32 v62;
	v56 =	vld.idx.msk [tilespmem:v33+s16+$0x0], $0xffff  }
0x140: {  	v62 =	vor.u32 v7, v29;
	v20 =	vmul.f32 v20, v52;
	v25 =	vsub.f32 v59, v25;
	v58 =	vld.idx.msk [tilespmem:v33+s18+$0x0], $0xffff  }
0x141: {  	v12 =	vadd.f32 v23, v12;
	v19 =	vmul.f32 v19, v22;
	v22 =	vsub.f32 v55, v54;
	v60 =	vld.idx.msk [tilespmem:v33+s20+$0x0], $0xffff  }
0x142: {  	v38 =	vunpack.i.l.bf16.f32 v63;
	v17 =	vadd.f32 v17, v20;
	v16 =	vadd.f32 v16, v18;
	v55 =	vld.idx.msk [tilespmem:v46+s20+$0x0], $0xffff  }
0x143: {  	v18 =	vmul.f32 v25, v21;
	v39 =	vld.idx.msk [tilespmem:v31+s18+$0x0], $0xffff;
	v22 =	vmul.f32 v22, v57;
	v12 =	vadd.f32 v12, v19  }
0x144: {  	v19 =	vld.idx.msk [tilespmem:v51+s16+$0x0], $0xffff;
	v51 =	vor.u32 v5, v29;
	v57 =	vor.u32 v6, v29;
	v53 =	vunpack.i.l.bf16.f32 v45  }
0x145: {  	v40 =	vld.idx.msk [tilespmem:v31+s20+$0x0], $0xffff;
	v54 =	vunpack.i.l.bf16.f32 v47;
	v24 =	vunpack.i.u.bf16.f32 v45;
	v14 =	vadd.f32 v22, v14  }
0x146: {  	v43 =	vld.idx.msk [tilespmem:v31+s16+$0x0], $0xffff;
	v22 =	vsub.f32 v38, v37;
	v63 =	vunpack.i.l.bf16.f32 v26;
	v36 =	vunpack.i.u.bf16.f32 v26  }
0x147: {  	v33 =	vunpack.i.l.bf16.f32 v56;
	v34 =	vunpack.i.l.bf16.f32 v58;
	v35 =	vunpack.i.l.bf16.f32 v60  }
0x148: {  	v27 =	vunpack.i.u.bf16.f32 v58;
	v30 =	vunpack.i.u.bf16.f32 v60;
	v60 =	vunpack.i.l.bf16.f32 v55  }
0x149: {  	v14 =	vadd.f32 v14, v18;
	v18 =	vunpack.i.u.bf16.f32 v56;
	v21 =	vsub.f32 v35, v34  }
0x14a: {  	v41 =	vsub.f32 v30, v27;
	v48 =	vunpack.i.l.bf16.f32 v39;
	v49 =	vunpack.i.l.bf16.f32 v40  }
0x14b: {  	v52 =	vunpack.i.u.bf16.f32 v39;
	v25 =	vunpack.i.u.bf16.f32 v40;
	v27 =	vunpack.i.u.bf16.f32 v43  }
0x14c: {  	v56 =	vunpack.i.l.bf16.f32 v50;
	v42 =	vunpack.i.l.bf16.f32 v19;
	v19 =	vunpack.i.u.bf16.f32 v19;
	v58 =	vld.idx.msk [tilespmem:v51+s18+$0x0], $0xffff  }
0x14d: {  	v23 =	vsub.f32 v25, v52;
	v59 =	vld.idx.msk [tilespmem:v51+s20+$0x0], $0xffff;
	v20 =	vmul.f32 v21, v33;
	v22 =	vmul.f32 v22, v42  }
0x14e: {  	s11 =	sadd.s32 $0x3, s19;
	v61 =	vld.idx.msk [tilespmem:v51+s16+$0x0], $0xffff;
	v18 =	vmul.f32 v41, v18;
	v19 =	vmul.f32 v44, v19;
	v21 =	vunpack.i.u.bf16.f32 v47  }
0x14f: {  	v34 =	vld.idx.msk [tilespmem:v57+s18+$0x0], $0xffff;
	v33 =	vunpack.i.u.bf16.f32 v55;
	v55 =	vadd.s32 s11, v0;
	v23 =	vmul.f32 v23, v27  }
0x150: {  	v35 =	vld.idx.msk [tilespmem:v57+s20+$0x0], $0xffff;
	v21 =	vsub.f32 v21, v24;
	v32 =	vand.u32 $0x3F, v55;
	v11 =	vadd.f32 v20, v11  }
0x151: {  	v39 =	vld.idx.msk [tilespmem:v57+s16+$0x0], $0xffff;
	v10 =	vadd.f32 v22, v10;
	v20 =	vunpack.i.u.bf16.f32 v50;
	v57 =	vor.u32 v1, v32  }
0x152: {  	v20 =	vmul.f32 v21, v20;
	v11 =	vadd.f32 v11, v18;
	v18 =	vsub.f32 v49, v48  }
0x153: {  	v41 =	vld.idx.msk [tilespmem:v62+s18+$0x0], $0xffff;
	v10 =	vadd.f32 v10, v19;
	v19 =	vunpack.i.l.bf16.f32 v43;
	v37 =	vunpack.i.l.bf16.f32 v58  }
0x154: {  	v42 =	vld.idx.msk [tilespmem:v62+s20+$0x0], $0xffff;
	v38 =	vunpack.i.l.bf16.f32 v59;
	v40 =	vunpack.i.l.bf16.f32 v61;
	v25 =	vunpack.i.u.bf16.f32 v58  }
0x155: {  	v22 =	vld.idx.msk [tilespmem:v62+s16+$0x0], $0xffff;
	v43 =	vor.u32 v8, v29;
	v21 =	vunpack.i.u.bf16.f32 v61;
	v18 =	vmul.f32 v18, v19  }
0x156: {  	v44 =	vunpack.i.l.bf16.f32 v34;
	v45 =	vunpack.i.l.bf16.f32 v35;
	v47 =	vunpack.i.u.bf16.f32 v39;
	v19 =	vld.idx.msk [tilespmem:v46+s18+$0x0], $0xffff  }
0x157: {  	v24 =	vunpack.i.l.bf16.f32 v39;
	v15 =	vadd.f32 v18, v15;
	v18 =	vsub.f32 v54, v53  }
0x158: {  	v48 =	vor.u32 v9, v29;
	v49 =	vunpack.i.u.bf16.f32 v34;
	v50 =	vunpack.i.l.bf16.f32 v41  }
0x159: {  	v51 =	vunpack.i.l.bf16.f32 v42;
	v27 =	vunpack.i.u.bf16.f32 v41;
	v39 =	vld.idx.msk [tilespmem:v57+s20+$0x0], $0xffff;
	v18 =	vmul.f32 v18, v56  }
0x15a: {  	v46 =	vsub.f32 v45, v44;
	v58 =	vunpack.i.u.bf16.f32 v22;
	v15 =	vadd.f32 v15, v23  }
0x15b: {  	v52 =	vld.idx.msk [tilespmem:v43+s16+$0x0], $0xffff;
	v23 =	vunpack.i.u.bf16.f32 v59;
	v13 =	vadd.f32 v18, v13;
	v18 =	vunpack.i.l.bf16.f32 v19  }
0x15c: {  	v26 =	vld.idx.msk [tilespmem:v43+s20+$0x0], $0xffff;
	v23 =	vsub.f32 v23, v25;
	v25 =	vunpack.i.u.bf16.f32 v42;
	v18 =	vsub.f32 v60, v18  }
0x15d: {  	v53 =	vunpack.i.l.bf16.f32 v22;
	v54 =	vld.idx.msk [tilespmem:v43+s18+$0x0], $0xffff;
	v19 =	vunpack.i.u.bf16.f32 v19;
	v25 =	vsub.f32 v25, v27  }
0x15e: {  	v56 =	vld.idx.msk [tilespmem:v48+s18+$0x0], $0xffff;
	v45 =	vunpack.i.l.bf16.f32 v39;
	v19 =	vsub.f32 v33, v19;
	v18 =	vmul.f32 v18, v63  }
0x15f: {  	v59 =	vld.idx.msk [tilespmem:v48+s20+$0x0], $0xffff;
	v28 =	vunpack.i.u.bf16.f32 v39;
	v60 =	vor.u32 v3, v32;
	v13 =	vadd.f32 v13, v20  }
0x160: {  	v16 =	vadd.f32 v18, v16;
	v18 =	vmul.f32 v19, v36;
	v19 =	vsub.f32 v38, v37  }
0x161: {  	v20 =	vunpack.i.u.bf16.f32 v35;
	v61 =	vunpack.i.l.bf16.f32 v26;
	v62 =	vunpack.i.u.bf16.f32 v52  }
0x162: {  	v34 =	vunpack.i.u.bf16.f32 v54;
	v26 =	vunpack.i.u.bf16.f32 v26;
	v19 =	vmul.f32 v19, v40  }
0x163: {  	v20 =	vsub.f32 v20, v49;
	v63 =	vunpack.i.l.bf16.f32 v52;
	v35 =	vunpack.i.l.bf16.f32 v56  }
0x164: {  	v33 =	vld.idx.msk [tilespmem:v57+s16+$0x0], $0xffff;
	v27 =	vunpack.i.u.bf16.f32 v56;
	v22 =	vunpack.i.u.bf16.f32 v59;
	v12 =	vadd.f32 v19, v12  }
0x165: {  	v19 =	vmul.f32 v23, v21;
	v21 =	vmul.f32 v46, v24;
	v24 =	vsub.f32 v51, v50  }
0x166: {  	v22 =	vsub.f32 v22, v27;
	v20 =	vmul.f32 v20, v47;
	v36 =	vunpack.i.l.bf16.f32 v59;
	v37 =	vld.idx.msk [tilespmem:v57+s18+$0x0], $0xffff  }
0x167: {  	v47 =	vor.u32 v5, v32;
	v38 =	vsub.f32 v36, v35;
	v41 =	vld.idx.msk [tilespmem:v60+s18+$0x0], $0xffff;
	v24 =	vmul.f32 v24, v53  }
0x168: {  	v42 =	vld.idx.msk [tilespmem:v60+s20+$0x0], $0xffff;
	v16 =	vadd.f32 v16, v18;
	v18 =	vmul.f32 v25, v58;
	v25 =	vsub.f32 v26, v34  }
0x169: {  	v43 =	vunpack.i.l.bf16.f32 v33;
	v12 =	vadd.f32 v12, v19;
	v19 =	vld.idx.msk [tilespmem:v48+s16+$0x0], $0xffff;
	v14 =	vadd.f32 v24, v14  }
0x16a: {  	v58 =	vor.u32 v6, v32;
	v23 =	vmul.f32 v25, v62;
	v17 =	vadd.f32 v21, v17  }
0x16b: {  	v44 =	vunpack.i.l.bf16.f32 v37;
	v14 =	vadd.f32 v14, v18;
	v18 =	vunpack.i.l.bf16.f32 v54  }
0x16c: {  	v46 =	vunpack.i.u.bf16.f32 v37;
	v17 =	vadd.f32 v17, v20;
	v20 =	vld.idx.msk [tilespmem:v60+s16+$0x0], $0xffff;
	v18 =	vsub.f32 v61, v18  }
0x16d: {  	v48 =	vunpack.i.l.bf16.f32 v41;
	v26 =	vunpack.i.u.bf16.f32 v42;
	v54 =	vunpack.i.u.bf16.f32 v41  }
0x16e: {  	v56 =	vld.idx.msk [tilespmem:v47+s18+$0x0], $0xffff;
	v40 =	vunpack.i.l.bf16.f32 v19;
	v61 =	vor.u32 v7, v32;
	v18 =	vmul.f32 v18, v63  }
0x16f: {  	v57 =	vld.idx.msk [tilespmem:v47+s20+$0x0], $0xffff;
	v49 =	vunpack.i.l.bf16.f32 v42;
	v26 =	vsub.f32 v26, v54;
	v24 =	vmul.f32 v38, v40  }
0x170: {  	v36 =	vld.idx.msk [tilespmem:v58+s18+$0x0], $0xffff;
	v11 =	vadd.f32 v18, v11;
	v18 =	vunpack.i.u.bf16.f32 v19;
	v19 =	vor.u32 v4, v32  }
0x171: {  	v50 =	vsub.f32 v28, v46;
	v38 =	vld.idx.msk [tilespmem:v58+s20+$0x0], $0xffff;
	v53 =	vunpack.i.l.bf16.f32 v20;
	v20 =	vunpack.i.u.bf16.f32 v20  }
0x172: {  	v10 =	vadd.f32 v24, v10;
	v24 =	vsub.f32 v45, v44;
	v20 =	vmul.f32 v26, v20;
	v26 =	vld.idx.msk [tilespmem:v58+s16+$0x0], $0xffff  }
0x173: {  	v21 =	vunpack.i.u.bf16.f32 v33;
	v51 =	vsub.f32 v49, v48;
	v34 =	vunpack.i.l.bf16.f32 v56;
	v41 =	vld.idx.msk [tilespmem:v61+s18+$0x0], $0xffff  }
0x174: {  	v35 =	vunpack.i.l.bf16.f32 v57;
	v18 =	vmul.f32 v22, v18;
	v22 =	vmul.f32 v24, v43;
	v43 =	vld.idx.msk [tilespmem:v61+s20+$0x0], $0xffff  }
0x175: {  	v21 =	vmul.f32 v50, v21;
	v37 =	vsub.f32 v35, v34;
	v27 =	vmul.f32 v51, v53;
	v52 =	vld.idx.msk [tilespmem:v19+s16+$0x0], $0xffff  }
0x176: {  	v40 =	vor.u32 v8, v32;
	v30 =	vunpack.i.u.bf16.f32 v36;
	v44 =	vor.u32 v9, v32;
	v55 =	vld.idx.msk [tilespmem:v19+s18+$0x0], $0xffff  }
0x177: {  	v45 =	vunpack.i.l.bf16.f32 v36;
	v13 =	vadd.f32 v27, v13;
	v24 =	vunpack.i.u.bf16.f32 v57;
	v19 =	vld.idx.msk [tilespmem:v19+s20+$0x0], $0xffff  }
0x178: {  	v11 =	vadd.f32 v11, v23;
	v46 =	vunpack.i.l.bf16.f32 v38;
	v28 =	vunpack.i.u.bf16.f32 v38  }
0x179: {  	v15 =	vadd.f32 v22, v15;
	v10 =	vadd.f32 v10, v18;
	v22 =	vunpack.i.u.bf16.f32 v56  }
0x17a: {  	v23 =	vld.idx.msk [tilespmem:v61+s16+$0x0], $0xffff;
	v13 =	vadd.f32 v13, v20;
	v42 =	vsub.f32 v24, v22;
	v48 =	vunpack.i.l.bf16.f32 v26  }
0x17b: {  	v49 =	vld.idx.msk [tilespmem:v40+s20+$0x0], $0xffff;
	v15 =	vadd.f32 v15, v21;
	v50 =	vunpack.i.l.bf16.f32 v41;
	v51 =	vunpack.i.l.bf16.f32 v43  }
0x17c: {  	v18 =	vld.idx.msk [tilespmem:v47+s16+$0x0], $0xffff;
	v27 =	vunpack.i.u.bf16.f32 v41;
	v59 =	vunpack.i.l.bf16.f32 v55;
	v60 =	vunpack.i.l.bf16.f32 v19  }
0x17d: {  	v29 =	vld.idx.msk [tilespmem:v40+s16+$0x0], $0xffff;
	v22 =	vunpack.i.u.bf16.f32 v43;
	v24 =	vsub.f32 v51, v50;
	v20 =	vsub.f32 v60, v59  }
0x17e: {  	v63 =	vunpack.i.l.bf16.f32 v52;
	v33 =	vunpack.i.u.bf16.f32 v55;
	v19 =	vunpack.i.u.bf16.f32 v19  }
0x17f: {  	v53 =	vunpack.i.l.bf16.f32 v23;
	v19 =	vsub.f32 v19, v33;
	v20 =	vmul.f32 v20, v63  }
0x180: {  	v47 =	vld.idx.msk [tilespmem:v40+s18+$0x0], $0xffff;
	v22 =	vsub.f32 v22, v27;
	v56 =	vunpack.i.l.bf16.f32 v49;
	v62 =	vunpack.i.u.bf16.f32 v52  }
0x181: {  	v54 =	vld.idx.msk [tilespmem:v44+s20+$0x0], $0xffff;
	v39 =	vunpack.i.l.bf16.f32 v18;
	v19 =	vmul.f32 v19, v62;
	v16 =	vadd.f32 v20, v16  }
0x182: {  	v23 =	vunpack.i.u.bf16.f32 v23;
	v57 =	vunpack.i.l.bf16.f32 v29;
	v21 =	vmul.f32 v37, v39  }
0x183: {  	v18 =	vunpack.i.u.bf16.f32 v18;
	v52 =	vld.idx.msk [tilespmem:v44+s18+$0x0], $0xffff;
	v16 =	vadd.f32 v16, v19;
	v19 =	vsub.f32 v46, v45  }
0x184: {  	v18 =	vmul.f32 v42, v18;
	v24 =	vmul.f32 v24, v53;
	v12 =	vadd.f32 v21, v12  }
0x185: {  	v25 =	vunpack.i.u.bf16.f32 v49;
	v22 =	vmul.f32 v22, v23;
	v21 =	vld.idx.msk [tilespmem:v44+s16+$0x0], $0xffff;
	v19 =	vmul.f32 v19, v48  }
0x186: {  	v61 =	vunpack.i.u.bf16.f32 v54;
	v55 =	vunpack.i.l.bf16.f32 v47;
	v12 =	vadd.f32 v12, v18  }
0x187: {  	v59 =	vunpack.i.l.bf16.f32 v54;
	v17 =	vadd.f32 v19, v17;
	v19 =	vsub.f32 v28, v30  }
0x188: {  	v18 =	vunpack.i.u.bf16.f32 v26;
	v58 =	vunpack.i.l.bf16.f32 v52;
	v26 =	vunpack.i.u.bf16.f32 v52  }
0x189: {  	v23 =	vsub.f32 v59, v58;
	v18 =	vmul.f32 v19, v18;
	v19 =	vsub.f32 v56, v55  }
0x18a: {  	v20 =	vunpack.i.u.bf16.f32 v47;
	v60 =	vunpack.i.l.bf16.f32 v21;
	v62 =	vsub.f32 v61, v26  }
0x18b: {  	p0 =	slt.u32 s19, $0x3C;
	v21 =	vunpack.i.u.bf16.f32 v21;
	v23 =	vmul.f32 v23, v60;
	v19 =	vmul.f32 v19, v57  }
.Ltmp1:
0x18c: {  	v14 =	vadd.f32 v24, v14;
	v20 =	vsub.f32 v25, v20;
	v63 =	vmul.f32 v62, v21;
	(pc) =	sbr.rel @p0 .LBB2_5-.Ltmp1, $4  }
0x18d: {  	v10 =	vadd.f32 v23, v10;
	v11 =	vadd.f32 v19, v11;
	v19 =	vunpack.i.u.bf16.f32 v29  }
0x18e: {  	v19 =	vmul.f32 v20, v19  }
0x18f: {  	v14 =	vadd.f32 v14, v22;
	v10 =	vadd.f32 v10, v63  }
0x190: {  	s19 =	sadd.s32 $0x4, s19;
	v17 =	vadd.f32 v17, v18;
	v11 =	vadd.f32 v11, v19  }
0x191: {  	v18 =	vld [tilespmem:$0x1A580];
	_ =	sdelay $0x1  }
0x192: {  	v15 =	vadd.f32 $2.000000030e-01, v15;
	_ =	sdelay $0x1  }
0x193: {  	v13 =	vadd.f32 $2.000000030e-01, v13;
	v15 =	vmax.f32 v15, $0.0e+00  }
0x194: {  	v15 =	vadd.f32 v18, v15  }
0x195: {  	v16 =	vadd.f32 $2.000000030e-01, v16;
	v13 =	vmax.f32 v13, $0.0e+00  }
0x196: {  	v13 =	vadd.f32 v15, v13  }
0x197: {  	v12 =	vadd.f32 $2.000000030e-01, v12;
	v15 =	vmax.f32 v16, $0.0e+00  }
0x198: {  	v13 =	vadd.f32 v13, v15  }
0x199: {  	v12 =	vmax.f32 v12, $0.0e+00;
	v15 =	vadd.f32 $2.000000030e-01, v17  }
0x19a: {  	v12 =	vadd.f32 v13, v12  }
0x19b: {  	v14 =	vadd.f32 $2.000000030e-01, v14;
	v13 =	vmax.f32 v15, $0.0e+00  }
0x19c: {  	v12 =	vadd.f32 v12, v13  }
0x19d: {  	v11 =	vadd.f32 $2.000000030e-01, v11;
	v13 =	vmax.f32 v14, $0.0e+00  }
0x19e: {  	v12 =	vadd.f32 v12, v13  }
0x19f: {  	v10 =	vadd.f32 $2.000000030e-01, v10;
	v11 =	vmax.f32 v11, $0.0e+00  }
0x1a0: {  	v11 =	vadd.f32 v12, v11  }
0x1a1: {  	v10 =	vmax.f32 v10, $0.0e+00  }
0x1a2: {  	v10 =	vadd.f32 v11, v10;
	_ =	sdelay $0x1  }
0x1a3: {  	[tilespmem:$0x1A580] =	vst v10  }
0x1a4: {  	_ =	swait.ge [sflag:s0], $0x2000  }
0x1a5: {  	[sflag:s0] =	ssyncset.done $0x0  }
0x1a6: {  	[sflag:s0] =	ssyncadd.s32 $0xFFFFE000  }
0x1a7: {  	_ =	swait.ge [sflag:s0], $0x2000  }
0x1a8: {  	[sflag:s0] =	ssyncset.done $0x0  }
0x1a9: {  	[sflag:s0] =	ssyncadd.s32 $0xFFFFE000  }
0x1aa: {  	p0 =	seq.s32 s23, $0x5;
	_ =	swait.ge [sflag:s0], $0x2000  }
0x1ab: {  	s10 =	sadd.s32 @!p0 $0x280, s25;
	[sflag:s0] =	ssyncset.done $0x0  }
0x1ac: {  	s19 =	simm.s32 @!p0 $0x80;
	s11 =	simm.s32 @!p0 $0x8580;
	[sflag:s0] =	ssyncadd.s32 $0xFFFFE000  }
0x1ad: {  	[tilespmem:s11], [sflag:$0x2] =	stream.indirect.gather @!p0 [hbm4b:s3+s19], $0x40, s10, s19, $0xb8;
	[tilespmem:$0x1A590] =	vst v63  }
0x1ae: {  	s10 =	sadd.s32 @!p0 $0xF00, s25;
	s11 =	simm.s32 @!p0 $0xA580  }
0x1af: {  	[tilespmem:s11], [sflag:$0x2] =	stream.indirect.gather @!p0 [hbm4b:s3+s19], $0x40, s10, s19, $0xb8;
	[tilespmem:$0x1A590] =	vst v63  }
0x1b0: {  	v16 =	vimm.f32 $0.0e+00;
	v17 =	vimm.f32 $0.0e+00;
	s10 =	sadd.s32 @!p0 $0x1B80, s25;
	s11 =	simm.s32 @!p0 $0xC580  }
0x1b1: {  	v15 =	vimm.f32 $0.0e+00;
	v14 =	vimm.f32 $0.0e+00;
	v13 =	vimm.f32 $0.0e+00;
	[tilespmem:s11], [sflag:$0x2] =	stream.indirect.gather @!p0 [hbm4b:s3+s19], $0x40, s10, s19, $0xb8;
	[tilespmem:$0x1A590] =	vst v63  }
0x1b2: {  	v12 =	vimm.f32 $0.0e+00;
	v11 =	vimm.f32 $0.0e+00;
	v10 =	vimm.f32 $0.0e+00;
	s19 =	simm.s32 $0x0  }
.LBB2_7:
0x1b3: {  	v18 =	vadd.s32 s19, v0  }
0x1b4: {  	v18 =	vand.u32 $0x3F, v18  }
0x1b5: {  	v19 =	vor.u32 v1, v18;
	_ =	sdelay $0x2  }
0x1b6: {  	v20 =	vor.u32 v3, v18;
	_ =	sdelay $0x1  }
0x1b7: {  	v21 =	vld.idx.msk [tilespmem:v19+s22+$0x0], $0xffff  }
0x1b8: {  	v24 =	vor.u32 v4, v18;
	v22 =	vld.idx.msk [tilespmem:v19+s24+$0x0], $0xffff  }
0x1b9: {  	v19 =	vld.idx.msk [tilespmem:v19+s26+$0x0], $0xffff  }
0x1ba: {  	v23 =	vld.idx.msk [tilespmem:v20+s24+$0x0], $0xffff  }
0x1bb: {  	v26 =	vor.u32 v5, v18;
	v25 =	vld.idx.msk [tilespmem:v20+s26+$0x0], $0xffff  }
0x1bc: {  	v20 =	vld.idx.msk [tilespmem:v20+s22+$0x0], $0xffff  }
0x1bd: {  	v63 =	vld.idx.msk [tilespmem:v24+s22+$0x0], $0xffff  }
0x1be: {  	v40 =	vor.u32 v6, v18;
	v32 =	vld.idx.msk [tilespmem:v24+s24+$0x0], $0xffff  }
0x1bf: {  	v24 =	vld.idx.msk [tilespmem:v24+s26+$0x0], $0xffff  }
0x1c0: {  	v47 =	vor.u32 v7, v18;
	v36 =	vld.idx.msk [tilespmem:v26+s24+$0x0], $0xffff  }
0x1c1: {  	v56 =	vor.u32 v8, v18;
	v18 =	vor.u32 v9, v18;
	v39 =	vld.idx.msk [tilespmem:v26+s26+$0x0], $0xffff;
	v27 =	vunpack.i.u.bf16.f32 v21  }
0x1c2: {  	v42 =	vld.idx.msk [tilespmem:v26+s22+$0x0], $0xffff;
	v28 =	vunpack.i.l.bf16.f32 v22;
	v29 =	vunpack.i.l.bf16.f32 v19;
	v21 =	vunpack.i.l.bf16.f32 v21  }
0x1c3: {  	v53 =	vld.idx.msk [tilespmem:v40+s26+$0x0], $0xffff;
	v22 =	vunpack.i.u.bf16.f32 v22;
	v19 =	vunpack.i.u.bf16.f32 v19;
	v30 =	vunpack.i.l.bf16.f32 v23  }
0x1c4: {  	v51 =	vld.idx.msk [tilespmem:v40+s24+$0x0], $0xffff;
	v31 =	vunpack.i.l.bf16.f32 v25;
	v35 =	vunpack.i.l.bf16.f32 v20;
	v23 =	vunpack.i.u.bf16.f32 v23  }
0x1c5: {  	v25 =	vunpack.i.u.bf16.f32 v25;
	v20 =	vunpack.i.u.bf16.f32 v20;
	v41 =	vunpack.i.u.bf16.f32 v63  }
0x1c6: {  	v43 =	vunpack.i.l.bf16.f32 v63;
	v44 =	vunpack.i.l.bf16.f32 v32;
	v45 =	vunpack.i.l.bf16.f32 v24  }
0x1c7: {  	v46 =	vunpack.i.u.bf16.f32 v32;
	v24 =	vunpack.i.u.bf16.f32 v24;
	v48 =	vunpack.i.l.bf16.f32 v36  }
0x1c8: {  	v55 =	vld.idx.msk [tilespmem:v47+s24+$0x0], $0xffff;
	v49 =	vunpack.i.l.bf16.f32 v39;
	v52 =	vunpack.i.l.bf16.f32 v42;
	v58 =	vunpack.i.l.bf16.f32 v53  }
0x1c9: {  	v57 =	vld.idx.msk [tilespmem:v47+s26+$0x0], $0xffff;
	v62 =	vunpack.i.u.bf16.f32 v51;
	v28 =	vsub.f32 v29, v28;
	v19 =	vsub.f32 v19, v22  }
0x1ca: {  	v33 =	vld.idx.msk [tilespmem:v56+s24+$0x0], $0xffff;
	v63 =	vunpack.i.u.bf16.f32 v53;
	v34 =	vsub.f32 v31, v30;
	v38 =	vsub.f32 v25, v23  }
0x1cb: {  	v24 =	vsub.f32 v24, v46;
	v50 =	vsub.f32 v49, v48;
	v30 =	vunpack.i.u.bf16.f32 v36  }
0x1cc: {  	v23 =	vunpack.i.u.bf16.f32 v39;
	v22 =	vunpack.i.u.bf16.f32 v42;
	v21 =	vmul.f32 v28, v21  }
0x1cd: {  	v25 =	vld.idx.msk [tilespmem:v40+s22+$0x0], $0xffff;
	v23 =	vsub.f32 v23, v30;
	v37 =	vmul.f32 v34, v35;
	v19 =	vmul.f32 v19, v27  }
0x1ce: {  	v20 =	vmul.f32 v38, v20;
	v27 =	vsub.f32 v45, v44;
	v54 =	vmul.f32 v50, v52  }
0x1cf: {  	v36 =	vld.idx.msk [tilespmem:v56+s26+$0x0], $0xffff;
	v34 =	vunpack.i.l.bf16.f32 v55;
	v35 =	vunpack.i.l.bf16.f32 v57;
	v28 =	vunpack.i.u.bf16.f32 v33  }
0x1d0: {  	s10 =	sadd.s32 $0x1, s19;
	v40 =	vld.idx.msk [tilespmem:v18+s26+$0x0], $0xffff;
	v15 =	vadd.f32 v21, v15;
	v13 =	vadd.f32 v37, v13;
	v26 =	vmul.f32 v27, v43  }
0x1d1: {  	v21 =	vmul.f32 v24, v41;
	v12 =	vadd.f32 v54, v12;
	v37 =	vadd.s32 s10, v0  }
0x1d2: {  	v24 =	vunpack.i.u.bf16.f32 v55;
	v60 =	vunpack.i.u.bf16.f32 v25;
	v61 =	vunpack.i.l.bf16.f32 v25  }
0x1d3: {  	v25 =	vsub.f32 v63, v62;
	v16 =	vadd.f32 v26, v16;
	v26 =	vand.u32 $0x3F, v37  }
0x1d4: {  	v59 =	vld.idx.msk [tilespmem:v47+s22+$0x0], $0xffff;
	v41 =	vunpack.i.l.bf16.f32 v36;
	v30 =	vunpack.i.u.bf16.f32 v36;
	v39 =	vor.u32 v1, v26  }
0x1d5: {  	v38 =	vld.idx.msk [tilespmem:v18+s24+$0x0], $0xffff;
	v47 =	vunpack.i.l.bf16.f32 v40;
	v29 =	vunpack.i.u.bf16.f32 v40;
	v15 =	vadd.f32 v15, v19  }
0x1d6: {  	v19 =	vmul.f32 v23, v22;
	v13 =	vadd.f32 v13, v20;
	v20 =	vsub.f32 v35, v34  }
0x1d7: {  	v18 =	vld.idx.msk [tilespmem:v18+s22+$0x0], $0xffff;
	v22 =	vunpack.i.u.bf16.f32 v57;
	v44 =	vsub.f32 v30, v28;
	v42 =	vor.u32 v3, v26  }
0x1d8: {  	v27 =	vld.idx.msk [tilespmem:v56+s22+$0x0], $0xffff;
	v23 =	vmul.f32 v25, v60;
	v12 =	vadd.f32 v12, v19;
	v19 =	vunpack.i.l.bf16.f32 v51  }
0x1d9: {  	v22 =	vsub.f32 v22, v24;
	v53 =	vor.u32 v4, v26;
	v19 =	vsub.f32 v58, v19;
	v45 =	vld.idx.msk [tilespmem:v39+s22+$0x0], $0xffff  }
0x1da: {  	v46 =	vunpack.i.l.bf16.f32 v38;
	v56 =	vor.u32 v5, v26;
	v16 =	vadd.f32 v16, v21;
	v48 =	vld.idx.msk [tilespmem:v39+s24+$0x0], $0xffff  }
0x1db: {  	v21 =	vunpack.i.u.bf16.f32 v59;
	v49 =	vsub.f32 v47, v46;
	v19 =	vmul.f32 v19, v61;
	v25 =	vld.idx.msk [tilespmem:v39+s26+$0x0], $0xffff  }
0x1dc: {  	v50 =	vunpack.i.l.bf16.f32 v18;
	v34 =	vor.u32 v6, v26;
	v21 =	vmul.f32 v22, v21;
	v51 =	vld.idx.msk [tilespmem:v42+s24+$0x0], $0xffff  }
0x1dd: {  	v22 =	vmul.f32 v49, v50;
	v52 =	vld.idx.msk [tilespmem:v42+s26+$0x0], $0xffff;
	v17 =	vadd.f32 v19, v17;
	v19 =	vunpack.i.l.bf16.f32 v59  }
0x1de: {  	v18 =	vunpack.i.u.bf16.f32 v18;
	v43 =	vunpack.i.l.bf16.f32 v27;
	v60 =	vld.idx.msk [tilespmem:v53+s24+$0x0], $0xffff;
	v19 =	vmul.f32 v20, v19  }
0x1df: {  	v27 =	vunpack.i.u.bf16.f32 v27;
	v10 =	vadd.f32 v22, v10;
	v62 =	vld.idx.msk [tilespmem:v53+s26+$0x0], $0xffff;
	v20 =	vunpack.i.u.bf16.f32 v38  }
0x1e0: {  	v35 =	vld.idx.msk [tilespmem:v56+s24+$0x0], $0xffff;
	v20 =	vsub.f32 v29, v20;
	v14 =	vadd.f32 v19, v14;
	v19 =	vunpack.i.l.bf16.f32 v33  }
0x1e1: {  	v39 =	vor.u32 v7, v26;
	v17 =	vadd.f32 v17, v23;
	v19 =	vsub.f32 v41, v19  }
0x1e2: {  	v40 =	vld.idx.msk [tilespmem:v34+s26+$0x0], $0xffff;
	v18 =	vmul.f32 v20, v18;
	v54 =	vunpack.i.l.bf16.f32 v48;
	v55 =	vunpack.i.l.bf16.f32 v25  }
0x1e3: {  	v57 =	vunpack.i.u.bf16.f32 v48;
	v58 =	vunpack.i.l.bf16.f32 v51;
	v59 =	vunpack.i.l.bf16.f32 v52  }
0x1e4: {  	v25 =	vunpack.i.u.bf16.f32 v25;
	v30 =	vunpack.i.u.bf16.f32 v51;
	v28 =	vunpack.i.u.bf16.f32 v45  }
0x1e5: {  	v22 =	vld.idx.msk [tilespmem:v56+s22+$0x0], $0xffff;
	v37 =	vunpack.i.l.bf16.f32 v62;
	v41 =	vunpack.i.l.bf16.f32 v35;
	v31 =	vunpack.i.u.bf16.f32 v60  }
0x1e6: {  	v38 =	vld.idx.msk [tilespmem:v34+s24+$0x0], $0xffff;
	v23 =	vunpack.i.u.bf16.f32 v62;
	v24 =	vunpack.i.u.bf16.f32 v35;
	v19 =	vmul.f32 v19, v43  }
0x1e7: {  	v29 =	vld.idx.msk [tilespmem:v34+s22+$0x0], $0xffff;
	v46 =	vunpack.i.l.bf16.f32 v40;
	v51 =	vor.u32 v9, v26;
	v14 =	vadd.f32 v14, v21  }
0x1e8: {  	v33 =	vld.idx.msk [tilespmem:v53+s22+$0x0], $0xffff;
	v20 =	vsub.f32 v55, v54;
	v11 =	vadd.f32 v19, v11;
	v19 =	vmul.f32 v44, v27  }
0x1e9: {  	v36 =	vld.idx.msk [tilespmem:v56+s26+$0x0], $0xffff;
	v53 =	vunpack.i.u.bf16.f32 v40;
	v61 =	vsub.f32 v59, v58;
	v21 =	vsub.f32 v25, v57  }
0x1ea: {  	v10 =	vadd.f32 v10, v18;
	v18 =	vunpack.i.l.bf16.f32 v45;
	v11 =	vadd.f32 v11, v19;
	v19 =	vld.idx.msk [tilespmem:v42+s22+$0x0], $0xffff  }
0x1eb: {  	v47 =	vld.idx.msk [tilespmem:v39+s26+$0x0], $0xffff;
	v43 =	vunpack.i.l.bf16.f32 v22;
	v45 =	vunpack.i.l.bf16.f32 v38;
	v22 =	vunpack.i.u.bf16.f32 v22  }
0x1ec: {  	v18 =	vmul.f32 v20, v18;
	v21 =	vmul.f32 v21, v28;
	v48 =	vsub.f32 v46, v45  }
0x1ed: {  	v49 =	vunpack.i.l.bf16.f32 v29;
	v27 =	vunpack.i.u.bf16.f32 v52;
	v25 =	vunpack.i.l.bf16.f32 v33  }
0x1ee: {  	v52 =	vunpack.i.u.bf16.f32 v29;
	v15 =	vadd.f32 v18, v15;
	v18 =	vsub.f32 v27, v30  }
0x1ef: {  	s11 =	sadd.s32 $0x2, s19;
	v44 =	vld.idx.msk [tilespmem:v39+s24+$0x0], $0xffff;
	v27 =	vunpack.i.u.bf16.f32 v36;
	v50 =	vmul.f32 v48, v49;
	v63 =	vunpack.i.l.bf16.f32 v19  }
0x1f0: {  	v55 =	vunpack.i.l.bf16.f32 v47;
	v20 =	vmul.f32 v61, v63;
	v61 =	vadd.s32 s11, v0  }
0x1f1: {  	v42 =	vunpack.i.l.bf16.f32 v36;
	v19 =	vunpack.i.u.bf16.f32 v19;
	v29 =	vand.u32 $0x3F, v61  }
0x1f2: {  	v18 =	vmul.f32 v18, v19;
	v19 =	vunpack.i.l.bf16.f32 v60;
	v36 =	vor.u32 v3, v29  }
0x1f3: {  	v59 =	vunpack.i.u.bf16.f32 v47;
	v62 =	vld.idx.msk [tilespmem:v51+s24+$0x0], $0xffff;
	v15 =	vadd.f32 v15, v21;
	v19 =	vsub.f32 v37, v19  }
0x1f4: {  	v17 =	vadd.f32 v50, v17;
	v54 =	vunpack.i.l.bf16.f32 v44;
	v63 =	vld.idx.msk [tilespmem:v51+s26+$0x0], $0xffff;
	v13 =	vadd.f32 v20, v13  }
0x1f5: {  	v46 =	vor.u32 v4, v29;
	v19 =	vmul.f32 v19, v25;
	v25 =	vsub.f32 v42, v41  }
0x1f6: {  	v21 =	vld.idx.msk [tilespmem:v39+s22+$0x0], $0xffff;
	v13 =	vadd.f32 v13, v18;
	v18 =	vunpack.i.u.bf16.f32 v33;
	v33 =	vor.u32 v8, v26  }
0x1f7: {  	v20 =	vunpack.i.u.bf16.f32 v38;
	v16 =	vadd.f32 v19, v16;
	v19 =	vsub.f32 v23, v31;
	v45 =	vld.idx.msk [tilespmem:v36+s24+$0x0], $0xffff  }
0x1f8: {  	v20 =	vsub.f32 v53, v20;
	v26 =	vunpack.i.u.bf16.f32 v62;
	v23 =	vmul.f32 v25, v43;
	v47 =	vld.idx.msk [tilespmem:v36+s26+$0x0], $0xffff  }
0x1f9: {  	v18 =	vmul.f32 v19, v18;
	v19 =	vsub.f32 v27, v24;
	v24 =	vunpack.i.u.bf16.f32 v63;
	v50 =	vld.idx.msk [tilespmem:v36+s22+$0x0], $0xffff  }
0x1fa: {  	v25 =	vunpack.i.u.bf16.f32 v44;
	v31 =	vor.u32 v1, v29;
	v44 =	vsub.f32 v24, v26;
	v26 =	vld.idx.msk [tilespmem:v46+s22+$0x0], $0xffff  }
0x1fb: {  	v57 =	vunpack.i.l.bf16.f32 v21;
	v21 =	vunpack.i.u.bf16.f32 v21;
	v37 =	vunpack.i.l.bf16.f32 v62;
	v56 =	vld.idx.msk [tilespmem:v33+s22+$0x0], $0xffff  }
0x1fc: {  	v62 =	vor.u32 v7, v29;
	v20 =	vmul.f32 v20, v52;
	v25 =	vsub.f32 v59, v25;
	v58 =	vld.idx.msk [tilespmem:v33+s24+$0x0], $0xffff  }
0x1fd: {  	v12 =	vadd.f32 v23, v12;
	v19 =	vmul.f32 v19, v22;
	v22 =	vsub.f32 v55, v54;
	v60 =	vld.idx.msk [tilespmem:v33+s26+$0x0], $0xffff  }
0x1fe: {  	v38 =	vunpack.i.l.bf16.f32 v63;
	v17 =	vadd.f32 v17, v20;
	v16 =	vadd.f32 v16, v18;
	v55 =	vld.idx.msk [tilespmem:v46+s26+$0x0], $0xffff  }
0x1ff: {  	v18 =	vmul.f32 v25, v21;
	v39 =	vld.idx.msk [tilespmem:v31+s24+$0x0], $0xffff;
	v22 =	vmul.f32 v22, v57;
	v12 =	vadd.f32 v12, v19  }
0x200: {  	v19 =	vld.idx.msk [tilespmem:v51+s22+$0x0], $0xffff;
	v51 =	vor.u32 v5, v29;
	v57 =	vor.u32 v6, v29;
	v53 =	vunpack.i.l.bf16.f32 v45  }
0x201: {  	v40 =	vld.idx.msk [tilespmem:v31+s26+$0x0], $0xffff;
	v54 =	vunpack.i.l.bf16.f32 v47;
	v24 =	vunpack.i.u.bf16.f32 v45;
	v14 =	vadd.f32 v22, v14  }
0x202: {  	v43 =	vld.idx.msk [tilespmem:v31+s22+$0x0], $0xffff;
	v22 =	vsub.f32 v38, v37;
	v63 =	vunpack.i.l.bf16.f32 v26;
	v36 =	vunpack.i.u.bf16.f32 v26  }
0x203: {  	v33 =	vunpack.i.l.bf16.f32 v56;
	v34 =	vunpack.i.l.bf16.f32 v58;
	v35 =	vunpack.i.l.bf16.f32 v60  }
0x204: {  	v27 =	vunpack.i.u.bf16.f32 v58;
	v30 =	vunpack.i.u.bf16.f32 v60;
	v60 =	vunpack.i.l.bf16.f32 v55  }
0x205: {  	v14 =	vadd.f32 v14, v18;
	v18 =	vunpack.i.u.bf16.f32 v56;
	v21 =	vsub.f32 v35, v34  }
0x206: {  	v41 =	vsub.f32 v30, v27;
	v48 =	vunpack.i.l.bf16.f32 v39;
	v49 =	vunpack.i.l.bf16.f32 v40  }
0x207: {  	v52 =	vunpack.i.u.bf16.f32 v39;
	v25 =	vunpack.i.u.bf16.f32 v40;
	v27 =	vunpack.i.u.bf16.f32 v43  }
0x208: {  	v56 =	vunpack.i.l.bf16.f32 v50;
	v42 =	vunpack.i.l.bf16.f32 v19;
	v19 =	vunpack.i.u.bf16.f32 v19;
	v58 =	vld.idx.msk [tilespmem:v51+s24+$0x0], $0xffff  }
0x209: {  	v23 =	vsub.f32 v25, v52;
	v59 =	vld.idx.msk [tilespmem:v51+s26+$0x0], $0xffff;
	v20 =	vmul.f32 v21, v33;
	v22 =	vmul.f32 v22, v42  }
0x20a: {  	s11 =	sadd.s32 $0x3, s19;
	v61 =	vld.idx.msk [tilespmem:v51+s22+$0x0], $0xffff;
	v18 =	vmul.f32 v41, v18;
	v19 =	vmul.f32 v44, v19;
	v21 =	vunpack.i.u.bf16.f32 v47  }
0x20b: {  	v34 =	vld.idx.msk [tilespmem:v57+s24+$0x0], $0xffff;
	v33 =	vunpack.i.u.bf16.f32 v55;
	v55 =	vadd.s32 s11, v0;
	v23 =	vmul.f32 v23, v27  }
0x20c: {  	v35 =	vld.idx.msk [tilespmem:v57+s26+$0x0], $0xffff;
	v21 =	vsub.f32 v21, v24;
	v32 =	vand.u32 $0x3F, v55;
	v11 =	vadd.f32 v20, v11  }
0x20d: {  	v39 =	vld.idx.msk [tilespmem:v57+s22+$0x0], $0xffff;
	v10 =	vadd.f32 v22, v10;
	v20 =	vunpack.i.u.bf16.f32 v50;
	v57 =	vor.u32 v1, v32  }
0x20e: {  	v20 =	vmul.f32 v21, v20;
	v11 =	vadd.f32 v11, v18;
	v18 =	vsub.f32 v49, v48  }
0x20f: {  	v41 =	vld.idx.msk [tilespmem:v62+s24+$0x0], $0xffff;
	v10 =	vadd.f32 v10, v19;
	v19 =	vunpack.i.l.bf16.f32 v43;
	v37 =	vunpack.i.l.bf16.f32 v58  }
0x210: {  	v42 =	vld.idx.msk [tilespmem:v62+s26+$0x0], $0xffff;
	v38 =	vunpack.i.l.bf16.f32 v59;
	v40 =	vunpack.i.l.bf16.f32 v61;
	v25 =	vunpack.i.u.bf16.f32 v58  }
0x211: {  	v22 =	vld.idx.msk [tilespmem:v62+s22+$0x0], $0xffff;
	v43 =	vor.u32 v8, v29;
	v21 =	vunpack.i.u.bf16.f32 v61;
	v18 =	vmul.f32 v18, v19  }
0x212: {  	v44 =	vunpack.i.l.bf16.f32 v34;
	v45 =	vunpack.i.l.bf16.f32 v35;
	v47 =	vunpack.i.u.bf16.f32 v39;
	v19 =	vld.idx.msk [tilespmem:v46+s24+$0x0], $0xffff  }
0x213: {  	v24 =	vunpack.i.l.bf16.f32 v39;
	v15 =	vadd.f32 v18, v15;
	v18 =	vsub.f32 v54, v53  }
0x214: {  	v48 =	vor.u32 v9, v29;
	v49 =	vunpack.i.u.bf16.f32 v34;
	v50 =	vunpack.i.l.bf16.f32 v41  }
0x215: {  	v51 =	vunpack.i.l.bf16.f32 v42;
	v27 =	vunpack.i.u.bf16.f32 v41;
	v39 =	vld.idx.msk [tilespmem:v57+s26+$0x0], $0xffff;
	v18 =	vmul.f32 v18, v56  }
0x216: {  	v46 =	vsub.f32 v45, v44;
	v58 =	vunpack.i.u.bf16.f32 v22;
	v15 =	vadd.f32 v15, v23  }
0x217: {  	v52 =	vld.idx.msk [tilespmem:v43+s22+$0x0], $0xffff;
	v23 =	vunpack.i.u.bf16.f32 v59;
	v13 =	vadd.f32 v18, v13;
	v18 =	vunpack.i.l.bf16.f32 v19  }
0x218: {  	v26 =	vld.idx.msk [tilespmem:v43+s26+$0x0], $0xffff;
	v23 =	vsub.f32 v23, v25;
	v25 =	vunpack.i.u.bf16.f32 v42;
	v18 =	vsub.f32 v60, v18  }
0x219: {  	v53 =	vunpack.i.l.bf16.f32 v22;
	v54 =	vld.idx.msk [tilespmem:v43+s24+$0x0], $0xffff;
	v19 =	vunpack.i.u.bf16.f32 v19;
	v25 =	vsub.f32 v25, v27  }
0x21a: {  	v56 =	vld.idx.msk [tilespmem:v48+s24+$0x0], $0xffff;
	v45 =	vunpack.i.l.bf16.f32 v39;
	v19 =	vsub.f32 v33, v19;
	v18 =	vmul.f32 v18, v63  }
0x21b: {  	v59 =	vld.idx.msk [tilespmem:v48+s26+$0x0], $0xffff;
	v28 =	vunpack.i.u.bf16.f32 v39;
	v60 =	vor.u32 v3, v32;
	v13 =	vadd.f32 v13, v20  }
0x21c: {  	v16 =	vadd.f32 v18, v16;
	v18 =	vmul.f32 v19, v36;
	v19 =	vsub.f32 v38, v37  }
0x21d: {  	v20 =	vunpack.i.u.bf16.f32 v35;
	v61 =	vunpack.i.l.bf16.f32 v26;
	v62 =	vunpack.i.u.bf16.f32 v52  }
0x21e: {  	v34 =	vunpack.i.u.bf16.f32 v54;
	v26 =	vunpack.i.u.bf16.f32 v26;
	v19 =	vmul.f32 v19, v40  }
0x21f: {  	v20 =	vsub.f32 v20, v49;
	v63 =	vunpack.i.l.bf16.f32 v52;
	v35 =	vunpack.i.l.bf16.f32 v56  }
0x220: {  	v33 =	vld.idx.msk [tilespmem:v57+s22+$0x0], $0xffff;
	v27 =	vunpack.i.u.bf16.f32 v56;
	v22 =	vunpack.i.u.bf16.f32 v59;
	v12 =	vadd.f32 v19, v12  }
0x221: {  	v19 =	vmul.f32 v23, v21;
	v21 =	vmul.f32 v46, v24;
	v24 =	vsub.f32 v51, v50  }
0x222: {  	v22 =	vsub.f32 v22, v27;
	v20 =	vmul.f32 v20, v47;
	v36 =	vunpack.i.l.bf16.f32 v59;
	v37 =	vld.idx.msk [tilespmem:v57+s24+$0x0], $0xffff  }
0x223: {  	v47 =	vor.u32 v5, v32;
	v38 =	vsub.f32 v36, v35;
	v41 =	vld.idx.msk [tilespmem:v60+s24+$0x0], $0xffff;
	v24 =	vmul.f32 v24, v53  }
0x224: {  	v42 =	vld.idx.msk [tilespmem:v60+s26+$0x0], $0xffff;
	v16 =	vadd.f32 v16, v18;
	v18 =	vmul.f32 v25, v58;
	v25 =	vsub.f32 v26, v34  }
0x225: {  	v43 =	vunpack.i.l.bf16.f32 v33;
	v12 =	vadd.f32 v12, v19;
	v19 =	vld.idx.msk [tilespmem:v48+s22+$0x0], $0xffff;
	v14 =	vadd.f32 v24, v14  }
0x226: {  	v58 =	vor.u32 v6, v32;
	v23 =	vmul.f32 v25, v62;
	v17 =	vadd.f32 v21, v17  }
0x227: {  	v44 =	vunpack.i.l.bf16.f32 v37;
	v14 =	vadd.f32 v14, v18;
	v18 =	vunpack.i.l.bf16.f32 v54  }
0x228: {  	v46 =	vunpack.i.u.bf16.f32 v37;
	v17 =	vadd.f32 v17, v20;
	v20 =	vld.idx.msk [tilespmem:v60+s22+$0x0], $0xffff;
	v18 =	vsub.f32 v61, v18  }
0x229: {  	v48 =	vunpack.i.l.bf16.f32 v41;
	v26 =	vunpack.i.u.bf16.f32 v42;
	v54 =	vunpack.i.u.bf16.f32 v41  }
0x22a: {  	v56 =	vld.idx.msk [tilespmem:v47+s24+$0x0], $0xffff;
	v40 =	vunpack.i.l.bf16.f32 v19;
	v61 =	vor.u32 v7, v32;
	v18 =	vmul.f32 v18, v63  }
0x22b: {  	v57 =	vld.idx.msk [tilespmem:v47+s26+$0x0], $0xffff;
	v49 =	vunpack.i.l.bf16.f32 v42;
	v26 =	vsub.f32 v26, v54;
	v24 =	vmul.f32 v38, v40  }
0x22c: {  	v36 =	vld.idx.msk [tilespmem:v58+s24+$0x0], $0xffff;
	v11 =	vadd.f32 v18, v11;
	v18 =	vunpack.i.u.bf16.f32 v19;
	v19 =	vor.u32 v4, v32  }
0x22d: {  	v50 =	vsub.f32 v28, v46;
	v38 =	vld.idx.msk [tilespmem:v58+s26+$0x0], $0xffff;
	v53 =	vunpack.i.l.bf16.f32 v20;
	v20 =	vunpack.i.u.bf16.f32 v20  }
0x22e: {  	v10 =	vadd.f32 v24, v10;
	v24 =	vsub.f32 v45, v44;
	v20 =	vmul.f32 v26, v20;
	v26 =	vld.idx.msk [tilespmem:v58+s22+$0x0], $0xffff  }
0x22f: {  	v21 =	vunpack.i.u.bf16.f32 v33;
	v51 =	vsub.f32 v49, v48;
	v34 =	vunpack.i.l.bf16.f32 v56;
	v41 =	vld.idx.msk [tilespmem:v61+s24+$0x0], $0xffff  }
0x230: {  	v35 =	vunpack.i.l.bf16.f32 v57;
	v18 =	vmul.f32 v22, v18;
	v22 =	vmul.f32 v24, v43;
	v43 =	vld.idx.msk [tilespmem:v61+s26+$0x0], $0xffff  }
0x231: {  	v21 =	vmul.f32 v50, v21;
	v37 =	vsub.f32 v35, v34;
	v27 =	vmul.f32 v51, v53;
	v52 =	vld.idx.msk [tilespmem:v19+s22+$0x0], $0xffff  }
0x232: {  	v40 =	vor.u32 v8, v32;
	v30 =	vunpack.i.u.bf16.f32 v36;
	v44 =	vor.u32 v9, v32;
	v55 =	vld.idx.msk [tilespmem:v19+s24+$0x0], $0xffff  }
0x233: {  	v45 =	vunpack.i.l.bf16.f32 v36;
	v13 =	vadd.f32 v27, v13;
	v24 =	vunpack.i.u.bf16.f32 v57;
	v19 =	vld.idx.msk [tilespmem:v19+s26+$0x0], $0xffff  }
0x234: {  	v11 =	vadd.f32 v11, v23;
	v46 =	vunpack.i.l.bf16.f32 v38;
	v28 =	vunpack.i.u.bf16.f32 v38  }
0x235: {  	v15 =	vadd.f32 v22, v15;
	v10 =	vadd.f32 v10, v18;
	v22 =	vunpack.i.u.bf16.f32 v56  }
0x236: {  	v23 =	vld.idx.msk [tilespmem:v61+s22+$0x0], $0xffff;
	v13 =	vadd.f32 v13, v20;
	v42 =	vsub.f32 v24, v22;
	v48 =	vunpack.i.l.bf16.f32 v26  }
0x237: {  	v49 =	vld.idx.msk [tilespmem:v40+s26+$0x0], $0xffff;
	v15 =	vadd.f32 v15, v21;
	v50 =	vunpack.i.l.bf16.f32 v41;
	v51 =	vunpack.i.l.bf16.f32 v43  }
0x238: {  	v18 =	vld.idx.msk [tilespmem:v47+s22+$0x0], $0xffff;
	v27 =	vunpack.i.u.bf16.f32 v41;
	v59 =	vunpack.i.l.bf16.f32 v55;
	v60 =	vunpack.i.l.bf16.f32 v19  }
0x239: {  	v29 =	vld.idx.msk [tilespmem:v40+s22+$0x0], $0xffff;
	v22 =	vunpack.i.u.bf16.f32 v43;
	v24 =	vsub.f32 v51, v50;
	v20 =	vsub.f32 v60, v59  }
0x23a: {  	v63 =	vunpack.i.l.bf16.f32 v52;
	v33 =	vunpack.i.u.bf16.f32 v55;
	v19 =	vunpack.i.u.bf16.f32 v19  }
0x23b: {  	v53 =	vunpack.i.l.bf16.f32 v23;
	v19 =	vsub.f32 v19, v33;
	v20 =	vmul.f32 v20, v63  }
0x23c: {  	v47 =	vld.idx.msk [tilespmem:v40+s24+$0x0], $0xffff;
	v22 =	vsub.f32 v22, v27;
	v56 =	vunpack.i.l.bf16.f32 v49;
	v62 =	vunpack.i.u.bf16.f32 v52  }
0x23d: {  	v54 =	vld.idx.msk [tilespmem:v44+s26+$0x0], $0xffff;
	v39 =	vunpack.i.l.bf16.f32 v18;
	v19 =	vmul.f32 v19, v62;
	v16 =	vadd.f32 v20, v16  }
0x23e: {  	v23 =	vunpack.i.u.bf16.f32 v23;
	v57 =	vunpack.i.l.bf16.f32 v29;
	v21 =	vmul.f32 v37, v39  }
0x23f: {  	v18 =	vunpack.i.u.bf16.f32 v18;
	v52 =	vld.idx.msk [tilespmem:v44+s24+$0x0], $0xffff;
	v16 =	vadd.f32 v16, v19;
	v19 =	vsub.f32 v46, v45  }
0x240: {  	v18 =	vmul.f32 v42, v18;
	v24 =	vmul.f32 v24, v53;
	v12 =	vadd.f32 v21, v12  }
0x241: {  	v25 =	vunpack.i.u.bf16.f32 v49;
	v22 =	vmul.f32 v22, v23;
	v21 =	vld.idx.msk [tilespmem:v44+s22+$0x0], $0xffff;
	v19 =	vmul.f32 v19, v48  }
0x242: {  	v61 =	vunpack.i.u.bf16.f32 v54;
	v55 =	vunpack.i.l.bf16.f32 v47;
	v12 =	vadd.f32 v12, v18  }
0x243: {  	v59 =	vunpack.i.l.bf16.f32 v54;
	v17 =	vadd.f32 v19, v17;
	v19 =	vsub.f32 v28, v30  }
0x244: {  	v18 =	vunpack.i.u.bf16.f32 v26;
	v58 =	vunpack.i.l.bf16.f32 v52;
	v26 =	vunpack.i.u.bf16.f32 v52  }
0x245: {  	v23 =	vsub.f32 v59, v58;
	v18 =	vmul.f32 v19, v18;
	v19 =	vsub.f32 v56, v55  }
0x246: {  	v20 =	vunpack.i.u.bf16.f32 v47;
	v60 =	vunpack.i.l.bf16.f32 v21;
	v62 =	vsub.f32 v61, v26  }
0x247: {  	p1 =	slt.u32 s19, $0x3C;
	v21 =	vunpack.i.u.bf16.f32 v21;
	v23 =	vmul.f32 v23, v60;
	v19 =	vmul.f32 v19, v57  }
.Ltmp2:
0x248: {  	v14 =	vadd.f32 v24, v14;
	v20 =	vsub.f32 v25, v20;
	v63 =	vmul.f32 v62, v21;
	(pc) =	sbr.rel @p1 .LBB2_7-.Ltmp2, $4  }
0x249: {  	v10 =	vadd.f32 v23, v10;
	v11 =	vadd.f32 v19, v11;
	v19 =	vunpack.i.u.bf16.f32 v29  }
0x24a: {  	v19 =	vmul.f32 v20, v19  }
0x24b: {  	v14 =	vadd.f32 v14, v22;
	v10 =	vadd.f32 v10, v63  }
0x24c: {  	s19 =	sadd.s32 $0x4, s19;
	v17 =	vadd.f32 v17, v18;
	v11 =	vadd.f32 v11, v19  }
0x24d: {  	v18 =	vld [tilespmem:$0x1A580];
	_ =	sdelay $0x1  }
0x24e: {  	v15 =	vadd.f32 $2.000000030e-01, v15;
	_ =	sdelay $0x1  }
0x24f: {  	v13 =	vadd.f32 $2.000000030e-01, v13;
	v15 =	vmax.f32 v15, $0.0e+00  }
0x250: {  	v15 =	vadd.f32 v18, v15  }
0x251: {  	v16 =	vadd.f32 $2.000000030e-01, v16;
	v13 =	vmax.f32 v13, $0.0e+00  }
0x252: {  	v13 =	vadd.f32 v15, v13  }
0x253: {  	v12 =	vadd.f32 $2.000000030e-01, v12;
	v15 =	vmax.f32 v16, $0.0e+00  }
0x254: {  	v13 =	vadd.f32 v13, v15  }
0x255: {  	v12 =	vmax.f32 v12, $0.0e+00;
	v15 =	vadd.f32 $2.000000030e-01, v17  }
0x256: {  	v12 =	vadd.f32 v13, v12  }
0x257: {  	v14 =	vadd.f32 $2.000000030e-01, v14;
	v13 =	vmax.f32 v15, $0.0e+00  }
0x258: {  	v12 =	vadd.f32 v12, v13  }
0x259: {  	v11 =	vadd.f32 $2.000000030e-01, v11;
	v13 =	vmax.f32 v14, $0.0e+00  }
0x25a: {  	v12 =	vadd.f32 v12, v13  }
0x25b: {  	v10 =	vadd.f32 $2.000000030e-01, v10;
	v11 =	vmax.f32 v11, $0.0e+00  }
0x25c: {  	v11 =	vadd.f32 v12, v11  }
0x25d: {  	v10 =	vmax.f32 v10, $0.0e+00  }
0x25e: {  	v10 =	vadd.f32 v11, v10;
	_ =	sdelay $0x1  }
0x25f: {  	[tilespmem:$0x1A580] =	vst v10  }
0x260: {  	_ =	swait.ge [sflag:s17], $0x2000  }
0x261: {  	[sflag:s17] =	ssyncset.done $0x0  }
0x262: {  	[sflag:s17] =	ssyncadd.s32 $0xFFFFE000  }
0x263: {  	_ =	swait.ge [sflag:s17], $0x2000  }
0x264: {  	[sflag:s17] =	ssyncset.done $0x0  }
0x265: {  	[sflag:s17] =	ssyncadd.s32 $0xFFFFE000  }
0x266: {  	_ =	swait.ge [sflag:s17], $0x2000  }
0x267: {  	s10 =	sadd.s32 @!p0 $0x300, s25;
	[sflag:s17] =	ssyncset.done $0x0  }
0x268: {  	s11 =	simm.s32 @!p0 $0x80;
	s19 =	simm.s32 @!p0 $0xE580;
	[sflag:s17] =	ssyncadd.s32 $0xFFFFE000  }
0x269: {  	[tilespmem:s19], [sflag:$0x3] =	stream.indirect.gather @!p0 [hbm4b:s3+s11], $0x40, s10, s11, $0xb8;
	[tilespmem:$0x1A590] =	vst v63  }
0x26a: {  	s10 =	sadd.s32 @!p0 $0xF80, s25;
	s19 =	simm.s32 @!p0 $0x10580  }
0x26b: {  	[tilespmem:s19], [sflag:$0x3] =	stream.indirect.gather @!p0 [hbm4b:s3+s11], $0x40, s10, s11, $0xb8;
	[tilespmem:$0x1A590] =	vst v63  }
0x26c: {  	v16 =	vimm.f32 $0.0e+00;
	v17 =	vimm.f32 $0.0e+00;
	s10 =	sadd.s32 @!p0 $0x1C00, s25;
	s19 =	simm.s32 @!p0 $0x12580  }
0x26d: {  	v15 =	vimm.f32 $0.0e+00;
	v14 =	vimm.f32 $0.0e+00;
	v13 =	vimm.f32 $0.0e+00;
	[tilespmem:s19], [sflag:$0x3] =	stream.indirect.gather @!p0 [hbm4b:s3+s11], $0x40, s10, s11, $0xb8;
	[tilespmem:$0x1A590] =	vst v63  }
0x26e: {  	v12 =	vimm.f32 $0.0e+00;
	v11 =	vimm.f32 $0.0e+00;
	v10 =	vimm.f32 $0.0e+00;
	s19 =	simm.s32 $0x0  }
.LBB2_9:
0x26f: {  	v18 =	vadd.s32 s19, v0  }
0x270: {  	v18 =	vand.u32 $0x3F, v18  }
0x271: {  	v19 =	vor.u32 v1, v18;
	_ =	sdelay $0x2  }
0x272: {  	v20 =	vor.u32 v3, v18;
	_ =	sdelay $0x1  }
0x273: {  	v21 =	vld.idx.msk [tilespmem:v19+s29+$0x0], $0xffff  }
0x274: {  	v24 =	vor.u32 v4, v18;
	v22 =	vld.idx.msk [tilespmem:v19+s30+$0x0], $0xffff  }
0x275: {  	v19 =	vld.idx.msk [tilespmem:v19+s31+$0x0], $0xffff  }
0x276: {  	v23 =	vld.idx.msk [tilespmem:v20+s30+$0x0], $0xffff  }
0x277: {  	v26 =	vor.u32 v5, v18;
	v25 =	vld.idx.msk [tilespmem:v20+s31+$0x0], $0xffff  }
0x278: {  	v20 =	vld.idx.msk [tilespmem:v20+s29+$0x0], $0xffff  }
0x279: {  	v63 =	vld.idx.msk [tilespmem:v24+s29+$0x0], $0xffff  }
0x27a: {  	v40 =	vor.u32 v6, v18;
	v32 =	vld.idx.msk [tilespmem:v24+s30+$0x0], $0xffff  }
0x27b: {  	v24 =	vld.idx.msk [tilespmem:v24+s31+$0x0], $0xffff  }
0x27c: {  	v47 =	vor.u32 v7, v18;
	v36 =	vld.idx.msk [tilespmem:v26+s30+$0x0], $0xffff  }
0x27d: {  	v56 =	vor.u32 v8, v18;
	v18 =	vor.u32 v9, v18;
	v39 =	vld.idx.msk [tilespmem:v26+s31+$0x0], $0xffff;
	v27 =	vunpack.i.u.bf16.f32 v21  }
0x27e: {  	v42 =	vld.idx.msk [tilespmem:v26+s29+$0x0], $0xffff;
	v28 =	vunpack.i.l.bf16.f32 v22;
	v29 =	vunpack.i.l.bf16.f32 v19;
	v21 =	vunpack.i.l.bf16.f32 v21  }
0x27f: {  	v53 =	vld.idx.msk [tilespmem:v40+s31+$0x0], $0xffff;
	v22 =	vunpack.i.u.bf16.f32 v22;
	v19 =	vunpack.i.u.bf16.f32 v19;
	v30 =	vunpack.i.l.bf16.f32 v23  }
0x280: {  	v51 =	vld.idx.msk [tilespmem:v40+s30+$0x0], $0xffff;
	v31 =	vunpack.i.l.bf16.f32 v25;
	v35 =	vunpack.i.l.bf16.f32 v20;
	v23 =	vunpack.i.u.bf16.f32 v23  }
0x281: {  	v25 =	vunpack.i.u.bf16.f32 v25;
	v20 =	vunpack.i.u.bf16.f32 v20;
	v41 =	vunpack.i.u.bf16.f32 v63  }
0x282: {  	v43 =	vunpack.i.l.bf16.f32 v63;
	v44 =	vunpack.i.l.bf16.f32 v32;
	v45 =	vunpack.i.l.bf16.f32 v24  }
0x283: {  	v46 =	vunpack.i.u.bf16.f32 v32;
	v24 =	vunpack.i.u.bf16.f32 v24;
	v48 =	vunpack.i.l.bf16.f32 v36  }
0x284: {  	v55 =	vld.idx.msk [tilespmem:v47+s30+$0x0], $0xffff;
	v49 =	vunpack.i.l.bf16.f32 v39;
	v52 =	vunpack.i.l.bf16.f32 v42;
	v58 =	vunpack.i.l.bf16.f32 v53  }
0x285: {  	v57 =	vld.idx.msk [tilespmem:v47+s31+$0x0], $0xffff;
	v62 =	vunpack.i.u.bf16.f32 v51;
	v28 =	vsub.f32 v29, v28;
	v19 =	vsub.f32 v19, v22  }
0x286: {  	v33 =	vld.idx.msk [tilespmem:v56+s30+$0x0], $0xffff;
	v63 =	vunpack.i.u.bf16.f32 v53;
	v34 =	vsub.f32 v31, v30;
	v38 =	vsub.f32 v25, v23  }
0x287: {  	v24 =	vsub.f32 v24, v46;
	v50 =	vsub.f32 v49, v48;
	v30 =	vunpack.i.u.bf16.f32 v36  }
0x288: {  	v23 =	vunpack.i.u.bf16.f32 v39;
	v22 =	vunpack.i.u.bf16.f32 v42;
	v21 =	vmul.f32 v28, v21  }
0x289: {  	v25 =	vld.idx.msk [tilespmem:v40+s29+$0x0], $0xffff;
	v23 =	vsub.f32 v23, v30;
	v37 =	vmul.f32 v34, v35;
	v19 =	vmul.f32 v19, v27  }
0x28a: {  	v20 =	vmul.f32 v38, v20;
	v27 =	vsub.f32 v45, v44;
	v54 =	vmul.f32 v50, v52  }
0x28b: {  	v36 =	vld.idx.msk [tilespmem:v56+s31+$0x0], $0xffff;
	v34 =	vunpack.i.l.bf16.f32 v55;
	v35 =	vunpack.i.l.bf16.f32 v57;
	v28 =	vunpack.i.u.bf16.f32 v33  }
0x28c: {  	s10 =	sadd.s32 $0x1, s19;
	v40 =	vld.idx.msk [tilespmem:v18+s31+$0x0], $0xffff;
	v15 =	vadd.f32 v21, v15;
	v13 =	vadd.f32 v37, v13;
	v26 =	vmul.f32 v27, v43  }
0x28d: {  	v21 =	vmul.f32 v24, v41;
	v12 =	vadd.f32 v54, v12;
	v37 =	vadd.s32 s10, v0  }
0x28e: {  	v24 =	vunpack.i.u.bf16.f32 v55;
	v60 =	vunpack.i.u.bf16.f32 v25;
	v61 =	vunpack.i.l.bf16.f32 v25  }
0x28f: {  	v25 =	vsub.f32 v63, v62;
	v16 =	vadd.f32 v26, v16;
	v26 =	vand.u32 $0x3F, v37  }
0x290: {  	v59 =	vld.idx.msk [tilespmem:v47+s29+$0x0], $0xffff;
	v41 =	vunpack.i.l.bf16.f32 v36;
	v30 =	vunpack.i.u.bf16.f32 v36;
	v39 =	vor.u32 v1, v26  }
0x291: {  	v38 =	vld.idx.msk [tilespmem:v18+s30+$0x0], $0xffff;
	v47 =	vunpack.i.l.bf16.f32 v40;
	v29 =	vunpack.i.u.bf16.f32 v40;
	v15 =	vadd.f32 v15, v19  }
0x292: {  	v19 =	vmul.f32 v23, v22;
	v13 =	vadd.f32 v13, v20;
	v20 =	vsub.f32 v35, v34  }
0x293: {  	v18 =	vld.idx.msk [tilespmem:v18+s29+$0x0], $0xffff;
	v22 =	vunpack.i.u.bf16.f32 v57;
	v44 =	vsub.f32 v30, v28;
	v42 =	vor.u32 v3, v26  }
0x294: {  	v27 =	vld.idx.msk [tilespmem:v56+s29+$0x0], $0xffff;
	v23 =	vmul.f32 v25, v60;
	v12 =	vadd.f32 v12, v19;
	v19 =	vunpack.i.l.bf16.f32 v51  }
0x295: {  	v22 =	vsub.f32 v22, v24;
	v53 =	vor.u32 v4, v26;
	v19 =	vsub.f32 v58, v19;
	v45 =	vld.idx.msk [tilespmem:v39+s29+$0x0], $0xffff  }
0x296: {  	v46 =	vunpack.i.l.bf16.f32 v38;
	v56 =	vor.u32 v5, v26;
	v16 =	vadd.f32 v16, v21;
	v48 =	vld.idx.msk [tilespmem:v39+s30+$0x0], $0xffff  }
0x297: {  	v21 =	vunpack.i.u.bf16.f32 v59;
	v49 =	vsub.f32 v47, v46;
	v19 =	vmul.f32 v19, v61;
	v25 =	vld.idx.msk [tilespmem:v39+s31+$0x0], $0xffff  }
0x298: {  	v50 =	vunpack.i.l.bf16.f32 v18;
	v34 =	vor.u32 v6, v26;
	v21 =	vmul.f32 v22, v21;
	v51 =	vld.idx.msk [tilespmem:v42+s30+$0x0], $0xffff  }
0x299: {  	v22 =	vmul.f32 v49, v50;
	v52 =	vld.idx.msk [tilespmem:v42+s31+$0x0], $0xffff;
	v17 =	vadd.f32 v19, v17;
	v19 =	vunpack.i.l.bf16.f32 v59  }
0x29a: {  	v18 =	vunpack.i.u.bf16.f32 v18;
	v43 =	vunpack.i.l.bf16.f32 v27;
	v60 =	vld.idx.msk [tilespmem:v53+s30+$0x0], $0xffff;
	v19 =	vmul.f32 v20, v19  }
0x29b: {  	v27 =	vunpack.i.u.bf16.f32 v27;
	v10 =	vadd.f32 v22, v10;
	v62 =	vld.idx.msk [tilespmem:v53+s31+$0x0], $0xffff;
	v20 =	vunpack.i.u.bf16.f32 v38  }
0x29c: {  	v35 =	vld.idx.msk [tilespmem:v56+s30+$0x0], $0xffff;
	v20 =	vsub.f32 v29, v20;
	v14 =	vadd.f32 v19, v14;
	v19 =	vunpack.i.l.bf16.f32 v33  }
0x29d: {  	v39 =	vor.u32 v7, v26;
	v17 =	vadd.f32 v17, v23;
	v19 =	vsub.f32 v41, v19  }
0x29e: {  	v40 =	vld.idx.msk [tilespmem:v34+s31+$0x0], $0xffff;
	v18 =	vmul.f32 v20, v18;
	v54 =	vunpack.i.l.bf16.f32 v48;
	v55 =	vunpack.i.l.bf16.f32 v25  }
0x29f: {  	v57 =	vunpack.i.u.bf16.f32 v48;
	v58 =	vunpack.i.l.bf16.f32 v51;
	v59 =	vunpack.i.l.bf16.f32 v52  }
0x2a0: {  	v25 =	vunpack.i.u.bf16.f32 v25;
	v30 =	vunpack.i.u.bf16.f32 v51;
	v28 =	vunpack.i.u.bf16.f32 v45  }
0x2a1: {  	v22 =	vld.idx.msk [tilespmem:v56+s29+$0x0], $0xffff;
	v37 =	vunpack.i.l.bf16.f32 v62;
	v41 =	vunpack.i.l.bf16.f32 v35;
	v31 =	vunpack.i.u.bf16.f32 v60  }
0x2a2: {  	v38 =	vld.idx.msk [tilespmem:v34+s30+$0x0], $0xffff;
	v23 =	vunpack.i.u.bf16.f32 v62;
	v24 =	vunpack.i.u.bf16.f32 v35;
	v19 =	vmul.f32 v19, v43  }
0x2a3: {  	v29 =	vld.idx.msk [tilespmem:v34+s29+$0x0], $0xffff;
	v46 =	vunpack.i.l.bf16.f32 v40;
	v51 =	vor.u32 v9, v26;
	v14 =	vadd.f32 v14, v21  }
0x2a4: {  	v33 =	vld.idx.msk [tilespmem:v53+s29+$0x0], $0xffff;
	v20 =	vsub.f32 v55, v54;
	v11 =	vadd.f32 v19, v11;
	v19 =	vmul.f32 v44, v27  }
0x2a5: {  	v36 =	vld.idx.msk [tilespmem:v56+s31+$0x0], $0xffff;
	v53 =	vunpack.i.u.bf16.f32 v40;
	v61 =	vsub.f32 v59, v58;
	v21 =	vsub.f32 v25, v57  }
0x2a6: {  	v10 =	vadd.f32 v10, v18;
	v18 =	vunpack.i.l.bf16.f32 v45;
	v11 =	vadd.f32 v11, v19;
	v19 =	vld.idx.msk [tilespmem:v42+s29+$0x0], $0xffff  }
0x2a7: {  	v47 =	vld.idx.msk [tilespmem:v39+s31+$0x0], $0xffff;
	v43 =	vunpack.i.l.bf16.f32 v22;
	v45 =	vunpack.i.l.bf16.f32 v38;
	v22 =	vunpack.i.u.bf16.f32 v22  }
0x2a8: {  	v18 =	vmul.f32 v20, v18;
	v21 =	vmul.f32 v21, v28;
	v48 =	vsub.f32 v46, v45  }
0x2a9: {  	v49 =	vunpack.i.l.bf16.f32 v29;
	v27 =	vunpack.i.u.bf16.f32 v52;
	v25 =	vunpack.i.l.bf16.f32 v33  }
0x2aa: {  	v52 =	vunpack.i.u.bf16.f32 v29;
	v15 =	vadd.f32 v18, v15;
	v18 =	vsub.f32 v27, v30  }
0x2ab: {  	s11 =	sadd.s32 $0x2, s19;
	v44 =	vld.idx.msk [tilespmem:v39+s30+$0x0], $0xffff;
	v27 =	vunpack.i.u.bf16.f32 v36;
	v50 =	vmul.f32 v48, v49;
	v63 =	vunpack.i.l.bf16.f32 v19  }
0x2ac: {  	v55 =	vunpack.i.l.bf16.f32 v47;
	v20 =	vmul.f32 v61, v63;
	v61 =	vadd.s32 s11, v0  }
0x2ad: {  	v42 =	vunpack.i.l.bf16.f32 v36;
	v19 =	vunpack.i.u.bf16.f32 v19;
	v29 =	vand.u32 $0x3F, v61  }
0x2ae: {  	v18 =	vmul.f32 v18, v19;
	v19 =	vunpack.i.l.bf16.f32 v60;
	v36 =	vor.u32 v3, v29  }
0x2af: {  	v59 =	vunpack.i.u.bf16.f32 v47;
	v62 =	vld.idx.msk [tilespmem:v51+s30+$0x0], $0xffff;
	v15 =	vadd.f32 v15, v21;
	v19 =	vsub.f32 v37, v19  }
0x2b0: {  	v17 =	vadd.f32 v50, v17;
	v54 =	vunpack.i.l.bf16.f32 v44;
	v63 =	vld.idx.msk [tilespmem:v51+s31+$0x0], $0xffff;
	v13 =	vadd.f32 v20, v13  }
0x2b1: {  	v46 =	vor.u32 v4, v29;
	v19 =	vmul.f32 v19, v25;
	v25 =	vsub.f32 v42, v41  }
0x2b2: {  	v21 =	vld.idx.msk [tilespmem:v39+s29+$0x0], $0xffff;
	v13 =	vadd.f32 v13, v18;
	v18 =	vunpack.i.u.bf16.f32 v33;
	v33 =	vor.u32 v8, v26  }
0x2b3: {  	v20 =	vunpack.i.u.bf16.f32 v38;
	v16 =	vadd.f32 v19, v16;
	v19 =	vsub.f32 v23, v31;
	v45 =	vld.idx.msk [tilespmem:v36+s30+$0x0], $0xffff  }
0x2b4: {  	v20 =	vsub.f32 v53, v20;
	v26 =	vunpack.i.u.bf16.f32 v62;
	v23 =	vmul.f32 v25, v43;
	v47 =	vld.idx.msk [tilespmem:v36+s31+$0x0], $0xffff  }
0x2b5: {  	v18 =	vmul.f32 v19, v18;
	v19 =	vsub.f32 v27, v24;
	v24 =	vunpack.i.u.bf16.f32 v63;
	v50 =	vld.idx.msk [tilespmem:v36+s29+$0x0], $0xffff  }
0x2b6: {  	v25 =	vunpack.i.u.bf16.f32 v44;
	v31 =	vor.u32 v1, v29;
	v44 =	vsub.f32 v24, v26;
	v26 =	vld.idx.msk [tilespmem:v46+s29+$0x0], $0xffff  }
0x2b7: {  	v57 =	vunpack.i.l.bf16.f32 v21;
	v21 =	vunpack.i.u.bf16.f32 v21;
	v37 =	vunpack.i.l.bf16.f32 v62;
	v56 =	vld.idx.msk [tilespmem:v33+s29+$0x0], $0xffff  }
0x2b8: {  	v62 =	vor.u32 v7, v29;
	v20 =	vmul.f32 v20, v52;
	v25 =	vsub.f32 v59, v25;
	v58 =	vld.idx.msk [tilespmem:v33+s30+$0x0], $0xffff  }
0x2b9: {  	v12 =	vadd.f32 v23, v12;
	v19 =	vmul.f32 v19, v22;
	v22 =	vsub.f32 v55, v54;
	v60 =	vld.idx.msk [tilespmem:v33+s31+$0x0], $0xffff  }
0x2ba: {  	v38 =	vunpack.i.l.bf16.f32 v63;
	v17 =	vadd.f32 v17, v20;
	v16 =	vadd.f32 v16, v18;
	v55 =	vld.idx.msk [tilespmem:v46+s31+$0x0], $0xffff  }
0x2bb: {  	v18 =	vmul.f32 v25, v21;
	v39 =	vld.idx.msk [tilespmem:v31+s30+$0x0], $0xffff;
	v22 =	vmul.f32 v22, v57;
	v12 =	vadd.f32 v12, v19  }
0x2bc: {  	v19 =	vld.idx.msk [tilespmem:v51+s29+$0x0], $0xffff;
	v51 =	vor.u32 v5, v29;
	v57 =	vor.u32 v6, v29;
	v53 =	vunpack.i.l.bf16.f32 v45  }
0x2bd: {  	v40 =	vld.idx.msk [tilespmem:v31+s31+$0x0], $0xffff;
	v54 =	vunpack.i.l.bf16.f32 v47;
	v24 =	vunpack.i.u.bf16.f32 v45;
	v14 =	vadd.f32 v22, v14  }
0x2be: {  	v43 =	vld.idx.msk [tilespmem:v31+s29+$0x0], $0xffff;
	v22 =	vsub.f32 v38, v37;
	v63 =	vunpack.i.l.bf16.f32 v26;
	v36 =	vunpack.i.u.bf16.f32 v26  }
0x2bf: {  	v33 =	vunpack.i.l.bf16.f32 v56;
	v34 =	vunpack.i.l.bf16.f32 v58;
	v35 =	vunpack.i.l.bf16.f32 v60  }
0x2c0: {  	v27 =	vunpack.i.u.bf16.f32 v58;
	v30 =	vunpack.i.u.bf16.f32 v60;
	v60 =	vunpack.i.l.bf16.f32 v55  }
0x2c1: {  	v14 =	vadd.f32 v14, v18;
	v18 =	vunpack.i.u.bf16.f32 v56;
	v21 =	vsub.f32 v35, v34  }
0x2c2: {  	v41 =	vsub.f32 v30, v27;
	v48 =	vunpack.i.l.bf16.f32 v39;
	v49 =	vunpack.i.l.bf16.f32 v40  }
0x2c3: {  	v52 =	vunpack.i.u.bf16.f32 v39;
	v25 =	vunpack.i.u.bf16.f32 v40;
	v27 =	vunpack.i.u.bf16.f32 v43  }
0x2c4: {  	v56 =	vunpack.i.l.bf16.f32 v50;
	v42 =	vunpack.i.l.bf16.f32 v19;
	v19 =	vunpack.i.u.bf16.f32 v19;
	v58 =	vld.idx.msk [tilespmem:v51+s30+$0x0], $0xffff  }
0x2c5: {  	v23 =	vsub.f32 v25, v52;
	v59 =	vld.idx.msk [tilespmem:v51+s31+$0x0], $0xffff;
	v20 =	vmul.f32 v21, v33;
	v22 =	vmul.f32 v22, v42  }
0x2c6: {  	s25 =	sadd.s32 $0x3, s19;
	v61 =	vld.idx.msk [tilespmem:v51+s29+$0x0], $0xffff;
	v18 =	vmul.f32 v41, v18;
	v19 =	vmul.f32 v44, v19;
	v21 =	vunpack.i.u.bf16.f32 v47  }
0x2c7: {  	v34 =	vld.idx.msk [tilespmem:v57+s30+$0x0], $0xffff;
	v33 =	vunpack.i.u.bf16.f32 v55;
	v55 =	vadd.s32 s25, v0;
	v23 =	vmul.f32 v23, v27  }
0x2c8: {  	v35 =	vld.idx.msk [tilespmem:v57+s31+$0x0], $0xffff;
	v21 =	vsub.f32 v21, v24;
	v32 =	vand.u32 $0x3F, v55;
	v11 =	vadd.f32 v20, v11  }
0x2c9: {  	v39 =	vld.idx.msk [tilespmem:v57+s29+$0x0], $0xffff;
	v10 =	vadd.f32 v22, v10;
	v20 =	vunpack.i.u.bf16.f32 v50;
	v57 =	vor.u32 v1, v32  }
0x2ca: {  	v20 =	vmul.f32 v21, v20;
	v11 =	vadd.f32 v11, v18;
	v18 =	vsub.f32 v49, v48  }
0x2cb: {  	v41 =	vld.idx.msk [tilespmem:v62+s30+$0x0], $0xffff;
	v10 =	vadd.f32 v10, v19;
	v19 =	vunpack.i.l.bf16.f32 v43;
	v37 =	vunpack.i.l.bf16.f32 v58  }
0x2cc: {  	v42 =	vld.idx.msk [tilespmem:v62+s31+$0x0], $0xffff;
	v38 =	vunpack.i.l.bf16.f32 v59;
	v40 =	vunpack.i.l.bf16.f32 v61;
	v25 =	vunpack.i.u.bf16.f32 v58  }
0x2cd: {  	v22 =	vld.idx.msk [tilespmem:v62+s29+$0x0], $0xffff;
	v43 =	vor.u32 v8, v29;
	v21 =	vunpack.i.u.bf16.f32 v61;
	v18 =	vmul.f32 v18, v19  }
0x2ce: {  	v44 =	vunpack.i.l.bf16.f32 v34;
	v45 =	vunpack.i.l.bf16.f32 v35;
	v47 =	vunpack.i.u.bf16.f32 v39;
	v19 =	vld.idx.msk [tilespmem:v46+s30+$0x0], $0xffff  }
0x2cf: {  	v24 =	vunpack.i.l.bf16.f32 v39;
	v15 =	vadd.f32 v18, v15;
	v18 =	vsub.f32 v54, v53  }
0x2d0: {  	v48 =	vor.u32 v9, v29;
	v49 =	vunpack.i.u.bf16.f32 v34;
	v50 =	vunpack.i.l.bf16.f32 v41  }
0x2d1: {  	v51 =	vunpack.i.l.bf16.f32 v42;
	v27 =	vunpack.i.u.bf16.f32 v41;
	v39 =	vld.idx.msk [tilespmem:v57+s31+$0x0], $0xffff;
	v18 =	vmul.f32 v18, v56  }
0x2d2: {  	v46 =	vsub.f32 v45, v44;
	v58 =	vunpack.i.u.bf16.f32 v22;
	v15 =	vadd.f32 v15, v23  }
0x2d3: {  	v52 =	vld.idx.msk [tilespmem:v43+s29+$0x0], $0xffff;
	v23 =	vunpack.i.u.bf16.f32 v59;
	v13 =	vadd.f32 v18, v13;
	v18 =	vunpack.i.l.bf16.f32 v19  }
0x2d4: {  	v26 =	vld.idx.msk [tilespmem:v43+s31+$0x0], $0xffff;
	v23 =	vsub.f32 v23, v25;
	v25 =	vunpack.i.u.bf16.f32 v42;
	v18 =	vsub.f32 v60, v18  }
0x2d5: {  	v53 =	vunpack.i.l.bf16.f32 v22;
	v54 =	vld.idx.msk [tilespmem:v43+s30+$0x0], $0xffff;
	v19 =	vunpack.i.u.bf16.f32 v19;
	v25 =	vsub.f32 v25, v27  }
0x2d6: {  	v56 =	vld.idx.msk [tilespmem:v48+s30+$0x0], $0xffff;
	v45 =	vunpack.i.l.bf16.f32 v39;
	v19 =	vsub.f32 v33, v19;
	v18 =	vmul.f32 v18, v63  }
0x2d7: {  	v59 =	vld.idx.msk [tilespmem:v48+s31+$0x0], $0xffff;
	v28 =	vunpack.i.u.bf16.f32 v39;
	v60 =	vor.u32 v3, v32;
	v13 =	vadd.f32 v13, v20  }
0x2d8: {  	v16 =	vadd.f32 v18, v16;
	v18 =	vmul.f32 v19, v36;
	v19 =	vsub.f32 v38, v37  }
0x2d9: {  	v20 =	vunpack.i.u.bf16.f32 v35;
	v61 =	vunpack.i.l.bf16.f32 v26;
	v62 =	vunpack.i.u.bf16.f32 v52  }
0x2da: {  	v34 =	vunpack.i.u.bf16.f32 v54;
	v26 =	vunpack.i.u.bf16.f32 v26;
	v19 =	vmul.f32 v19, v40  }
0x2db: {  	v20 =	vsub.f32 v20, v49;
	v63 =	vunpack.i.l.bf16.f32 v52;
	v35 =	vunpack.i.l.bf16.f32 v56  }
0x2dc: {  	v33 =	vld.idx.msk [tilespmem:v57+s29+$0x0], $0xffff;
	v27 =	vunpack.i.u.bf16.f32 v56;
	v22 =	vunpack.i.u.bf16.f32 v59;
	v12 =	vadd.f32 v19, v12  }
0x2dd: {  	v19 =	vmul.f32 v23, v21;
	v21 =	vmul.f32 v46, v24;
	v24 =	vsub.f32 v51, v50  }
0x2de: {  	v22 =	vsub.f32 v22, v27;
	v20 =	vmul.f32 v20, v47;
	v36 =	vunpack.i.l.bf16.f32 v59;
	v37 =	vld.idx.msk [tilespmem:v57+s30+$0x0], $0xffff  }
0x2df: {  	v47 =	vor.u32 v5, v32;
	v38 =	vsub.f32 v36, v35;
	v41 =	vld.idx.msk [tilespmem:v60+s30+$0x0], $0xffff;
	v24 =	vmul.f32 v24, v53  }
0x2e0: {  	v42 =	vld.idx.msk [tilespmem:v60+s31+$0x0], $0xffff;
	v16 =	vadd.f32 v16, v18;
	v18 =	vmul.f32 v25, v58;
	v25 =	vsub.f32 v26, v34  }
0x2e1: {  	v43 =	vunpack.i.l.bf16.f32 v33;
	v12 =	vadd.f32 v12, v19;
	v19 =	vld.idx.msk [tilespmem:v48+s29+$0x0], $0xffff;
	v14 =	vadd.f32 v24, v14  }
0x2e2: {  	v58 =	vor.u32 v6, v32;
	v23 =	vmul.f32 v25, v62;
	v17 =	vadd.f32 v21, v17  }
0x2e3: {  	v44 =	vunpack.i.l.bf16.f32 v37;
	v14 =	vadd.f32 v14, v18;
	v18 =	vunpack.i.l.bf16.f32 v54  }
0x2e4: {  	v46 =	vunpack.i.u.bf16.f32 v37;
	v17 =	vadd.f32 v17, v20;
	v20 =	vld.idx.msk [tilespmem:v60+s29+$0x0], $0xffff;
	v18 =	vsub.f32 v61, v18  }
0x2e5: {  	v48 =	vunpack.i.l.bf16.f32 v41;
	v26 =	vunpack.i.u.bf16.f32 v42;
	v54 =	vunpack.i.u.bf16.f32 v41  }
0x2e6: {  	v56 =	vld.idx.msk [tilespmem:v47+s30+$0x0], $0xffff;
	v40 =	vunpack.i.l.bf16.f32 v19;
	v61 =	vor.u32 v7, v32;
	v18 =	vmul.f32 v18, v63  }
0x2e7: {  	v57 =	vld.idx.msk [tilespmem:v47+s31+$0x0], $0xffff;
	v49 =	vunpack.i.l.bf16.f32 v42;
	v26 =	vsub.f32 v26, v54;
	v24 =	vmul.f32 v38, v40  }
0x2e8: {  	v36 =	vld.idx.msk [tilespmem:v58+s30+$0x0], $0xffff;
	v11 =	vadd.f32 v18, v11;
	v18 =	vunpack.i.u.bf16.f32 v19;
	v19 =	vor.u32 v4, v32  }
0x2e9: {  	v50 =	vsub.f32 v28, v46;
	v38 =	vld.idx.msk [tilespmem:v58+s31+$0x0], $0xffff;
	v53 =	vunpack.i.l.bf16.f32 v20;
	v20 =	vunpack.i.u.bf16.f32 v20  }
0x2ea: {  	v10 =	vadd.f32 v24, v10;
	v24 =	vsub.f32 v45, v44;
	v20 =	vmul.f32 v26, v20;
	v26 =	vld.idx.msk [tilespmem:v58+s29+$0x0], $0xffff  }
0x2eb: {  	v21 =	vunpack.i.u.bf16.f32 v33;
	v51 =	vsub.f32 v49, v48;
	v34 =	vunpack.i.l.bf16.f32 v56;
	v41 =	vld.idx.msk [tilespmem:v61+s30+$0x0], $0xffff  }
0x2ec: {  	v35 =	vunpack.i.l.bf16.f32 v57;
	v18 =	vmul.f32 v22, v18;
	v22 =	vmul.f32 v24, v43;
	v43 =	vld.idx.msk [tilespmem:v61+s31+$0x0], $0xffff  }
0x2ed: {  	v21 =	vmul.f32 v50, v21;
	v37 =	vsub.f32 v35, v34;
	v27 =	vmul.f32 v51, v53;
	v52 =	vld.idx.msk [tilespmem:v19+s29+$0x0], $0xffff  }
0x2ee: {  	v40 =	vor.u32 v8, v32;
	v30 =	vunpack.i.u.bf16.f32 v36;
	v44 =	vor.u32 v9, v32;
	v55 =	vld.idx.msk [tilespmem:v19+s30+$0x0], $0xffff  }
0x2ef: {  	v45 =	vunpack.i.l.bf16.f32 v36;
	v13 =	vadd.f32 v27, v13;
	v24 =	vunpack.i.u.bf16.f32 v57;
	v19 =	vld.idx.msk [tilespmem:v19+s31+$0x0], $0xffff  }
0x2f0: {  	v11 =	vadd.f32 v11, v23;
	v46 =	vunpack.i.l.bf16.f32 v38;
	v28 =	vunpack.i.u.bf16.f32 v38  }
0x2f1: {  	v15 =	vadd.f32 v22, v15;
	v10 =	vadd.f32 v10, v18;
	v22 =	vunpack.i.u.bf16.f32 v56  }
0x2f2: {  	v23 =	vld.idx.msk [tilespmem:v61+s29+$0x0], $0xffff;
	v13 =	vadd.f32 v13, v20;
	v42 =	vsub.f32 v24, v22;
	v48 =	vunpack.i.l.bf16.f32 v26  }
0x2f3: {  	v49 =	vld.idx.msk [tilespmem:v40+s31+$0x0], $0xffff;
	v15 =	vadd.f32 v15, v21;
	v50 =	vunpack.i.l.bf16.f32 v41;
	v51 =	vunpack.i.l.bf16.f32 v43  }
0x2f4: {  	v18 =	vld.idx.msk [tilespmem:v47+s29+$0x0], $0xffff;
	v27 =	vunpack.i.u.bf16.f32 v41;
	v59 =	vunpack.i.l.bf16.f32 v55;
	v60 =	vunpack.i.l.bf16.f32 v19  }
0x2f5: {  	v29 =	vld.idx.msk [tilespmem:v40+s29+$0x0], $0xffff;
	v22 =	vunpack.i.u.bf16.f32 v43;
	v24 =	vsub.f32 v51, v50;
	v20 =	vsub.f32 v60, v59  }
0x2f6: {  	v63 =	vunpack.i.l.bf16.f32 v52;
	v33 =	vunpack.i.u.bf16.f32 v55;
	v19 =	vunpack.i.u.bf16.f32 v19  }
0x2f7: {  	v53 =	vunpack.i.l.bf16.f32 v23;
	v19 =	vsub.f32 v19, v33;
	v20 =	vmul.f32 v20, v63  }
0x2f8: {  	v47 =	vld.idx.msk [tilespmem:v40+s30+$0x0], $0xffff;
	v22 =	vsub.f32 v22, v27;
	v56 =	vunpack.i.l.bf16.f32 v49;
	v62 =	vunpack.i.u.bf16.f32 v52  }
0x2f9: {  	v54 =	vld.idx.msk [tilespmem:v44+s31+$0x0], $0xffff;
	v39 =	vunpack.i.l.bf16.f32 v18;
	v19 =	vmul.f32 v19, v62;
	v16 =	vadd.f32 v20, v16  }
0x2fa: {  	v23 =	vunpack.i.u.bf16.f32 v23;
	v57 =	vunpack.i.l.bf16.f32 v29;
	v21 =	vmul.f32 v37, v39  }
0x2fb: {  	v18 =	vunpack.i.u.bf16.f32 v18;
	v52 =	vld.idx.msk [tilespmem:v44+s30+$0x0], $0xffff;
	v16 =	vadd.f32 v16, v19;
	v19 =	vsub.f32 v46, v45  }
0x2fc: {  	v18 =	vmul.f32 v42, v18;
	v24 =	vmul.f32 v24, v53;
	v12 =	vadd.f32 v21, v12  }
0x2fd: {  	v25 =	vunpack.i.u.bf16.f32 v49;
	v22 =	vmul.f32 v22, v23;
	v21 =	vld.idx.msk [tilespmem:v44+s29+$0x0], $0xffff;
	v19 =	vmul.f32 v19, v48  }
0x2fe: {  	v61 =	vunpack.i.u.bf16.f32 v54;
	v55 =	vunpack.i.l.bf16.f32 v47;
	v12 =	vadd.f32 v12, v18  }
0x2ff: {  	v59 =	vunpack.i.l.bf16.f32 v54;
	v17 =	vadd.f32 v19, v17;
	v19 =	vsub.f32 v28, v30  }
0x300: {  	v18 =	vunpack.i.u.bf16.f32 v26;
	v58 =	vunpack.i.l.bf16.f32 v52;
	v26 =	vunpack.i.u.bf16.f32 v52  }
0x301: {  	v23 =	vsub.f32 v59, v58;
	v18 =	vmul.f32 v19, v18;
	v19 =	vsub.f32 v56, v55  }
0x302: {  	v20 =	vunpack.i.u.bf16.f32 v47;
	v60 =	vunpack.i.l.bf16.f32 v21;
	v62 =	vsub.f32 v61, v26  }
0x303: {  	p0 =	slt.u32 s19, $0x3C;
	v21 =	vunpack.i.u.bf16.f32 v21;
	v23 =	vmul.f32 v23, v60;
	v19 =	vmul.f32 v19, v57  }
.Ltmp3:
0x304: {  	v14 =	vadd.f32 v24, v14;
	v20 =	vsub.f32 v25, v20;
	v63 =	vmul.f32 v62, v21;
	(pc) =	sbr.rel @p0 .LBB2_9-.Ltmp3, $4  }
0x305: {  	v10 =	vadd.f32 v23, v10;
	v11 =	vadd.f32 v19, v11;
	v19 =	vunpack.i.u.bf16.f32 v29  }
0x306: {  	v19 =	vmul.f32 v20, v19  }
0x307: {  	v14 =	vadd.f32 v14, v22;
	v10 =	vadd.f32 v10, v63  }
0x308: {  	s19 =	sadd.s32 $0x4, s19;
	v17 =	vadd.f32 v17, v18;
	v11 =	vadd.f32 v11, v19  }
0x309: {  	v18 =	vld [tilespmem:$0x1A580];
	_ =	sdelay $0x1  }
0x30a: {  	v15 =	vadd.f32 $2.000000030e-01, v15;
	_ =	sdelay $0x1  }
0x30b: {  	v13 =	vadd.f32 $2.000000030e-01, v13;
	v15 =	vmax.f32 v15, $0.0e+00  }
0x30c: {  	v15 =	vadd.f32 v18, v15  }
0x30d: {  	v16 =	vadd.f32 $2.000000030e-01, v16;
	v13 =	vmax.f32 v13, $0.0e+00  }
0x30e: {  	v13 =	vadd.f32 v15, v13  }
0x30f: {  	v12 =	vadd.f32 $2.000000030e-01, v12;
	v60 =	vmax.f32 v16, $0.0e+00  }
0x310: {  	v13 =	vadd.f32 v13, v60  }
0x311: {  	v61 =	vadd.f32 $2.000000030e-01, v17;
	v12 =	vmax.f32 v12, $0.0e+00  }
0x312: {  	v12 =	vadd.f32 v13, v12  }
0x313: {  	v14 =	vadd.f32 $2.000000030e-01, v14;
	v62 =	vmax.f32 v61, $0.0e+00  }
0x314: {  	v12 =	vadd.f32 v12, v62  }
0x315: {  	v11 =	vadd.f32 $2.000000030e-01, v11;
	v63 =	vmax.f32 v14, $0.0e+00  }
0x316: {  	s23 =	sadd.s32 $0x1, s23;
	v12 =	vadd.f32 v12, v63  }
0x317: {  	v10 =	vadd.f32 $2.000000030e-01, v10;
	p0 =	sne.s32 s23, $0x6;
	v11 =	vmax.f32 v11, $0.0e+00  }
.Ltmp4:
0x318: {  	v11 =	vadd.f32 v12, v11;
	(pc) =	sbr.rel @p0 .LBB2_2-.Ltmp4, $3  }
0x319: {  	v10 =	vmax.f32 v10, $0.0e+00  }
0x31a: {  	v10 =	vadd.f32 v11, v10;
	_ =	sdelay $0x1  }
0x31b: {  	[tilespmem:$0x1A580] =	vst v10  }
0x31c: {  	_ =	swait.ge [sflag:s28], $0x2000  }
0x31d: {  	[sflag:s28] =	ssyncset.done $0x0  }
0x31e: {  	[sflag:s28] =	ssyncadd.s32 $0xFFFFE000  }
0x31f: {  	_ =	swait.ge [sflag:s28], $0x2000  }
0x320: {  	[sflag:s28] =	ssyncset.done $0x0  }
0x321: {  	[sflag:s28] =	ssyncadd.s32 $0xFFFFE000  }
0x322: {  	v10 =	vimm.f32 $0.0e+00;
	v11 =	vimm.f32 $0.0e+00;
	_ =	swait.ge [sflag:s28], $0x2000  }
0x323: {  	v14 =	vimm.f32 $0.0e+00;
	v17 =	vimm.f32 $0.0e+00;
	v12 =	vimm.f32 $0.0e+00;
	[sflag:s28] =	ssyncset.done $0x0  }
0x324: {  	s19 =	simm.s32 $0x0;
	v16 =	vimm.f32 $0.0e+00;
	v13 =	vimm.f32 $0.0e+00;
	v15 =	vimm.f32 $0.0e+00;
	[sflag:s28] =	ssyncadd.s32 $0xFFFFE000  }
.LBB2_12:
0x325: {  	v18 =	vadd.s32 s19, v0  }
0x326: {  	v18 =	vand.u32 $0x3F, v18  }
0x327: {  	v19 =	vor.u32 v1, v18;
	_ =	sdelay $0x2  }
0x328: {  	v20 =	vor.u32 v3, v18;
	_ =	sdelay $0x1  }
0x329: {  	v21 =	vld.idx.msk [tilespmem:v19+s13+$0x0], $0xffff  }
0x32a: {  	v24 =	vor.u32 v4, v18;
	v22 =	vld.idx.msk [tilespmem:v19+s14+$0x0], $0xffff  }
0x32b: {  	v19 =	vld.idx.msk [tilespmem:v19+s15+$0x0], $0xffff  }
0x32c: {  	v23 =	vld.idx.msk [tilespmem:v20+s14+$0x0], $0xffff  }
0x32d: {  	v26 =	vor.u32 v5, v18;
	v25 =	vld.idx.msk [tilespmem:v20+s15+$0x0], $0xffff  }
0x32e: {  	v20 =	vld.idx.msk [tilespmem:v20+s13+$0x0], $0xffff  }
0x32f: {  	v63 =	vld.idx.msk [tilespmem:v24+s13+$0x0], $0xffff  }
0x330: {  	v40 =	vor.u32 v6, v18;
	v32 =	vld.idx.msk [tilespmem:v24+s14+$0x0], $0xffff  }
0x331: {  	v24 =	vld.idx.msk [tilespmem:v24+s15+$0x0], $0xffff  }
0x332: {  	v47 =	vor.u32 v7, v18;
	v36 =	vld.idx.msk [tilespmem:v26+s14+$0x0], $0xffff  }
0x333: {  	v56 =	vor.u32 v8, v18;
	v18 =	vor.u32 v9, v18;
	v39 =	vld.idx.msk [tilespmem:v26+s15+$0x0], $0xffff;
	v27 =	vunpack.i.u.bf16.f32 v21  }
0x334: {  	v42 =	vld.idx.msk [tilespmem:v26+s13+$0x0], $0xffff;
	v28 =	vunpack.i.l.bf16.f32 v22;
	v29 =	vunpack.i.l.bf16.f32 v19;
	v21 =	vunpack.i.l.bf16.f32 v21  }
0x335: {  	v53 =	vld.idx.msk [tilespmem:v40+s15+$0x0], $0xffff;
	v22 =	vunpack.i.u.bf16.f32 v22;
	v19 =	vunpack.i.u.bf16.f32 v19;
	v30 =	vunpack.i.l.bf16.f32 v23  }
0x336: {  	v51 =	vld.idx.msk [tilespmem:v40+s14+$0x0], $0xffff;
	v31 =	vunpack.i.l.bf16.f32 v25;
	v35 =	vunpack.i.l.bf16.f32 v20;
	v23 =	vunpack.i.u.bf16.f32 v23  }
0x337: {  	v25 =	vunpack.i.u.bf16.f32 v25;
	v20 =	vunpack.i.u.bf16.f32 v20;
	v41 =	vunpack.i.u.bf16.f32 v63  }
0x338: {  	v43 =	vunpack.i.l.bf16.f32 v63;
	v44 =	vunpack.i.l.bf16.f32 v32;
	v45 =	vunpack.i.l.bf16.f32 v24  }
0x339: {  	v46 =	vunpack.i.u.bf16.f32 v32;
	v24 =	vunpack.i.u.bf16.f32 v24;
	v48 =	vunpack.i.l.bf16.f32 v36  }
0x33a: {  	v55 =	vld.idx.msk [tilespmem:v47+s14+$0x0], $0xffff;
	v49 =	vunpack.i.l.bf16.f32 v39;
	v52 =	vunpack.i.l.bf16.f32 v42;
	v58 =	vunpack.i.l.bf16.f32 v53  }
0x33b: {  	v57 =	vld.idx.msk [tilespmem:v47+s15+$0x0], $0xffff;
	v62 =	vunpack.i.u.bf16.f32 v51;
	v28 =	vsub.f32 v29, v28;
	v19 =	vsub.f32 v19, v22  }
0x33c: {  	v33 =	vld.idx.msk [tilespmem:v56+s14+$0x0], $0xffff;
	v63 =	vunpack.i.u.bf16.f32 v53;
	v34 =	vsub.f32 v31, v30;
	v38 =	vsub.f32 v25, v23  }
0x33d: {  	v24 =	vsub.f32 v24, v46;
	v50 =	vsub.f32 v49, v48;
	v30 =	vunpack.i.u.bf16.f32 v36  }
0x33e: {  	v23 =	vunpack.i.u.bf16.f32 v39;
	v22 =	vunpack.i.u.bf16.f32 v42;
	v21 =	vmul.f32 v28, v21  }
0x33f: {  	v25 =	vld.idx.msk [tilespmem:v40+s13+$0x0], $0xffff;
	v23 =	vsub.f32 v23, v30;
	v37 =	vmul.f32 v34, v35;
	v19 =	vmul.f32 v19, v27  }
0x340: {  	v20 =	vmul.f32 v38, v20;
	v27 =	vsub.f32 v45, v44;
	v54 =	vmul.f32 v50, v52  }
0x341: {  	v36 =	vld.idx.msk [tilespmem:v56+s15+$0x0], $0xffff;
	v34 =	vunpack.i.l.bf16.f32 v55;
	v35 =	vunpack.i.l.bf16.f32 v57;
	v28 =	vunpack.i.u.bf16.f32 v33  }
0x342: {  	s10 =	sadd.s32 $0x1, s19;
	v40 =	vld.idx.msk [tilespmem:v18+s15+$0x0], $0xffff;
	v15 =	vadd.f32 v21, v15;
	v13 =	vadd.f32 v37, v13;
	v26 =	vmul.f32 v27, v43  }
0x343: {  	v21 =	vmul.f32 v24, v41;
	v12 =	vadd.f32 v54, v12;
	v37 =	vadd.s32 s10, v0  }
0x344: {  	v24 =	vunpack.i.u.bf16.f32 v55;
	v60 =	vunpack.i.u.bf16.f32 v25;
	v61 =	vunpack.i.l.bf16.f32 v25  }
0x345: {  	v25 =	vsub.f32 v63, v62;
	v16 =	vadd.f32 v26, v16;
	v26 =	vand.u32 $0x3F, v37  }
0x346: {  	v59 =	vld.idx.msk [tilespmem:v47+s13+$0x0], $0xffff;
	v41 =	vunpack.i.l.bf16.f32 v36;
	v30 =	vunpack.i.u.bf16.f32 v36;
	v39 =	vor.u32 v1, v26  }
0x347: {  	v38 =	vld.idx.msk [tilespmem:v18+s14+$0x0], $0xffff;
	v47 =	vunpack.i.l.bf16.f32 v40;
	v29 =	vunpack.i.u.bf16.f32 v40;
	v15 =	vadd.f32 v15, v19  }
0x348: {  	v19 =	vmul.f32 v23, v22;
	v13 =	vadd.f32 v13, v20;
	v20 =	vsub.f32 v35, v34  }
0x349: {  	v18 =	vld.idx.msk [tilespmem:v18+s13+$0x0], $0xffff;
	v22 =	vunpack.i.u.bf16.f32 v57;
	v44 =	vsub.f32 v30, v28;
	v42 =	vor.u32 v3, v26  }
0x34a: {  	v27 =	vld.idx.msk [tilespmem:v56+s13+$0x0], $0xffff;
	v23 =	vmul.f32 v25, v60;
	v12 =	vadd.f32 v12, v19;
	v19 =	vunpack.i.l.bf16.f32 v51  }
0x34b: {  	v22 =	vsub.f32 v22, v24;
	v53 =	vor.u32 v4, v26;
	v19 =	vsub.f32 v58, v19;
	v45 =	vld.idx.msk [tilespmem:v39+s13+$0x0], $0xffff  }
0x34c: {  	v46 =	vunpack.i.l.bf16.f32 v38;
	v56 =	vor.u32 v5, v26;
	v16 =	vadd.f32 v16, v21;
	v48 =	vld.idx.msk [tilespmem:v39+s14+$0x0], $0xffff  }
0x34d: {  	v21 =	vunpack.i.u.bf16.f32 v59;
	v49 =	vsub.f32 v47, v46;
	v19 =	vmul.f32 v19, v61;
	v25 =	vld.idx.msk [tilespmem:v39+s15+$0x0], $0xffff  }
0x34e: {  	v50 =	vunpack.i.l.bf16.f32 v18;
	v34 =	vor.u32 v6, v26;
	v21 =	vmul.f32 v22, v21;
	v51 =	vld.idx.msk [tilespmem:v42+s14+$0x0], $0xffff  }
0x34f: {  	v22 =	vmul.f32 v49, v50;
	v52 =	vld.idx.msk [tilespmem:v42+s15+$0x0], $0xffff;
	v17 =	vadd.f32 v19, v17;
	v19 =	vunpack.i.l.bf16.f32 v59  }
0x350: {  	v18 =	vunpack.i.u.bf16.f32 v18;
	v43 =	vunpack.i.l.bf16.f32 v27;
	v60 =	vld.idx.msk [tilespmem:v53+s14+$0x0], $0xffff;
	v19 =	vmul.f32 v20, v19  }
0x351: {  	v27 =	vunpack.i.u.bf16.f32 v27;
	v10 =	vadd.f32 v22, v10;
	v62 =	vld.idx.msk [tilespmem:v53+s15+$0x0], $0xffff;
	v20 =	vunpack.i.u.bf16.f32 v38  }
0x352: {  	v35 =	vld.idx.msk [tilespmem:v56+s14+$0x0], $0xffff;
	v20 =	vsub.f32 v29, v20;
	v14 =	vadd.f32 v19, v14;
	v19 =	vunpack.i.l.bf16.f32 v33  }
0x353: {  	v39 =	vor.u32 v7, v26;
	v17 =	vadd.f32 v17, v23;
	v19 =	vsub.f32 v41, v19  }
0x354: {  	v40 =	vld.idx.msk [tilespmem:v34+s15+$0x0], $0xffff;
	v18 =	vmul.f32 v20, v18;
	v54 =	vunpack.i.l.bf16.f32 v48;
	v55 =	vunpack.i.l.bf16.f32 v25  }
0x355: {  	v57 =	vunpack.i.u.bf16.f32 v48;
	v58 =	vunpack.i.l.bf16.f32 v51;
	v59 =	vunpack.i.l.bf16.f32 v52  }
0x356: {  	v25 =	vunpack.i.u.bf16.f32 v25;
	v30 =	vunpack.i.u.bf16.f32 v51;
	v28 =	vunpack.i.u.bf16.f32 v45  }
0x357: {  	v22 =	vld.idx.msk [tilespmem:v56+s13+$0x0], $0xffff;
	v37 =	vunpack.i.l.bf16.f32 v62;
	v41 =	vunpack.i.l.bf16.f32 v35;
	v31 =	vunpack.i.u.bf16.f32 v60  }
0x358: {  	v38 =	vld.idx.msk [tilespmem:v34+s14+$0x0], $0xffff;
	v23 =	vunpack.i.u.bf16.f32 v62;
	v24 =	vunpack.i.u.bf16.f32 v35;
	v19 =	vmul.f32 v19, v43  }
0x359: {  	v29 =	vld.idx.msk [tilespmem:v34+s13+$0x0], $0xffff;
	v46 =	vunpack.i.l.bf16.f32 v40;
	v51 =	vor.u32 v9, v26;
	v14 =	vadd.f32 v14, v21  }
0x35a: {  	v33 =	vld.idx.msk [tilespmem:v53+s13+$0x0], $0xffff;
	v20 =	vsub.f32 v55, v54;
	v11 =	vadd.f32 v19, v11;
	v19 =	vmul.f32 v44, v27  }
0x35b: {  	v36 =	vld.idx.msk [tilespmem:v56+s15+$0x0], $0xffff;
	v53 =	vunpack.i.u.bf16.f32 v40;
	v61 =	vsub.f32 v59, v58;
	v21 =	vsub.f32 v25, v57  }
0x35c: {  	v10 =	vadd.f32 v10, v18;
	v18 =	vunpack.i.l.bf16.f32 v45;
	v11 =	vadd.f32 v11, v19;
	v19 =	vld.idx.msk [tilespmem:v42+s13+$0x0], $0xffff  }
0x35d: {  	v47 =	vld.idx.msk [tilespmem:v39+s15+$0x0], $0xffff;
	v43 =	vunpack.i.l.bf16.f32 v22;
	v45 =	vunpack.i.l.bf16.f32 v38;
	v22 =	vunpack.i.u.bf16.f32 v22  }
0x35e: {  	v18 =	vmul.f32 v20, v18;
	v21 =	vmul.f32 v21, v28;
	v48 =	vsub.f32 v46, v45  }
0x35f: {  	v49 =	vunpack.i.l.bf16.f32 v29;
	v27 =	vunpack.i.u.bf16.f32 v52;
	v25 =	vunpack.i.l.bf16.f32 v33  }
0x360: {  	v52 =	vunpack.i.u.bf16.f32 v29;
	v15 =	vadd.f32 v18, v15;
	v18 =	vsub.f32 v27, v30  }
0x361: {  	s23 =	sadd.s32 $0x2, s19;
	v44 =	vld.idx.msk [tilespmem:v39+s14+$0x0], $0xffff;
	v27 =	vunpack.i.u.bf16.f32 v36;
	v50 =	vmul.f32 v48, v49;
	v63 =	vunpack.i.l.bf16.f32 v19  }
0x362: {  	v55 =	vunpack.i.l.bf16.f32 v47;
	v20 =	vmul.f32 v61, v63;
	v61 =	vadd.s32 s23, v0  }
0x363: {  	v42 =	vunpack.i.l.bf16.f32 v36;
	v19 =	vunpack.i.u.bf16.f32 v19;
	v29 =	vand.u32 $0x3F, v61  }
0x364: {  	v18 =	vmul.f32 v18, v19;
	v19 =	vunpack.i.l.bf16.f32 v60;
	v36 =	vor.u32 v3, v29  }
0x365: {  	v59 =	vunpack.i.u.bf16.f32 v47;
	v62 =	vld.idx.msk [tilespmem:v51+s14+$0x0], $0xffff;
	v15 =	vadd.f32 v15, v21;
	v19 =	vsub.f32 v37, v19  }
0x366: {  	v17 =	vadd.f32 v50, v17;
	v54 =	vunpack.i.l.bf16.f32 v44;
	v63 =	vld.idx.msk [tilespmem:v51+s15+$0x0], $0xffff;
	v13 =	vadd.f32 v20, v13  }
0x367: {  	v46 =	vor.u32 v4, v29;
	v19 =	vmul.f32 v19, v25;
	v25 =	vsub.f32 v42, v41  }
0x368: {  	v21 =	vld.idx.msk [tilespmem:v39+s13+$0x0], $0xffff;
	v13 =	vadd.f32 v13, v18;
	v18 =	vunpack.i.u.bf16.f32 v33;
	v33 =	vor.u32 v8, v26  }
0x369: {  	v20 =	vunpack.i.u.bf16.f32 v38;
	v16 =	vadd.f32 v19, v16;
	v19 =	vsub.f32 v23, v31;
	v45 =	vld.idx.msk [tilespmem:v36+s14+$0x0], $0xffff  }
0x36a: {  	v20 =	vsub.f32 v53, v20;
	v26 =	vunpack.i.u.bf16.f32 v62;
	v23 =	vmul.f32 v25, v43;
	v47 =	vld.idx.msk [tilespmem:v36+s15+$0x0], $0xffff  }
0x36b: {  	v18 =	vmul.f32 v19, v18;
	v19 =	vsub.f32 v27, v24;
	v24 =	vunpack.i.u.bf16.f32 v63;
	v50 =	vld.idx.msk [tilespmem:v36+s13+$0x0], $0xffff  }
0x36c: {  	v25 =	vunpack.i.u.bf16.f32 v44;
	v31 =	vor.u32 v1, v29;
	v44 =	vsub.f32 v24, v26;
	v26 =	vld.idx.msk [tilespmem:v46+s13+$0x0], $0xffff  }
0x36d: {  	v57 =	vunpack.i.l.bf16.f32 v21;
	v21 =	vunpack.i.u.bf16.f32 v21;
	v37 =	vunpack.i.l.bf16.f32 v62;
	v56 =	vld.idx.msk [tilespmem:v33+s13+$0x0], $0xffff  }
0x36e: {  	v62 =	vor.u32 v7, v29;
	v20 =	vmul.f32 v20, v52;
	v25 =	vsub.f32 v59, v25;
	v58 =	vld.idx.msk [tilespmem:v33+s14+$0x0], $0xffff  }
0x36f: {  	v12 =	vadd.f32 v23, v12;
	v19 =	vmul.f32 v19, v22;
	v22 =	vsub.f32 v55, v54;
	v60 =	vld.idx.msk [tilespmem:v33+s15+$0x0], $0xffff  }
0x370: {  	v38 =	vunpack.i.l.bf16.f32 v63;
	v17 =	vadd.f32 v17, v20;
	v16 =	vadd.f32 v16, v18;
	v55 =	vld.idx.msk [tilespmem:v46+s15+$0x0], $0xffff  }
0x371: {  	v18 =	vmul.f32 v25, v21;
	v39 =	vld.idx.msk [tilespmem:v31+s14+$0x0], $0xffff;
	v22 =	vmul.f32 v22, v57;
	v12 =	vadd.f32 v12, v19  }
0x372: {  	v19 =	vld.idx.msk [tilespmem:v51+s13+$0x0], $0xffff;
	v51 =	vor.u32 v5, v29;
	v57 =	vor.u32 v6, v29;
	v53 =	vunpack.i.l.bf16.f32 v45  }
0x373: {  	v40 =	vld.idx.msk [tilespmem:v31+s15+$0x0], $0xffff;
	v54 =	vunpack.i.l.bf16.f32 v47;
	v24 =	vunpack.i.u.bf16.f32 v45;
	v14 =	vadd.f32 v22, v14  }
0x374: {  	v43 =	vld.idx.msk [tilespmem:v31+s13+$0x0], $0xffff;
	v22 =	vsub.f32 v38, v37;
	v63 =	vunpack.i.l.bf16.f32 v26;
	v36 =	vunpack.i.u.bf16.f32 v26  }
0x375: {  	v33 =	vunpack.i.l.bf16.f32 v56;
	v34 =	vunpack.i.l.bf16.f32 v58;
	v35 =	vunpack.i.l.bf16.f32 v60  }
0x376: {  	v27 =	vunpack.i.u.bf16.f32 v58;
	v30 =	vunpack.i.u.bf16.f32 v60;
	v60 =	vunpack.i.l.bf16.f32 v55  }
0x377: {  	v14 =	vadd.f32 v14, v18;
	v18 =	vunpack.i.u.bf16.f32 v56;
	v21 =	vsub.f32 v35, v34  }
0x378: {  	v41 =	vsub.f32 v30, v27;
	v48 =	vunpack.i.l.bf16.f32 v39;
	v49 =	vunpack.i.l.bf16.f32 v40  }
0x379: {  	v52 =	vunpack.i.u.bf16.f32 v39;
	v25 =	vunpack.i.u.bf16.f32 v40;
	v27 =	vunpack.i.u.bf16.f32 v43  }
0x37a: {  	v56 =	vunpack.i.l.bf16.f32 v50;
	v42 =	vunpack.i.l.bf16.f32 v19;
	v19 =	vunpack.i.u.bf16.f32 v19;
	v58 =	vld.idx.msk [tilespmem:v51+s14+$0x0], $0xffff  }
0x37b: {  	v23 =	vsub.f32 v25, v52;
	v59 =	vld.idx.msk [tilespmem:v51+s15+$0x0], $0xffff;
	v20 =	vmul.f32 v21, v33;
	v22 =	vmul.f32 v22, v42  }
0x37c: {  	s25 =	sadd.s32 $0x3, s19;
	v61 =	vld.idx.msk [tilespmem:v51+s13+$0x0], $0xffff;
	v18 =	vmul.f32 v41, v18;
	v19 =	vmul.f32 v44, v19;
	v21 =	vunpack.i.u.bf16.f32 v47  }
0x37d: {  	v34 =	vld.idx.msk [tilespmem:v57+s14+$0x0], $0xffff;
	v33 =	vunpack.i.u.bf16.f32 v55;
	v55 =	vadd.s32 s25, v0;
	v23 =	vmul.f32 v23, v27  }
0x37e: {  	v35 =	vld.idx.msk [tilespmem:v57+s15+$0x0], $0xffff;
	v21 =	vsub.f32 v21, v24;
	v32 =	vand.u32 $0x3F, v55;
	v11 =	vadd.f32 v20, v11  }
0x37f: {  	v39 =	vld.idx.msk [tilespmem:v57+s13+$0x0], $0xffff;
	v10 =	vadd.f32 v22, v10;
	v20 =	vunpack.i.u.bf16.f32 v50;
	v57 =	vor.u32 v1, v32  }
0x380: {  	v20 =	vmul.f32 v21, v20;
	v11 =	vadd.f32 v11, v18;
	v18 =	vsub.f32 v49, v48  }
0x381: {  	v41 =	vld.idx.msk [tilespmem:v62+s14+$0x0], $0xffff;
	v10 =	vadd.f32 v10, v19;
	v19 =	vunpack.i.l.bf16.f32 v43;
	v37 =	vunpack.i.l.bf16.f32 v58  }
0x382: {  	v42 =	vld.idx.msk [tilespmem:v62+s15+$0x0], $0xffff;
	v38 =	vunpack.i.l.bf16.f32 v59;
	v40 =	vunpack.i.l.bf16.f32 v61;
	v25 =	vunpack.i.u.bf16.f32 v58  }
0x383: {  	v22 =	vld.idx.msk [tilespmem:v62+s13+$0x0], $0xffff;
	v43 =	vor.u32 v8, v29;
	v21 =	vunpack.i.u.bf16.f32 v61;
	v18 =	vmul.f32 v18, v19  }
0x384: {  	v44 =	vunpack.i.l.bf16.f32 v34;
	v45 =	vunpack.i.l.bf16.f32 v35;
	v47 =	vunpack.i.u.bf16.f32 v39;
	v19 =	vld.idx.msk [tilespmem:v46+s14+$0x0], $0xffff  }
0x385: {  	v24 =	vunpack.i.l.bf16.f32 v39;
	v15 =	vadd.f32 v18, v15;
	v18 =	vsub.f32 v54, v53  }
0x386: {  	v48 =	vor.u32 v9, v29;
	v49 =	vunpack.i.u.bf16.f32 v34;
	v50 =	vunpack.i.l.bf16.f32 v41  }
0x387: {  	v51 =	vunpack.i.l.bf16.f32 v42;
	v27 =	vunpack.i.u.bf16.f32 v41;
	v39 =	vld.idx.msk [tilespmem:v57+s15+$0x0], $0xffff;
	v18 =	vmul.f32 v18, v56  }
0x388: {  	v46 =	vsub.f32 v45, v44;
	v58 =	vunpack.i.u.bf16.f32 v22;
	v15 =	vadd.f32 v15, v23  }
0x389: {  	v52 =	vld.idx.msk [tilespmem:v43+s13+$0x0], $0xffff;
	v23 =	vunpack.i.u.bf16.f32 v59;
	v13 =	vadd.f32 v18, v13;
	v18 =	vunpack.i.l.bf16.f32 v19  }
0x38a: {  	v26 =	vld.idx.msk [tilespmem:v43+s15+$0x0], $0xffff;
	v23 =	vsub.f32 v23, v25;
	v25 =	vunpack.i.u.bf16.f32 v42;
	v18 =	vsub.f32 v60, v18  }
0x38b: {  	v53 =	vunpack.i.l.bf16.f32 v22;
	v54 =	vld.idx.msk [tilespmem:v43+s14+$0x0], $0xffff;
	v19 =	vunpack.i.u.bf16.f32 v19;
	v25 =	vsub.f32 v25, v27  }
0x38c: {  	v56 =	vld.idx.msk [tilespmem:v48+s14+$0x0], $0xffff;
	v45 =	vunpack.i.l.bf16.f32 v39;
	v19 =	vsub.f32 v33, v19;
	v18 =	vmul.f32 v18, v63  }
0x38d: {  	v59 =	vld.idx.msk [tilespmem:v48+s15+$0x0], $0xffff;
	v28 =	vunpack.i.u.bf16.f32 v39;
	v60 =	vor.u32 v3, v32;
	v13 =	vadd.f32 v13, v20  }
0x38e: {  	v16 =	vadd.f32 v18, v16;
	v18 =	vmul.f32 v19, v36;
	v19 =	vsub.f32 v38, v37  }
0x38f: {  	v20 =	vunpack.i.u.bf16.f32 v35;
	v61 =	vunpack.i.l.bf16.f32 v26;
	v62 =	vunpack.i.u.bf16.f32 v52  }
0x390: {  	v34 =	vunpack.i.u.bf16.f32 v54;
	v26 =	vunpack.i.u.bf16.f32 v26;
	v19 =	vmul.f32 v19, v40  }
0x391: {  	v20 =	vsub.f32 v20, v49;
	v63 =	vunpack.i.l.bf16.f32 v52;
	v35 =	vunpack.i.l.bf16.f32 v56  }
0x392: {  	v33 =	vld.idx.msk [tilespmem:v57+s13+$0x0], $0xffff;
	v27 =	vunpack.i.u.bf16.f32 v56;
	v22 =	vunpack.i.u.bf16.f32 v59;
	v12 =	vadd.f32 v19, v12  }
0x393: {  	v19 =	vmul.f32 v23, v21;
	v21 =	vmul.f32 v46, v24;
	v24 =	vsub.f32 v51, v50  }
0x394: {  	v22 =	vsub.f32 v22, v27;
	v20 =	vmul.f32 v20, v47;
	v36 =	vunpack.i.l.bf16.f32 v59;
	v37 =	vld.idx.msk [tilespmem:v57+s14+$0x0], $0xffff  }
0x395: {  	v47 =	vor.u32 v5, v32;
	v38 =	vsub.f32 v36, v35;
	v41 =	vld.idx.msk [tilespmem:v60+s14+$0x0], $0xffff;
	v24 =	vmul.f32 v24, v53  }
0x396: {  	v42 =	vld.idx.msk [tilespmem:v60+s15+$0x0], $0xffff;
	v16 =	vadd.f32 v16, v18;
	v18 =	vmul.f32 v25, v58;
	v25 =	vsub.f32 v26, v34  }
0x397: {  	v43 =	vunpack.i.l.bf16.f32 v33;
	v12 =	vadd.f32 v12, v19;
	v19 =	vld.idx.msk [tilespmem:v48+s13+$0x0], $0xffff;
	v14 =	vadd.f32 v24, v14  }
0x398: {  	v58 =	vor.u32 v6, v32;
	v23 =	vmul.f32 v25, v62;
	v17 =	vadd.f32 v21, v17  }
0x399: {  	v44 =	vunpack.i.l.bf16.f32 v37;
	v14 =	vadd.f32 v14, v18;
	v18 =	vunpack.i.l.bf16.f32 v54  }
0x39a: {  	v46 =	vunpack.i.u.bf16.f32 v37;
	v17 =	vadd.f32 v17, v20;
	v20 =	vld.idx.msk [tilespmem:v60+s13+$0x0], $0xffff;
	v18 =	vsub.f32 v61, v18  }
0x39b: {  	v48 =	vunpack.i.l.bf16.f32 v41;
	v26 =	vunpack.i.u.bf16.f32 v42;
	v54 =	vunpack.i.u.bf16.f32 v41  }
0x39c: {  	v56 =	vld.idx.msk [tilespmem:v47+s14+$0x0], $0xffff;
	v40 =	vunpack.i.l.bf16.f32 v19;
	v61 =	vor.u32 v7, v32;
	v18 =	vmul.f32 v18, v63  }
0x39d: {  	v57 =	vld.idx.msk [tilespmem:v47+s15+$0x0], $0xffff;
	v49 =	vunpack.i.l.bf16.f32 v42;
	v26 =	vsub.f32 v26, v54;
	v24 =	vmul.f32 v38, v40  }
0x39e: {  	v36 =	vld.idx.msk [tilespmem:v58+s14+$0x0], $0xffff;
	v11 =	vadd.f32 v18, v11;
	v18 =	vunpack.i.u.bf16.f32 v19;
	v19 =	vor.u32 v4, v32  }
0x39f: {  	v50 =	vsub.f32 v28, v46;
	v38 =	vld.idx.msk [tilespmem:v58+s15+$0x0], $0xffff;
	v53 =	vunpack.i.l.bf16.f32 v20;
	v20 =	vunpack.i.u.bf16.f32 v20  }
0x3a0: {  	v10 =	vadd.f32 v24, v10;
	v24 =	vsub.f32 v45, v44;
	v20 =	vmul.f32 v26, v20;
	v26 =	vld.idx.msk [tilespmem:v58+s13+$0x0], $0xffff  }
0x3a1: {  	v21 =	vunpack.i.u.bf16.f32 v33;
	v51 =	vsub.f32 v49, v48;
	v34 =	vunpack.i.l.bf16.f32 v56;
	v41 =	vld.idx.msk [tilespmem:v61+s14+$0x0], $0xffff  }
0x3a2: {  	v35 =	vunpack.i.l.bf16.f32 v57;
	v18 =	vmul.f32 v22, v18;
	v22 =	vmul.f32 v24, v43;
	v43 =	vld.idx.msk [tilespmem:v61+s15+$0x0], $0xffff  }
0x3a3: {  	v21 =	vmul.f32 v50, v21;
	v37 =	vsub.f32 v35, v34;
	v27 =	vmul.f32 v51, v53;
	v52 =	vld.idx.msk [tilespmem:v19+s13+$0x0], $0xffff  }
0x3a4: {  	v40 =	vor.u32 v8, v32;
	v30 =	vunpack.i.u.bf16.f32 v36;
	v44 =	vor.u32 v9, v32;
	v55 =	vld.idx.msk [tilespmem:v19+s14+$0x0], $0xffff  }
0x3a5: {  	v45 =	vunpack.i.l.bf16.f32 v36;
	v13 =	vadd.f32 v27, v13;
	v24 =	vunpack.i.u.bf16.f32 v57;
	v19 =	vld.idx.msk [tilespmem:v19+s15+$0x0], $0xffff  }
0x3a6: {  	v11 =	vadd.f32 v11, v23;
	v46 =	vunpack.i.l.bf16.f32 v38;
	v28 =	vunpack.i.u.bf16.f32 v38  }
0x3a7: {  	v15 =	vadd.f32 v22, v15;
	v10 =	vadd.f32 v10, v18;
	v22 =	vunpack.i.u.bf16.f32 v56  }
0x3a8: {  	v23 =	vld.idx.msk [tilespmem:v61+s13+$0x0], $0xffff;
	v13 =	vadd.f32 v13, v20;
	v42 =	vsub.f32 v24, v22;
	v48 =	vunpack.i.l.bf16.f32 v26  }
0x3a9: {  	v49 =	vld.idx.msk [tilespmem:v40+s15+$0x0], $0xffff;
	v15 =	vadd.f32 v15, v21;
	v50 =	vunpack.i.l.bf16.f32 v41;
	v51 =	vunpack.i.l.bf16.f32 v43  }
0x3aa: {  	v18 =	vld.idx.msk [tilespmem:v47+s13+$0x0], $0xffff;
	v27 =	vunpack.i.u.bf16.f32 v41;
	v59 =	vunpack.i.l.bf16.f32 v55;
	v60 =	vunpack.i.l.bf16.f32 v19  }
0x3ab: {  	v29 =	vld.idx.msk [tilespmem:v40+s13+$0x0], $0xffff;
	v22 =	vunpack.i.u.bf16.f32 v43;
	v24 =	vsub.f32 v51, v50;
	v20 =	vsub.f32 v60, v59  }
0x3ac: {  	v63 =	vunpack.i.l.bf16.f32 v52;
	v33 =	vunpack.i.u.bf16.f32 v55;
	v19 =	vunpack.i.u.bf16.f32 v19  }
0x3ad: {  	v53 =	vunpack.i.l.bf16.f32 v23;
	v19 =	vsub.f32 v19, v33;
	v20 =	vmul.f32 v20, v63  }
0x3ae: {  	v47 =	vld.idx.msk [tilespmem:v40+s14+$0x0], $0xffff;
	v22 =	vsub.f32 v22, v27;
	v56 =	vunpack.i.l.bf16.f32 v49;
	v62 =	vunpack.i.u.bf16.f32 v52  }
0x3af: {  	v54 =	vld.idx.msk [tilespmem:v44+s15+$0x0], $0xffff;
	v39 =	vunpack.i.l.bf16.f32 v18;
	v19 =	vmul.f32 v19, v62;
	v16 =	vadd.f32 v20, v16  }
0x3b0: {  	v23 =	vunpack.i.u.bf16.f32 v23;
	v57 =	vunpack.i.l.bf16.f32 v29;
	v21 =	vmul.f32 v37, v39  }
0x3b1: {  	v18 =	vunpack.i.u.bf16.f32 v18;
	v52 =	vld.idx.msk [tilespmem:v44+s14+$0x0], $0xffff;
	v16 =	vadd.f32 v16, v19;
	v19 =	vsub.f32 v46, v45  }
0x3b2: {  	v18 =	vmul.f32 v42, v18;
	v24 =	vmul.f32 v24, v53;
	v12 =	vadd.f32 v21, v12  }
0x3b3: {  	v25 =	vunpack.i.u.bf16.f32 v49;
	v22 =	vmul.f32 v22, v23;
	v21 =	vld.idx.msk [tilespmem:v44+s13+$0x0], $0xffff;
	v19 =	vmul.f32 v19, v48  }
0x3b4: {  	v61 =	vunpack.i.u.bf16.f32 v54;
	v55 =	vunpack.i.l.bf16.f32 v47;
	v12 =	vadd.f32 v12, v18  }
0x3b5: {  	v59 =	vunpack.i.l.bf16.f32 v54;
	v17 =	vadd.f32 v19, v17;
	v19 =	vsub.f32 v28, v30  }
0x3b6: {  	v18 =	vunpack.i.u.bf16.f32 v26;
	v58 =	vunpack.i.l.bf16.f32 v52;
	v26 =	vunpack.i.u.bf16.f32 v52  }
0x3b7: {  	v23 =	vsub.f32 v59, v58;
	v18 =	vmul.f32 v19, v18;
	v19 =	vsub.f32 v56, v55  }
0x3b8: {  	v20 =	vunpack.i.u.bf16.f32 v47;
	v60 =	vunpack.i.l.bf16.f32 v21;
	v62 =	vsub.f32 v61, v26  }
0x3b9: {  	p0 =	slt.u32 s19, $0x3C;
	v21 =	vunpack.i.u.bf16.f32 v21;
	v23 =	vmul.f32 v23, v60;
	v19 =	vmul.f32 v19, v57  }
.Ltmp5:
0x3ba: {  	v14 =	vadd.f32 v24, v14;
	v20 =	vsub.f32 v25, v20;
	v63 =	vmul.f32 v62, v21;
	(pc) =	sbr.rel @p0 .LBB2_12-.Ltmp5, $4  }
0x3bb: {  	v10 =	vadd.f32 v23, v10;
	v11 =	vadd.f32 v19, v11;
	v19 =	vunpack.i.u.bf16.f32 v29  }
0x3bc: {  	v19 =	vmul.f32 v20, v19  }
0x3bd: {  	v14 =	vadd.f32 v14, v22;
	v10 =	vadd.f32 v10, v63  }
0x3be: {  	s19 =	sadd.s32 $0x4, s19;
	v17 =	vadd.f32 v17, v18;
	v11 =	vadd.f32 v11, v19  }
0x3bf: {  	v18 =	vld [tilespmem:$0x1A580];
	_ =	sdelay $0x1  }
0x3c0: {  	v15 =	vadd.f32 $2.000000030e-01, v15;
	_ =	sdelay $0x1  }
0x3c1: {  	v13 =	vadd.f32 $2.000000030e-01, v13;
	v15 =	vmax.f32 v15, $0.0e+00  }
0x3c2: {  	v15 =	vadd.f32 v18, v15  }
0x3c3: {  	v16 =	vadd.f32 $2.000000030e-01, v16;
	v13 =	vmax.f32 v13, $0.0e+00  }
0x3c4: {  	v13 =	vadd.f32 v15, v13  }
0x3c5: {  	v12 =	vadd.f32 $2.000000030e-01, v12;
	v60 =	vmax.f32 v16, $0.0e+00  }
0x3c6: {  	v13 =	vadd.f32 v13, v60  }
0x3c7: {  	v61 =	vadd.f32 $2.000000030e-01, v17;
	v12 =	vmax.f32 v12, $0.0e+00  }
0x3c8: {  	v12 =	vadd.f32 v13, v12  }
0x3c9: {  	v14 =	vadd.f32 $2.000000030e-01, v14;
	v62 =	vmax.f32 v61, $0.0e+00  }
0x3ca: {  	v12 =	vadd.f32 v12, v62  }
0x3cb: {  	v11 =	vadd.f32 $2.000000030e-01, v11;
	v63 =	vmax.f32 v14, $0.0e+00  }
0x3cc: {  	v12 =	vadd.f32 v12, v63  }
0x3cd: {  	v10 =	vadd.f32 $2.000000030e-01, v10;
	v11 =	vmax.f32 v11, $0.0e+00  }
0x3ce: {  	v11 =	vadd.f32 v12, v11  }
0x3cf: {  	v10 =	vmax.f32 v10, $0.0e+00  }
0x3d0: {  	s21 =	sadd.s32 $0x1, s21;
	v10 =	vadd.f32 v11, v10  }
0x3d1: {  	p0 =	sne.s32 s21, s8  }
.Ltmp6:
0x3d2: {  	s10 =	simm.s32 $0x1A580;
	[tilespmem:$0x1A580] =	vst v10;
	(pc) =	sbr.rel @p0 .LBB2_1-.Ltmp6, $4  }
0x3d3: {  	[hbm4b:s7+s2] =	stream.linear.scatter [tilespmem:s10], [sflag:$0x5], $0x10, $0x38;
	[tilespmem:$0x1A590] =	vst v63  }
0x3d4: {  	_ =	swait.ge [sflag:s9], $0x10  }
0x3d5: {  	[sflag:s9] =	ssyncset.done $0x0  }
0x3d6: {  	[sflag:s9] =	ssyncadd.s32 $0xFFFFFFF0  }
0x3d7: {  	_ =	sfence.sel $0x180000  }
0x3d8: {  	[bflag:$0x0] =	sbarrier.arrive $0xFFFF  }
0x3d9: {  	_ =	strace $0x9000004A  }
0x3da: {  	s0 =	stileid.u32;
	[bflag:$0x2] =	sbarrier.arrive $0xFFFF  }
0x3db: {  	p0 =	sne.s32 s0, $0x0;
	s0 =	rddreg [dreg:$0x1]  }
0x3dc: {  	s0 =	sadd.s32 @!p0 $0x100000, s0  }
0x3dd: {  	[sflag:s0] =	ssyncadd.tile.s32 @!p0 $0x1;
	_ =	shalt  }
.Lfunc_end2:
_tile_overlayer_lowered:
.L_overlay_start_2:
0x3de: {  	(tag) =	ssettag $0x2  }
0x3df: {  	s0 =	rddreg [dreg:$0x0];
	s2 =	stileid.u32  }
0x3e0: {  	s1 =	rddreg [dreg:$0x1];
	p0 =	sne.s32 s2, $0x0  }
0x3e1: {  	s3 =	rddreg [dreg:$0x2];
	[bflag:$0x3] =	sbarrier.arrive $0xFFFF;
	s2 =	simm.s32 @!p0 $0x1C05  }
0x3e2: {  	[timem:s3], [sflag:s2] =	dma.local @!p0 [hbm:s0], s1  }
0x3e3: {  	s0 =	simm.s32 @!p0 $0x5  }
0x3e4: {  	_ =	swait.ge @!p0 [sflag:s0], s1  }
0x3e5: {  	s1 =	ssub.s32 @!p0 $0x0, s1;
	[sflag:s0] =	ssyncset.done @!p0 $0x0  }
0x3e6: {  	[sflag:s0] =	ssyncadd.s32 @!p0 s1  }
0x3e7: {  	[bflag:$0x3] =	sbarrier.arrive $0xFFFF  }
0x3e8: {  	_ =	shalt  }

</sc_bundles>
